<compile_context>
chip_gen: v7x
topology: tpu7x:2x2x1
jax: 0.10.2.dev20260603
libtpu: 0.0.44.dev20260713+nightly
codegen_flags: <defaults>
</compile_context>

<pallas_src>
import functools

import jax
import jax.numpy as jnp
from jax import lax
from jax.experimental import pallas as pl
from jax.experimental.pallas import tpu as pltpu
from jax.experimental.pallas import tpu_sc as plsc

KK = 15
DD = 3
EPSG = 1e-15
EDGE_BLK = 2048

CHUNK = 128
NC, NS = 2, 16
NW = NC * NS
NJ = 40
EP = NW * NJ * CHUNK
ZROWS = 1000
FW = 128
DUMP = 240


def _sc_mesh():
    return plsc.VectorSubcoreMesh(core_axis_name="c", subcore_axis_name="s")



def _gather_body(h_hbm, src_hbm, out_hbm, idx2, rows0, rows1,
                 semg0, semg1, semw0, semw1):
    wid = lax.axis_index("s") * NC + lax.axis_index("c")
    base = wid * NJ
    rows = (rows0, rows1)
    semg = (semg0, semg1)
    semw = (semw0, semw1)
    pltpu.sync_copy(src_hbm.at[pl.ds(base, NJ)], idx2)
    pltpu.async_copy(h_hbm.at[idx2.at[0]], rows0, semg0)

    def step(u, carry):
        for b in range(2):
            t = 2 * u + b
            pltpu.make_async_copy(h_hbm.at[idx2.at[t]], rows[b], semg[b]).wait()
            pltpu.async_copy(
                rows[b], out_hbm.at[pl.ds((base + t) * CHUNK, CHUNK)], semw[b])

            @pl.when(t + 1 < NJ)
            def _():
                @pl.when(t >= 1)
                def _():
                    pltpu.make_async_copy(
                        rows[1 - b],
                        out_hbm.at[pl.ds((base + t - 1) * CHUNK, CHUNK)],
                        semw[1 - b]).wait()
                pltpu.async_copy(h_hbm.at[idx2.at[t + 1]], rows[1 - b],
                                 semg[1 - b])

        return carry

    lax.fori_loop(0, NJ // 2, step, 0)
    pltpu.make_async_copy(
        rows0, out_hbm.at[pl.ds((base + NJ - 2) * CHUNK, CHUNK)], semw0).wait()
    pltpu.make_async_copy(
        rows1, out_hbm.at[pl.ds((base + NJ - 1) * CHUNK, CHUNK)], semw1).wait()


def _sc_gather(h, src2):
    n, fw = h.shape
    k = pl.kernel(
        _gather_body,
        out_type=jax.ShapeDtypeStruct((EP, fw), jnp.float32),
        mesh=_sc_mesh(),
        scratch_types=[
            pltpu.VMEM((NJ, CHUNK), jnp.int32),
            pltpu.VMEM((CHUNK, fw), jnp.float32),
            pltpu.VMEM((CHUNK, fw), jnp.float32),
            pltpu.SemaphoreType.DMA,
            pltpu.SemaphoreType.DMA,
            pltpu.SemaphoreType.DMA,
            pltpu.SemaphoreType.DMA,
        ],
    )
    return k(h, src2)



def _scatter_body(n, do_cnt, msg_hbm, dst_hbm, zero_hbm, zero1_hbm, *refs):
    if do_cnt:
        (parts_hbm, cnt_hbm, idx2, vals0, vals1, ones_v,
         semv0, semv1, sems0, sems1, acc_s, cnt_s) = refs
    else:
        (parts_hbm, idx2, vals0, vals1,
         semv0, semv1, sems0, sems1, acc_s) = refs
        cnt_s = None
    cid = lax.axis_index("c")
    sid = lax.axis_index("s")
    wid = sid * NC + cid
    base = wid * NJ
    vals = (vals0, vals1)
    semv = (semv0, semv1)
    sems = (sems0, sems1)
    nslab = n // ZROWS

    @pl.when(sid < nslab)
    def _():
        pltpu.sync_copy(zero_hbm, acc_s.at[pl.ds(sid * ZROWS, ZROWS)])

    if do_cnt:
        ncs = cnt_s.shape[0] // 1024

        @pl.when(sid == nslab)
        def _():
            for t in range(ncs):
                pltpu.sync_copy(zero1_hbm, cnt_s.at[pl.ds(t * 1024, 1024)])

        for t in range(CHUNK // 16):
            ones_v[pl.ds(t * 16, 16)] = jnp.ones((16,), jnp.float32)
    plsc.subcore_barrier()

    pltpu.sync_copy(dst_hbm.at[pl.ds(base, NJ)], idx2)
    pltpu.async_copy(msg_hbm.at[pl.ds(base * CHUNK, CHUNK)], vals0, semv0)

    def step(u, carry):
        for b in range(2):
            t = 2 * u + b
            pltpu.make_async_copy(
                msg_hbm.at[pl.ds((base + t) * CHUNK, CHUNK)], vals[b],
                semv[b]).wait()
            pltpu.async_copy(vals[b], acc_s.at[idx2.at[t]], sems[b], add=True)
            if do_cnt:
                pltpu.sync_copy(ones_v, cnt_s.at[idx2.at[t]], add=True)

            @pl.when(t + 1 < NJ)
            def _():
                @pl.when(t >= 1)
                def _():
                    pltpu.make_async_copy(
                        vals[1 - b], acc_s.at[idx2.at[t - 1]],
                        sems[1 - b]).wait()
                pltpu.async_copy(
                    msg_hbm.at[pl.ds((base + t + 1) * CHUNK, CHUNK)],
                    vals[1 - b], semv[1 - b])

        return carry

    lax.fori_loop(0, NJ // 2, step, 0)
    pltpu.make_async_copy(vals0, acc_s.at[idx2.at[NJ - 2]], sems0).wait()
    pltpu.make_async_copy(vals1, acc_s.at[idx2.at[NJ - 1]], sems1).wait()
    plsc.subcore_barrier()

    @pl.when(sid < nslab)
    def _():
        rows = pl.ds(sid * ZROWS, ZROWS)
        pltpu.sync_copy(acc_s.at[rows], parts_hbm.at[cid].at[rows])

    if do_cnt:
        ncs = cnt_s.shape[0] // 1024

        @pl.when(sid == nslab)
        def _():
            for t in range(ncs):
                rows = pl.ds(t * 1024, 1024)
                pltpu.sync_copy(cnt_s.at[rows], cnt_hbm.at[cid].at[rows])


def _sc_scatter(msg, dst2, n, do_cnt):
    e, f_out = msg.shape
    npad = ((n + DUMP + 1023) // 1024) * 1024
    zero = jnp.zeros((ZROWS, f_out), jnp.float32)
    zero1 = jnp.zeros((1024,), jnp.float32)
    out_type = [jax.ShapeDtypeStruct((NC, n, f_out), jnp.float32)]
    scratch = [
        pltpu.VMEM((NJ, CHUNK), jnp.int32),
        pltpu.VMEM((CHUNK, f_out), jnp.float32),
        pltpu.VMEM((CHUNK, f_out), jnp.float32),
    ]
    if do_cnt:
        out_type.append(jax.ShapeDtypeStruct((NC, npad), jnp.float32))
        scratch.append(pltpu.VMEM((CHUNK,), jnp.float32))
    scratch += [
        pltpu.SemaphoreType.DMA,
        pltpu.SemaphoreType.DMA,
        pltpu.SemaphoreType.DMA,
        pltpu.SemaphoreType.DMA,
    ]
    scratch.append(pltpu.VMEM_SHARED((n + DUMP, f_out), jnp.float32))
    if do_cnt:
        scratch.append(pltpu.VMEM_SHARED((npad,), jnp.float32))
    k = pl.kernel(
        functools.partial(_scatter_body, n, do_cnt),
        out_type=tuple(out_type) if do_cnt else out_type[0],
        mesh=_sc_mesh(),
        scratch_types=scratch,
    )
    return k(msg, dst2, zero, zero1)



def _edge_body(attr_ref, xe_ref, mu_ref, alpha_ref, g_ref, msg_ref, z_ref):
    eb = attr_ref.shape[0]
    acc_g = jnp.zeros((eb, KK), dtype=jnp.float32)
    for d in range(DD):
        col = attr_ref[:, d : d + 1]
        diff = col - mu_ref[d : d + 1, :]
        acc_g = acc_g + diff * diff * alpha_ref[d : d + 1, :]
    gauss = jnp.exp(acc_g).astype(jnp.bfloat16)
    xe = xe_ref[...].astype(jnp.bfloat16)
    for k in range(KK):
        z_ref[:, k * FW : (k + 1) * FW] = xe * gauss[:, k : k + 1]
    msg_ref[...] = jnp.dot(z_ref[...], g_ref[...],
                           preferred_element_type=jnp.float32)


def _edge_msgs(edge_attr, xe, mu_t, alpha_t, g3):
    e = xe.shape[0]
    f_in = xe.shape[1]
    f_out = g3.shape[2]
    g_flat = g3.reshape(KK * f_in, f_out).astype(jnp.bfloat16)
    assert e % EDGE_BLK == 0
    grid = e // EDGE_BLK
    return pl.pallas_call(
        _edge_body,
        grid=(grid,),
        in_specs=[
            pl.BlockSpec((EDGE_BLK, DD), lambda i: (i, 0)),
            pl.BlockSpec((EDGE_BLK, f_in), lambda i: (i, 0)),
            pl.BlockSpec((DD, KK), lambda i: (0, 0)),
            pl.BlockSpec((DD, KK), lambda i: (0, 0)),
            pl.BlockSpec((KK * f_in, f_out), lambda i: (0, 0)),
        ],
        out_specs=pl.BlockSpec((EDGE_BLK, f_out), lambda i: (i, 0)),
        out_shape=jax.ShapeDtypeStruct((e, f_out), jnp.float32),
        scratch_shapes=[pltpu.VMEM((EDGE_BLK, KK * f_in), jnp.bfloat16)],
    )(edge_attr, xe, mu_t, alpha_t, g_flat)



def _node_body(do_act, parts_ref, cnt_ref, x_ref, root_ref, bias_ref,
               gamma_ref, beta_ref, out_ref):
    agg = (parts_ref[0] + parts_ref[1]) / jnp.maximum(cnt_ref[...], 1.0)
    r = jnp.dot(x_ref[...], root_ref[...], preferred_element_type=jnp.float32)
    h = agg + r + bias_ref[...]
    if do_act:
        h = jnp.where(h > 0, h, jnp.exp(h) - 1.0)
        m = jnp.mean(h, axis=0, keepdims=True)
        c = h - m
        v = jnp.mean(c * c, axis=0, keepdims=True)
        h = c / jnp.sqrt(v + 1e-5) * gamma_ref[...] + beta_ref[...]
    out_ref[...] = h


def _node_update(parts, cnt, x, root, bias, gamma, beta, do_act):
    n = x.shape[0]
    f_out = root.shape[1]
    return pl.pallas_call(
        functools.partial(_node_body, do_act),
        out_shape=jax.ShapeDtypeStruct((n, f_out), jnp.float32),
    )(parts, cnt, x, root, bias, gamma, beta)


def _padw(a, w=FW):
    pad = [(0, 0)] * (a.ndim - 1) + [(0, w - a.shape[-1])]
    return jnp.pad(a, pad)


def kernel(x, edge_index, edge_attr, params):
    n = x.shape[0]
    e = edge_attr.shape[0]
    f_final = params["conv4"]["root"].shape[1]
    assert e <= EP
    src = edge_index[0].astype(jnp.int32)
    dst = edge_index[1].astype(jnp.int32)
    src_pad = jnp.arange(EP - e, dtype=jnp.int32) % n
    src2 = jnp.concatenate([src, src_pad]).reshape(EP // CHUNK, CHUNK)
    dst_pad = n + jnp.arange(EP - e, dtype=jnp.int32) % DUMP
    dst2 = jnp.concatenate([dst, dst_pad]).reshape(EP // CHUNK, CHUNK)
    attr_p = jnp.pad(edge_attr, ((0, EP - e), (0, 0)))
    h = _padw(x)
    cnt = None
    names = ("conv1", "conv2", "conv3", "conv4")
    bns = ("bn1", "bn2", "bn3", None)
    for name, bn in zip(names, bns):
        p = params[name]
        f_in, f_out = p["root"].shape
        mu_t = p["mu"].T
        alpha_t = (-0.5 / (EPSG + p["sigma"] ** 2)).T
        g3 = p["g"].reshape(f_in, KK, f_out).transpose(1, 0, 2)
        g3 = jnp.pad(g3, ((0, 0), (0, FW - f_in), (0, FW - f_out)))
        xe = _sc_gather(h, src2)
        msg = _edge_msgs(attr_p, xe, mu_t, alpha_t, g3)
        if cnt is None:
            parts, cnt2 = _sc_scatter(msg, dst2, n, do_cnt=True)
            cnt = (cnt2[0, :n] + cnt2[1, :n]).reshape(n, 1)
        else:
            parts = _sc_scatter(msg, dst2, n, do_cnt=False)
        if bn is None:
            gamma = jnp.ones((1, FW), jnp.float32)
            beta = jnp.zeros((1, FW), jnp.float32)
        else:
            gamma = _padw(params[bn]["gamma"].reshape(1, f_out))
            beta = _padw(params[bn]["beta"].reshape(1, f_out))
        h = _node_update(parts, cnt, h, jnp.pad(p["root"], ((0, FW - f_in), (0, FW - f_out))),
                         _padw(p["bias"].reshape(1, f_out)), gamma, beta,
                         do_act=bn is not None)
    return h[:, :f_final]

# --- scband reference (transcript-rebuilt; emitter-appended) ---
"""Pipeline reference for scband-shallow-gmmconv-net-16561393893737 (READ-ONLY COPY).

The authoritative reference and input builder live on the scoring server;
editing this copy changes nothing except your own understanding.
"""

import jax, jax.numpy as jnp
import numpy as np

N_NODES = 10000
N_EDGES = 160000
K = 15
D = 3
EPS = 1e-15


def _make_conv_params(key, f_in, f_out):
    k1, k2, k3, k4 = jax.random.split(key, 4)
    return {
        'g': jax.random.normal(k1, (f_in, K * f_out), dtype=jnp.float32) * (1.0 / np.sqrt(f_in)),
        'mu': jax.random.uniform(k2, (K, D), dtype=jnp.float32),
        'sigma': jax.random.uniform(k3, (K, D), dtype=jnp.float32) * 0.5 + 0.5,
        'root': jax.random.normal(k4, (f_in, f_out), dtype=jnp.float32) * (1.0 / np.sqrt(f_in)),
        'bias': jnp.zeros((f_out,), dtype=jnp.float32),
    }


def _make_bn_params(f):
    return {'gamma': jnp.ones((f,), dtype=jnp.float32), 'beta': jnp.zeros((f,), dtype=jnp.float32)}


def setup_inputs(seed: int = 0):
    key = jax.random.key(seed)
    ks = jax.random.split(key, 8)
    x = jax.random.normal(ks[0], (N_NODES, 50), dtype=jnp.float32)
    edge_index = jax.random.randint(ks[1], (2, N_EDGES), 0, N_NODES)
    edge_attr = jax.random.uniform(ks[2], (N_EDGES, D), dtype=jnp.float32)
    params = {
        'conv1': _make_conv_params(ks[3], 50, 75),
        'bn1': _make_bn_params(75),
        'conv2': _make_conv_params(ks[4], 75, 100),
        'bn2': _make_bn_params(100),
        'conv3': _make_conv_params(ks[5], 100, 75),
        'bn3': _make_bn_params(75),
        'conv4': _make_conv_params(ks[6], 75, 50),
    }
    return {'x': x, 'edge_index': edge_index, 'edge_attr': edge_attr, 'params': params}


def gmm_conv(x, edge_index, edge_attr, p):
    # PyG GMMConv (separate_gaussians=False, aggr='mean', root_weight=True, bias=True)
    n = x.shape[0]
    f_out = p['bias'].shape[0]
    out_n = (x @ p['g']).reshape(n, K, f_out)  # node-level transform, gathered per-edge
    src = edge_index[0]
    dst = edge_index[1]
    diff = edge_attr[:, None, :] - p['mu'][None, :, :]  # [E, K, D]
    gaussian = jnp.exp(jnp.sum(-0.5 * diff ** 2 / (EPS + p['sigma'][None, :, :] ** 2), axis=-1))  # [E, K]
    msg = jnp.zeros((edge_attr.shape[0], f_out), dtype=x.dtype)
    for k in range(K):
        msg = msg + gaussian[:, k:k + 1] * jnp.take(out_n[:, k, :], src, axis=0)
    agg = jax.ops.segment_sum(msg, dst, num_segments=n)
    cnt = jax.ops.segment_sum(jnp.ones((msg.shape[0],), dtype=x.dtype), dst, num_segments=n)
    agg = agg / jnp.maximum(cnt, 1.0)[:, None]
    return agg + x @ p['root'] + p['bias'][None, :]


def batch_norm(x, p):
    # BatchNorm1d forward with batch statistics (biased var), eps=1e-5
    mean = jnp.mean(x, axis=0)
    var = jnp.var(x, axis=0)
    return (x - mean) / jnp.sqrt(var + 1e-5) * p['gamma'][None, :] + p['beta'][None, :]


def forward(x, edge_index, edge_attr, params):
    h = jax.nn.elu(gmm_conv(x, edge_index, edge_attr, params['conv1']))
    h = batch_norm(h, params['bn1'])
    # dropout p=0.1 is identity in eval mode
    h = jax.nn.elu(gmm_conv(h, edge_index, edge_attr, params['conv2']))
    h = batch_norm(h, params['bn2'])
    h = jax.nn.elu(gmm_conv(h, edge_index, edge_attr, params['conv3']))
    h = batch_norm(h, params['bn3'])
    h = gmm_conv(h, edge_index, edge_attr, params['conv4'])
    return h


def reference(x, edge_index, edge_attr, params):
    return forward(x, edge_index, edge_attr, params)

if __name__ == "__main__":
    import jax
    _d = setup_inputs()
    print(jax.jit(kernel)(*tuple(_d.values())))

</pallas_src>

<mosaic_0001>
#map = affine_map<(d0, d1) -> (0, 0)>
#map1 = affine_map<(d0, d1) -> (0)>
#map2 = affine_map<(d0, d1) -> (0, 0, 0)>
module attributes {stable_mosaic.version = 14 : i64} {
  func.func @_scatter_body(%arg0: i32, %arg1: i32, %arg2: memref<163840x128xf32, #tpu.memory_space<hbm>>, %arg3: memref<1280x128xi32, #tpu.memory_space<hbm>>, %arg4: memref<1000x128xf32, #tpu.memory_space<hbm>>, %arg5: memref<1024xf32, #tpu.memory_space<hbm>>, %arg6: memref<2x10000x128xf32, #tpu.memory_space<hbm>>, %arg7: memref<40x128xi32, #tpu.memory_space<vmem>>, %arg8: memref<128x128xf32, #tpu.memory_space<vmem>>, %arg9: memref<128x128xf32, #tpu.memory_space<vmem>>, %arg10: memref<!tpu.dma_semaphore, #tpu.memory_space<semaphore_mem>>, %arg11: memref<!tpu.dma_semaphore, #tpu.memory_space<semaphore_mem>>, %arg12: memref<!tpu.dma_semaphore, #tpu.memory_space<semaphore_mem>>, %arg13: memref<!tpu.dma_semaphore, #tpu.memory_space<semaphore_mem>>, %arg14: memref<10240x128xf32, #tpu.memory_space<vmem_shared>>) attributes {dimension_semantics = [#tpu.dimension_semantics<core_parallel>, #tpu.dimension_semantics<subcore_parallel>], iteration_bounds = array<i64: 2, 16>, scalar_prefetch = 0 : i64, scratch_operands = 8 : i64, tpu.core_type = #tpu.core_type<sc_vector_subcore>, window_params = [{transform_indices = #map}, {transform_indices = #map}, {transform_indices = #map}, {transform_indices = #map1}, {transform_indices = #map2}]} {
    %mul3A = arith.constant 2 : i32
    %mul3A_0 = arith.muli %arg1, %mul3A : i32
    %add3A = arith.addi %mul3A_0, %arg0 : i32
    %mul3A_1 = arith.constant 40 : i32
    %mul3A_2 = arith.muli %add3A, %mul3A_1 : i32
    %lt3A = arith.constant 10 : i32
    %lt3A_3 = arith.cmpi slt, %arg1, %lt3A : i32
    %convert_element_type3A = arith.extui %lt3A_3 : i1 to i32
    %cond3A = arith.constant 0 : i32
    %cond3A_4 = arith.cmpi ne, %convert_element_type3A, %cond3A : i32
    scf.if %cond3A_4 {
      %mul3A_34 = arith.constant 1000 : i32
      %mul3A_35 = arith.muli %arg1, %mul3A_34 : i32
      "tpu.region"() ({
        %run_scoped3A = tpu.sem_alloc : memref<!tpu.dma_semaphore, #tpu.memory_space<semaphore_mem>>
        %dma_start3A_36 = arith.constant 0 : i32
        %dma_start3A_37 = tpu.memref_slice %arg14[%mul3A_35, %dma_start3A_36] : memref<10240x128xf32, #tpu.memory_space<vmem_shared>> -> memref<1000x128xf32, #tpu.memory_space<vmem_shared>>
        tpu.enqueue_dma source(%arg4 : memref<1000x128xf32, #tpu.memory_space<hbm>>) target(%dma_start3A_37 : memref<1000x128xf32, #tpu.memory_space<vmem_shared>>) target_semaphore(%run_scoped3A : memref<!tpu.dma_semaphore, #tpu.memory_space<semaphore_mem>>)
        %dma_wait3A_38 = arith.constant 0 : i32
        %dma_wait3A_39 = tpu.memref_slice %arg14[%mul3A_35, %dma_wait3A_38] : memref<10240x128xf32, #tpu.memory_space<vmem_shared>> -> memref<1000x128xf32, #tpu.memory_space<vmem_shared>>
        tpu.wait_dma2 semaphore(%run_scoped3A : memref<!tpu.dma_semaphore, #tpu.memory_space<semaphore_mem>>) src(%arg4 : memref<1000x128xf32, #tpu.memory_space<hbm>>) dst(%dma_wait3A_39 : memref<1000x128xf32, #tpu.memory_space<vmem_shared>>)
        tpu.yield
      }) : () -> ()
    } else {
    }
    %barrier3A = arith.constant 0 : index
    tpu.barrier barrier_id(%barrier3A)
    "tpu.region"() ({
      %run_scoped3A = tpu.sem_alloc : memref<!tpu.dma_semaphore, #tpu.memory_space<semaphore_mem>>
      %dma_start3A_34 = arith.constant 0 : i32
      %dma_start3A_35 = tpu.memref_slice %arg3[%mul3A_2, %dma_start3A_34] : memref<1280x128xi32, #tpu.memory_space<hbm>> -> memref<40x128xi32, #tpu.memory_space<hbm>>
      %dma_start3A_36 = arith.constant 0 : i32
      %dma_start3A_37 = tpu.memref_slice %arg3[%mul3A_2, %dma_start3A_36] : memref<1280x128xi32, #tpu.memory_space<hbm>> -> memref<40x128xi32, #tpu.memory_space<hbm>>
      tpu.enqueue_dma source(%dma_start3A_37 : memref<40x128xi32, #tpu.memory_space<hbm>>) target(%arg7 : memref<40x128xi32, #tpu.memory_space<vmem>>) target_semaphore(%run_scoped3A : memref<!tpu.dma_semaphore, #tpu.memory_space<semaphore_mem>>)
      %dma_wait3A_38 = arith.constant 0 : i32
      %dma_wait3A_39 = tpu.memref_slice %arg3[%mul3A_2, %dma_wait3A_38] : memref<1280x128xi32, #tpu.memory_space<hbm>> -> memref<40x128xi32, #tpu.memory_space<hbm>>
      %dma_wait3A_40 = arith.constant 0 : i32
      %dma_wait3A_41 = tpu.memref_slice %arg3[%mul3A_2, %dma_wait3A_40] : memref<1280x128xi32, #tpu.memory_space<hbm>> -> memref<40x128xi32, #tpu.memory_space<hbm>>
      tpu.wait_dma2 semaphore(%run_scoped3A : memref<!tpu.dma_semaphore, #tpu.memory_space<semaphore_mem>>) src(%dma_wait3A_41 : memref<40x128xi32, #tpu.memory_space<hbm>>) dst(%arg7 : memref<40x128xi32, #tpu.memory_space<vmem>>)
      tpu.yield
    }) : () -> ()
    %mul3A_5 = arith.constant 128 : i32
    %mul3A_6 = arith.muli %mul3A_2, %mul3A_5 : i32
    %dma_start3A = arith.constant 0 : i32
    %dma_start3A_7 = tpu.memref_slice %arg2[%mul3A_6, %dma_start3A] : memref<163840x128xf32, #tpu.memory_space<hbm>> -> memref<128x128xf32, #tpu.memory_space<hbm>>
    %dma_start3A_8 = arith.constant 0 : i32
    %dma_start3A_9 = tpu.memref_slice %arg2[%mul3A_6, %dma_start3A_8] : memref<163840x128xf32, #tpu.memory_space<hbm>> -> memref<128x128xf32, #tpu.memory_space<hbm>>
    tpu.enqueue_dma source(%dma_start3A_9 : memref<128x128xf32, #tpu.memory_space<hbm>>) target(%arg8 : memref<128x128xf32, #tpu.memory_space<vmem>>) target_semaphore(%arg10 : memref<!tpu.dma_semaphore, #tpu.memory_space<semaphore_mem>>)
    %scan3A = arith.constant 0 : i32
    %scan3A_10 = arith.constant 0 : i32
    %scan3A_11 = arith.constant 20 : i32
    %scan3A_12 = arith.addi %scan3A_10, %scan3A_11 : i32
    %scan3A_13 = arith.constant 1 : i32
    scf.for %scan3A_34 = %scan3A_10 to %scan3A_12 step %scan3A_13  : i32 {
      %mul3A_35 = arith.constant 2 : i32
      %mul3A_36 = arith.muli %mul3A_35, %scan3A_34 : i32
      %add3A_37 = arith.constant 0 : i32
      %add3A_38 = arith.addi %mul3A_36, %add3A_37 : i32
      %add3A_39 = arith.addi %mul3A_2, %add3A_38 : i32
      %mul3A_40 = arith.constant 128 : i32
      %mul3A_41 = arith.muli %add3A_39, %mul3A_40 : i32
      %dma_wait3A_42 = arith.constant 0 : i32
      %dma_wait3A_43 = tpu.memref_slice %arg2[%mul3A_41, %dma_wait3A_42] : memref<163840x128xf32, #tpu.memory_space<hbm>> -> memref<128x128xf32, #tpu.memory_space<hbm>>
      %dma_wait3A_44 = arith.constant 0 : i32
      %dma_wait3A_45 = tpu.memref_slice %arg2[%mul3A_41, %dma_wait3A_44] : memref<163840x128xf32, #tpu.memory_space<hbm>> -> memref<128x128xf32, #tpu.memory_space<hbm>>
      tpu.wait_dma2 semaphore(%arg10 : memref<!tpu.dma_semaphore, #tpu.memory_space<semaphore_mem>>) src(%dma_wait3A_45 : memref<128x128xf32, #tpu.memory_space<hbm>>) dst(%arg8 : memref<128x128xf32, #tpu.memory_space<vmem>>)
      %dma_start3A_46 = arith.constant 0 : i32
      %dma_start3A_47 = tpu.memref_slice %arg7[%add3A_38, %dma_start3A_46] : memref<40x128xi32, #tpu.memory_space<vmem>> -> memref<1x128xi32, #tpu.memory_space<vmem>>
      %dma_start3A_48 = tpu.memref_squeeze %dma_start3A_47 : memref<1x128xi32, #tpu.memory_space<vmem>> -> memref<128xi32, #tpu.memory_space<vmem>>
      %dma_start3A_49 = arith.constant 0 : i32
      %dma_start3A_50 = arith.constant 0 : i32
      %dma_start3A_51 = tpu.memref_slice %arg14[%dma_start3A_49, %dma_start3A_50] : memref<10240x128xf32, #tpu.memory_space<vmem_shared>> -> memref<10240x128xf32, #tpu.memory_space<vmem_shared>>
      tpu.enqueue_indirect_dma source(%arg8 : memref<128x128xf32, #tpu.memory_space<vmem>>) target(%dma_start3A_51 : memref<10240x128xf32, #tpu.memory_space<vmem_shared>>) offsets(%dma_start3A_48 : memref<128xi32, #tpu.memory_space<vmem>>) semaphore(%arg12 : memref<!tpu.dma_semaphore, #tpu.memory_space<semaphore_mem>>) {add = true}
      %add3A_52 = arith.constant 1 : i32
      %add3A_53 = arith.addi %add3A_38, %add3A_52 : i32
      %lt3A_54 = arith.constant 40 : i32
      %lt3A_55 = arith.cmpi slt, %add3A_53, %lt3A_54 : i32
      %convert_element_type3A_56 = arith.extui %lt3A_55 : i1 to i32
      %cond3A_57 = arith.constant 0 : i32
      %cond3A_58 = arith.cmpi ne, %convert_element_type3A_56, %cond3A_57 : i32
      scf.if %cond3A_58 {
        %ge3A = arith.constant 1 : i32
        %ge3A_83 = arith.cmpi sge, %add3A_38, %ge3A : i32
        %convert_element_type3A_84 = arith.extui %ge3A_83 : i1 to i32
        %cond3A_85 = arith.constant 0 : i32
        %cond3A_86 = arith.cmpi ne, %convert_element_type3A_84, %cond3A_85 : i32
        scf.if %cond3A_86 {
          %sub3A = arith.constant 1 : i32
          %sub3A_96 = arith.subi %add3A_38, %sub3A : i32
          %dma_wait3A_97 = arith.constant 0 : i32
          %dma_wait3A_98 = tpu.memref_slice %arg7[%sub3A_96, %dma_wait3A_97] : memref<40x128xi32, #tpu.memory_space<vmem>> -> memref<1x128xi32, #tpu.memory_space<vmem>>
          %dma_wait3A_99 = tpu.memref_squeeze %dma_wait3A_98 : memref<1x128xi32, #tpu.memory_space<vmem>> -> memref<128xi32, #tpu.memory_space<vmem>>
          %dma_wait3A_100 = arith.constant 0 : i32
          %dma_wait3A_101 = arith.constant 0 : i32
          %dma_wait3A_102 = tpu.memref_slice %arg14[%dma_wait3A_100, %dma_wait3A_101] : memref<10240x128xf32, #tpu.memory_space<vmem_shared>> -> memref<10240x128xf32, #tpu.memory_space<vmem_shared>>
          tpu.wait_indirect_dma semaphore(%arg13 : memref<!tpu.dma_semaphore, #tpu.memory_space<semaphore_mem>>) src(%arg9 : memref<128x128xf32, #tpu.memory_space<vmem>>) dst(%dma_wait3A_102 : memref<10240x128xf32, #tpu.memory_space<vmem_shared>>)
        } else {
        }
        %add3A_87 = arith.addi %mul3A_2, %add3A_38 : i32
        %add3A_88 = arith.constant 1 : i32
        %add3A_89 = arith.addi %add3A_87, %add3A_88 : i32
        %mul3A_90 = arith.constant 128 : i32
        %mul3A_91 = arith.muli %add3A_89, %mul3A_90 : i32
        %dma_start3A_92 = arith.constant 0 : i32
        %dma_start3A_93 = tpu.memref_slice %arg2[%mul3A_91, %dma_start3A_92] : memref<163840x128xf32, #tpu.memory_space<hbm>> -> memref<128x128xf32, #tpu.memory_space<hbm>>
        %dma_start3A_94 = arith.constant 0 : i32
        %dma_start3A_95 = tpu.memref_slice %arg2[%mul3A_91, %dma_start3A_94] : memref<163840x128xf32, #tpu.memory_space<hbm>> -> memref<128x128xf32, #tpu.memory_space<hbm>>
        tpu.enqueue_dma source(%dma_start3A_95 : memref<128x128xf32, #tpu.memory_space<hbm>>) target(%arg9 : memref<128x128xf32, #tpu.memory_space<vmem>>) target_semaphore(%arg11 : memref<!tpu.dma_semaphore, #tpu.memory_space<semaphore_mem>>)
      } else {
      }
      %mul3A_59 = arith.constant 2 : i32
      %mul3A_60 = arith.muli %mul3A_59, %scan3A_34 : i32
      %add3A_61 = arith.constant 1 : i32
      %add3A_62 = arith.addi %mul3A_60, %add3A_61 : i32
      %add3A_63 = arith.addi %mul3A_2, %add3A_62 : i32
      %mul3A_64 = arith.constant 128 : i32
      %mul3A_65 = arith.muli %add3A_63, %mul3A_64 : i32
      %dma_wait3A_66 = arith.constant 0 : i32
      %dma_wait3A_67 = tpu.memref_slice %arg2[%mul3A_65, %dma_wait3A_66] : memref<163840x128xf32, #tpu.memory_space<hbm>> -> memref<128x128xf32, #tpu.memory_space<hbm>>
      %dma_wait3A_68 = arith.constant 0 : i32
      %dma_wait3A_69 = tpu.memref_slice %arg2[%mul3A_65, %dma_wait3A_68] : memref<163840x128xf32, #tpu.memory_space<hbm>> -> memref<128x128xf32, #tpu.memory_space<hbm>>
      tpu.wait_dma2 semaphore(%arg11 : memref<!tpu.dma_semaphore, #tpu.memory_space<semaphore_mem>>) src(%dma_wait3A_69 : memref<128x128xf32, #tpu.memory_space<hbm>>) dst(%arg9 : memref<128x128xf32, #tpu.memory_space<vmem>>)
      %dma_start3A_70 = arith.constant 0 : i32
      %dma_start3A_71 = tpu.memref_slice %arg7[%add3A_62, %dma_start3A_70] : memref<40x128xi32, #tpu.memory_space<vmem>> -> memref<1x128xi32, #tpu.memory_space<vmem>>
      %dma_start3A_72 = tpu.memref_squeeze %dma_start3A_71 : memref<1x128xi32, #tpu.memory_space<vmem>> -> memref<128xi32, #tpu.memory_space<vmem>>
      %dma_start3A_73 = arith.constant 0 : i32
      %dma_start3A_74 = arith.constant 0 : i32
      %dma_start3A_75 = tpu.memref_slice %arg14[%dma_start3A_73, %dma_start3A_74] : memref<10240x128xf32, #tpu.memory_space<vmem_shared>> -> memref<10240x128xf32, #tpu.memory_space<vmem_shared>>
      tpu.enqueue_indirect_dma source(%arg9 : memref<128x128xf32, #tpu.memory_space<vmem>>) target(%dma_start3A_75 : memref<10240x128xf32, #tpu.memory_space<vmem_shared>>) offsets(%dma_start3A_72 : memref<128xi32, #tpu.memory_space<vmem>>) semaphore(%arg13 : memref<!tpu.dma_semaphore, #tpu.memory_space<semaphore_mem>>) {add = true}
      %add3A_76 = arith.constant 1 : i32
      %add3A_77 = arith.addi %add3A_62, %add3A_76 : i32
      %lt3A_78 = arith.constant 40 : i32
      %lt3A_79 = arith.cmpi slt, %add3A_77, %lt3A_78 : i32
      %convert_element_type3A_80 = arith.extui %lt3A_79 : i1 to i32
      %cond3A_81 = arith.constant 0 : i32
      %cond3A_82 = arith.cmpi ne, %convert_element_type3A_80, %cond3A_81 : i32
      scf.if %cond3A_82 {
        %ge3A = arith.constant 1 : i32
        %ge3A_83 = arith.cmpi sge, %add3A_62, %ge3A : i32
        %convert_element_type3A_84 = arith.extui %ge3A_83 : i1 to i32
        %cond3A_85 = arith.constant 0 : i32
        %cond3A_86 = arith.cmpi ne, %convert_element_type3A_84, %cond3A_85 : i32
        scf.if %cond3A_86 {
          %sub3A = arith.constant 1 : i32
          %sub3A_96 = arith.subi %add3A_62, %sub3A : i32
          %dma_wait3A_97 = arith.constant 0 : i32
          %dma_wait3A_98 = tpu.memref_slice %arg7[%sub3A_96, %dma_wait3A_97] : memref<40x128xi32, #tpu.memory_space<vmem>> -> memref<1x128xi32, #tpu.memory_space<vmem>>
          %dma_wait3A_99 = tpu.memref_squeeze %dma_wait3A_98 : memref<1x128xi32, #tpu.memory_space<vmem>> -> memref<128xi32, #tpu.memory_space<vmem>>
          %dma_wait3A_100 = arith.constant 0 : i32
          %dma_wait3A_101 = arith.constant 0 : i32
          %dma_wait3A_102 = tpu.memref_slice %arg14[%dma_wait3A_100, %dma_wait3A_101] : memref<10240x128xf32, #tpu.memory_space<vmem_shared>> -> memref<10240x128xf32, #tpu.memory_space<vmem_shared>>
          tpu.wait_indirect_dma semaphore(%arg12 : memref<!tpu.dma_semaphore, #tpu.memory_space<semaphore_mem>>) src(%arg8 : memref<128x128xf32, #tpu.memory_space<vmem>>) dst(%dma_wait3A_102 : memref<10240x128xf32, #tpu.memory_space<vmem_shared>>)
        } else {
        }
        %add3A_87 = arith.addi %mul3A_2, %add3A_62 : i32
        %add3A_88 = arith.constant 1 : i32
        %add3A_89 = arith.addi %add3A_87, %add3A_88 : i32
        %mul3A_90 = arith.constant 128 : i32
        %mul3A_91 = arith.muli %add3A_89, %mul3A_90 : i32
        %dma_start3A_92 = arith.constant 0 : i32
        %dma_start3A_93 = tpu.memref_slice %arg2[%mul3A_91, %dma_start3A_92] : memref<163840x128xf32, #tpu.memory_space<hbm>> -> memref<128x128xf32, #tpu.memory_space<hbm>>
        %dma_start3A_94 = arith.constant 0 : i32
        %dma_start3A_95 = tpu.memref_slice %arg2[%mul3A_91, %dma_start3A_94] : memref<163840x128xf32, #tpu.memory_space<hbm>> -> memref<128x128xf32, #tpu.memory_space<hbm>>
        tpu.enqueue_dma source(%dma_start3A_95 : memref<128x128xf32, #tpu.memory_space<hbm>>) target(%arg8 : memref<128x128xf32, #tpu.memory_space<vmem>>) target_semaphore(%arg10 : memref<!tpu.dma_semaphore, #tpu.memory_space<semaphore_mem>>)
      } else {
      }
    }
    %scan3A_14 = arith.constant 20 : i32
    %dma_wait3A = arith.constant 38 : i32
    %dma_wait3A_15 = arith.constant 0 : i32
    %dma_wait3A_16 = tpu.memref_slice %arg7[%dma_wait3A, %dma_wait3A_15] : memref<40x128xi32, #tpu.memory_space<vmem>> -> memref<1x128xi32, #tpu.memory_space<vmem>>
    %dma_wait3A_17 = tpu.memref_squeeze %dma_wait3A_16 : memref<1x128xi32, #tpu.memory_space<vmem>> -> memref<128xi32, #tpu.memory_space<vmem>>
    %dma_wait3A_18 = arith.constant 0 : i32
    %dma_wait3A_19 = arith.constant 0 : i32
    %dma_wait3A_20 = tpu.memref_slice %arg14[%dma_wait3A_18, %dma_wait3A_19] : memref<10240x128xf32, #tpu.memory_space<vmem_shared>> -> memref<10240x128xf32, #tpu.memory_space<vmem_shared>>
    tpu.wait_indirect_dma semaphore(%arg12 : memref<!tpu.dma_semaphore, #tpu.memory_space<semaphore_mem>>) src(%arg8 : memref<128x128xf32, #tpu.memory_space<vmem>>) dst(%dma_wait3A_20 : memref<10240x128xf32, #tpu.memory_space<vmem_shared>>)
    %dma_wait3A_21 = arith.constant 39 : i32
    %dma_wait3A_22 = arith.constant 0 : i32
    %dma_wait3A_23 = tpu.memref_slice %arg7[%dma_wait3A_21, %dma_wait3A_22] : memref<40x128xi32, #tpu.memory_space<vmem>> -> memref<1x128xi32, #tpu.memory_space<vmem>>
    %dma_wait3A_24 = tpu.memref_squeeze %dma_wait3A_23 : memref<1x128xi32, #tpu.memory_space<vmem>> -> memref<128xi32, #tpu.memory_space<vmem>>
    %dma_wait3A_25 = arith.constant 0 : i32
    %dma_wait3A_26 = arith.constant 0 : i32
    %dma_wait3A_27 = tpu.memref_slice %arg14[%dma_wait3A_25, %dma_wait3A_26] : memref<10240x128xf32, #tpu.memory_space<vmem_shared>> -> memref<10240x128xf32, #tpu.memory_space<vmem_shared>>
    tpu.wait_indirect_dma semaphore(%arg13 : memref<!tpu.dma_semaphore, #tpu.memory_space<semaphore_mem>>) src(%arg9 : memref<128x128xf32, #tpu.memory_space<vmem>>) dst(%dma_wait3A_27 : memref<10240x128xf32, #tpu.memory_space<vmem_shared>>)
    %barrier3A_28 = arith.constant 0 : index
    tpu.barrier barrier_id(%barrier3A_28)
    %lt3A_29 = arith.constant 10 : i32
    %lt3A_30 = arith.cmpi slt, %arg1, %lt3A_29 : i32
    %convert_element_type3A_31 = arith.extui %lt3A_30 : i1 to i32
    %cond3A_32 = arith.constant 0 : i32
    %cond3A_33 = arith.cmpi ne, %convert_element_type3A_31, %cond3A_32 : i32
    scf.if %cond3A_33 {
      %mul3A_34 = arith.constant 1000 : i32
      %mul3A_35 = arith.muli %arg1, %mul3A_34 : i32
      "tpu.region"() ({
        %run_scoped3A = tpu.sem_alloc : memref<!tpu.dma_semaphore, #tpu.memory_space<semaphore_mem>>
        %dma_start3A_36 = arith.constant 0 : i32
        %dma_start3A_37 = arith.constant 0 : i32
        %dma_start3A_38 = tpu.memref_slice %arg6[%arg0, %dma_start3A_36, %dma_start3A_37] : memref<2x10000x128xf32, #tpu.memory_space<hbm>> -> memref<1x10000x128xf32, #tpu.memory_space<hbm>>
        %dma_start3A_39 = tpu.memref_squeeze %dma_start3A_38 : memref<1x10000x128xf32, #tpu.memory_space<hbm>> -> memref<10000x128xf32, #tpu.memory_space<hbm>>
        %dma_start3A_40 = arith.constant 0 : i32
        %dma_start3A_41 = tpu.memref_slice %dma_start3A_39[%mul3A_35, %dma_start3A_40] : memref<10000x128xf32, #tpu.memory_space<hbm>> -> memref<1000x128xf32, #tpu.memory_space<hbm>>
        %dma_start3A_42 = arith.constant 0 : i32
        %dma_start3A_43 = tpu.memref_slice %arg14[%mul3A_35, %dma_start3A_42] : memref<10240x128xf32, #tpu.memory_space<vmem_shared>> -> memref<1000x128xf32, #tpu.memory_space<vmem_shared>>
        tpu.enqueue_dma source(%dma_start3A_43 : memref<1000x128xf32, #tpu.memory_space<vmem_shared>>) target(%dma_start3A_41 : memref<1000x128xf32, #tpu.memory_space<hbm>>) target_semaphore(%run_scoped3A : memref<!tpu.dma_semaphore, #tpu.memory_space<semaphore_mem>>)
        %dma_wait3A_44 = arith.constant 0 : i32
        %dma_wait3A_45 = arith.constant 0 : i32
        %dma_wait3A_46 = tpu.memref_slice %arg6[%arg0, %dma_wait3A_44, %dma_wait3A_45] : memref<2x10000x128xf32, #tpu.memory_space<hbm>> -> memref<1x10000x128xf32, #tpu.memory_space<hbm>>
        %dma_wait3A_47 = tpu.memref_squeeze %dma_wait3A_46 : memref<1x10000x128xf32, #tpu.memory_space<hbm>> -> memref<10000x128xf32, #tpu.memory_space<hbm>>
        %dma_wait3A_48 = arith.constant 0 : i32
        %dma_wait3A_49 = tpu.memref_slice %dma_wait3A_47[%mul3A_35, %dma_wait3A_48] : memref<10000x128xf32, #tpu.memory_space<hbm>> -> memref<1000x128xf32, #tpu.memory_space<hbm>>
        %dma_wait3A_50 = arith.constant 0 : i32
        %dma_wait3A_51 = tpu.memref_slice %arg14[%mul3A_35, %dma_wait3A_50] : memref<10240x128xf32, #tpu.memory_space<vmem_shared>> -> memref<1000x128xf32, #tpu.memory_space<vmem_shared>>
        tpu.wait_dma2 semaphore(%run_scoped3A : memref<!tpu.dma_semaphore, #tpu.memory_space<semaphore_mem>>) src(%dma_wait3A_51 : memref<1000x128xf32, #tpu.memory_space<vmem_shared>>) dst(%dma_wait3A_49 : memref<1000x128xf32, #tpu.memory_space<hbm>>)
        tpu.yield
      }) : () -> ()
    } else {
    }
    return
  }
}

#map = affine_map<(d0, d1) -> (0, 0)>
module attributes {stable_mosaic.version = 14 : i64} {
  func.func @_gather_body(%arg0: i32, %arg1: i32, %arg2: memref<10000x128xf32, #tpu.memory_space<hbm>>, %arg3: memref<1280x128xi32, #tpu.memory_space<hbm>>, %arg4: memref<163840x128xf32, #tpu.memory_space<hbm>>, %arg5: memref<40x128xi32, #tpu.memory_space<vmem>>, %arg6: memref<128x128xf32, #tpu.memory_space<vmem>>, %arg7: memref<128x128xf32, #tpu.memory_space<vmem>>, %arg8: memref<!tpu.dma_semaphore, #tpu.memory_space<semaphore_mem>>, %arg9: memref<!tpu.dma_semaphore, #tpu.memory_space<semaphore_mem>>, %arg10: memref<!tpu.dma_semaphore, #tpu.memory_space<semaphore_mem>>, %arg11: memref<!tpu.dma_semaphore, #tpu.memory_space<semaphore_mem>>) attributes {dimension_semantics = [#tpu.dimension_semantics<core_parallel>, #tpu.dimension_semantics<subcore_parallel>], iteration_bounds = array<i64: 2, 16>, scalar_prefetch = 0 : i64, scratch_operands = 7 : i64, tpu.core_type = #tpu.core_type<sc_vector_subcore>, window_params = [{transform_indices = #map}, {transform_indices = #map}, {transform_indices = #map}]} {
    %mul3A = arith.constant 2 : i32
    %mul3A_0 = arith.muli %arg1, %mul3A : i32
    %add3A = arith.addi %mul3A_0, %arg0 : i32
    %mul3A_1 = arith.constant 40 : i32
    %mul3A_2 = arith.muli %add3A, %mul3A_1 : i32
    "tpu.region"() ({
      %run_scoped3A = tpu.sem_alloc : memref<!tpu.dma_semaphore, #tpu.memory_space<semaphore_mem>>
      %dma_start3A_32 = arith.constant 0 : i32
      %dma_start3A_33 = tpu.memref_slice %arg3[%mul3A_2, %dma_start3A_32] : memref<1280x128xi32, #tpu.memory_space<hbm>> -> memref<40x128xi32, #tpu.memory_space<hbm>>
      %dma_start3A_34 = arith.constant 0 : i32
      %dma_start3A_35 = tpu.memref_slice %arg3[%mul3A_2, %dma_start3A_34] : memref<1280x128xi32, #tpu.memory_space<hbm>> -> memref<40x128xi32, #tpu.memory_space<hbm>>
      tpu.enqueue_dma source(%dma_start3A_35 : memref<40x128xi32, #tpu.memory_space<hbm>>) target(%arg5 : memref<40x128xi32, #tpu.memory_space<vmem>>) target_semaphore(%run_scoped3A : memref<!tpu.dma_semaphore, #tpu.memory_space<semaphore_mem>>)
      %dma_wait3A_36 = arith.constant 0 : i32
      %dma_wait3A_37 = tpu.memref_slice %arg3[%mul3A_2, %dma_wait3A_36] : memref<1280x128xi32, #tpu.memory_space<hbm>> -> memref<40x128xi32, #tpu.memory_space<hbm>>
      %dma_wait3A_38 = arith.constant 0 : i32
      %dma_wait3A_39 = tpu.memref_slice %arg3[%mul3A_2, %dma_wait3A_38] : memref<1280x128xi32, #tpu.memory_space<hbm>> -> memref<40x128xi32, #tpu.memory_space<hbm>>
      tpu.wait_dma2 semaphore(%run_scoped3A : memref<!tpu.dma_semaphore, #tpu.memory_space<semaphore_mem>>) src(%dma_wait3A_39 : memref<40x128xi32, #tpu.memory_space<hbm>>) dst(%arg5 : memref<40x128xi32, #tpu.memory_space<vmem>>)
      tpu.yield
    }) : () -> ()
    %dma_start3A = arith.constant 0 : i32
    %dma_start3A_3 = arith.constant 0 : i32
    %dma_start3A_4 = tpu.memref_slice %arg5[%dma_start3A, %dma_start3A_3] : memref<40x128xi32, #tpu.memory_space<vmem>> -> memref<1x128xi32, #tpu.memory_space<vmem>>
    %dma_start3A_5 = tpu.memref_squeeze %dma_start3A_4 : memref<1x128xi32, #tpu.memory_space<vmem>> -> memref<128xi32, #tpu.memory_space<vmem>>
    %dma_start3A_6 = arith.constant 0 : i32
    %dma_start3A_7 = arith.constant 0 : i32
    %dma_start3A_8 = tpu.memref_slice %arg2[%dma_start3A_6, %dma_start3A_7] : memref<10000x128xf32, #tpu.memory_space<hbm>> -> memref<10000x128xf32, #tpu.memory_space<hbm>>
    tpu.enqueue_indirect_dma source(%dma_start3A_8 : memref<10000x128xf32, #tpu.memory_space<hbm>>) target(%arg6 : memref<128x128xf32, #tpu.memory_space<vmem>>) offsets(%dma_start3A_5 : memref<128xi32, #tpu.memory_space<vmem>>) semaphore(%arg8 : memref<!tpu.dma_semaphore, #tpu.memory_space<semaphore_mem>>)
    %scan3A = arith.constant 0 : i32
    %scan3A_9 = arith.constant 0 : i32
    %scan3A_10 = arith.constant 20 : i32
    %scan3A_11 = arith.addi %scan3A_9, %scan3A_10 : i32
    %scan3A_12 = arith.constant 1 : i32
    scf.for %scan3A_32 = %scan3A_9 to %scan3A_11 step %scan3A_12  : i32 {
      %mul3A_33 = arith.constant 2 : i32
      %mul3A_34 = arith.muli %mul3A_33, %scan3A_32 : i32
      %add3A_35 = arith.constant 0 : i32
      %add3A_36 = arith.addi %mul3A_34, %add3A_35 : i32
      %dma_wait3A_37 = arith.constant 0 : i32
      %dma_wait3A_38 = tpu.memref_slice %arg5[%add3A_36, %dma_wait3A_37] : memref<40x128xi32, #tpu.memory_space<vmem>> -> memref<1x128xi32, #tpu.memory_space<vmem>>
      %dma_wait3A_39 = tpu.memref_squeeze %dma_wait3A_38 : memref<1x128xi32, #tpu.memory_space<vmem>> -> memref<128xi32, #tpu.memory_space<vmem>>
      %dma_wait3A_40 = arith.constant 0 : i32
      %dma_wait3A_41 = arith.constant 0 : i32
      %dma_wait3A_42 = tpu.memref_slice %arg2[%dma_wait3A_40, %dma_wait3A_41] : memref<10000x128xf32, #tpu.memory_space<hbm>> -> memref<10000x128xf32, #tpu.memory_space<hbm>>
      tpu.wait_indirect_dma semaphore(%arg8 : memref<!tpu.dma_semaphore, #tpu.memory_space<semaphore_mem>>) src(%dma_wait3A_42 : memref<10000x128xf32, #tpu.memory_space<hbm>>) dst(%arg6 : memref<128x128xf32, #tpu.memory_space<vmem>>)
      %add3A_43 = arith.addi %mul3A_2, %add3A_36 : i32
      %mul3A_44 = arith.constant 128 : i32
      %mul3A_45 = arith.muli %add3A_43, %mul3A_44 : i32
      %dma_start3A_46 = arith.constant 0 : i32
      %dma_start3A_47 = tpu.memref_slice %arg4[%mul3A_45, %dma_start3A_46] : memref<163840x128xf32, #tpu.memory_space<hbm>> -> memref<128x128xf32, #tpu.memory_space<hbm>>
      %dma_start3A_48 = arith.constant 0 : i32
      %dma_start3A_49 = tpu.memref_slice %arg4[%mul3A_45, %dma_start3A_48] : memref<163840x128xf32, #tpu.memory_space<hbm>> -> memref<128x128xf32, #tpu.memory_space<hbm>>
      tpu.enqueue_dma source(%arg6 : memref<128x128xf32, #tpu.memory_space<vmem>>) target(%dma_start3A_49 : memref<128x128xf32, #tpu.memory_space<hbm>>) target_semaphore(%arg10 : memref<!tpu.dma_semaphore, #tpu.memory_space<semaphore_mem>>)
      %add3A_50 = arith.constant 1 : i32
      %add3A_51 = arith.addi %add3A_36, %add3A_50 : i32
      %lt3A = arith.constant 40 : i32
      %lt3A_52 = arith.cmpi slt, %add3A_51, %lt3A : i32
      %convert_element_type3A = arith.extui %lt3A_52 : i1 to i32
      %cond3A = arith.constant 0 : i32
      %cond3A_53 = arith.cmpi ne, %convert_element_type3A, %cond3A : i32
      scf.if %cond3A_53 {
        %ge3A = arith.constant 1 : i32
        %ge3A_78 = arith.cmpi sge, %add3A_36, %ge3A : i32
        %convert_element_type3A_79 = arith.extui %ge3A_78 : i1 to i32
        %cond3A_80 = arith.constant 0 : i32
        %cond3A_81 = arith.cmpi ne, %convert_element_type3A_79, %cond3A_80 : i32
        scf.if %cond3A_81 {
          %add3A_90 = arith.addi %mul3A_2, %add3A_36 : i32
          %sub3A_91 = arith.constant 1 : i32
          %sub3A_92 = arith.subi %add3A_90, %sub3A_91 : i32
          %mul3A_93 = arith.constant 128 : i32
          %mul3A_94 = arith.muli %sub3A_92, %mul3A_93 : i32
          %dma_wait3A_95 = arith.constant 0 : i32
          %dma_wait3A_96 = tpu.memref_slice %arg4[%mul3A_94, %dma_wait3A_95] : memref<163840x128xf32, #tpu.memory_space<hbm>> -> memref<128x128xf32, #tpu.memory_space<hbm>>
          %dma_wait3A_97 = arith.constant 0 : i32
          %dma_wait3A_98 = tpu.memref_slice %arg4[%mul3A_94, %dma_wait3A_97] : memref<163840x128xf32, #tpu.memory_space<hbm>> -> memref<128x128xf32, #tpu.memory_space<hbm>>
          tpu.wait_dma2 semaphore(%arg11 : memref<!tpu.dma_semaphore, #tpu.memory_space<semaphore_mem>>) src(%arg7 : memref<128x128xf32, #tpu.memory_space<vmem>>) dst(%dma_wait3A_98 : memref<128x128xf32, #tpu.memory_space<hbm>>)
        } else {
        }
        %add3A_82 = arith.constant 1 : i32
        %add3A_83 = arith.addi %add3A_36, %add3A_82 : i32
        %dma_start3A_84 = arith.constant 0 : i32
        %dma_start3A_85 = tpu.memref_slice %arg5[%add3A_83, %dma_start3A_84] : memref<40x128xi32, #tpu.memory_space<vmem>> -> memref<1x128xi32, #tpu.memory_space<vmem>>
        %dma_start3A_86 = tpu.memref_squeeze %dma_start3A_85 : memref<1x128xi32, #tpu.memory_space<vmem>> -> memref<128xi32, #tpu.memory_space<vmem>>
        %dma_start3A_87 = arith.constant 0 : i32
        %dma_start3A_88 = arith.constant 0 : i32
        %dma_start3A_89 = tpu.memref_slice %arg2[%dma_start3A_87, %dma_start3A_88] : memref<10000x128xf32, #tpu.memory_space<hbm>> -> memref<10000x128xf32, #tpu.memory_space<hbm>>
        tpu.enqueue_indirect_dma source(%dma_start3A_89 : memref<10000x128xf32, #tpu.memory_space<hbm>>) target(%arg7 : memref<128x128xf32, #tpu.memory_space<vmem>>) offsets(%dma_start3A_86 : memref<128xi32, #tpu.memory_space<vmem>>) semaphore(%arg9 : memref<!tpu.dma_semaphore, #tpu.memory_space<semaphore_mem>>)
      } else {
      }
      %mul3A_54 = arith.constant 2 : i32
      %mul3A_55 = arith.muli %mul3A_54, %scan3A_32 : i32
      %add3A_56 = arith.constant 1 : i32
      %add3A_57 = arith.addi %mul3A_55, %add3A_56 : i32
      %dma_wait3A_58 = arith.constant 0 : i32
      %dma_wait3A_59 = tpu.memref_slice %arg5[%add3A_57, %dma_wait3A_58] : memref<40x128xi32, #tpu.memory_space<vmem>> -> memref<1x128xi32, #tpu.memory_space<vmem>>
      %dma_wait3A_60 = tpu.memref_squeeze %dma_wait3A_59 : memref<1x128xi32, #tpu.memory_space<vmem>> -> memref<128xi32, #tpu.memory_space<vmem>>
      %dma_wait3A_61 = arith.constant 0 : i32
      %dma_wait3A_62 = arith.constant 0 : i32
      %dma_wait3A_63 = tpu.memref_slice %arg2[%dma_wait3A_61, %dma_wait3A_62] : memref<10000x128xf32, #tpu.memory_space<hbm>> -> memref<10000x128xf32, #tpu.memory_space<hbm>>
      tpu.wait_indirect_dma semaphore(%arg9 : memref<!tpu.dma_semaphore, #tpu.memory_space<semaphore_mem>>) src(%dma_wait3A_63 : memref<10000x128xf32, #tpu.memory_space<hbm>>) dst(%arg7 : memref<128x128xf32, #tpu.memory_space<vmem>>)
      %add3A_64 = arith.addi %mul3A_2, %add3A_57 : i32
      %mul3A_65 = arith.constant 128 : i32
      %mul3A_66 = arith.muli %add3A_64, %mul3A_65 : i32
      %dma_start3A_67 = arith.constant 0 : i32
      %dma_start3A_68 = tpu.memref_slice %arg4[%mul3A_66, %dma_start3A_67] : memref<163840x128xf32, #tpu.memory_space<hbm>> -> memref<128x128xf32, #tpu.memory_space<hbm>>
      %dma_start3A_69 = arith.constant 0 : i32
      %dma_start3A_70 = tpu.memref_slice %arg4[%mul3A_66, %dma_start3A_69] : memref<163840x128xf32, #tpu.memory_space<hbm>> -> memref<128x128xf32, #tpu.memory_space<hbm>>
      tpu.enqueue_dma source(%arg7 : memref<128x128xf32, #tpu.memory_space<vmem>>) target(%dma_start3A_70 : memref<128x128xf32, #tpu.memory_space<hbm>>) target_semaphore(%arg11 : memref<!tpu.dma_semaphore, #tpu.memory_space<semaphore_mem>>)
      %add3A_71 = arith.constant 1 : i32
      %add3A_72 = arith.addi %add3A_57, %add3A_71 : i32
      %lt3A_73 = arith.constant 40 : i32
      %lt3A_74 = arith.cmpi slt, %add3A_72, %lt3A_73 : i32
      %convert_element_type3A_75 = arith.extui %lt3A_74 : i1 to i32
      %cond3A_76 = arith.constant 0 : i32
      %cond3A_77 = arith.cmpi ne, %convert_element_type3A_75, %cond3A_76 : i32
      scf.if %cond3A_77 {
        %ge3A = arith.constant 1 : i32
        %ge3A_78 = arith.cmpi sge, %add3A_57, %ge3A : i32
        %convert_element_type3A_79 = arith.extui %ge3A_78 : i1 to i32
        %cond3A_80 = arith.constant 0 : i32
        %cond3A_81 = arith.cmpi ne, %convert_element_type3A_79, %cond3A_80 : i32
        scf.if %cond3A_81 {
          %add3A_90 = arith.addi %mul3A_2, %add3A_57 : i32
          %sub3A_91 = arith.constant 1 : i32
          %sub3A_92 = arith.subi %add3A_90, %sub3A_91 : i32
          %mul3A_93 = arith.constant 128 : i32
          %mul3A_94 = arith.muli %sub3A_92, %mul3A_93 : i32
          %dma_wait3A_95 = arith.constant 0 : i32
          %dma_wait3A_96 = tpu.memref_slice %arg4[%mul3A_94, %dma_wait3A_95] : memref<163840x128xf32, #tpu.memory_space<hbm>> -> memref<128x128xf32, #tpu.memory_space<hbm>>
          %dma_wait3A_97 = arith.constant 0 : i32
          %dma_wait3A_98 = tpu.memref_slice %arg4[%mul3A_94, %dma_wait3A_97] : memref<163840x128xf32, #tpu.memory_space<hbm>> -> memref<128x128xf32, #tpu.memory_space<hbm>>
          tpu.wait_dma2 semaphore(%arg10 : memref<!tpu.dma_semaphore, #tpu.memory_space<semaphore_mem>>) src(%arg6 : memref<128x128xf32, #tpu.memory_space<vmem>>) dst(%dma_wait3A_98 : memref<128x128xf32, #tpu.memory_space<hbm>>)
        } else {
        }
        %add3A_82 = arith.constant 1 : i32
        %add3A_83 = arith.addi %add3A_57, %add3A_82 : i32
        %dma_start3A_84 = arith.constant 0 : i32
        %dma_start3A_85 = tpu.memref_slice %arg5[%add3A_83, %dma_start3A_84] : memref<40x128xi32, #tpu.memory_space<vmem>> -> memref<1x128xi32, #tpu.memory_space<vmem>>
        %dma_start3A_86 = tpu.memref_squeeze %dma_start3A_85 : memref<1x128xi32, #tpu.memory_space<vmem>> -> memref<128xi32, #tpu.memory_space<vmem>>
        %dma_start3A_87 = arith.constant 0 : i32
        %dma_start3A_88 = arith.constant 0 : i32
        %dma_start3A_89 = tpu.memref_slice %arg2[%dma_start3A_87, %dma_start3A_88] : memref<10000x128xf32, #tpu.memory_space<hbm>> -> memref<10000x128xf32, #tpu.memory_space<hbm>>
        tpu.enqueue_indirect_dma source(%dma_start3A_89 : memref<10000x128xf32, #tpu.memory_space<hbm>>) target(%arg6 : memref<128x128xf32, #tpu.memory_space<vmem>>) offsets(%dma_start3A_86 : memref<128xi32, #tpu.memory_space<vmem>>) semaphore(%arg8 : memref<!tpu.dma_semaphore, #tpu.memory_space<semaphore_mem>>)
      } else {
      }
    }
    %scan3A_13 = arith.constant 20 : i32
    %add3A_14 = arith.constant 40 : i32
    %add3A_15 = arith.addi %mul3A_2, %add3A_14 : i32
    %sub3A = arith.constant 2 : i32
    %sub3A_16 = arith.subi %add3A_15, %sub3A : i32
    %mul3A_17 = arith.constant 128 : i32
    %mul3A_18 = arith.muli %sub3A_16, %mul3A_17 : i32
    %dma_wait3A = arith.constant 0 : i32
    %dma_wait3A_19 = tpu.memref_slice %arg4[%mul3A_18, %dma_wait3A] : memref<163840x128xf32, #tpu.memory_space<hbm>> -> memref<128x128xf32, #tpu.memory_space<hbm>>
    %dma_wait3A_20 = arith.constant 0 : i32
    %dma_wait3A_21 = tpu.memref_slice %arg4[%mul3A_18, %dma_wait3A_20] : memref<163840x128xf32, #tpu.memory_space<hbm>> -> memref<128x128xf32, #tpu.memory_space<hbm>>
    tpu.wait_dma2 semaphore(%arg10 : memref<!tpu.dma_semaphore, #tpu.memory_space<semaphore_mem>>) src(%arg6 : memref<128x128xf32, #tpu.memory_space<vmem>>) dst(%dma_wait3A_21 : memref<128x128xf32, #tpu.memory_space<hbm>>)
    %add3A_22 = arith.constant 40 : i32
    %add3A_23 = arith.addi %mul3A_2, %add3A_22 : i32
    %sub3A_24 = arith.constant 1 : i32
    %sub3A_25 = arith.subi %add3A_23, %sub3A_24 : i32
    %mul3A_26 = arith.constant 128 : i32
    %mul3A_27 = arith.muli %sub3A_25, %mul3A_26 : i32
    %dma_wait3A_28 = arith.constant 0 : i32
    %dma_wait3A_29 = tpu.memref_slice %arg4[%mul3A_27, %dma_wait3A_28] : memref<163840x128xf32, #tpu.memory_space<hbm>> -> memref<128x128xf32, #tpu.memory_space<hbm>>
    %dma_wait3A_30 = arith.constant 0 : i32
    %dma_wait3A_31 = tpu.memref_slice %arg4[%mul3A_27, %dma_wait3A_30] : memref<163840x128xf32, #tpu.memory_space<hbm>> -> memref<128x128xf32, #tpu.memory_space<hbm>>
    tpu.wait_dma2 semaphore(%arg11 : memref<!tpu.dma_semaphore, #tpu.memory_space<semaphore_mem>>) src(%arg7 : memref<128x128xf32, #tpu.memory_space<vmem>>) dst(%dma_wait3A_31 : memref<128x128xf32, #tpu.memory_space<hbm>>)
    return
  }
}

#map = affine_map<(d0, d1) -> (0, 0)>
#map1 = affine_map<(d0, d1) -> (0)>
#map2 = affine_map<(d0, d1) -> (0, 0, 0)>
module attributes {stable_mosaic.version = 14 : i64} {
  func.func @_scatter_body(%arg0: i32, %arg1: i32, %arg2: memref<163840x128xf32, #tpu.memory_space<hbm>>, %arg3: memref<1280x128xi32, #tpu.memory_space<hbm>>, %arg4: memref<1000x128xf32, #tpu.memory_space<hbm>>, %arg5: memref<1024xf32, #tpu.memory_space<hbm>>, %arg6: memref<2x10000x128xf32, #tpu.memory_space<hbm>>, %arg7: memref<2x10240xf32, #tpu.memory_space<hbm>>, %arg8: memref<40x128xi32, #tpu.memory_space<vmem>>, %arg9: memref<128x128xf32, #tpu.memory_space<vmem>>, %arg10: memref<128x128xf32, #tpu.memory_space<vmem>>, %arg11: memref<128xf32, #tpu.memory_space<vmem>>, %arg12: memref<!tpu.dma_semaphore, #tpu.memory_space<semaphore_mem>>, %arg13: memref<!tpu.dma_semaphore, #tpu.memory_space<semaphore_mem>>, %arg14: memref<!tpu.dma_semaphore, #tpu.memory_space<semaphore_mem>>, %arg15: memref<!tpu.dma_semaphore, #tpu.memory_space<semaphore_mem>>, %arg16: memref<10240x128xf32, #tpu.memory_space<vmem_shared>>, %arg17: memref<10240xf32, #tpu.memory_space<vmem_shared>>) attributes {dimension_semantics = [#tpu.dimension_semantics<core_parallel>, #tpu.dimension_semantics<subcore_parallel>], iteration_bounds = array<i64: 2, 16>, scalar_prefetch = 0 : i64, scratch_operands = 10 : i64, tpu.core_type = #tpu.core_type<sc_vector_subcore>, window_params = [{transform_indices = #map}, {transform_indices = #map}, {transform_indices = #map}, {transform_indices = #map1}, {transform_indices = #map2}, {transform_indices = #map}]} {
    %mul3A = arith.constant 2 : i32
    %mul3A_0 = arith.muli %arg1, %mul3A : i32
    %add3A = arith.addi %mul3A_0, %arg0 : i32
    %mul3A_1 = arith.constant 40 : i32
    %mul3A_2 = arith.muli %add3A, %mul3A_1 : i32
    %lt3A = arith.constant 10 : i32
    %lt3A_3 = arith.cmpi slt, %arg1, %lt3A : i32
    %convert_element_type3A = arith.extui %lt3A_3 : i1 to i32
    %cond3A = arith.constant 0 : i32
    %cond3A_4 = arith.cmpi ne, %convert_element_type3A, %cond3A : i32
    scf.if %cond3A_4 {
      %mul3A_89 = arith.constant 1000 : i32
      %mul3A_90 = arith.muli %arg1, %mul3A_89 : i32
      "tpu.region"() ({
        %run_scoped3A = tpu.sem_alloc : memref<!tpu.dma_semaphore, #tpu.memory_space<semaphore_mem>>
        %dma_start3A_91 = arith.constant 0 : i32
        %dma_start3A_92 = tpu.memref_slice %arg16[%mul3A_90, %dma_start3A_91] : memref<10240x128xf32, #tpu.memory_space<vmem_shared>> -> memref<1000x128xf32, #tpu.memory_space<vmem_shared>>
        tpu.enqueue_dma source(%arg4 : memref<1000x128xf32, #tpu.memory_space<hbm>>) target(%dma_start3A_92 : memref<1000x128xf32, #tpu.memory_space<vmem_shared>>) target_semaphore(%run_scoped3A : memref<!tpu.dma_semaphore, #tpu.memory_space<semaphore_mem>>)
        %dma_wait3A_93 = arith.constant 0 : i32
        %dma_wait3A_94 = tpu.memref_slice %arg16[%mul3A_90, %dma_wait3A_93] : memref<10240x128xf32, #tpu.memory_space<vmem_shared>> -> memref<1000x128xf32, #tpu.memory_space<vmem_shared>>
        tpu.wait_dma2 semaphore(%run_scoped3A : memref<!tpu.dma_semaphore, #tpu.memory_space<semaphore_mem>>) src(%arg4 : memref<1000x128xf32, #tpu.memory_space<hbm>>) dst(%dma_wait3A_94 : memref<1000x128xf32, #tpu.memory_space<vmem_shared>>)
        tpu.yield
      }) : () -> ()
    } else {
    }
    %eq3A = arith.constant 10 : i32
    %eq3A_5 = arith.cmpi eq, %arg1, %eq3A : i32
    %convert_element_type3A_6 = arith.extui %eq3A_5 : i1 to i32
    %cond3A_7 = arith.constant 0 : i32
    %cond3A_8 = arith.cmpi ne, %convert_element_type3A_6, %cond3A_7 : i32
    scf.if %cond3A_8 {
      "tpu.region"() ({
        %run_scoped3A = tpu.sem_alloc : memref<!tpu.dma_semaphore, #tpu.memory_space<semaphore_mem>>
        %dma_start3A_89 = arith.constant 0 : i32
        %dma_start3A_90 = tpu.memref_slice %arg17[%dma_start3A_89] : memref<10240xf32, #tpu.memory_space<vmem_shared>> -> memref<1024xf32, #tpu.memory_space<vmem_shared>>
        tpu.enqueue_dma source(%arg5 : memref<1024xf32, #tpu.memory_space<hbm>>) target(%dma_start3A_90 : memref<1024xf32, #tpu.memory_space<vmem_shared>>) target_semaphore(%run_scoped3A : memref<!tpu.dma_semaphore, #tpu.memory_space<semaphore_mem>>)
        %dma_wait3A_91 = arith.constant 0 : i32
        %dma_wait3A_92 = tpu.memref_slice %arg17[%dma_wait3A_91] : memref<10240xf32, #tpu.memory_space<vmem_shared>> -> memref<1024xf32, #tpu.memory_space<vmem_shared>>
        tpu.wait_dma2 semaphore(%run_scoped3A : memref<!tpu.dma_semaphore, #tpu.memory_space<semaphore_mem>>) src(%arg5 : memref<1024xf32, #tpu.memory_space<hbm>>) dst(%dma_wait3A_92 : memref<1024xf32, #tpu.memory_space<vmem_shared>>)
        tpu.yield
      }) : () -> ()
      "tpu.region"() ({
        %run_scoped3A = tpu.sem_alloc : memref<!tpu.dma_semaphore, #tpu.memory_space<semaphore_mem>>
        %dma_start3A_89 = arith.constant 1024 : i32
        %dma_start3A_90 = tpu.memref_slice %arg17[%dma_start3A_89] : memref<10240xf32, #tpu.memory_space<vmem_shared>> -> memref<1024xf32, #tpu.memory_space<vmem_shared>>
        tpu.enqueue_dma source(%arg5 : memref<1024xf32, #tpu.memory_space<hbm>>) target(%dma_start3A_90 : memref<1024xf32, #tpu.memory_space<vmem_shared>>) target_semaphore(%run_scoped3A : memref<!tpu.dma_semaphore, #tpu.memory_space<semaphore_mem>>)
        %dma_wait3A_91 = arith.constant 1024 : i32
        %dma_wait3A_92 = tpu.memref_slice %arg17[%dma_wait3A_91] : memref<10240xf32, #tpu.memory_space<vmem_shared>> -> memref<1024xf32, #tpu.memory_space<vmem_shared>>
        tpu.wait_dma2 semaphore(%run_scoped3A : memref<!tpu.dma_semaphore, #tpu.memory_space<semaphore_mem>>) src(%arg5 : memref<1024xf32, #tpu.memory_space<hbm>>) dst(%dma_wait3A_92 : memref<1024xf32, #tpu.memory_space<vmem_shared>>)
        tpu.yield
      }) : () -> ()
      "tpu.region"() ({
        %run_scoped3A = tpu.sem_alloc : memref<!tpu.dma_semaphore, #tpu.memory_space<semaphore_mem>>
        %dma_start3A_89 = arith.constant 2048 : i32
        %dma_start3A_90 = tpu.memref_slice %arg17[%dma_start3A_89] : memref<10240xf32, #tpu.memory_space<vmem_shared>> -> memref<1024xf32, #tpu.memory_space<vmem_shared>>
        tpu.enqueue_dma source(%arg5 : memref<1024xf32, #tpu.memory_space<hbm>>) target(%dma_start3A_90 : memref<1024xf32, #tpu.memory_space<vmem_shared>>) target_semaphore(%run_scoped3A : memref<!tpu.dma_semaphore, #tpu.memory_space<semaphore_mem>>)
        %dma_wait3A_91 = arith.constant 2048 : i32
        %dma_wait3A_92 = tpu.memref_slice %arg17[%dma_wait3A_91] : memref<10240xf32, #tpu.memory_space<vmem_shared>> -> memref<1024xf32, #tpu.memory_space<vmem_shared>>
        tpu.wait_dma2 semaphore(%run_scoped3A : memref<!tpu.dma_semaphore, #tpu.memory_space<semaphore_mem>>) src(%arg5 : memref<1024xf32, #tpu.memory_space<hbm>>) dst(%dma_wait3A_92 : memref<1024xf32, #tpu.memory_space<vmem_shared>>)
        tpu.yield
      }) : () -> ()
      "tpu.region"() ({
        %run_scoped3A = tpu.sem_alloc : memref<!tpu.dma_semaphore, #tpu.memory_space<semaphore_mem>>
        %dma_start3A_89 = arith.constant 3072 : i32
        %dma_start3A_90 = tpu.memref_slice %arg17[%dma_start3A_89] : memref<10240xf32, #tpu.memory_space<vmem_shared>> -> memref<1024xf32, #tpu.memory_space<vmem_shared>>
        tpu.enqueue_dma source(%arg5 : memref<1024xf32, #tpu.memory_space<hbm>>) target(%dma_start3A_90 : memref<1024xf32, #tpu.memory_space<vmem_shared>>) target_semaphore(%run_scoped3A : memref<!tpu.dma_semaphore, #tpu.memory_space<semaphore_mem>>)
        %dma_wait3A_91 = arith.constant 3072 : i32
        %dma_wait3A_92 = tpu.memref_slice %arg17[%dma_wait3A_91] : memref<10240xf32, #tpu.memory_space<vmem_shared>> -> memref<1024xf32, #tpu.memory_space<vmem_shared>>
        tpu.wait_dma2 semaphore(%run_scoped3A : memref<!tpu.dma_semaphore, #tpu.memory_space<semaphore_mem>>) src(%arg5 : memref<1024xf32, #tpu.memory_space<hbm>>) dst(%dma_wait3A_92 : memref<1024xf32, #tpu.memory_space<vmem_shared>>)
        tpu.yield
      }) : () -> ()
      "tpu.region"() ({
        %run_scoped3A = tpu.sem_alloc : memref<!tpu.dma_semaphore, #tpu.memory_space<semaphore_mem>>
        %dma_start3A_89 = arith.constant 4096 : i32
        %dma_start3A_90 = tpu.memref_slice %arg17[%dma_start3A_89] : memref<10240xf32, #tpu.memory_space<vmem_shared>> -> memref<1024xf32, #tpu.memory_space<vmem_shared>>
        tpu.enqueue_dma source(%arg5 : memref<1024xf32, #tpu.memory_space<hbm>>) target(%dma_start3A_90 : memref<1024xf32, #tpu.memory_space<vmem_shared>>) target_semaphore(%run_scoped3A : memref<!tpu.dma_semaphore, #tpu.memory_space<semaphore_mem>>)
        %dma_wait3A_91 = arith.constant 4096 : i32
        %dma_wait3A_92 = tpu.memref_slice %arg17[%dma_wait3A_91] : memref<10240xf32, #tpu.memory_space<vmem_shared>> -> memref<1024xf32, #tpu.memory_space<vmem_shared>>
        tpu.wait_dma2 semaphore(%run_scoped3A : memref<!tpu.dma_semaphore, #tpu.memory_space<semaphore_mem>>) src(%arg5 : memref<1024xf32, #tpu.memory_space<hbm>>) dst(%dma_wait3A_92 : memref<1024xf32, #tpu.memory_space<vmem_shared>>)
        tpu.yield
      }) : () -> ()
      "tpu.region"() ({
        %run_scoped3A = tpu.sem_alloc : memref<!tpu.dma_semaphore, #tpu.memory_space<semaphore_mem>>
        %dma_start3A_89 = arith.constant 5120 : i32
        %dma_start3A_90 = tpu.memref_slice %arg17[%dma_start3A_89] : memref<10240xf32, #tpu.memory_space<vmem_shared>> -> memref<1024xf32, #tpu.memory_space<vmem_shared>>
        tpu.enqueue_dma source(%arg5 : memref<1024xf32, #tpu.memory_space<hbm>>) target(%dma_start3A_90 : memref<1024xf32, #tpu.memory_space<vmem_shared>>) target_semaphore(%run_scoped3A : memref<!tpu.dma_semaphore, #tpu.memory_space<semaphore_mem>>)
        %dma_wait3A_91 = arith.constant 5120 : i32
        %dma_wait3A_92 = tpu.memref_slice %arg17[%dma_wait3A_91] : memref<10240xf32, #tpu.memory_space<vmem_shared>> -> memref<1024xf32, #tpu.memory_space<vmem_shared>>
        tpu.wait_dma2 semaphore(%run_scoped3A : memref<!tpu.dma_semaphore, #tpu.memory_space<semaphore_mem>>) src(%arg5 : memref<1024xf32, #tpu.memory_space<hbm>>) dst(%dma_wait3A_92 : memref<1024xf32, #tpu.memory_space<vmem_shared>>)
        tpu.yield
      }) : () -> ()
      "tpu.region"() ({
        %run_scoped3A = tpu.sem_alloc : memref<!tpu.dma_semaphore, #tpu.memory_space<semaphore_mem>>
        %dma_start3A_89 = arith.constant 6144 : i32
        %dma_start3A_90 = tpu.memref_slice %arg17[%dma_start3A_89] : memref<10240xf32, #tpu.memory_space<vmem_shared>> -> memref<1024xf32, #tpu.memory_space<vmem_shared>>
        tpu.enqueue_dma source(%arg5 : memref<1024xf32, #tpu.memory_space<hbm>>) target(%dma_start3A_90 : memref<1024xf32, #tpu.memory_space<vmem_shared>>) target_semaphore(%run_scoped3A : memref<!tpu.dma_semaphore, #tpu.memory_space<semaphore_mem>>)
        %dma_wait3A_91 = arith.constant 6144 : i32
        %dma_wait3A_92 = tpu.memref_slice %arg17[%dma_wait3A_91] : memref<10240xf32, #tpu.memory_space<vmem_shared>> -> memref<1024xf32, #tpu.memory_space<vmem_shared>>
        tpu.wait_dma2 semaphore(%run_scoped3A : memref<!tpu.dma_semaphore, #tpu.memory_space<semaphore_mem>>) src(%arg5 : memref<1024xf32, #tpu.memory_space<hbm>>) dst(%dma_wait3A_92 : memref<1024xf32, #tpu.memory_space<vmem_shared>>)
        tpu.yield
      }) : () -> ()
      "tpu.region"() ({
        %run_scoped3A = tpu.sem_alloc : memref<!tpu.dma_semaphore, #tpu.memory_space<semaphore_mem>>
        %dma_start3A_89 = arith.constant 7168 : i32
        %dma_start3A_90 = tpu.memref_slice %arg17[%dma_start3A_89] : memref<10240xf32, #tpu.memory_space<vmem_shared>> -> memref<1024xf32, #tpu.memory_space<vmem_shared>>
        tpu.enqueue_dma source(%arg5 : memref<1024xf32, #tpu.memory_space<hbm>>) target(%dma_start3A_90 : memref<1024xf32, #tpu.memory_space<vmem_shared>>) target_semaphore(%run_scoped3A : memref<!tpu.dma_semaphore, #tpu.memory_space<semaphore_mem>>)
        %dma_wait3A_91 = arith.constant 7168 : i32
        %dma_wait3A_92 = tpu.memref_slice %arg17[%dma_wait3A_91] : memref<10240xf32, #tpu.memory_space<vmem_shared>> -> memref<1024xf32, #tpu.memory_space<vmem_shared>>
        tpu.wait_dma2 semaphore(%run_scoped3A : memref<!tpu.dma_semaphore, #tpu.memory_space<semaphore_mem>>) src(%arg5 : memref<1024xf32, #tpu.memory_space<hbm>>) dst(%dma_wait3A_92 : memref<1024xf32, #tpu.memory_space<vmem_shared>>)
        tpu.yield
      }) : () -> ()
      "tpu.region"() ({
        %run_scoped3A = tpu.sem_alloc : memref<!tpu.dma_semaphore, #tpu.memory_space<semaphore_mem>>
        %dma_start3A_89 = arith.constant 8192 : i32
        %dma_start3A_90 = tpu.memref_slice %arg17[%dma_start3A_89] : memref<10240xf32, #tpu.memory_space<vmem_shared>> -> memref<1024xf32, #tpu.memory_space<vmem_shared>>
        tpu.enqueue_dma source(%arg5 : memref<1024xf32, #tpu.memory_space<hbm>>) target(%dma_start3A_90 : memref<1024xf32, #tpu.memory_space<vmem_shared>>) target_semaphore(%run_scoped3A : memref<!tpu.dma_semaphore, #tpu.memory_space<semaphore_mem>>)
        %dma_wait3A_91 = arith.constant 8192 : i32
        %dma_wait3A_92 = tpu.memref_slice %arg17[%dma_wait3A_91] : memref<10240xf32, #tpu.memory_space<vmem_shared>> -> memref<1024xf32, #tpu.memory_space<vmem_shared>>
        tpu.wait_dma2 semaphore(%run_scoped3A : memref<!tpu.dma_semaphore, #tpu.memory_space<semaphore_mem>>) src(%arg5 : memref<1024xf32, #tpu.memory_space<hbm>>) dst(%dma_wait3A_92 : memref<1024xf32, #tpu.memory_space<vmem_shared>>)
        tpu.yield
      }) : () -> ()
      "tpu.region"() ({
        %run_scoped3A = tpu.sem_alloc : memref<!tpu.dma_semaphore, #tpu.memory_space<semaphore_mem>>
        %dma_start3A_89 = arith.constant 9216 : i32
        %dma_start3A_90 = tpu.memref_slice %arg17[%dma_start3A_89] : memref<10240xf32, #tpu.memory_space<vmem_shared>> -> memref<1024xf32, #tpu.memory_space<vmem_shared>>
        tpu.enqueue_dma source(%arg5 : memref<1024xf32, #tpu.memory_space<hbm>>) target(%dma_start3A_90 : memref<1024xf32, #tpu.memory_space<vmem_shared>>) target_semaphore(%run_scoped3A : memref<!tpu.dma_semaphore, #tpu.memory_space<semaphore_mem>>)
        %dma_wait3A_91 = arith.constant 9216 : i32
        %dma_wait3A_92 = tpu.memref_slice %arg17[%dma_wait3A_91] : memref<10240xf32, #tpu.memory_space<vmem_shared>> -> memref<1024xf32, #tpu.memory_space<vmem_shared>>
        tpu.wait_dma2 semaphore(%run_scoped3A : memref<!tpu.dma_semaphore, #tpu.memory_space<semaphore_mem>>) src(%arg5 : memref<1024xf32, #tpu.memory_space<hbm>>) dst(%dma_wait3A_92 : memref<1024xf32, #tpu.memory_space<vmem_shared>>)
        tpu.yield
      }) : () -> ()
    } else {
    }
    %broadcast_in_dim3A = arith.constant 1.000000e+00 : f32
    %broadcast_in_dim3A_9 = vector.broadcast %broadcast_in_dim3A : f32 to vector<16xf32>
    %swap3A = arith.constant 0 : index
    %swap3A_10 = tpu.vector_load %arg11[%swap3A] {strides = array<i32>} : memref<128xf32, #tpu.memory_space<vmem>>, vector<16xf32>,
    %swap3A_11 = vector.shape_cast %swap3A_10 : vector<16xf32> to vector<16xf32>
    %swap3A_12 = vector.shape_cast %broadcast_in_dim3A_9 : vector<16xf32> to vector<16xf32>
    tpu.vector_store %arg11[%swap3A], %swap3A_12 {strides = array<i32>} : memref<128xf32, #tpu.memory_space<vmem>>, vector<16xf32>,
    %broadcast_in_dim3A_13 = arith.constant 1.000000e+00 : f32
    %broadcast_in_dim3A_14 = vector.broadcast %broadcast_in_dim3A_13 : f32 to vector<16xf32>
    %swap3A_15 = arith.constant 16 : index
    %swap3A_16 = tpu.vector_load %arg11[%swap3A_15] {strides = array<i32>} : memref<128xf32, #tpu.memory_space<vmem>>, vector<16xf32>,
    %swap3A_17 = vector.shape_cast %swap3A_16 : vector<16xf32> to vector<16xf32>
    %swap3A_18 = vector.shape_cast %broadcast_in_dim3A_14 : vector<16xf32> to vector<16xf32>
    tpu.vector_store %arg11[%swap3A_15], %swap3A_18 {strides = array<i32>} : memref<128xf32, #tpu.memory_space<vmem>>, vector<16xf32>,
    %broadcast_in_dim3A_19 = arith.constant 1.000000e+00 : f32
    %broadcast_in_dim3A_20 = vector.broadcast %broadcast_in_dim3A_19 : f32 to vector<16xf32>
    %swap3A_21 = arith.constant 32 : index
    %swap3A_22 = tpu.vector_load %arg11[%swap3A_21] {strides = array<i32>} : memref<128xf32, #tpu.memory_space<vmem>>, vector<16xf32>,
    %swap3A_23 = vector.shape_cast %swap3A_22 : vector<16xf32> to vector<16xf32>
    %swap3A_24 = vector.shape_cast %broadcast_in_dim3A_20 : vector<16xf32> to vector<16xf32>
    tpu.vector_store %arg11[%swap3A_21], %swap3A_24 {strides = array<i32>} : memref<128xf32, #tpu.memory_space<vmem>>, vector<16xf32>,
    %broadcast_in_dim3A_25 = arith.constant 1.000000e+00 : f32
    %broadcast_in_dim3A_26 = vector.broadcast %broadcast_in_dim3A_25 : f32 to vector<16xf32>
    %swap3A_27 = arith.constant 48 : index
    %swap3A_28 = tpu.vector_load %arg11[%swap3A_27] {strides = array<i32>} : memref<128xf32, #tpu.memory_space<vmem>>, vector<16xf32>,
    %swap3A_29 = vector.shape_cast %swap3A_28 : vector<16xf32> to vector<16xf32>
    %swap3A_30 = vector.shape_cast %broadcast_in_dim3A_26 : vector<16xf32> to vector<16xf32>
    tpu.vector_store %arg11[%swap3A_27], %swap3A_30 {strides = array<i32>} : memref<128xf32, #tpu.memory_space<vmem>>, vector<16xf32>,
    %broadcast_in_dim3A_31 = arith.constant 1.000000e+00 : f32
    %broadcast_in_dim3A_32 = vector.broadcast %broadcast_in_dim3A_31 : f32 to vector<16xf32>
    %swap3A_33 = arith.constant 64 : index
    %swap3A_34 = tpu.vector_load %arg11[%swap3A_33] {strides = array<i32>} : memref<128xf32, #tpu.memory_space<vmem>>, vector<16xf32>,
    %swap3A_35 = vector.shape_cast %swap3A_34 : vector<16xf32> to vector<16xf32>
    %swap3A_36 = vector.shape_cast %broadcast_in_dim3A_32 : vector<16xf32> to vector<16xf32>
    tpu.vector_store %arg11[%swap3A_33], %swap3A_36 {strides = array<i32>} : memref<128xf32, #tpu.memory_space<vmem>>, vector<16xf32>,
    %broadcast_in_dim3A_37 = arith.constant 1.000000e+00 : f32
    %broadcast_in_dim3A_38 = vector.broadcast %broadcast_in_dim3A_37 : f32 to vector<16xf32>
    %swap3A_39 = arith.constant 80 : index
    %swap3A_40 = tpu.vector_load %arg11[%swap3A_39] {strides = array<i32>} : memref<128xf32, #tpu.memory_space<vmem>>, vector<16xf32>,
    %swap3A_41 = vector.shape_cast %swap3A_40 : vector<16xf32> to vector<16xf32>
    %swap3A_42 = vector.shape_cast %broadcast_in_dim3A_38 : vector<16xf32> to vector<16xf32>
    tpu.vector_store %arg11[%swap3A_39], %swap3A_42 {strides = array<i32>} : memref<128xf32, #tpu.memory_space<vmem>>, vector<16xf32>,
    %broadcast_in_dim3A_43 = arith.constant 1.000000e+00 : f32
    %broadcast_in_dim3A_44 = vector.broadcast %broadcast_in_dim3A_43 : f32 to vector<16xf32>
    %swap3A_45 = arith.constant 96 : index
    %swap3A_46 = tpu.vector_load %arg11[%swap3A_45] {strides = array<i32>} : memref<128xf32, #tpu.memory_space<vmem>>, vector<16xf32>,
    %swap3A_47 = vector.shape_cast %swap3A_46 : vector<16xf32> to vector<16xf32>
    %swap3A_48 = vector.shape_cast %broadcast_in_dim3A_44 : vector<16xf32> to vector<16xf32>
    tpu.vector_store %arg11[%swap3A_45], %swap3A_48 {strides = array<i32>} : memref<128xf32, #tpu.memory_space<vmem>>, vector<16xf32>,
    %broadcast_in_dim3A_49 = arith.constant 1.000000e+00 : f32
    %broadcast_in_dim3A_50 = vector.broadcast %broadcast_in_dim3A_49 : f32 to vector<16xf32>
    %swap3A_51 = arith.constant 112 : index
    %swap3A_52 = tpu.vector_load %arg11[%swap3A_51] {strides = array<i32>} : memref<128xf32, #tpu.memory_space<vmem>>, vector<16xf32>,
    %swap3A_53 = vector.shape_cast %swap3A_52 : vector<16xf32> to vector<16xf32>
    %swap3A_54 = vector.shape_cast %broadcast_in_dim3A_50 : vector<16xf32> to vector<16xf32>
    tpu.vector_store %arg11[%swap3A_51], %swap3A_54 {strides = array<i32>} : memref<128xf32, #tpu.memory_space<vmem>>, vector<16xf32>,
    %barrier3A = arith.constant 0 : index
    tpu.barrier barrier_id(%barrier3A)
    "tpu.region"() ({
      %run_scoped3A = tpu.sem_alloc : memref<!tpu.dma_semaphore, #tpu.memory_space<semaphore_mem>>
      %dma_start3A_89 = arith.constant 0 : i32
      %dma_start3A_90 = tpu.memref_slice %arg3[%mul3A_2, %dma_start3A_89] : memref<1280x128xi32, #tpu.memory_space<hbm>> -> memref<40x128xi32, #tpu.memory_space<hbm>>
      %dma_start3A_91 = arith.constant 0 : i32
      %dma_start3A_92 = tpu.memref_slice %arg3[%mul3A_2, %dma_start3A_91] : memref<1280x128xi32, #tpu.memory_space<hbm>> -> memref<40x128xi32, #tpu.memory_space<hbm>>
      tpu.enqueue_dma source(%dma_start3A_92 : memref<40x128xi32, #tpu.memory_space<hbm>>) target(%arg8 : memref<40x128xi32, #tpu.memory_space<vmem>>) target_semaphore(%run_scoped3A : memref<!tpu.dma_semaphore, #tpu.memory_space<semaphore_mem>>)
      %dma_wait3A_93 = arith.constant 0 : i32
      %dma_wait3A_94 = tpu.memref_slice %arg3[%mul3A_2, %dma_wait3A_93] : memref<1280x128xi32, #tpu.memory_space<hbm>> -> memref<40x128xi32, #tpu.memory_space<hbm>>
      %dma_wait3A_95 = arith.constant 0 : i32
      %dma_wait3A_96 = tpu.memref_slice %arg3[%mul3A_2, %dma_wait3A_95] : memref<1280x128xi32, #tpu.memory_space<hbm>> -> memref<40x128xi32, #tpu.memory_space<hbm>>
      tpu.wait_dma2 semaphore(%run_scoped3A : memref<!tpu.dma_semaphore, #tpu.memory_space<semaphore_mem>>) src(%dma_wait3A_96 : memref<40x128xi32, #tpu.memory_space<hbm>>) dst(%arg8 : memref<40x128xi32, #tpu.memory_space<vmem>>)
      tpu.yield
    }) : () -> ()
    %mul3A_55 = arith.constant 128 : i32
    %mul3A_56 = arith.muli %mul3A_2, %mul3A_55 : i32
    %dma_start3A = arith.constant 0 : i32
    %dma_start3A_57 = tpu.memref_slice %arg2[%mul3A_56, %dma_start3A] : memref<163840x128xf32, #tpu.memory_space<hbm>> -> memref<128x128xf32, #tpu.memory_space<hbm>>
    %dma_start3A_58 = arith.constant 0 : i32
    %dma_start3A_59 = tpu.memref_slice %arg2[%mul3A_56, %dma_start3A_58] : memref<163840x128xf32, #tpu.memory_space<hbm>> -> memref<128x128xf32, #tpu.memory_space<hbm>>
    tpu.enqueue_dma source(%dma_start3A_59 : memref<128x128xf32, #tpu.memory_space<hbm>>) target(%arg9 : memref<128x128xf32, #tpu.memory_space<vmem>>) target_semaphore(%arg12 : memref<!tpu.dma_semaphore, #tpu.memory_space<semaphore_mem>>)
    %scan3A = arith.constant 0 : i32
    %scan3A_60 = arith.constant 0 : i32
    %scan3A_61 = arith.constant 20 : i32
    %scan3A_62 = arith.addi %scan3A_60, %scan3A_61 : i32
    %scan3A_63 = arith.constant 1 : i32
    scf.for %scan3A_89 = %scan3A_60 to %scan3A_62 step %scan3A_63  : i32 {
      %mul3A_90 = arith.constant 2 : i32
      %mul3A_91 = arith.muli %mul3A_90, %scan3A_89 : i32
      %add3A_92 = arith.constant 0 : i32
      %add3A_93 = arith.addi %mul3A_91, %add3A_92 : i32
      %add3A_94 = arith.addi %mul3A_2, %add3A_93 : i32
      %mul3A_95 = arith.constant 128 : i32
      %mul3A_96 = arith.muli %add3A_94, %mul3A_95 : i32
      %dma_wait3A_97 = arith.constant 0 : i32
      %dma_wait3A_98 = tpu.memref_slice %arg2[%mul3A_96, %dma_wait3A_97] : memref<163840x128xf32, #tpu.memory_space<hbm>> -> memref<128x128xf32, #tpu.memory_space<hbm>>
      %dma_wait3A_99 = arith.constant 0 : i32
      %dma_wait3A_100 = tpu.memref_slice %arg2[%mul3A_96, %dma_wait3A_99] : memref<163840x128xf32, #tpu.memory_space<hbm>> -> memref<128x128xf32, #tpu.memory_space<hbm>>
      tpu.wait_dma2 semaphore(%arg12 : memref<!tpu.dma_semaphore, #tpu.memory_space<semaphore_mem>>) src(%dma_wait3A_100 : memref<128x128xf32, #tpu.memory_space<hbm>>) dst(%arg9 : memref<128x128xf32, #tpu.memory_space<vmem>>)
      %dma_start3A_101 = arith.constant 0 : i32
      %dma_start3A_102 = tpu.memref_slice %arg8[%add3A_93, %dma_start3A_101] : memref<40x128xi32, #tpu.memory_space<vmem>> -> memref<1x128xi32, #tpu.memory_space<vmem>>
      %dma_start3A_103 = tpu.memref_squeeze %dma_start3A_102 : memref<1x128xi32, #tpu.memory_space<vmem>> -> memref<128xi32, #tpu.memory_space<vmem>>
      %dma_start3A_104 = arith.constant 0 : i32
      %dma_start3A_105 = arith.constant 0 : i32
      %dma_start3A_106 = tpu.memref_slice %arg16[%dma_start3A_104, %dma_start3A_105] : memref<10240x128xf32, #tpu.memory_space<vmem_shared>> -> memref<10240x128xf32, #tpu.memory_space<vmem_shared>>
      tpu.enqueue_indirect_dma source(%arg9 : memref<128x128xf32, #tpu.memory_space<vmem>>) target(%dma_start3A_106 : memref<10240x128xf32, #tpu.memory_space<vmem_shared>>) offsets(%dma_start3A_103 : memref<128xi32, #tpu.memory_space<vmem>>) semaphore(%arg14 : memref<!tpu.dma_semaphore, #tpu.memory_space<semaphore_mem>>) {add = true}
      "tpu.region"() ({
        %run_scoped3A = tpu.sem_alloc : memref<!tpu.dma_semaphore, #tpu.memory_space<semaphore_mem>>
        %dma_start3A_138 = arith.constant 0 : i32
        %dma_start3A_139 = tpu.memref_slice %arg8[%add3A_93, %dma_start3A_138] : memref<40x128xi32, #tpu.memory_space<vmem>> -> memref<1x128xi32, #tpu.memory_space<vmem>>
        %dma_start3A_140 = tpu.memref_squeeze %dma_start3A_139 : memref<1x128xi32, #tpu.memory_space<vmem>> -> memref<128xi32, #tpu.memory_space<vmem>>
        %dma_start3A_141 = arith.constant 0 : i32
        %dma_start3A_142 = tpu.memref_slice %arg17[%dma_start3A_141] : memref<10240xf32, #tpu.memory_space<vmem_shared>> -> memref<10240xf32, #tpu.memory_space<vmem_shared>>
        tpu.enqueue_indirect_dma source(%arg11 : memref<128xf32, #tpu.memory_space<vmem>>) target(%dma_start3A_142 : memref<10240xf32, #tpu.memory_space<vmem_shared>>) offsets(%dma_start3A_140 : memref<128xi32, #tpu.memory_space<vmem>>) semaphore(%run_scoped3A : memref<!tpu.dma_semaphore, #tpu.memory_space<semaphore_mem>>) {add = true}
        %dma_wait3A_143 = arith.constant 0 : i32
        %dma_wait3A_144 = tpu.memref_slice %arg8[%add3A_93, %dma_wait3A_143] : memref<40x128xi32, #tpu.memory_space<vmem>> -> memref<1x128xi32, #tpu.memory_space<vmem>>
        %dma_wait3A_145 = tpu.memref_squeeze %dma_wait3A_144 : memref<1x128xi32, #tpu.memory_space<vmem>> -> memref<128xi32, #tpu.memory_space<vmem>>
        %dma_wait3A_146 = arith.constant 0 : i32
        %dma_wait3A_147 = tpu.memref_slice %arg17[%dma_wait3A_146] : memref<10240xf32, #tpu.memory_space<vmem_shared>> -> memref<10240xf32, #tpu.memory_space<vmem_shared>>
        tpu.wait_indirect_dma semaphore(%run_scoped3A : memref<!tpu.dma_semaphore, #tpu.memory_space<semaphore_mem>>) src(%arg11 : memref<128xf32, #tpu.memory_space<vmem>>) dst(%dma_wait3A_147 : memref<10240xf32, #tpu.memory_space<vmem_shared>>)
        tpu.yield
      }) : () -> ()
      %add3A_107 = arith.constant 1 : i32
      %add3A_108 = arith.addi %add3A_93, %add3A_107 : i32
      %lt3A_109 = arith.constant 40 : i32
      %lt3A_110 = arith.cmpi slt, %add3A_108, %lt3A_109 : i32
      %convert_element_type3A_111 = arith.extui %lt3A_110 : i1 to i32
      %cond3A_112 = arith.constant 0 : i32
      %cond3A_113 = arith.cmpi ne, %convert_element_type3A_111, %cond3A_112 : i32
      scf.if %cond3A_113 {
        %ge3A = arith.constant 1 : i32
        %ge3A_138 = arith.cmpi sge, %add3A_93, %ge3A : i32
        %convert_element_type3A_139 = arith.extui %ge3A_138 : i1 to i32
        %cond3A_140 = arith.constant 0 : i32
        %cond3A_141 = arith.cmpi ne, %convert_element_type3A_139, %cond3A_140 : i32
        scf.if %cond3A_141 {
          %sub3A = arith.constant 1 : i32
          %sub3A_151 = arith.subi %add3A_93, %sub3A : i32
          %dma_wait3A_152 = arith.constant 0 : i32
          %dma_wait3A_153 = tpu.memref_slice %arg8[%sub3A_151, %dma_wait3A_152] : memref<40x128xi32, #tpu.memory_space<vmem>> -> memref<1x128xi32, #tpu.memory_space<vmem>>
          %dma_wait3A_154 = tpu.memref_squeeze %dma_wait3A_153 : memref<1x128xi32, #tpu.memory_space<vmem>> -> memref<128xi32, #tpu.memory_space<vmem>>
          %dma_wait3A_155 = arith.constant 0 : i32
          %dma_wait3A_156 = arith.constant 0 : i32
          %dma_wait3A_157 = tpu.memref_slice %arg16[%dma_wait3A_155, %dma_wait3A_156] : memref<10240x128xf32, #tpu.memory_space<vmem_shared>> -> memref<10240x128xf32, #tpu.memory_space<vmem_shared>>
          tpu.wait_indirect_dma semaphore(%arg15 : memref<!tpu.dma_semaphore, #tpu.memory_space<semaphore_mem>>) src(%arg10 : memref<128x128xf32, #tpu.memory_space<vmem>>) dst(%dma_wait3A_157 : memref<10240x128xf32, #tpu.memory_space<vmem_shared>>)
        } else {
        }
        %add3A_142 = arith.addi %mul3A_2, %add3A_93 : i32
        %add3A_143 = arith.constant 1 : i32
        %add3A_144 = arith.addi %add3A_142, %add3A_143 : i32
        %mul3A_145 = arith.constant 128 : i32
        %mul3A_146 = arith.muli %add3A_144, %mul3A_145 : i32
        %dma_start3A_147 = arith.constant 0 : i32
        %dma_start3A_148 = tpu.memref_slice %arg2[%mul3A_146, %dma_start3A_147] : memref<163840x128xf32, #tpu.memory_space<hbm>> -> memref<128x128xf32, #tpu.memory_space<hbm>>
        %dma_start3A_149 = arith.constant 0 : i32
        %dma_start3A_150 = tpu.memref_slice %arg2[%mul3A_146, %dma_start3A_149] : memref<163840x128xf32, #tpu.memory_space<hbm>> -> memref<128x128xf32, #tpu.memory_space<hbm>>
        tpu.enqueue_dma source(%dma_start3A_150 : memref<128x128xf32, #tpu.memory_space<hbm>>) target(%arg10 : memref<128x128xf32, #tpu.memory_space<vmem>>) target_semaphore(%arg13 : memref<!tpu.dma_semaphore, #tpu.memory_space<semaphore_mem>>)
      } else {
      }
      %mul3A_114 = arith.constant 2 : i32
      %mul3A_115 = arith.muli %mul3A_114, %scan3A_89 : i32
      %add3A_116 = arith.constant 1 : i32
      %add3A_117 = arith.addi %mul3A_115, %add3A_116 : i32
      %add3A_118 = arith.addi %mul3A_2, %add3A_117 : i32
      %mul3A_119 = arith.constant 128 : i32
      %mul3A_120 = arith.muli %add3A_118, %mul3A_119 : i32
      %dma_wait3A_121 = arith.constant 0 : i32
      %dma_wait3A_122 = tpu.memref_slice %arg2[%mul3A_120, %dma_wait3A_121] : memref<163840x128xf32, #tpu.memory_space<hbm>> -> memref<128x128xf32, #tpu.memory_space<hbm>>
      %dma_wait3A_123 = arith.constant 0 : i32
      %dma_wait3A_124 = tpu.memref_slice %arg2[%mul3A_120, %dma_wait3A_123] : memref<163840x128xf32, #tpu.memory_space<hbm>> -> memref<128x128xf32, #tpu.memory_space<hbm>>
      tpu.wait_dma2 semaphore(%arg13 : memref<!tpu.dma_semaphore, #tpu.memory_space<semaphore_mem>>) src(%dma_wait3A_124 : memref<128x128xf32, #tpu.memory_space<hbm>>) dst(%arg10 : memref<128x128xf32, #tpu.memory_space<vmem>>)
      %dma_start3A_125 = arith.constant 0 : i32
      %dma_start3A_126 = tpu.memref_slice %arg8[%add3A_117, %dma_start3A_125] : memref<40x128xi32, #tpu.memory_space<vmem>> -> memref<1x128xi32, #tpu.memory_space<vmem>>
      %dma_start3A_127 = tpu.memref_squeeze %dma_start3A_126 : memref<1x128xi32, #tpu.memory_space<vmem>> -> memref<128xi32, #tpu.memory_space<vmem>>
      %dma_start3A_128 = arith.constant 0 : i32
      %dma_start3A_129 = arith.constant 0 : i32
      %dma_start3A_130 = tpu.memref_slice %arg16[%dma_start3A_128, %dma_start3A_129] : memref<10240x128xf32, #tpu.memory_space<vmem_shared>> -> memref<10240x128xf32, #tpu.memory_space<vmem_shared>>
      tpu.enqueue_indirect_dma source(%arg10 : memref<128x128xf32, #tpu.memory_space<vmem>>) target(%dma_start3A_130 : memref<10240x128xf32, #tpu.memory_space<vmem_shared>>) offsets(%dma_start3A_127 : memref<128xi32, #tpu.memory_space<vmem>>) semaphore(%arg15 : memref<!tpu.dma_semaphore, #tpu.memory_space<semaphore_mem>>) {add = true}
      "tpu.region"() ({
        %run_scoped3A = tpu.sem_alloc : memref<!tpu.dma_semaphore, #tpu.memory_space<semaphore_mem>>
        %dma_start3A_138 = arith.constant 0 : i32
        %dma_start3A_139 = tpu.memref_slice %arg8[%add3A_117, %dma_start3A_138] : memref<40x128xi32, #tpu.memory_space<vmem>> -> memref<1x128xi32, #tpu.memory_space<vmem>>
        %dma_start3A_140 = tpu.memref_squeeze %dma_start3A_139 : memref<1x128xi32, #tpu.memory_space<vmem>> -> memref<128xi32, #tpu.memory_space<vmem>>
        %dma_start3A_141 = arith.constant 0 : i32
        %dma_start3A_142 = tpu.memref_slice %arg17[%dma_start3A_141] : memref<10240xf32, #tpu.memory_space<vmem_shared>> -> memref<10240xf32, #tpu.memory_space<vmem_shared>>
        tpu.enqueue_indirect_dma source(%arg11 : memref<128xf32, #tpu.memory_space<vmem>>) target(%dma_start3A_142 : memref<10240xf32, #tpu.memory_space<vmem_shared>>) offsets(%dma_start3A_140 : memref<128xi32, #tpu.memory_space<vmem>>) semaphore(%run_scoped3A : memref<!tpu.dma_semaphore, #tpu.memory_space<semaphore_mem>>) {add = true}
        %dma_wait3A_143 = arith.constant 0 : i32
        %dma_wait3A_144 = tpu.memref_slice %arg8[%add3A_117, %dma_wait3A_143] : memref<40x128xi32, #tpu.memory_space<vmem>> -> memref<1x128xi32, #tpu.memory_space<vmem>>
        %dma_wait3A_145 = tpu.memref_squeeze %dma_wait3A_144 : memref<1x128xi32, #tpu.memory_space<vmem>> -> memref<128xi32, #tpu.memory_space<vmem>>
        %dma_wait3A_146 = arith.constant 0 : i32
        %dma_wait3A_147 = tpu.memref_slice %arg17[%dma_wait3A_146] : memref<10240xf32, #tpu.memory_space<vmem_shared>> -> memref<10240xf32, #tpu.memory_space<vmem_shared>>
        tpu.wait_indirect_dma semaphore(%run_scoped3A : memref<!tpu.dma_semaphore, #tpu.memory_space<semaphore_mem>>) src(%arg11 : memref<128xf32, #tpu.memory_space<vmem>>) dst(%dma_wait3A_147 : memref<10240xf32, #tpu.memory_space<vmem_shared>>)
        tpu.yield
      }) : () -> ()
      %add3A_131 = arith.constant 1 : i32
      %add3A_132 = arith.addi %add3A_117, %add3A_131 : i32
      %lt3A_133 = arith.constant 40 : i32
      %lt3A_134 = arith.cmpi slt, %add3A_132, %lt3A_133 : i32
      %convert_element_type3A_135 = arith.extui %lt3A_134 : i1 to i32
      %cond3A_136 = arith.constant 0 : i32
      %cond3A_137 = arith.cmpi ne, %convert_element_type3A_135, %cond3A_136 : i32
      scf.if %cond3A_137 {
        %ge3A = arith.constant 1 : i32
        %ge3A_138 = arith.cmpi sge, %add3A_117, %ge3A : i32
        %convert_element_type3A_139 = arith.extui %ge3A_138 : i1 to i32
        %cond3A_140 = arith.constant 0 : i32
        %cond3A_141 = arith.cmpi ne, %convert_element_type3A_139, %cond3A_140 : i32
        scf.if %cond3A_141 {
          %sub3A = arith.constant 1 : i32
          %sub3A_151 = arith.subi %add3A_117, %sub3A : i32
          %dma_wait3A_152 = arith.constant 0 : i32
          %dma_wait3A_153 = tpu.memref_slice %arg8[%sub3A_151, %dma_wait3A_152] : memref<40x128xi32, #tpu.memory_space<vmem>> -> memref<1x128xi32, #tpu.memory_space<vmem>>
          %dma_wait3A_154 = tpu.memref_squeeze %dma_wait3A_153 : memref<1x128xi32, #tpu.memory_space<vmem>> -> memref<128xi32, #tpu.memory_space<vmem>>
          %dma_wait3A_155 = arith.constant 0 : i32
          %dma_wait3A_156 = arith.constant 0 : i32
          %dma_wait3A_157 = tpu.memref_slice %arg16[%dma_wait3A_155, %dma_wait3A_156] : memref<10240x128xf32, #tpu.memory_space<vmem_shared>> -> memref<10240x128xf32, #tpu.memory_space<vmem_shared>>
          tpu.wait_indirect_dma semaphore(%arg14 : memref<!tpu.dma_semaphore, #tpu.memory_space<semaphore_mem>>) src(%arg9 : memref<128x128xf32, #tpu.memory_space<vmem>>) dst(%dma_wait3A_157 : memref<10240x128xf32, #tpu.memory_space<vmem_shared>>)
        } else {
        }
        %add3A_142 = arith.addi %mul3A_2, %add3A_117 : i32
        %add3A_143 = arith.constant 1 : i32
        %add3A_144 = arith.addi %add3A_142, %add3A_143 : i32
        %mul3A_145 = arith.constant 128 : i32
        %mul3A_146 = arith.muli %add3A_144, %mul3A_145 : i32
        %dma_start3A_147 = arith.constant 0 : i32
        %dma_start3A_148 = tpu.memref_slice %arg2[%mul3A_146, %dma_start3A_147] : memref<163840x128xf32, #tpu.memory_space<hbm>> -> memref<128x128xf32, #tpu.memory_space<hbm>>
        %dma_start3A_149 = arith.constant 0 : i32
        %dma_start3A_150 = tpu.memref_slice %arg2[%mul3A_146, %dma_start3A_149] : memref<163840x128xf32, #tpu.memory_space<hbm>> -> memref<128x128xf32, #tpu.memory_space<hbm>>
        tpu.enqueue_dma source(%dma_start3A_150 : memref<128x128xf32, #tpu.memory_space<hbm>>) target(%arg9 : memref<128x128xf32, #tpu.memory_space<vmem>>) target_semaphore(%arg12 : memref<!tpu.dma_semaphore, #tpu.memory_space<semaphore_mem>>)
      } else {
      }
    }
    %scan3A_64 = arith.constant 20 : i32
    %dma_wait3A = arith.constant 38 : i32
    %dma_wait3A_65 = arith.constant 0 : i32
    %dma_wait3A_66 = tpu.memref_slice %arg8[%dma_wait3A, %dma_wait3A_65] : memref<40x128xi32, #tpu.memory_space<vmem>> -> memref<1x128xi32, #tpu.memory_space<vmem>>
    %dma_wait3A_67 = tpu.memref_squeeze %dma_wait3A_66 : memref<1x128xi32, #tpu.memory_space<vmem>> -> memref<128xi32, #tpu.memory_space<vmem>>
    %dma_wait3A_68 = arith.constant 0 : i32
    %dma_wait3A_69 = arith.constant 0 : i32
    %dma_wait3A_70 = tpu.memref_slice %arg16[%dma_wait3A_68, %dma_wait3A_69] : memref<10240x128xf32, #tpu.memory_space<vmem_shared>> -> memref<10240x128xf32, #tpu.memory_space<vmem_shared>>
    tpu.wait_indirect_dma semaphore(%arg14 : memref<!tpu.dma_semaphore, #tpu.memory_space<semaphore_mem>>) src(%arg9 : memref<128x128xf32, #tpu.memory_space<vmem>>) dst(%dma_wait3A_70 : memref<10240x128xf32, #tpu.memory_space<vmem_shared>>)
    %dma_wait3A_71 = arith.constant 39 : i32
    %dma_wait3A_72 = arith.constant 0 : i32
    %dma_wait3A_73 = tpu.memref_slice %arg8[%dma_wait3A_71, %dma_wait3A_72] : memref<40x128xi32, #tpu.memory_space<vmem>> -> memref<1x128xi32, #tpu.memory_space<vmem>>
    %dma_wait3A_74 = tpu.memref_squeeze %dma_wait3A_73 : memref<1x128xi32, #tpu.memory_space<vmem>> -> memref<128xi32, #tpu.memory_space<vmem>>
    %dma_wait3A_75 = arith.constant 0 : i32
    %dma_wait3A_76 = arith.constant 0 : i32
    %dma_wait3A_77 = tpu.memref_slice %arg16[%dma_wait3A_75, %dma_wait3A_76] : memref<10240x128xf32, #tpu.memory_space<vmem_shared>> -> memref<10240x128xf32, #tpu.memory_space<vmem_shared>>
    tpu.wait_indirect_dma semaphore(%arg15 : memref<!tpu.dma_semaphore, #tpu.memory_space<semaphore_mem>>) src(%arg10 : memref<128x128xf32, #tpu.memory_space<vmem>>) dst(%dma_wait3A_77 : memref<10240x128xf32, #tpu.memory_space<vmem_shared>>)
    %barrier3A_78 = arith.constant 0 : index
    tpu.barrier barrier_id(%barrier3A_78)
    %lt3A_79 = arith.constant 10 : i32
    %lt3A_80 = arith.cmpi slt, %arg1, %lt3A_79 : i32
    %convert_element_type3A_81 = arith.extui %lt3A_80 : i1 to i32
    %cond3A_82 = arith.constant 0 : i32
    %cond3A_83 = arith.cmpi ne, %convert_element_type3A_81, %cond3A_82 : i32
    scf.if %cond3A_83 {
      %mul3A_89 = arith.constant 1000 : i32
      %mul3A_90 = arith.muli %arg1, %mul3A_89 : i32
      "tpu.region"() ({
        %run_scoped3A = tpu.sem_alloc : memref<!tpu.dma_semaphore, #tpu.memory_space<semaphore_mem>>
        %dma_start3A_91 = arith.constant 0 : i32
        %dma_start3A_92 = arith.constant 0 : i32
        %dma_start3A_93 = tpu.memref_slice %arg6[%arg0, %dma_start3A_91, %dma_start3A_92] : memref<2x10000x128xf32, #tpu.memory_space<hbm>> -> memref<1x10000x128xf32, #tpu.memory_space<hbm>>
        %dma_start3A_94 = tpu.memref_squeeze %dma_start3A_93 : memref<1x10000x128xf32, #tpu.memory_space<hbm>> -> memref<10000x128xf32, #tpu.memory_space<hbm>>
        %dma_start3A_95 = arith.constant 0 : i32
        %dma_start3A_96 = tpu.memref_slice %dma_start3A_94[%mul3A_90, %dma_start3A_95] : memref<10000x128xf32, #tpu.memory_space<hbm>> -> memref<1000x128xf32, #tpu.memory_space<hbm>>
        %dma_start3A_97 = arith.constant 0 : i32
        %dma_start3A_98 = tpu.memref_slice %arg16[%mul3A_90, %dma_start3A_97] : memref<10240x128xf32, #tpu.memory_space<vmem_shared>> -> memref<1000x128xf32, #tpu.memory_space<vmem_shared>>
        tpu.enqueue_dma source(%dma_start3A_98 : memref<1000x128xf32, #tpu.memory_space<vmem_shared>>) target(%dma_start3A_96 : memref<1000x128xf32, #tpu.memory_space<hbm>>) target_semaphore(%run_scoped3A : memref<!tpu.dma_semaphore, #tpu.memory_space<semaphore_mem>>)
        %dma_wait3A_99 = arith.constant 0 : i32
        %dma_wait3A_100 = arith.constant 0 : i32
        %dma_wait3A_101 = tpu.memref_slice %arg6[%arg0, %dma_wait3A_99, %dma_wait3A_100] : memref<2x10000x128xf32, #tpu.memory_space<hbm>> -> memref<1x10000x128xf32, #tpu.memory_space<hbm>>
        %dma_wait3A_102 = tpu.memref_squeeze %dma_wait3A_101 : memref<1x10000x128xf32, #tpu.memory_space<hbm>> -> memref<10000x128xf32, #tpu.memory_space<hbm>>
        %dma_wait3A_103 = arith.constant 0 : i32
        %dma_wait3A_104 = tpu.memref_slice %dma_wait3A_102[%mul3A_90, %dma_wait3A_103] : memref<10000x128xf32, #tpu.memory_space<hbm>> -> memref<1000x128xf32, #tpu.memory_space<hbm>>
        %dma_wait3A_105 = arith.constant 0 : i32
        %dma_wait3A_106 = tpu.memref_slice %arg16[%mul3A_90, %dma_wait3A_105] : memref<10240x128xf32, #tpu.memory_space<vmem_shared>> -> memref<1000x128xf32, #tpu.memory_space<vmem_shared>>
        tpu.wait_dma2 semaphore(%run_scoped3A : memref<!tpu.dma_semaphore, #tpu.memory_space<semaphore_mem>>) src(%dma_wait3A_106 : memref<1000x128xf32, #tpu.memory_space<vmem_shared>>) dst(%dma_wait3A_104 : memref<1000x128xf32, #tpu.memory_space<hbm>>)
        tpu.yield
      }) : () -> ()
    } else {
    }
    %eq3A_84 = arith.constant 10 : i32
    %eq3A_85 = arith.cmpi eq, %arg1, %eq3A_84 : i32
    %convert_element_type3A_86 = arith.extui %eq3A_85 : i1 to i32
    %cond3A_87 = arith.constant 0 : i32
    %cond3A_88 = arith.cmpi ne, %convert_element_type3A_86, %cond3A_87 : i32
    scf.if %cond3A_88 {
      "tpu.region"() ({
        %run_scoped3A = tpu.sem_alloc : memref<!tpu.dma_semaphore, #tpu.memory_space<semaphore_mem>>
        %dma_start3A_89 = arith.constant 0 : i32
        %dma_start3A_90 = tpu.memref_slice %arg7[%arg0, %dma_start3A_89] : memref<2x10240xf32, #tpu.memory_space<hbm>> -> memref<1x10240xf32, #tpu.memory_space<hbm>>
        %dma_start3A_91 = tpu.memref_squeeze %dma_start3A_90 : memref<1x10240xf32, #tpu.memory_space<hbm>> -> memref<10240xf32, #tpu.memory_space<hbm>>
        %dma_start3A_92 = arith.constant 0 : i32
        %dma_start3A_93 = tpu.memref_slice %dma_start3A_91[%dma_start3A_92] : memref<10240xf32, #tpu.memory_space<hbm>> -> memref<1024xf32, #tpu.memory_space<hbm>>
        %dma_start3A_94 = arith.constant 0 : i32
        %dma_start3A_95 = tpu.memref_slice %arg17[%dma_start3A_94] : memref<10240xf32, #tpu.memory_space<vmem_shared>> -> memref<1024xf32, #tpu.memory_space<vmem_shared>>
        tpu.enqueue_dma source(%dma_start3A_95 : memref<1024xf32, #tpu.memory_space<vmem_shared>>) target(%dma_start3A_93 : memref<1024xf32, #tpu.memory_space<hbm>>) target_semaphore(%run_scoped3A : memref<!tpu.dma_semaphore, #tpu.memory_space<semaphore_mem>>)
        %dma_wait3A_96 = arith.constant 0 : i32
        %dma_wait3A_97 = tpu.memref_slice %arg7[%arg0, %dma_wait3A_96] : memref<2x10240xf32, #tpu.memory_space<hbm>> -> memref<1x10240xf32, #tpu.memory_space<hbm>>
        %dma_wait3A_98 = tpu.memref_squeeze %dma_wait3A_97 : memref<1x10240xf32, #tpu.memory_space<hbm>> -> memref<10240xf32, #tpu.memory_space<hbm>>
        %dma_wait3A_99 = arith.constant 0 : i32
        %dma_wait3A_100 = tpu.memref_slice %dma_wait3A_98[%dma_wait3A_99] : memref<10240xf32, #tpu.memory_space<hbm>> -> memref<1024xf32, #tpu.memory_space<hbm>>
        %dma_wait3A_101 = arith.constant 0 : i32
        %dma_wait3A_102 = tpu.memref_slice %arg17[%dma_wait3A_101] : memref<10240xf32, #tpu.memory_space<vmem_shared>> -> memref<1024xf32, #tpu.memory_space<vmem_shared>>
        tpu.wait_dma2 semaphore(%run_scoped3A : memref<!tpu.dma_semaphore, #tpu.memory_space<semaphore_mem>>) src(%dma_wait3A_102 : memref<1024xf32, #tpu.memory_space<vmem_shared>>) dst(%dma_wait3A_100 : memref<1024xf32, #tpu.memory_space<hbm>>)
        tpu.yield
      }) : () -> ()
      "tpu.region"() ({
        %run_scoped3A = tpu.sem_alloc : memref<!tpu.dma_semaphore, #tpu.memory_space<semaphore_mem>>
        %dma_start3A_89 = arith.constant 0 : i32
        %dma_start3A_90 = tpu.memref_slice %arg7[%arg0, %dma_start3A_89] : memref<2x10240xf32, #tpu.memory_space<hbm>> -> memref<1x10240xf32, #tpu.memory_space<hbm>>
        %dma_start3A_91 = tpu.memref_squeeze %dma_start3A_90 : memref<1x10240xf32, #tpu.memory_space<hbm>> -> memref<10240xf32, #tpu.memory_space<hbm>>
        %dma_start3A_92 = arith.constant 1024 : i32
        %dma_start3A_93 = tpu.memref_slice %dma_start3A_91[%dma_start3A_92] : memref<10240xf32, #tpu.memory_space<hbm>> -> memref<1024xf32, #tpu.memory_space<hbm>>
        %dma_start3A_94 = arith.constant 1024 : i32
        %dma_start3A_95 = tpu.memref_slice %arg17[%dma_start3A_94] : memref<10240xf32, #tpu.memory_space<vmem_shared>> -> memref<1024xf32, #tpu.memory_space<vmem_shared>>
        tpu.enqueue_dma source(%dma_start3A_95 : memref<1024xf32, #tpu.memory_space<vmem_shared>>) target(%dma_start3A_93 : memref<1024xf32, #tpu.memory_space<hbm>>) target_semaphore(%run_scoped3A : memref<!tpu.dma_semaphore, #tpu.memory_space<semaphore_mem>>)
        %dma_wait3A_96 = arith.constant 0 : i32
        %dma_wait3A_97 = tpu.memref_slice %arg7[%arg0, %dma_wait3A_96] : memref<2x10240xf32, #tpu.memory_space<hbm>> -> memref<1x10240xf32, #tpu.memory_space<hbm>>
        %dma_wait3A_98 = tpu.memref_squeeze %dma_wait3A_97 : memref<1x10240xf32, #tpu.memory_space<hbm>> -> memref<10240xf32, #tpu.memory_space<hbm>>
        %dma_wait3A_99 = arith.constant 1024 : i32
        %dma_wait3A_100 = tpu.memref_slice %dma_wait3A_98[%dma_wait3A_99] : memref<10240xf32, #tpu.memory_space<hbm>> -> memref<1024xf32, #tpu.memory_space<hbm>>
        %dma_wait3A_101 = arith.constant 1024 : i32
        %dma_wait3A_102 = tpu.memref_slice %arg17[%dma_wait3A_101] : memref<10240xf32, #tpu.memory_space<vmem_shared>> -> memref<1024xf32, #tpu.memory_space<vmem_shared>>
        tpu.wait_dma2 semaphore(%run_scoped3A : memref<!tpu.dma_semaphore, #tpu.memory_space<semaphore_mem>>) src(%dma_wait3A_102 : memref<1024xf32, #tpu.memory_space<vmem_shared>>) dst(%dma_wait3A_100 : memref<1024xf32, #tpu.memory_space<hbm>>)
        tpu.yield
      }) : () -> ()
      "tpu.region"() ({
        %run_scoped3A = tpu.sem_alloc : memref<!tpu.dma_semaphore, #tpu.memory_space<semaphore_mem>>
        %dma_start3A_89 = arith.constant 0 : i32
        %dma_start3A_90 = tpu.memref_slice %arg7[%arg0, %dma_start3A_89] : memref<2x10240xf32, #tpu.memory_space<hbm>> -> memref<1x10240xf32, #tpu.memory_space<hbm>>
        %dma_start3A_91 = tpu.memref_squeeze %dma_start3A_90 : memref<1x10240xf32, #tpu.memory_space<hbm>> -> memref<10240xf32, #tpu.memory_space<hbm>>
        %dma_start3A_92 = arith.constant 2048 : i32
        %dma_start3A_93 = tpu.memref_slice %dma_start3A_91[%dma_start3A_92] : memref<10240xf32, #tpu.memory_space<hbm>> -> memref<1024xf32, #tpu.memory_space<hbm>>
        %dma_start3A_94 = arith.constant 2048 : i32
        %dma_start3A_95 = tpu.memref_slice %arg17[%dma_start3A_94] : memref<10240xf32, #tpu.memory_space<vmem_shared>> -> memref<1024xf32, #tpu.memory_space<vmem_shared>>
        tpu.enqueue_dma source(%dma_start3A_95 : memref<1024xf32, #tpu.memory_space<vmem_shared>>) target(%dma_start3A_93 : memref<1024xf32, #tpu.memory_space<hbm>>) target_semaphore(%run_scoped3A : memref<!tpu.dma_semaphore, #tpu.memory_space<semaphore_mem>>)
        %dma_wait3A_96 = arith.constant 0 : i32
        %dma_wait3A_97 = tpu.memref_slice %arg7[%arg0, %dma_wait3A_96] : memref<2x10240xf32, #tpu.memory_space<hbm>> -> memref<1x10240xf32, #tpu.memory_space<hbm>>
        %dma_wait3A_98 = tpu.memref_squeeze %dma_wait3A_97 : memref<1x10240xf32, #tpu.memory_space<hbm>> -> memref<10240xf32, #tpu.memory_space<hbm>>
        %dma_wait3A_99 = arith.constant 2048 : i32
        %dma_wait3A_100 = tpu.memref_slice %dma_wait3A_98[%dma_wait3A_99] : memref<10240xf32, #tpu.memory_space<hbm>> -> memref<1024xf32, #tpu.memory_space<hbm>>
        %dma_wait3A_101 = arith.constant 2048 : i32
        %dma_wait3A_102 = tpu.memref_slice %arg17[%dma_wait3A_101] : memref<10240xf32, #tpu.memory_space<vmem_shared>> -> memref<1024xf32, #tpu.memory_space<vmem_shared>>
        tpu.wait_dma2 semaphore(%run_scoped3A : memref<!tpu.dma_semaphore, #tpu.memory_space<semaphore_mem>>) src(%dma_wait3A_102 : memref<1024xf32, #tpu.memory_space<vmem_shared>>) dst(%dma_wait3A_100 : memref<1024xf32, #tpu.memory_space<hbm>>)
        tpu.yield
      }) : () -> ()
      "tpu.region"() ({
        %run_scoped3A = tpu.sem_alloc : memref<!tpu.dma_semaphore, #tpu.memory_space<semaphore_mem>>
        %dma_start3A_89 = arith.constant 0 : i32
        %dma_start3A_90 = tpu.memref_slice %arg7[%arg0, %dma_start3A_89] : memref<2x10240xf32, #tpu.memory_space<hbm>> -> memref<1x10240xf32, #tpu.memory_space<hbm>>
        %dma_start3A_91 = tpu.memref_squeeze %dma_start3A_90 : memref<1x10240xf32, #tpu.memory_space<hbm>> -> memref<10240xf32, #tpu.memory_space<hbm>>
        %dma_start3A_92 = arith.constant 3072 : i32
        %dma_start3A_93 = tpu.memref_slice %dma_start3A_91[%dma_start3A_92] : memref<10240xf32, #tpu.memory_space<hbm>> -> memref<1024xf32, #tpu.memory_space<hbm>>
        %dma_start3A_94 = arith.constant 3072 : i32
        %dma_start3A_95 = tpu.memref_slice %arg17[%dma_start3A_94] : memref<10240xf32, #tpu.memory_space<vmem_shared>> -> memref<1024xf32, #tpu.memory_space<vmem_shared>>
        tpu.enqueue_dma source(%dma_start3A_95 : memref<1024xf32, #tpu.memory_space<vmem_shared>>) target(%dma_start3A_93 : memref<1024xf32, #tpu.memory_space<hbm>>) target_semaphore(%run_scoped3A : memref<!tpu.dma_semaphore, #tpu.memory_space<semaphore_mem>>)
        %dma_wait3A_96 = arith.constant 0 : i32
        %dma_wait3A_97 = tpu.memref_slice %arg7[%arg0, %dma_wait3A_96] : memref<2x10240xf32, #tpu.memory_space<hbm>> -> memref<1x10240xf32, #tpu.memory_space<hbm>>
        %dma_wait3A_98 = tpu.memref_squeeze %dma_wait3A_97 : memref<1x10240xf32, #tpu.memory_space<hbm>> -> memref<10240xf32, #tpu.memory_space<hbm>>
        %dma_wait3A_99 = arith.constant 3072 : i32
        %dma_wait3A_100 = tpu.memref_slice %dma_wait3A_98[%dma_wait3A_99] : memref<10240xf32, #tpu.memory_space<hbm>> -> memref<1024xf32, #tpu.memory_space<hbm>>
        %dma_wait3A_101 = arith.constant 3072 : i32
        %dma_wait3A_102 = tpu.memref_slice %arg17[%dma_wait3A_101] : memref<10240xf32, #tpu.memory_space<vmem_shared>> -> memref<1024xf32, #tpu.memory_space<vmem_shared>>
        tpu.wait_dma2 semaphore(%run_scoped3A : memref<!tpu.dma_semaphore, #tpu.memory_space<semaphore_mem>>) src(%dma_wait3A_102 : memref<1024xf32, #tpu.memory_space<vmem_shared>>) dst(%dma_wait3A_100 : memref<1024xf32, #tpu.memory_space<hbm>>)
        tpu.yield
      }) : () -> ()
      "tpu.region"() ({
        %run_scoped3A = tpu.sem_alloc : memref<!tpu.dma_semaphore, #tpu.memory_space<semaphore_mem>>
        %dma_start3A_89 = arith.constant 0 : i32
        %dma_start3A_90 = tpu.memref_slice %arg7[%arg0, %dma_start3A_89] : memref<2x10240xf32, #tpu.memory_space<hbm>> -> memref<1x10240xf32, #tpu.memory_space<hbm>>
        %dma_start3A_91 = tpu.memref_squeeze %dma_start3A_90 : memref<1x10240xf32, #tpu.memory_space<hbm>> -> memref<10240xf32, #tpu.memory_space<hbm>>
        %dma_start3A_92 = arith.constant 4096 : i32
        %dma_start3A_93 = tpu.memref_slice %dma_start3A_91[%dma_start3A_92] : memref<10240xf32, #tpu.memory_space<hbm>> -> memref<1024xf32, #tpu.memory_space<hbm>>
        %dma_start3A_94 = arith.constant 4096 : i32
        %dma_start3A_95 = tpu.memref_slice %arg17[%dma_start3A_94] : memref<10240xf32, #tpu.memory_space<vmem_shared>> -> memref<1024xf32, #tpu.memory_space<vmem_shared>>
        tpu.enqueue_dma source(%dma_start3A_95 : memref<1024xf32, #tpu.memory_space<vmem_shared>>) target(%dma_start3A_93 : memref<1024xf32, #tpu.memory_space<hbm>>) target_semaphore(%run_scoped3A : memref<!tpu.dma_semaphore, #tpu.memory_space<semaphore_mem>>)
        %dma_wait3A_96 = arith.constant 0 : i32
        %dma_wait3A_97 = tpu.memref_slice %arg7[%arg0, %dma_wait3A_96] : memref<2x10240xf32, #tpu.memory_space<hbm>> -> memref<1x10240xf32, #tpu.memory_space<hbm>>
        %dma_wait3A_98 = tpu.memref_squeeze %dma_wait3A_97 : memref<1x10240xf32, #tpu.memory_space<hbm>> -> memref<10240xf32, #tpu.memory_space<hbm>>
        %dma_wait3A_99 = arith.constant 4096 : i32
        %dma_wait3A_100 = tpu.memref_slice %dma_wait3A_98[%dma_wait3A_99] : memref<10240xf32, #tpu.memory_space<hbm>> -> memref<1024xf32, #tpu.memory_space<hbm>>
        %dma_wait3A_101 = arith.constant 4096 : i32
        %dma_wait3A_102 = tpu.memref_slice %arg17[%dma_wait3A_101] : memref<10240xf32, #tpu.memory_space<vmem_shared>> -> memref<1024xf32, #tpu.memory_space<vmem_shared>>
        tpu.wait_dma2 semaphore(%run_scoped3A : memref<!tpu.dma_semaphore, #tpu.memory_space<semaphore_mem>>) src(%dma_wait3A_102 : memref<1024xf32, #tpu.memory_space<vmem_shared>>) dst(%dma_wait3A_100 : memref<1024xf32, #tpu.memory_space<hbm>>)
        tpu.yield
      }) : () -> ()
      "tpu.region"() ({
        %run_scoped3A = tpu.sem_alloc : memref<!tpu.dma_semaphore, #tpu.memory_space<semaphore_mem>>
        %dma_start3A_89 = arith.constant 0 : i32
        %dma_start3A_90 = tpu.memref_slice %arg7[%arg0, %dma_start3A_89] : memref<2x10240xf32, #tpu.memory_space<hbm>> -> memref<1x10240xf32, #tpu.memory_space<hbm>>
        %dma_start3A_91 = tpu.memref_squeeze %dma_start3A_90 : memref<1x10240xf32, #tpu.memory_space<hbm>> -> memref<10240xf32, #tpu.memory_space<hbm>>
        %dma_start3A_92 = arith.constant 5120 : i32
        %dma_start3A_93 = tpu.memref_slice %dma_start3A_91[%dma_start3A_92] : memref<10240xf32, #tpu.memory_space<hbm>> -> memref<1024xf32, #tpu.memory_space<hbm>>
        %dma_start3A_94 = arith.constant 5120 : i32
        %dma_start3A_95 = tpu.memref_slice %arg17[%dma_start3A_94] : memref<10240xf32, #tpu.memory_space<vmem_shared>> -> memref<1024xf32, #tpu.memory_space<vmem_shared>>
        tpu.enqueue_dma source(%dma_start3A_95 : memref<1024xf32, #tpu.memory_space<vmem_shared>>) target(%dma_start3A_93 : memref<1024xf32, #tpu.memory_space<hbm>>) target_semaphore(%run_scoped3A : memref<!tpu.dma_semaphore, #tpu.memory_space<semaphore_mem>>)
        %dma_wait3A_96 = arith.constant 0 : i32
        %dma_wait3A_97 = tpu.memref_slice %arg7[%arg0, %dma_wait3A_96] : memref<2x10240xf32, #tpu.memory_space<hbm>> -> memref<1x10240xf32, #tpu.memory_space<hbm>>
        %dma_wait3A_98 = tpu.memref_squeeze %dma_wait3A_97 : memref<1x10240xf32, #tpu.memory_space<hbm>> -> memref<10240xf32, #tpu.memory_space<hbm>>
        %dma_wait3A_99 = arith.constant 5120 : i32
        %dma_wait3A_100 = tpu.memref_slice %dma_wait3A_98[%dma_wait3A_99] : memref<10240xf32, #tpu.memory_space<hbm>> -> memref<1024xf32, #tpu.memory_space<hbm>>
        %dma_wait3A_101 = arith.constant 5120 : i32
        %dma_wait3A_102 = tpu.memref_slice %arg17[%dma_wait3A_101] : memref<10240xf32, #tpu.memory_space<vmem_shared>> -> memref<1024xf32, #tpu.memory_space<vmem_shared>>
        tpu.wait_dma2 semaphore(%run_scoped3A : memref<!tpu.dma_semaphore, #tpu.memory_space<semaphore_mem>>) src(%dma_wait3A_102 : memref<1024xf32, #tpu.memory_space<vmem_shared>>) dst(%dma_wait3A_100 : memref<1024xf32, #tpu.memory_space<hbm>>)
        tpu.yield
      }) : () -> ()
      "tpu.region"() ({
        %run_scoped3A = tpu.sem_alloc : memref<!tpu.dma_semaphore, #tpu.memory_space<semaphore_mem>>
        %dma_start3A_89 = arith.constant 0 : i32
        %dma_start3A_90 = tpu.memref_slice %arg7[%arg0, %dma_start3A_89] : memref<2x10240xf32, #tpu.memory_space<hbm>> -> memref<1x10240xf32, #tpu.memory_space<hbm>>
        %dma_start3A_91 = tpu.memref_squeeze %dma_start3A_90 : memref<1x10240xf32, #tpu.memory_space<hbm>> -> memref<10240xf32, #tpu.memory_space<hbm>>
        %dma_start3A_92 = arith.constant 6144 : i32
        %dma_start3A_93 = tpu.memref_slice %dma_start3A_91[%dma_start3A_92] : memref<10240xf32, #tpu.memory_space<hbm>> -> memref<1024xf32, #tpu.memory_space<hbm>>
        %dma_start3A_94 = arith.constant 6144 : i32
        %dma_start3A_95 = tpu.memref_slice %arg17[%dma_start3A_94] : memref<10240xf32, #tpu.memory_space<vmem_shared>> -> memref<1024xf32, #tpu.memory_space<vmem_shared>>
        tpu.enqueue_dma source(%dma_start3A_95 : memref<1024xf32, #tpu.memory_space<vmem_shared>>) target(%dma_start3A_93 : memref<1024xf32, #tpu.memory_space<hbm>>) target_semaphore(%run_scoped3A : memref<!tpu.dma_semaphore, #tpu.memory_space<semaphore_mem>>)
        %dma_wait3A_96 = arith.constant 0 : i32
        %dma_wait3A_97 = tpu.memref_slice %arg7[%arg0, %dma_wait3A_96] : memref<2x10240xf32, #tpu.memory_space<hbm>> -> memref<1x10240xf32, #tpu.memory_space<hbm>>
        %dma_wait3A_98 = tpu.memref_squeeze %dma_wait3A_97 : memref<1x10240xf32, #tpu.memory_space<hbm>> -> memref<10240xf32, #tpu.memory_space<hbm>>
        %dma_wait3A_99 = arith.constant 6144 : i32
        %dma_wait3A_100 = tpu.memref_slice %dma_wait3A_98[%dma_wait3A_99] : memref<10240xf32, #tpu.memory_space<hbm>> -> memref<1024xf32, #tpu.memory_space<hbm>>
        %dma_wait3A_101 = arith.constant 6144 : i32
        %dma_wait3A_102 = tpu.memref_slice %arg17[%dma_wait3A_101] : memref<10240xf32, #tpu.memory_space<vmem_shared>> -> memref<1024xf32, #tpu.memory_space<vmem_shared>>
        tpu.wait_dma2 semaphore(%run_scoped3A : memref<!tpu.dma_semaphore, #tpu.memory_space<semaphore_mem>>) src(%dma_wait3A_102 : memref<1024xf32, #tpu.memory_space<vmem_shared>>) dst(%dma_wait3A_100 : memref<1024xf32, #tpu.memory_space<hbm>>)
        tpu.yield
      }) : () -> ()
      "tpu.region"() ({
        %run_scoped3A = tpu.sem_alloc : memref<!tpu.dma_semaphore, #tpu.memory_space<semaphore_mem>>
        %dma_start3A_89 = arith.constant 0 : i32
        %dma_start3A_90 = tpu.memref_slice %arg7[%arg0, %dma_start3A_89] : memref<2x10240xf32, #tpu.memory_space<hbm>> -> memref<1x10240xf32, #tpu.memory_space<hbm>>
        %dma_start3A_91 = tpu.memref_squeeze %dma_start3A_90 : memref<1x10240xf32, #tpu.memory_space<hbm>> -> memref<10240xf32, #tpu.memory_space<hbm>>
        %dma_start3A_92 = arith.constant 7168 : i32
        %dma_start3A_93 = tpu.memref_slice %dma_start3A_91[%dma_start3A_92] : memref<10240xf32, #tpu.memory_space<hbm>> -> memref<1024xf32, #tpu.memory_space<hbm>>
        %dma_start3A_94 = arith.constant 7168 : i32
        %dma_start3A_95 = tpu.memref_slice %arg17[%dma_start3A_94] : memref<10240xf32, #tpu.memory_space<vmem_shared>> -> memref<1024xf32, #tpu.memory_space<vmem_shared>>
        tpu.enqueue_dma source(%dma_start3A_95 : memref<1024xf32, #tpu.memory_space<vmem_shared>>) target(%dma_start3A_93 : memref<1024xf32, #tpu.memory_space<hbm>>) target_semaphore(%run_scoped3A : memref<!tpu.dma_semaphore, #tpu.memory_space<semaphore_mem>>)
        %dma_wait3A_96 = arith.constant 0 : i32
        %dma_wait3A_97 = tpu.memref_slice %arg7[%arg0, %dma_wait3A_96] : memref<2x10240xf32, #tpu.memory_space<hbm>> -> memref<1x10240xf32, #tpu.memory_space<hbm>>
        %dma_wait3A_98 = tpu.memref_squeeze %dma_wait3A_97 : memref<1x10240xf32, #tpu.memory_space<hbm>> -> memref<10240xf32, #tpu.memory_space<hbm>>
        %dma_wait3A_99 = arith.constant 7168 : i32
        %dma_wait3A_100 = tpu.memref_slice %dma_wait3A_98[%dma_wait3A_99] : memref<10240xf32, #tpu.memory_space<hbm>> -> memref<1024xf32, #tpu.memory_space<hbm>>
        %dma_wait3A_101 = arith.constant 7168 : i32
        %dma_wait3A_102 = tpu.memref_slice %arg17[%dma_wait3A_101] : memref<10240xf32, #tpu.memory_space<vmem_shared>> -> memref<1024xf32, #tpu.memory_space<vmem_shared>>
        tpu.wait_dma2 semaphore(%run_scoped3A : memref<!tpu.dma_semaphore, #tpu.memory_space<semaphore_mem>>) src(%dma_wait3A_102 : memref<1024xf32, #tpu.memory_space<vmem_shared>>) dst(%dma_wait3A_100 : memref<1024xf32, #tpu.memory_space<hbm>>)
        tpu.yield
      }) : () -> ()
      "tpu.region"() ({
        %run_scoped3A = tpu.sem_alloc : memref<!tpu.dma_semaphore, #tpu.memory_space<semaphore_mem>>
        %dma_start3A_89 = arith.constant 0 : i32
        %dma_start3A_90 = tpu.memref_slice %arg7[%arg0, %dma_start3A_89] : memref<2x10240xf32, #tpu.memory_space<hbm>> -> memref<1x10240xf32, #tpu.memory_space<hbm>>
        %dma_start3A_91 = tpu.memref_squeeze %dma_start3A_90 : memref<1x10240xf32, #tpu.memory_space<hbm>> -> memref<10240xf32, #tpu.memory_space<hbm>>
        %dma_start3A_92 = arith.constant 8192 : i32
        %dma_start3A_93 = tpu.memref_slice %dma_start3A_91[%dma_start3A_92] : memref<10240xf32, #tpu.memory_space<hbm>> -> memref<1024xf32, #tpu.memory_space<hbm>>
        %dma_start3A_94 = arith.constant 8192 : i32
        %dma_start3A_95 = tpu.memref_slice %arg17[%dma_start3A_94] : memref<10240xf32, #tpu.memory_space<vmem_shared>> -> memref<1024xf32, #tpu.memory_space<vmem_shared>>
        tpu.enqueue_dma source(%dma_start3A_95 : memref<1024xf32, #tpu.memory_space<vmem_shared>>) target(%dma_start3A_93 : memref<1024xf32, #tpu.memory_space<hbm>>) target_semaphore(%run_scoped3A : memref<!tpu.dma_semaphore, #tpu.memory_space<semaphore_mem>>)
        %dma_wait3A_96 = arith.constant 0 : i32
        %dma_wait3A_97 = tpu.memref_slice %arg7[%arg0, %dma_wait3A_96] : memref<2x10240xf32, #tpu.memory_space<hbm>> -> memref<1x10240xf32, #tpu.memory_space<hbm>>
        %dma_wait3A_98 = tpu.memref_squeeze %dma_wait3A_97 : memref<1x10240xf32, #tpu.memory_space<hbm>> -> memref<10240xf32, #tpu.memory_space<hbm>>
        %dma_wait3A_99 = arith.constant 8192 : i32
        %dma_wait3A_100 = tpu.memref_slice %dma_wait3A_98[%dma_wait3A_99] : memref<10240xf32, #tpu.memory_space<hbm>> -> memref<1024xf32, #tpu.memory_space<hbm>>
        %dma_wait3A_101 = arith.constant 8192 : i32
        %dma_wait3A_102 = tpu.memref_slice %arg17[%dma_wait3A_101] : memref<10240xf32, #tpu.memory_space<vmem_shared>> -> memref<1024xf32, #tpu.memory_space<vmem_shared>>
        tpu.wait_dma2 semaphore(%run_scoped3A : memref<!tpu.dma_semaphore, #tpu.memory_space<semaphore_mem>>) src(%dma_wait3A_102 : memref<1024xf32, #tpu.memory_space<vmem_shared>>) dst(%dma_wait3A_100 : memref<1024xf32, #tpu.memory_space<hbm>>)
        tpu.yield
      }) : () -> ()
      "tpu.region"() ({
        %run_scoped3A = tpu.sem_alloc : memref<!tpu.dma_semaphore, #tpu.memory_space<semaphore_mem>>
        %dma_start3A_89 = arith.constant 0 : i32
        %dma_start3A_90 = tpu.memref_slice %arg7[%arg0, %dma_start3A_89] : memref<2x10240xf32, #tpu.memory_space<hbm>> -> memref<1x10240xf32, #tpu.memory_space<hbm>>
        %dma_start3A_91 = tpu.memref_squeeze %dma_start3A_90 : memref<1x10240xf32, #tpu.memory_space<hbm>> -> memref<10240xf32, #tpu.memory_space<hbm>>
        %dma_start3A_92 = arith.constant 9216 : i32
        %dma_start3A_93 = tpu.memref_slice %dma_start3A_91[%dma_start3A_92] : memref<10240xf32, #tpu.memory_space<hbm>> -> memref<1024xf32, #tpu.memory_space<hbm>>
        %dma_start3A_94 = arith.constant 9216 : i32
        %dma_start3A_95 = tpu.memref_slice %arg17[%dma_start3A_94] : memref<10240xf32, #tpu.memory_space<vmem_shared>> -> memref<1024xf32, #tpu.memory_space<vmem_shared>>
        tpu.enqueue_dma source(%dma_start3A_95 : memref<1024xf32, #tpu.memory_space<vmem_shared>>) target(%dma_start3A_93 : memref<1024xf32, #tpu.memory_space<hbm>>) target_semaphore(%run_scoped3A : memref<!tpu.dma_semaphore, #tpu.memory_space<semaphore_mem>>)
        %dma_wait3A_96 = arith.constant 0 : i32
        %dma_wait3A_97 = tpu.memref_slice %arg7[%arg0, %dma_wait3A_96] : memref<2x10240xf32, #tpu.memory_space<hbm>> -> memref<1x10240xf32, #tpu.memory_space<hbm>>
        %dma_wait3A_98 = tpu.memref_squeeze %dma_wait3A_97 : memref<1x10240xf32, #tpu.memory_space<hbm>> -> memref<10240xf32, #tpu.memory_space<hbm>>
        %dma_wait3A_99 = arith.constant 9216 : i32
        %dma_wait3A_100 = tpu.memref_slice %dma_wait3A_98[%dma_wait3A_99] : memref<10240xf32, #tpu.memory_space<hbm>> -> memref<1024xf32, #tpu.memory_space<hbm>>
        %dma_wait3A_101 = arith.constant 9216 : i32
        %dma_wait3A_102 = tpu.memref_slice %arg17[%dma_wait3A_101] : memref<10240xf32, #tpu.memory_space<vmem_shared>> -> memref<1024xf32, #tpu.memory_space<vmem_shared>>
        tpu.wait_dma2 semaphore(%run_scoped3A : memref<!tpu.dma_semaphore, #tpu.memory_space<semaphore_mem>>) src(%dma_wait3A_102 : memref<1024xf32, #tpu.memory_space<vmem_shared>>) dst(%dma_wait3A_100 : memref<1024xf32, #tpu.memory_space<hbm>>)
        tpu.yield
      }) : () -> ()
    } else {
    }
    return
  }
}

#map = affine_map<(d0, d1) -> (0, 0)>
module attributes {stable_mosaic.version = 14 : i64} {
  func.func @_gather_body(%arg0: i32, %arg1: i32, %arg2: memref<10000x128xf32, #tpu.memory_space<hbm>>, %arg3: memref<1280x128xi32, #tpu.memory_space<hbm>>, %arg4: memref<163840x128xf32, #tpu.memory_space<hbm>>, %arg5: memref<40x128xi32, #tpu.memory_space<vmem>>, %arg6: memref<128x128xf32, #tpu.memory_space<vmem>>, %arg7: memref<128x128xf32, #tpu.memory_space<vmem>>, %arg8: memref<!tpu.dma_semaphore, #tpu.memory_space<semaphore_mem>>, %arg9: memref<!tpu.dma_semaphore, #tpu.memory_space<semaphore_mem>>, %arg10: memref<!tpu.dma_semaphore, #tpu.memory_space<semaphore_mem>>, %arg11: memref<!tpu.dma_semaphore, #tpu.memory_space<semaphore_mem>>) attributes {dimension_semantics = [#tpu.dimension_semantics<core_parallel>, #tpu.dimension_semantics<subcore_parallel>], iteration_bounds = array<i64: 2, 16>, scalar_prefetch = 0 : i64, scratch_operands = 7 : i64, tpu.core_type = #tpu.core_type<sc_vector_subcore>, window_params = [{transform_indices = #map}, {transform_indices = #map}, {transform_indices = #map}]} {
    %mul3A = arith.constant 2 : i32
    %mul3A_0 = arith.muli %arg1, %mul3A : i32
    %add3A = arith.addi %mul3A_0, %arg0 : i32
    %mul3A_1 = arith.constant 40 : i32
    %mul3A_2 = arith.muli %add3A, %mul3A_1 : i32
    "tpu.region"() ({
      %run_scoped3A = tpu.sem_alloc : memref<!tpu.dma_semaphore, #tpu.memory_space<semaphore_mem>>
      %dma_start3A_32 = arith.constant 0 : i32
      %dma_start3A_33 = tpu.memref_slice %arg3[%mul3A_2, %dma_start3A_32] : memref<1280x128xi32, #tpu.memory_space<hbm>> -> memref<40x128xi32, #tpu.memory_space<hbm>>
      %dma_start3A_34 = arith.constant 0 : i32
      %dma_start3A_35 = tpu.memref_slice %arg3[%mul3A_2, %dma_start3A_34] : memref<1280x128xi32, #tpu.memory_space<hbm>> -> memref<40x128xi32, #tpu.memory_space<hbm>>
      tpu.enqueue_dma source(%dma_start3A_35 : memref<40x128xi32, #tpu.memory_space<hbm>>) target(%arg5 : memref<40x128xi32, #tpu.memory_space<vmem>>) target_semaphore(%run_scoped3A : memref<!tpu.dma_semaphore, #tpu.memory_space<semaphore_mem>>)
      %dma_wait3A_36 = arith.constant 0 : i32
      %dma_wait3A_37 = tpu.memref_slice %arg3[%mul3A_2, %dma_wait3A_36] : memref<1280x128xi32, #tpu.memory_space<hbm>> -> memref<40x128xi32, #tpu.memory_space<hbm>>
      %dma_wait3A_38 = arith.constant 0 : i32
      %dma_wait3A_39 = tpu.memref_slice %arg3[%mul3A_2, %dma_wait3A_38] : memref<1280x128xi32, #tpu.memory_space<hbm>> -> memref<40x128xi32, #tpu.memory_space<hbm>>
      tpu.wait_dma2 semaphore(%run_scoped3A : memref<!tpu.dma_semaphore, #tpu.memory_space<semaphore_mem>>) src(%dma_wait3A_39 : memref<40x128xi32, #tpu.memory_space<hbm>>) dst(%arg5 : memref<40x128xi32, #tpu.memory_space<vmem>>)
      tpu.yield
    }) : () -> ()
    %dma_start3A = arith.constant 0 : i32
    %dma_start3A_3 = arith.constant 0 : i32
    %dma_start3A_4 = tpu.memref_slice %arg5[%dma_start3A, %dma_start3A_3] : memref<40x128xi32, #tpu.memory_space<vmem>> -> memref<1x128xi32, #tpu.memory_space<vmem>>
    %dma_start3A_5 = tpu.memref_squeeze %dma_start3A_4 : memref<1x128xi32, #tpu.memory_space<vmem>> -> memref<128xi32, #tpu.memory_space<vmem>>
    %dma_start3A_6 = arith.constant 0 : i32
    %dma_start3A_7 = arith.constant 0 : i32
    %dma_start3A_8 = tpu.memref_slice %arg2[%dma_start3A_6, %dma_start3A_7] : memref<10000x128xf32, #tpu.memory_space<hbm>> -> memref<10000x128xf32, #tpu.memory_space<hbm>>
    tpu.enqueue_indirect_dma source(%dma_start3A_8 : memref<10000x128xf32, #tpu.memory_space<hbm>>) target(%arg6 : memref<128x128xf32, #tpu.memory_space<vmem>>) offsets(%dma_start3A_5 : memref<128xi32, #tpu.memory_space<vmem>>) semaphore(%arg8 : memref<!tpu.dma_semaphore, #tpu.memory_space<semaphore_mem>>)
    %scan3A = arith.constant 0 : i32
    %scan3A_9 = arith.constant 0 : i32
    %scan3A_10 = arith.constant 20 : i32
    %scan3A_11 = arith.addi %scan3A_9, %scan3A_10 : i32
    %scan3A_12 = arith.constant 1 : i32
    scf.for %scan3A_32 = %scan3A_9 to %scan3A_11 step %scan3A_12  : i32 {
      %mul3A_33 = arith.constant 2 : i32
      %mul3A_34 = arith.muli %mul3A_33, %scan3A_32 : i32
      %add3A_35 = arith.constant 0 : i32
      %add3A_36 = arith.addi %mul3A_34, %add3A_35 : i32
      %dma_wait3A_37 = arith.constant 0 : i32
      %dma_wait3A_38 = tpu.memref_slice %arg5[%add3A_36, %dma_wait3A_37] : memref<40x128xi32, #tpu.memory_space<vmem>> -> memref<1x128xi32, #tpu.memory_space<vmem>>
      %dma_wait3A_39 = tpu.memref_squeeze %dma_wait3A_38 : memref<1x128xi32, #tpu.memory_space<vmem>> -> memref<128xi32, #tpu.memory_space<vmem>>
      %dma_wait3A_40 = arith.constant 0 : i32
      %dma_wait3A_41 = arith.constant 0 : i32
      %dma_wait3A_42 = tpu.memref_slice %arg2[%dma_wait3A_40, %dma_wait3A_41] : memref<10000x128xf32, #tpu.memory_space<hbm>> -> memref<10000x128xf32, #tpu.memory_space<hbm>>
      tpu.wait_indirect_dma semaphore(%arg8 : memref<!tpu.dma_semaphore, #tpu.memory_space<semaphore_mem>>) src(%dma_wait3A_42 : memref<10000x128xf32, #tpu.memory_space<hbm>>) dst(%arg6 : memref<128x128xf32, #tpu.memory_space<vmem>>)
      %add3A_43 = arith.addi %mul3A_2, %add3A_36 : i32
      %mul3A_44 = arith.constant 128 : i32
      %mul3A_45 = arith.muli %add3A_43, %mul3A_44 : i32
      %dma_start3A_46 = arith.constant 0 : i32
      %dma_start3A_47 = tpu.memref_slice %arg4[%mul3A_45, %dma_start3A_46] : memref<163840x128xf32, #tpu.memory_space<hbm>> -> memref<128x128xf32, #tpu.memory_space<hbm>>
      %dma_start3A_48 = arith.constant 0 : i32
      %dma_start3A_49 = tpu.memref_slice %arg4[%mul3A_45, %dma_start3A_48] : memref<163840x128xf32, #tpu.memory_space<hbm>> -> memref<128x128xf32, #tpu.memory_space<hbm>>
      tpu.enqueue_dma source(%arg6 : memref<128x128xf32, #tpu.memory_space<vmem>>) target(%dma_start3A_49 : memref<128x128xf32, #tpu.memory_space<hbm>>) target_semaphore(%arg10 : memref<!tpu.dma_semaphore, #tpu.memory_space<semaphore_mem>>)
      %add3A_50 = arith.constant 1 : i32
      %add3A_51 = arith.addi %add3A_36, %add3A_50 : i32
      %lt3A = arith.constant 40 : i32
      %lt3A_52 = arith.cmpi slt, %add3A_51, %lt3A : i32
      %convert_element_type3A = arith.extui %lt3A_52 : i1 to i32
      %cond3A = arith.constant 0 : i32
      %cond3A_53 = arith.cmpi ne, %convert_element_type3A, %cond3A : i32
      scf.if %cond3A_53 {
        %ge3A = arith.constant 1 : i32
        %ge3A_78 = arith.cmpi sge, %add3A_36, %ge3A : i32
        %convert_element_type3A_79 = arith.extui %ge3A_78 : i1 to i32
        %cond3A_80 = arith.constant 0 : i32
        %cond3A_81 = arith.cmpi ne, %convert_element_type3A_79, %cond3A_80 : i32
        scf.if %cond3A_81 {
          %add3A_90 = arith.addi %mul3A_2, %add3A_36 : i32
          %sub3A_91 = arith.constant 1 : i32
          %sub3A_92 = arith.subi %add3A_90, %sub3A_91 : i32
          %mul3A_93 = arith.constant 128 : i32
          %mul3A_94 = arith.muli %sub3A_92, %mul3A_93 : i32
          %dma_wait3A_95 = arith.constant 0 : i32
          %dma_wait3A_96 = tpu.memref_slice %arg4[%mul3A_94, %dma_wait3A_95] : memref<163840x128xf32, #tpu.memory_space<hbm>> -> memref<128x128xf32, #tpu.memory_space<hbm>>
          %dma_wait3A_97 = arith.constant 0 : i32
          %dma_wait3A_98 = tpu.memref_slice %arg4[%mul3A_94, %dma_wait3A_97] : memref<163840x128xf32, #tpu.memory_space<hbm>> -> memref<128x128xf32, #tpu.memory_space<hbm>>
          tpu.wait_dma2 semaphore(%arg11 : memref<!tpu.dma_semaphore, #tpu.memory_space<semaphore_mem>>) src(%arg7 : memref<128x128xf32, #tpu.memory_space<vmem>>) dst(%dma_wait3A_98 : memref<128x128xf32, #tpu.memory_space<hbm>>)
        } else {
        }
        %add3A_82 = arith.constant 1 : i32
        %add3A_83 = arith.addi %add3A_36, %add3A_82 : i32
        %dma_start3A_84 = arith.constant 0 : i32
        %dma_start3A_85 = tpu.memref_slice %arg5[%add3A_83, %dma_start3A_84] : memref<40x128xi32, #tpu.memory_space<vmem>> -> memref<1x128xi32, #tpu.memory_space<vmem>>
        %dma_start3A_86 = tpu.memref_squeeze %dma_start3A_85 : memref<1x128xi32, #tpu.memory_space<vmem>> -> memref<128xi32, #tpu.memory_space<vmem>>
        %dma_start3A_87 = arith.constant 0 : i32
        %dma_start3A_88 = arith.constant 0 : i32
        %dma_start3A_89 = tpu.memref_slice %arg2[%dma_start3A_87, %dma_start3A_88] : memref<10000x128xf32, #tpu.memory_space<hbm>> -> memref<10000x128xf32, #tpu.memory_space<hbm>>
        tpu.enqueue_indirect_dma source(%dma_start3A_89 : memref<10000x128xf32, #tpu.memory_space<hbm>>) target(%arg7 : memref<128x128xf32, #tpu.memory_space<vmem>>) offsets(%dma_start3A_86 : memref<128xi32, #tpu.memory_space<vmem>>) semaphore(%arg9 : memref<!tpu.dma_semaphore, #tpu.memory_space<semaphore_mem>>)
      } else {
      }
      %mul3A_54 = arith.constant 2 : i32
      %mul3A_55 = arith.muli %mul3A_54, %scan3A_32 : i32
      %add3A_56 = arith.constant 1 : i32
      %add3A_57 = arith.addi %mul3A_55, %add3A_56 : i32
      %dma_wait3A_58 = arith.constant 0 : i32
      %dma_wait3A_59 = tpu.memref_slice %arg5[%add3A_57, %dma_wait3A_58] : memref<40x128xi32, #tpu.memory_space<vmem>> -> memref<1x128xi32, #tpu.memory_space<vmem>>
      %dma_wait3A_60 = tpu.memref_squeeze %dma_wait3A_59 : memref<1x128xi32, #tpu.memory_space<vmem>> -> memref<128xi32, #tpu.memory_space<vmem>>
      %dma_wait3A_61 = arith.constant 0 : i32
      %dma_wait3A_62 = arith.constant 0 : i32
      %dma_wait3A_63 = tpu.memref_slice %arg2[%dma_wait3A_61, %dma_wait3A_62] : memref<10000x128xf32, #tpu.memory_space<hbm>> -> memref<10000x128xf32, #tpu.memory_space<hbm>>
      tpu.wait_indirect_dma semaphore(%arg9 : memref<!tpu.dma_semaphore, #tpu.memory_space<semaphore_mem>>) src(%dma_wait3A_63 : memref<10000x128xf32, #tpu.memory_space<hbm>>) dst(%arg7 : memref<128x128xf32, #tpu.memory_space<vmem>>)
      %add3A_64 = arith.addi %mul3A_2, %add3A_57 : i32
      %mul3A_65 = arith.constant 128 : i32
      %mul3A_66 = arith.muli %add3A_64, %mul3A_65 : i32
      %dma_start3A_67 = arith.constant 0 : i32
      %dma_start3A_68 = tpu.memref_slice %arg4[%mul3A_66, %dma_start3A_67] : memref<163840x128xf32, #tpu.memory_space<hbm>> -> memref<128x128xf32, #tpu.memory_space<hbm>>
      %dma_start3A_69 = arith.constant 0 : i32
      %dma_start3A_70 = tpu.memref_slice %arg4[%mul3A_66, %dma_start3A_69] : memref<163840x128xf32, #tpu.memory_space<hbm>> -> memref<128x128xf32, #tpu.memory_space<hbm>>
      tpu.enqueue_dma source(%arg7 : memref<128x128xf32, #tpu.memory_space<vmem>>) target(%dma_start3A_70 : memref<128x128xf32, #tpu.memory_space<hbm>>) target_semaphore(%arg11 : memref<!tpu.dma_semaphore, #tpu.memory_space<semaphore_mem>>)
      %add3A_71 = arith.constant 1 : i32
      %add3A_72 = arith.addi %add3A_57, %add3A_71 : i32
      %lt3A_73 = arith.constant 40 : i32
      %lt3A_74 = arith.cmpi slt, %add3A_72, %lt3A_73 : i32
      %convert_element_type3A_75 = arith.extui %lt3A_74 : i1 to i32
      %cond3A_76 = arith.constant 0 : i32
      %cond3A_77 = arith.cmpi ne, %convert_element_type3A_75, %cond3A_76 : i32
      scf.if %cond3A_77 {
        %ge3A = arith.constant 1 : i32
        %ge3A_78 = arith.cmpi sge, %add3A_57, %ge3A : i32
        %convert_element_type3A_79 = arith.extui %ge3A_78 : i1 to i32
        %cond3A_80 = arith.constant 0 : i32
        %cond3A_81 = arith.cmpi ne, %convert_element_type3A_79, %cond3A_80 : i32
        scf.if %cond3A_81 {
          %add3A_90 = arith.addi %mul3A_2, %add3A_57 : i32
          %sub3A_91 = arith.constant 1 : i32
          %sub3A_92 = arith.subi %add3A_90, %sub3A_91 : i32
          %mul3A_93 = arith.constant 128 : i32
          %mul3A_94 = arith.muli %sub3A_92, %mul3A_93 : i32
          %dma_wait3A_95 = arith.constant 0 : i32
          %dma_wait3A_96 = tpu.memref_slice %arg4[%mul3A_94, %dma_wait3A_95] : memref<163840x128xf32, #tpu.memory_space<hbm>> -> memref<128x128xf32, #tpu.memory_space<hbm>>
          %dma_wait3A_97 = arith.constant 0 : i32
          %dma_wait3A_98 = tpu.memref_slice %arg4[%mul3A_94, %dma_wait3A_97] : memref<163840x128xf32, #tpu.memory_space<hbm>> -> memref<128x128xf32, #tpu.memory_space<hbm>>
          tpu.wait_dma2 semaphore(%arg10 : memref<!tpu.dma_semaphore, #tpu.memory_space<semaphore_mem>>) src(%arg6 : memref<128x128xf32, #tpu.memory_space<vmem>>) dst(%dma_wait3A_98 : memref<128x128xf32, #tpu.memory_space<hbm>>)
        } else {
        }
        %add3A_82 = arith.constant 1 : i32
        %add3A_83 = arith.addi %add3A_57, %add3A_82 : i32
        %dma_start3A_84 = arith.constant 0 : i32
        %dma_start3A_85 = tpu.memref_slice %arg5[%add3A_83, %dma_start3A_84] : memref<40x128xi32, #tpu.memory_space<vmem>> -> memref<1x128xi32, #tpu.memory_space<vmem>>
        %dma_start3A_86 = tpu.memref_squeeze %dma_start3A_85 : memref<1x128xi32, #tpu.memory_space<vmem>> -> memref<128xi32, #tpu.memory_space<vmem>>
        %dma_start3A_87 = arith.constant 0 : i32
        %dma_start3A_88 = arith.constant 0 : i32
        %dma_start3A_89 = tpu.memref_slice %arg2[%dma_start3A_87, %dma_start3A_88] : memref<10000x128xf32, #tpu.memory_space<hbm>> -> memref<10000x128xf32, #tpu.memory_space<hbm>>
        tpu.enqueue_indirect_dma source(%dma_start3A_89 : memref<10000x128xf32, #tpu.memory_space<hbm>>) target(%arg6 : memref<128x128xf32, #tpu.memory_space<vmem>>) offsets(%dma_start3A_86 : memref<128xi32, #tpu.memory_space<vmem>>) semaphore(%arg8 : memref<!tpu.dma_semaphore, #tpu.memory_space<semaphore_mem>>)
      } else {
      }
    }
    %scan3A_13 = arith.constant 20 : i32
    %add3A_14 = arith.constant 40 : i32
    %add3A_15 = arith.addi %mul3A_2, %add3A_14 : i32
    %sub3A = arith.constant 2 : i32
    %sub3A_16 = arith.subi %add3A_15, %sub3A : i32
    %mul3A_17 = arith.constant 128 : i32
    %mul3A_18 = arith.muli %sub3A_16, %mul3A_17 : i32
    %dma_wait3A = arith.constant 0 : i32
    %dma_wait3A_19 = tpu.memref_slice %arg4[%mul3A_18, %dma_wait3A] : memref<163840x128xf32, #tpu.memory_space<hbm>> -> memref<128x128xf32, #tpu.memory_space<hbm>>
    %dma_wait3A_20 = arith.constant 0 : i32
    %dma_wait3A_21 = tpu.memref_slice %arg4[%mul3A_18, %dma_wait3A_20] : memref<163840x128xf32, #tpu.memory_space<hbm>> -> memref<128x128xf32, #tpu.memory_space<hbm>>
    tpu.wait_dma2 semaphore(%arg10 : memref<!tpu.dma_semaphore, #tpu.memory_space<semaphore_mem>>) src(%arg6 : memref<128x128xf32, #tpu.memory_space<vmem>>) dst(%dma_wait3A_21 : memref<128x128xf32, #tpu.memory_space<hbm>>)
    %add3A_22 = arith.constant 40 : i32
    %add3A_23 = arith.addi %mul3A_2, %add3A_22 : i32
    %sub3A_24 = arith.constant 1 : i32
    %sub3A_25 = arith.subi %add3A_23, %sub3A_24 : i32
    %mul3A_26 = arith.constant 128 : i32
    %mul3A_27 = arith.muli %sub3A_25, %mul3A_26 : i32
    %dma_wait3A_28 = arith.constant 0 : i32
    %dma_wait3A_29 = tpu.memref_slice %arg4[%mul3A_27, %dma_wait3A_28] : memref<163840x128xf32, #tpu.memory_space<hbm>> -> memref<128x128xf32, #tpu.memory_space<hbm>>
    %dma_wait3A_30 = arith.constant 0 : i32
    %dma_wait3A_31 = tpu.memref_slice %arg4[%mul3A_27, %dma_wait3A_30] : memref<163840x128xf32, #tpu.memory_space<hbm>> -> memref<128x128xf32, #tpu.memory_space<hbm>>
    tpu.wait_dma2 semaphore(%arg11 : memref<!tpu.dma_semaphore, #tpu.memory_space<semaphore_mem>>) src(%arg7 : memref<128x128xf32, #tpu.memory_space<vmem>>) dst(%dma_wait3A_31 : memref<128x128xf32, #tpu.memory_space<hbm>>)
    return
  }
}

#map = affine_map<(d0, d1) -> (0, 0)>
module attributes {stable_mosaic.version = 14 : i64} {
  func.func @_gather_body(%arg0: i32, %arg1: i32, %arg2: memref<10000x128xf32, #tpu.memory_space<hbm>>, %arg3: memref<1280x128xi32, #tpu.memory_space<hbm>>, %arg4: memref<163840x128xf32, #tpu.memory_space<hbm>>, %arg5: memref<40x128xi32, #tpu.memory_space<vmem>>, %arg6: memref<128x128xf32, #tpu.memory_space<vmem>>, %arg7: memref<128x128xf32, #tpu.memory_space<vmem>>, %arg8: memref<!tpu.dma_semaphore, #tpu.memory_space<semaphore_mem>>, %arg9: memref<!tpu.dma_semaphore, #tpu.memory_space<semaphore_mem>>, %arg10: memref<!tpu.dma_semaphore, #tpu.memory_space<semaphore_mem>>, %arg11: memref<!tpu.dma_semaphore, #tpu.memory_space<semaphore_mem>>) attributes {dimension_semantics = [#tpu.dimension_semantics<core_parallel>, #tpu.dimension_semantics<subcore_parallel>], iteration_bounds = array<i64: 2, 16>, scalar_prefetch = 0 : i64, scratch_operands = 7 : i64, tpu.core_type = #tpu.core_type<sc_vector_subcore>, window_params = [{transform_indices = #map}, {transform_indices = #map}, {transform_indices = #map}]} {
    %mul3A = arith.constant 2 : i32
    %mul3A_0 = arith.muli %arg1, %mul3A : i32
    %add3A = arith.addi %mul3A_0, %arg0 : i32
    %mul3A_1 = arith.constant 40 : i32
    %mul3A_2 = arith.muli %add3A, %mul3A_1 : i32
    "tpu.region"() ({
      %run_scoped3A = tpu.sem_alloc : memref<!tpu.dma_semaphore, #tpu.memory_space<semaphore_mem>>
      %dma_start3A_32 = arith.constant 0 : i32
      %dma_start3A_33 = tpu.memref_slice %arg3[%mul3A_2, %dma_start3A_32] : memref<1280x128xi32, #tpu.memory_space<hbm>> -> memref<40x128xi32, #tpu.memory_space<hbm>>
      %dma_start3A_34 = arith.constant 0 : i32
      %dma_start3A_35 = tpu.memref_slice %arg3[%mul3A_2, %dma_start3A_34] : memref<1280x128xi32, #tpu.memory_space<hbm>> -> memref<40x128xi32, #tpu.memory_space<hbm>>
      tpu.enqueue_dma source(%dma_start3A_35 : memref<40x128xi32, #tpu.memory_space<hbm>>) target(%arg5 : memref<40x128xi32, #tpu.memory_space<vmem>>) target_semaphore(%run_scoped3A : memref<!tpu.dma_semaphore, #tpu.memory_space<semaphore_mem>>)
      %dma_wait3A_36 = arith.constant 0 : i32
      %dma_wait3A_37 = tpu.memref_slice %arg3[%mul3A_2, %dma_wait3A_36] : memref<1280x128xi32, #tpu.memory_space<hbm>> -> memref<40x128xi32, #tpu.memory_space<hbm>>
      %dma_wait3A_38 = arith.constant 0 : i32
      %dma_wait3A_39 = tpu.memref_slice %arg3[%mul3A_2, %dma_wait3A_38] : memref<1280x128xi32, #tpu.memory_space<hbm>> -> memref<40x128xi32, #tpu.memory_space<hbm>>
      tpu.wait_dma2 semaphore(%run_scoped3A : memref<!tpu.dma_semaphore, #tpu.memory_space<semaphore_mem>>) src(%dma_wait3A_39 : memref<40x128xi32, #tpu.memory_space<hbm>>) dst(%arg5 : memref<40x128xi32, #tpu.memory_space<vmem>>)
      tpu.yield
    }) : () -> ()
    %dma_start3A = arith.constant 0 : i32
    %dma_start3A_3 = arith.constant 0 : i32
    %dma_start3A_4 = tpu.memref_slice %arg5[%dma_start3A, %dma_start3A_3] : memref<40x128xi32, #tpu.memory_space<vmem>> -> memref<1x128xi32, #tpu.memory_space<vmem>>
    %dma_start3A_5 = tpu.memref_squeeze %dma_start3A_4 : memref<1x128xi32, #tpu.memory_space<vmem>> -> memref<128xi32, #tpu.memory_space<vmem>>
    %dma_start3A_6 = arith.constant 0 : i32
    %dma_start3A_7 = arith.constant 0 : i32
    %dma_start3A_8 = tpu.memref_slice %arg2[%dma_start3A_6, %dma_start3A_7] : memref<10000x128xf32, #tpu.memory_space<hbm>> -> memref<10000x128xf32, #tpu.memory_space<hbm>>
    tpu.enqueue_indirect_dma source(%dma_start3A_8 : memref<10000x128xf32, #tpu.memory_space<hbm>>) target(%arg6 : memref<128x128xf32, #tpu.memory_space<vmem>>) offsets(%dma_start3A_5 : memref<128xi32, #tpu.memory_space<vmem>>) semaphore(%arg8 : memref<!tpu.dma_semaphore, #tpu.memory_space<semaphore_mem>>)
    %scan3A = arith.constant 0 : i32
    %scan3A_9 = arith.constant 0 : i32
    %scan3A_10 = arith.constant 20 : i32
    %scan3A_11 = arith.addi %scan3A_9, %scan3A_10 : i32
    %scan3A_12 = arith.constant 1 : i32
    scf.for %scan3A_32 = %scan3A_9 to %scan3A_11 step %scan3A_12  : i32 {
      %mul3A_33 = arith.constant 2 : i32
      %mul3A_34 = arith.muli %mul3A_33, %scan3A_32 : i32
      %add3A_35 = arith.constant 0 : i32
      %add3A_36 = arith.addi %mul3A_34, %add3A_35 : i32
      %dma_wait3A_37 = arith.constant 0 : i32
      %dma_wait3A_38 = tpu.memref_slice %arg5[%add3A_36, %dma_wait3A_37] : memref<40x128xi32, #tpu.memory_space<vmem>> -> memref<1x128xi32, #tpu.memory_space<vmem>>
      %dma_wait3A_39 = tpu.memref_squeeze %dma_wait3A_38 : memref<1x128xi32, #tpu.memory_space<vmem>> -> memref<128xi32, #tpu.memory_space<vmem>>
      %dma_wait3A_40 = arith.constant 0 : i32
      %dma_wait3A_41 = arith.constant 0 : i32
      %dma_wait3A_42 = tpu.memref_slice %arg2[%dma_wait3A_40, %dma_wait3A_41] : memref<10000x128xf32, #tpu.memory_space<hbm>> -> memref<10000x128xf32, #tpu.memory_space<hbm>>
      tpu.wait_indirect_dma semaphore(%arg8 : memref<!tpu.dma_semaphore, #tpu.memory_space<semaphore_mem>>) src(%dma_wait3A_42 : memref<10000x128xf32, #tpu.memory_space<hbm>>) dst(%arg6 : memref<128x128xf32, #tpu.memory_space<vmem>>)
      %add3A_43 = arith.addi %mul3A_2, %add3A_36 : i32
      %mul3A_44 = arith.constant 128 : i32
      %mul3A_45 = arith.muli %add3A_43, %mul3A_44 : i32
      %dma_start3A_46 = arith.constant 0 : i32
      %dma_start3A_47 = tpu.memref_slice %arg4[%mul3A_45, %dma_start3A_46] : memref<163840x128xf32, #tpu.memory_space<hbm>> -> memref<128x128xf32, #tpu.memory_space<hbm>>
      %dma_start3A_48 = arith.constant 0 : i32
      %dma_start3A_49 = tpu.memref_slice %arg4[%mul3A_45, %dma_start3A_48] : memref<163840x128xf32, #tpu.memory_space<hbm>> -> memref<128x128xf32, #tpu.memory_space<hbm>>
      tpu.enqueue_dma source(%arg6 : memref<128x128xf32, #tpu.memory_space<vmem>>) target(%dma_start3A_49 : memref<128x128xf32, #tpu.memory_space<hbm>>) target_semaphore(%arg10 : memref<!tpu.dma_semaphore, #tpu.memory_space<semaphore_mem>>)
      %add3A_50 = arith.constant 1 : i32
      %add3A_51 = arith.addi %add3A_36, %add3A_50 : i32
      %lt3A = arith.constant 40 : i32
      %lt3A_52 = arith.cmpi slt, %add3A_51, %lt3A : i32
      %convert_element_type3A = arith.extui %lt3A_52 : i1 to i32
      %cond3A = arith.constant 0 : i32
      %cond3A_53 = arith.cmpi ne, %convert_element_type3A, %cond3A : i32
      scf.if %cond3A_53 {
        %ge3A = arith.constant 1 : i32
        %ge3A_78 = arith.cmpi sge, %add3A_36, %ge3A : i32
        %convert_element_type3A_79 = arith.extui %ge3A_78 : i1 to i32
        %cond3A_80 = arith.constant 0 : i32
        %cond3A_81 = arith.cmpi ne, %convert_element_type3A_79, %cond3A_80 : i32
        scf.if %cond3A_81 {
          %add3A_90 = arith.addi %mul3A_2, %add3A_36 : i32
          %sub3A_91 = arith.constant 1 : i32
          %sub3A_92 = arith.subi %add3A_90, %sub3A_91 : i32
          %mul3A_93 = arith.constant 128 : i32
          %mul3A_94 = arith.muli %sub3A_92, %mul3A_93 : i32
          %dma_wait3A_95 = arith.constant 0 : i32
          %dma_wait3A_96 = tpu.memref_slice %arg4[%mul3A_94, %dma_wait3A_95] : memref<163840x128xf32, #tpu.memory_space<hbm>> -> memref<128x128xf32, #tpu.memory_space<hbm>>
          %dma_wait3A_97 = arith.constant 0 : i32
          %dma_wait3A_98 = tpu.memref_slice %arg4[%mul3A_94, %dma_wait3A_97] : memref<163840x128xf32, #tpu.memory_space<hbm>> -> memref<128x128xf32, #tpu.memory_space<hbm>>
          tpu.wait_dma2 semaphore(%arg11 : memref<!tpu.dma_semaphore, #tpu.memory_space<semaphore_mem>>) src(%arg7 : memref<128x128xf32, #tpu.memory_space<vmem>>) dst(%dma_wait3A_98 : memref<128x128xf32, #tpu.memory_space<hbm>>)
        } else {
        }
        %add3A_82 = arith.constant 1 : i32
        %add3A_83 = arith.addi %add3A_36, %add3A_82 : i32
        %dma_start3A_84 = arith.constant 0 : i32
        %dma_start3A_85 = tpu.memref_slice %arg5[%add3A_83, %dma_start3A_84] : memref<40x128xi32, #tpu.memory_space<vmem>> -> memref<1x128xi32, #tpu.memory_space<vmem>>
        %dma_start3A_86 = tpu.memref_squeeze %dma_start3A_85 : memref<1x128xi32, #tpu.memory_space<vmem>> -> memref<128xi32, #tpu.memory_space<vmem>>
        %dma_start3A_87 = arith.constant 0 : i32
        %dma_start3A_88 = arith.constant 0 : i32
        %dma_start3A_89 = tpu.memref_slice %arg2[%dma_start3A_87, %dma_start3A_88] : memref<10000x128xf32, #tpu.memory_space<hbm>> -> memref<10000x128xf32, #tpu.memory_space<hbm>>
        tpu.enqueue_indirect_dma source(%dma_start3A_89 : memref<10000x128xf32, #tpu.memory_space<hbm>>) target(%arg7 : memref<128x128xf32, #tpu.memory_space<vmem>>) offsets(%dma_start3A_86 : memref<128xi32, #tpu.memory_space<vmem>>) semaphore(%arg9 : memref<!tpu.dma_semaphore, #tpu.memory_space<semaphore_mem>>)
      } else {
      }
      %mul3A_54 = arith.constant 2 : i32
      %mul3A_55 = arith.muli %mul3A_54, %scan3A_32 : i32
      %add3A_56 = arith.constant 1 : i32
      %add3A_57 = arith.addi %mul3A_55, %add3A_56 : i32
      %dma_wait3A_58 = arith.constant 0 : i32
      %dma_wait3A_59 = tpu.memref_slice %arg5[%add3A_57, %dma_wait3A_58] : memref<40x128xi32, #tpu.memory_space<vmem>> -> memref<1x128xi32, #tpu.memory_space<vmem>>
      %dma_wait3A_60 = tpu.memref_squeeze %dma_wait3A_59 : memref<1x128xi32, #tpu.memory_space<vmem>> -> memref<128xi32, #tpu.memory_space<vmem>>
      %dma_wait3A_61 = arith.constant 0 : i32
      %dma_wait3A_62 = arith.constant 0 : i32
      %dma_wait3A_63 = tpu.memref_slice %arg2[%dma_wait3A_61, %dma_wait3A_62] : memref<10000x128xf32, #tpu.memory_space<hbm>> -> memref<10000x128xf32, #tpu.memory_space<hbm>>
      tpu.wait_indirect_dma semaphore(%arg9 : memref<!tpu.dma_semaphore, #tpu.memory_space<semaphore_mem>>) src(%dma_wait3A_63 : memref<10000x128xf32, #tpu.memory_space<hbm>>) dst(%arg7 : memref<128x128xf32, #tpu.memory_space<vmem>>)
      %add3A_64 = arith.addi %mul3A_2, %add3A_57 : i32
      %mul3A_65 = arith.constant 128 : i32
      %mul3A_66 = arith.muli %add3A_64, %mul3A_65 : i32
      %dma_start3A_67 = arith.constant 0 : i32
      %dma_start3A_68 = tpu.memref_slice %arg4[%mul3A_66, %dma_start3A_67] : memref<163840x128xf32, #tpu.memory_space<hbm>> -> memref<128x128xf32, #tpu.memory_space<hbm>>
      %dma_start3A_69 = arith.constant 0 : i32
      %dma_start3A_70 = tpu.memref_slice %arg4[%mul3A_66, %dma_start3A_69] : memref<163840x128xf32, #tpu.memory_space<hbm>> -> memref<128x128xf32, #tpu.memory_space<hbm>>
      tpu.enqueue_dma source(%arg7 : memref<128x128xf32, #tpu.memory_space<vmem>>) target(%dma_start3A_70 : memref<128x128xf32, #tpu.memory_space<hbm>>) target_semaphore(%arg11 : memref<!tpu.dma_semaphore, #tpu.memory_space<semaphore_mem>>)
      %add3A_71 = arith.constant 1 : i32
      %add3A_72 = arith.addi %add3A_57, %add3A_71 : i32
      %lt3A_73 = arith.constant 40 : i32
      %lt3A_74 = arith.cmpi slt, %add3A_72, %lt3A_73 : i32
      %convert_element_type3A_75 = arith.extui %lt3A_74 : i1 to i32
      %cond3A_76 = arith.constant 0 : i32
      %cond3A_77 = arith.cmpi ne, %convert_element_type3A_75, %cond3A_76 : i32
      scf.if %cond3A_77 {
        %ge3A = arith.constant 1 : i32
        %ge3A_78 = arith.cmpi sge, %add3A_57, %ge3A : i32
        %convert_element_type3A_79 = arith.extui %ge3A_78 : i1 to i32
        %cond3A_80 = arith.constant 0 : i32
        %cond3A_81 = arith.cmpi ne, %convert_element_type3A_79, %cond3A_80 : i32
        scf.if %cond3A_81 {
          %add3A_90 = arith.addi %mul3A_2, %add3A_57 : i32
          %sub3A_91 = arith.constant 1 : i32
          %sub3A_92 = arith.subi %add3A_90, %sub3A_91 : i32
          %mul3A_93 = arith.constant 128 : i32
          %mul3A_94 = arith.muli %sub3A_92, %mul3A_93 : i32
          %dma_wait3A_95 = arith.constant 0 : i32
          %dma_wait3A_96 = tpu.memref_slice %arg4[%mul3A_94, %dma_wait3A_95] : memref<163840x128xf32, #tpu.memory_space<hbm>> -> memref<128x128xf32, #tpu.memory_space<hbm>>
          %dma_wait3A_97 = arith.constant 0 : i32
          %dma_wait3A_98 = tpu.memref_slice %arg4[%mul3A_94, %dma_wait3A_97] : memref<163840x128xf32, #tpu.memory_space<hbm>> -> memref<128x128xf32, #tpu.memory_space<hbm>>
          tpu.wait_dma2 semaphore(%arg10 : memref<!tpu.dma_semaphore, #tpu.memory_space<semaphore_mem>>) src(%arg6 : memref<128x128xf32, #tpu.memory_space<vmem>>) dst(%dma_wait3A_98 : memref<128x128xf32, #tpu.memory_space<hbm>>)
        } else {
        }
        %add3A_82 = arith.constant 1 : i32
        %add3A_83 = arith.addi %add3A_57, %add3A_82 : i32
        %dma_start3A_84 = arith.constant 0 : i32
        %dma_start3A_85 = tpu.memref_slice %arg5[%add3A_83, %dma_start3A_84] : memref<40x128xi32, #tpu.memory_space<vmem>> -> memref<1x128xi32, #tpu.memory_space<vmem>>
        %dma_start3A_86 = tpu.memref_squeeze %dma_start3A_85 : memref<1x128xi32, #tpu.memory_space<vmem>> -> memref<128xi32, #tpu.memory_space<vmem>>
        %dma_start3A_87 = arith.constant 0 : i32
        %dma_start3A_88 = arith.constant 0 : i32
        %dma_start3A_89 = tpu.memref_slice %arg2[%dma_start3A_87, %dma_start3A_88] : memref<10000x128xf32, #tpu.memory_space<hbm>> -> memref<10000x128xf32, #tpu.memory_space<hbm>>
        tpu.enqueue_indirect_dma source(%dma_start3A_89 : memref<10000x128xf32, #tpu.memory_space<hbm>>) target(%arg6 : memref<128x128xf32, #tpu.memory_space<vmem>>) offsets(%dma_start3A_86 : memref<128xi32, #tpu.memory_space<vmem>>) semaphore(%arg8 : memref<!tpu.dma_semaphore, #tpu.memory_space<semaphore_mem>>)
      } else {
      }
    }
    %scan3A_13 = arith.constant 20 : i32
    %add3A_14 = arith.constant 40 : i32
    %add3A_15 = arith.addi %mul3A_2, %add3A_14 : i32
    %sub3A = arith.constant 2 : i32
    %sub3A_16 = arith.subi %add3A_15, %sub3A : i32
    %mul3A_17 = arith.constant 128 : i32
    %mul3A_18 = arith.muli %sub3A_16, %mul3A_17 : i32
    %dma_wait3A = arith.constant 0 : i32
    %dma_wait3A_19 = tpu.memref_slice %arg4[%mul3A_18, %dma_wait3A] : memref<163840x128xf32, #tpu.memory_space<hbm>> -> memref<128x128xf32, #tpu.memory_space<hbm>>
    %dma_wait3A_20 = arith.constant 0 : i32
    %dma_wait3A_21 = tpu.memref_slice %arg4[%mul3A_18, %dma_wait3A_20] : memref<163840x128xf32, #tpu.memory_space<hbm>> -> memref<128x128xf32, #tpu.memory_space<hbm>>
    tpu.wait_dma2 semaphore(%arg10 : memref<!tpu.dma_semaphore, #tpu.memory_space<semaphore_mem>>) src(%arg6 : memref<128x128xf32, #tpu.memory_space<vmem>>) dst(%dma_wait3A_21 : memref<128x128xf32, #tpu.memory_space<hbm>>)
    %add3A_22 = arith.constant 40 : i32
    %add3A_23 = arith.addi %mul3A_2, %add3A_22 : i32
    %sub3A_24 = arith.constant 1 : i32
    %sub3A_25 = arith.subi %add3A_23, %sub3A_24 : i32
    %mul3A_26 = arith.constant 128 : i32
    %mul3A_27 = arith.muli %sub3A_25, %mul3A_26 : i32
    %dma_wait3A_28 = arith.constant 0 : i32
    %dma_wait3A_29 = tpu.memref_slice %arg4[%mul3A_27, %dma_wait3A_28] : memref<163840x128xf32, #tpu.memory_space<hbm>> -> memref<128x128xf32, #tpu.memory_space<hbm>>
    %dma_wait3A_30 = arith.constant 0 : i32
    %dma_wait3A_31 = tpu.memref_slice %arg4[%mul3A_27, %dma_wait3A_30] : memref<163840x128xf32, #tpu.memory_space<hbm>> -> memref<128x128xf32, #tpu.memory_space<hbm>>
    tpu.wait_dma2 semaphore(%arg11 : memref<!tpu.dma_semaphore, #tpu.memory_space<semaphore_mem>>) src(%arg7 : memref<128x128xf32, #tpu.memory_space<vmem>>) dst(%dma_wait3A_31 : memref<128x128xf32, #tpu.memory_space<hbm>>)
    return
  }
}

#map = affine_map<(d0, d1) -> (0, 0)>
#map1 = affine_map<(d0, d1) -> (0)>
#map2 = affine_map<(d0, d1) -> (0, 0, 0)>
module attributes {stable_mosaic.version = 14 : i64} {
  func.func @_scatter_body(%arg0: i32, %arg1: i32, %arg2: memref<163840x128xf32, #tpu.memory_space<hbm>>, %arg3: memref<1280x128xi32, #tpu.memory_space<hbm>>, %arg4: memref<1000x128xf32, #tpu.memory_space<hbm>>, %arg5: memref<1024xf32, #tpu.memory_space<hbm>>, %arg6: memref<2x10000x128xf32, #tpu.memory_space<hbm>>, %arg7: memref<40x128xi32, #tpu.memory_space<vmem>>, %arg8: memref<128x128xf32, #tpu.memory_space<vmem>>, %arg9: memref<128x128xf32, #tpu.memory_space<vmem>>, %arg10: memref<!tpu.dma_semaphore, #tpu.memory_space<semaphore_mem>>, %arg11: memref<!tpu.dma_semaphore, #tpu.memory_space<semaphore_mem>>, %arg12: memref<!tpu.dma_semaphore, #tpu.memory_space<semaphore_mem>>, %arg13: memref<!tpu.dma_semaphore, #tpu.memory_space<semaphore_mem>>, %arg14: memref<10240x128xf32, #tpu.memory_space<vmem_shared>>) attributes {dimension_semantics = [#tpu.dimension_semantics<core_parallel>, #tpu.dimension_semantics<subcore_parallel>], iteration_bounds = array<i64: 2, 16>, scalar_prefetch = 0 : i64, scratch_operands = 8 : i64, tpu.core_type = #tpu.core_type<sc_vector_subcore>, window_params = [{transform_indices = #map}, {transform_indices = #map}, {transform_indices = #map}, {transform_indices = #map1}, {transform_indices = #map2}]} {
    %mul3A = arith.constant 2 : i32
    %mul3A_0 = arith.muli %arg1, %mul3A : i32
    %add3A = arith.addi %mul3A_0, %arg0 : i32
    %mul3A_1 = arith.constant 40 : i32
    %mul3A_2 = arith.muli %add3A, %mul3A_1 : i32
    %lt3A = arith.constant 10 : i32
    %lt3A_3 = arith.cmpi slt, %arg1, %lt3A : i32
    %convert_element_type3A = arith.extui %lt3A_3 : i1 to i32
    %cond3A = arith.constant 0 : i32
    %cond3A_4 = arith.cmpi ne, %convert_element_type3A, %cond3A : i32
    scf.if %cond3A_4 {
      %mul3A_34 = arith.constant 1000 : i32
      %mul3A_35 = arith.muli %arg1, %mul3A_34 : i32
      "tpu.region"() ({
        %run_scoped3A = tpu.sem_alloc : memref<!tpu.dma_semaphore, #tpu.memory_space<semaphore_mem>>
        %dma_start3A_36 = arith.constant 0 : i32
        %dma_start3A_37 = tpu.memref_slice %arg14[%mul3A_35, %dma_start3A_36] : memref<10240x128xf32, #tpu.memory_space<vmem_shared>> -> memref<1000x128xf32, #tpu.memory_space<vmem_shared>>
        tpu.enqueue_dma source(%arg4 : memref<1000x128xf32, #tpu.memory_space<hbm>>) target(%dma_start3A_37 : memref<1000x128xf32, #tpu.memory_space<vmem_shared>>) target_semaphore(%run_scoped3A : memref<!tpu.dma_semaphore, #tpu.memory_space<semaphore_mem>>)
        %dma_wait3A_38 = arith.constant 0 : i32
        %dma_wait3A_39 = tpu.memref_slice %arg14[%mul3A_35, %dma_wait3A_38] : memref<10240x128xf32, #tpu.memory_space<vmem_shared>> -> memref<1000x128xf32, #tpu.memory_space<vmem_shared>>
        tpu.wait_dma2 semaphore(%run_scoped3A : memref<!tpu.dma_semaphore, #tpu.memory_space<semaphore_mem>>) src(%arg4 : memref<1000x128xf32, #tpu.memory_space<hbm>>) dst(%dma_wait3A_39 : memref<1000x128xf32, #tpu.memory_space<vmem_shared>>)
        tpu.yield
      }) : () -> ()
    } else {
    }
    %barrier3A = arith.constant 0 : index
    tpu.barrier barrier_id(%barrier3A)
    "tpu.region"() ({
      %run_scoped3A = tpu.sem_alloc : memref<!tpu.dma_semaphore, #tpu.memory_space<semaphore_mem>>
      %dma_start3A_34 = arith.constant 0 : i32
      %dma_start3A_35 = tpu.memref_slice %arg3[%mul3A_2, %dma_start3A_34] : memref<1280x128xi32, #tpu.memory_space<hbm>> -> memref<40x128xi32, #tpu.memory_space<hbm>>
      %dma_start3A_36 = arith.constant 0 : i32
      %dma_start3A_37 = tpu.memref_slice %arg3[%mul3A_2, %dma_start3A_36] : memref<1280x128xi32, #tpu.memory_space<hbm>> -> memref<40x128xi32, #tpu.memory_space<hbm>>
      tpu.enqueue_dma source(%dma_start3A_37 : memref<40x128xi32, #tpu.memory_space<hbm>>) target(%arg7 : memref<40x128xi32, #tpu.memory_space<vmem>>) target_semaphore(%run_scoped3A : memref<!tpu.dma_semaphore, #tpu.memory_space<semaphore_mem>>)
      %dma_wait3A_38 = arith.constant 0 : i32
      %dma_wait3A_39 = tpu.memref_slice %arg3[%mul3A_2, %dma_wait3A_38] : memref<1280x128xi32, #tpu.memory_space<hbm>> -> memref<40x128xi32, #tpu.memory_space<hbm>>
      %dma_wait3A_40 = arith.constant 0 : i32
      %dma_wait3A_41 = tpu.memref_slice %arg3[%mul3A_2, %dma_wait3A_40] : memref<1280x128xi32, #tpu.memory_space<hbm>> -> memref<40x128xi32, #tpu.memory_space<hbm>>
      tpu.wait_dma2 semaphore(%run_scoped3A : memref<!tpu.dma_semaphore, #tpu.memory_space<semaphore_mem>>) src(%dma_wait3A_41 : memref<40x128xi32, #tpu.memory_space<hbm>>) dst(%arg7 : memref<40x128xi32, #tpu.memory_space<vmem>>)
      tpu.yield
    }) : () -> ()
    %mul3A_5 = arith.constant 128 : i32
    %mul3A_6 = arith.muli %mul3A_2, %mul3A_5 : i32
    %dma_start3A = arith.constant 0 : i32
    %dma_start3A_7 = tpu.memref_slice %arg2[%mul3A_6, %dma_start3A] : memref<163840x128xf32, #tpu.memory_space<hbm>> -> memref<128x128xf32, #tpu.memory_space<hbm>>
    %dma_start3A_8 = arith.constant 0 : i32
    %dma_start3A_9 = tpu.memref_slice %arg2[%mul3A_6, %dma_start3A_8] : memref<163840x128xf32, #tpu.memory_space<hbm>> -> memref<128x128xf32, #tpu.memory_space<hbm>>
    tpu.enqueue_dma source(%dma_start3A_9 : memref<128x128xf32, #tpu.memory_space<hbm>>) target(%arg8 : memref<128x128xf32, #tpu.memory_space<vmem>>) target_semaphore(%arg10 : memref<!tpu.dma_semaphore, #tpu.memory_space<semaphore_mem>>)
    %scan3A = arith.constant 0 : i32
    %scan3A_10 = arith.constant 0 : i32
    %scan3A_11 = arith.constant 20 : i32
    %scan3A_12 = arith.addi %scan3A_10, %scan3A_11 : i32
    %scan3A_13 = arith.constant 1 : i32
    scf.for %scan3A_34 = %scan3A_10 to %scan3A_12 step %scan3A_13  : i32 {
      %mul3A_35 = arith.constant 2 : i32
      %mul3A_36 = arith.muli %mul3A_35, %scan3A_34 : i32
      %add3A_37 = arith.constant 0 : i32
      %add3A_38 = arith.addi %mul3A_36, %add3A_37 : i32
      %add3A_39 = arith.addi %mul3A_2, %add3A_38 : i32
      %mul3A_40 = arith.constant 128 : i32
      %mul3A_41 = arith.muli %add3A_39, %mul3A_40 : i32
      %dma_wait3A_42 = arith.constant 0 : i32
      %dma_wait3A_43 = tpu.memref_slice %arg2[%mul3A_41, %dma_wait3A_42] : memref<163840x128xf32, #tpu.memory_space<hbm>> -> memref<128x128xf32, #tpu.memory_space<hbm>>
      %dma_wait3A_44 = arith.constant 0 : i32
      %dma_wait3A_45 = tpu.memref_slice %arg2[%mul3A_41, %dma_wait3A_44] : memref<163840x128xf32, #tpu.memory_space<hbm>> -> memref<128x128xf32, #tpu.memory_space<hbm>>
      tpu.wait_dma2 semaphore(%arg10 : memref<!tpu.dma_semaphore, #tpu.memory_space<semaphore_mem>>) src(%dma_wait3A_45 : memref<128x128xf32, #tpu.memory_space<hbm>>) dst(%arg8 : memref<128x128xf32, #tpu.memory_space<vmem>>)
      %dma_start3A_46 = arith.constant 0 : i32
      %dma_start3A_47 = tpu.memref_slice %arg7[%add3A_38, %dma_start3A_46] : memref<40x128xi32, #tpu.memory_space<vmem>> -> memref<1x128xi32, #tpu.memory_space<vmem>>
      %dma_start3A_48 = tpu.memref_squeeze %dma_start3A_47 : memref<1x128xi32, #tpu.memory_space<vmem>> -> memref<128xi32, #tpu.memory_space<vmem>>
      %dma_start3A_49 = arith.constant 0 : i32
      %dma_start3A_50 = arith.constant 0 : i32
      %dma_start3A_51 = tpu.memref_slice %arg14[%dma_start3A_49, %dma_start3A_50] : memref<10240x128xf32, #tpu.memory_space<vmem_shared>> -> memref<10240x128xf32, #tpu.memory_space<vmem_shared>>
      tpu.enqueue_indirect_dma source(%arg8 : memref<128x128xf32, #tpu.memory_space<vmem>>) target(%dma_start3A_51 : memref<10240x128xf32, #tpu.memory_space<vmem_shared>>) offsets(%dma_start3A_48 : memref<128xi32, #tpu.memory_space<vmem>>) semaphore(%arg12 : memref<!tpu.dma_semaphore, #tpu.memory_space<semaphore_mem>>) {add = true}
      %add3A_52 = arith.constant 1 : i32
      %add3A_53 = arith.addi %add3A_38, %add3A_52 : i32
      %lt3A_54 = arith.constant 40 : i32
      %lt3A_55 = arith.cmpi slt, %add3A_53, %lt3A_54 : i32
      %convert_element_type3A_56 = arith.extui %lt3A_55 : i1 to i32
      %cond3A_57 = arith.constant 0 : i32
      %cond3A_58 = arith.cmpi ne, %convert_element_type3A_56, %cond3A_57 : i32
      scf.if %cond3A_58 {
        %ge3A = arith.constant 1 : i32
        %ge3A_83 = arith.cmpi sge, %add3A_38, %ge3A : i32
        %convert_element_type3A_84 = arith.extui %ge3A_83 : i1 to i32
        %cond3A_85 = arith.constant 0 : i32
        %cond3A_86 = arith.cmpi ne, %convert_element_type3A_84, %cond3A_85 : i32
        scf.if %cond3A_86 {
          %sub3A = arith.constant 1 : i32
          %sub3A_96 = arith.subi %add3A_38, %sub3A : i32
          %dma_wait3A_97 = arith.constant 0 : i32
          %dma_wait3A_98 = tpu.memref_slice %arg7[%sub3A_96, %dma_wait3A_97] : memref<40x128xi32, #tpu.memory_space<vmem>> -> memref<1x128xi32, #tpu.memory_space<vmem>>
          %dma_wait3A_99 = tpu.memref_squeeze %dma_wait3A_98 : memref<1x128xi32, #tpu.memory_space<vmem>> -> memref<128xi32, #tpu.memory_space<vmem>>
          %dma_wait3A_100 = arith.constant 0 : i32
          %dma_wait3A_101 = arith.constant 0 : i32
          %dma_wait3A_102 = tpu.memref_slice %arg14[%dma_wait3A_100, %dma_wait3A_101] : memref<10240x128xf32, #tpu.memory_space<vmem_shared>> -> memref<10240x128xf32, #tpu.memory_space<vmem_shared>>
          tpu.wait_indirect_dma semaphore(%arg13 : memref<!tpu.dma_semaphore, #tpu.memory_space<semaphore_mem>>) src(%arg9 : memref<128x128xf32, #tpu.memory_space<vmem>>) dst(%dma_wait3A_102 : memref<10240x128xf32, #tpu.memory_space<vmem_shared>>)
        } else {
        }
        %add3A_87 = arith.addi %mul3A_2, %add3A_38 : i32
        %add3A_88 = arith.constant 1 : i32
        %add3A_89 = arith.addi %add3A_87, %add3A_88 : i32
        %mul3A_90 = arith.constant 128 : i32
        %mul3A_91 = arith.muli %add3A_89, %mul3A_90 : i32
        %dma_start3A_92 = arith.constant 0 : i32
        %dma_start3A_93 = tpu.memref_slice %arg2[%mul3A_91, %dma_start3A_92] : memref<163840x128xf32, #tpu.memory_space<hbm>> -> memref<128x128xf32, #tpu.memory_space<hbm>>
        %dma_start3A_94 = arith.constant 0 : i32
        %dma_start3A_95 = tpu.memref_slice %arg2[%mul3A_91, %dma_start3A_94] : memref<163840x128xf32, #tpu.memory_space<hbm>> -> memref<128x128xf32, #tpu.memory_space<hbm>>
        tpu.enqueue_dma source(%dma_start3A_95 : memref<128x128xf32, #tpu.memory_space<hbm>>) target(%arg9 : memref<128x128xf32, #tpu.memory_space<vmem>>) target_semaphore(%arg11 : memref<!tpu.dma_semaphore, #tpu.memory_space<semaphore_mem>>)
      } else {
      }
      %mul3A_59 = arith.constant 2 : i32
      %mul3A_60 = arith.muli %mul3A_59, %scan3A_34 : i32
      %add3A_61 = arith.constant 1 : i32
      %add3A_62 = arith.addi %mul3A_60, %add3A_61 : i32
      %add3A_63 = arith.addi %mul3A_2, %add3A_62 : i32
      %mul3A_64 = arith.constant 128 : i32
      %mul3A_65 = arith.muli %add3A_63, %mul3A_64 : i32
      %dma_wait3A_66 = arith.constant 0 : i32
      %dma_wait3A_67 = tpu.memref_slice %arg2[%mul3A_65, %dma_wait3A_66] : memref<163840x128xf32, #tpu.memory_space<hbm>> -> memref<128x128xf32, #tpu.memory_space<hbm>>
      %dma_wait3A_68 = arith.constant 0 : i32
      %dma_wait3A_69 = tpu.memref_slice %arg2[%mul3A_65, %dma_wait3A_68] : memref<163840x128xf32, #tpu.memory_space<hbm>> -> memref<128x128xf32, #tpu.memory_space<hbm>>
      tpu.wait_dma2 semaphore(%arg11 : memref<!tpu.dma_semaphore, #tpu.memory_space<semaphore_mem>>) src(%dma_wait3A_69 : memref<128x128xf32, #tpu.memory_space<hbm>>) dst(%arg9 : memref<128x128xf32, #tpu.memory_space<vmem>>)
      %dma_start3A_70 = arith.constant 0 : i32
      %dma_start3A_71 = tpu.memref_slice %arg7[%add3A_62, %dma_start3A_70] : memref<40x128xi32, #tpu.memory_space<vmem>> -> memref<1x128xi32, #tpu.memory_space<vmem>>
      %dma_start3A_72 = tpu.memref_squeeze %dma_start3A_71 : memref<1x128xi32, #tpu.memory_space<vmem>> -> memref<128xi32, #tpu.memory_space<vmem>>
      %dma_start3A_73 = arith.constant 0 : i32
      %dma_start3A_74 = arith.constant 0 : i32
      %dma_start3A_75 = tpu.memref_slice %arg14[%dma_start3A_73, %dma_start3A_74] : memref<10240x128xf32, #tpu.memory_space<vmem_shared>> -> memref<10240x128xf32, #tpu.memory_space<vmem_shared>>
      tpu.enqueue_indirect_dma source(%arg9 : memref<128x128xf32, #tpu.memory_space<vmem>>) target(%dma_start3A_75 : memref<10240x128xf32, #tpu.memory_space<vmem_shared>>) offsets(%dma_start3A_72 : memref<128xi32, #tpu.memory_space<vmem>>) semaphore(%arg13 : memref<!tpu.dma_semaphore, #tpu.memory_space<semaphore_mem>>) {add = true}
      %add3A_76 = arith.constant 1 : i32
      %add3A_77 = arith.addi %add3A_62, %add3A_76 : i32
      %lt3A_78 = arith.constant 40 : i32
      %lt3A_79 = arith.cmpi slt, %add3A_77, %lt3A_78 : i32
      %convert_element_type3A_80 = arith.extui %lt3A_79 : i1 to i32
      %cond3A_81 = arith.constant 0 : i32
      %cond3A_82 = arith.cmpi ne, %convert_element_type3A_80, %cond3A_81 : i32
      scf.if %cond3A_82 {
        %ge3A = arith.constant 1 : i32
        %ge3A_83 = arith.cmpi sge, %add3A_62, %ge3A : i32
        %convert_element_type3A_84 = arith.extui %ge3A_83 : i1 to i32
        %cond3A_85 = arith.constant 0 : i32
        %cond3A_86 = arith.cmpi ne, %convert_element_type3A_84, %cond3A_85 : i32
        scf.if %cond3A_86 {
          %sub3A = arith.constant 1 : i32
          %sub3A_96 = arith.subi %add3A_62, %sub3A : i32
          %dma_wait3A_97 = arith.constant 0 : i32
          %dma_wait3A_98 = tpu.memref_slice %arg7[%sub3A_96, %dma_wait3A_97] : memref<40x128xi32, #tpu.memory_space<vmem>> -> memref<1x128xi32, #tpu.memory_space<vmem>>
          %dma_wait3A_99 = tpu.memref_squeeze %dma_wait3A_98 : memref<1x128xi32, #tpu.memory_space<vmem>> -> memref<128xi32, #tpu.memory_space<vmem>>
          %dma_wait3A_100 = arith.constant 0 : i32
          %dma_wait3A_101 = arith.constant 0 : i32
          %dma_wait3A_102 = tpu.memref_slice %arg14[%dma_wait3A_100, %dma_wait3A_101] : memref<10240x128xf32, #tpu.memory_space<vmem_shared>> -> memref<10240x128xf32, #tpu.memory_space<vmem_shared>>
          tpu.wait_indirect_dma semaphore(%arg12 : memref<!tpu.dma_semaphore, #tpu.memory_space<semaphore_mem>>) src(%arg8 : memref<128x128xf32, #tpu.memory_space<vmem>>) dst(%dma_wait3A_102 : memref<10240x128xf32, #tpu.memory_space<vmem_shared>>)
        } else {
        }
        %add3A_87 = arith.addi %mul3A_2, %add3A_62 : i32
        %add3A_88 = arith.constant 1 : i32
        %add3A_89 = arith.addi %add3A_87, %add3A_88 : i32
        %mul3A_90 = arith.constant 128 : i32
        %mul3A_91 = arith.muli %add3A_89, %mul3A_90 : i32
        %dma_start3A_92 = arith.constant 0 : i32
        %dma_start3A_93 = tpu.memref_slice %arg2[%mul3A_91, %dma_start3A_92] : memref<163840x128xf32, #tpu.memory_space<hbm>> -> memref<128x128xf32, #tpu.memory_space<hbm>>
        %dma_start3A_94 = arith.constant 0 : i32
        %dma_start3A_95 = tpu.memref_slice %arg2[%mul3A_91, %dma_start3A_94] : memref<163840x128xf32, #tpu.memory_space<hbm>> -> memref<128x128xf32, #tpu.memory_space<hbm>>
        tpu.enqueue_dma source(%dma_start3A_95 : memref<128x128xf32, #tpu.memory_space<hbm>>) target(%arg8 : memref<128x128xf32, #tpu.memory_space<vmem>>) target_semaphore(%arg10 : memref<!tpu.dma_semaphore, #tpu.memory_space<semaphore_mem>>)
      } else {
      }
    }
    %scan3A_14 = arith.constant 20 : i32
    %dma_wait3A = arith.constant 38 : i32
    %dma_wait3A_15 = arith.constant 0 : i32
    %dma_wait3A_16 = tpu.memref_slice %arg7[%dma_wait3A, %dma_wait3A_15] : memref<40x128xi32, #tpu.memory_space<vmem>> -> memref<1x128xi32, #tpu.memory_space<vmem>>
    %dma_wait3A_17 = tpu.memref_squeeze %dma_wait3A_16 : memref<1x128xi32, #tpu.memory_space<vmem>> -> memref<128xi32, #tpu.memory_space<vmem>>
    %dma_wait3A_18 = arith.constant 0 : i32
    %dma_wait3A_19 = arith.constant 0 : i32
    %dma_wait3A_20 = tpu.memref_slice %arg14[%dma_wait3A_18, %dma_wait3A_19] : memref<10240x128xf32, #tpu.memory_space<vmem_shared>> -> memref<10240x128xf32, #tpu.memory_space<vmem_shared>>
    tpu.wait_indirect_dma semaphore(%arg12 : memref<!tpu.dma_semaphore, #tpu.memory_space<semaphore_mem>>) src(%arg8 : memref<128x128xf32, #tpu.memory_space<vmem>>) dst(%dma_wait3A_20 : memref<10240x128xf32, #tpu.memory_space<vmem_shared>>)
    %dma_wait3A_21 = arith.constant 39 : i32
    %dma_wait3A_22 = arith.constant 0 : i32
    %dma_wait3A_23 = tpu.memref_slice %arg7[%dma_wait3A_21, %dma_wait3A_22] : memref<40x128xi32, #tpu.memory_space<vmem>> -> memref<1x128xi32, #tpu.memory_space<vmem>>
    %dma_wait3A_24 = tpu.memref_squeeze %dma_wait3A_23 : memref<1x128xi32, #tpu.memory_space<vmem>> -> memref<128xi32, #tpu.memory_space<vmem>>
    %dma_wait3A_25 = arith.constant 0 : i32
    %dma_wait3A_26 = arith.constant 0 : i32
    %dma_wait3A_27 = tpu.memref_slice %arg14[%dma_wait3A_25, %dma_wait3A_26] : memref<10240x128xf32, #tpu.memory_space<vmem_shared>> -> memref<10240x128xf32, #tpu.memory_space<vmem_shared>>
    tpu.wait_indirect_dma semaphore(%arg13 : memref<!tpu.dma_semaphore, #tpu.memory_space<semaphore_mem>>) src(%arg9 : memref<128x128xf32, #tpu.memory_space<vmem>>) dst(%dma_wait3A_27 : memref<10240x128xf32, #tpu.memory_space<vmem_shared>>)
    %barrier3A_28 = arith.constant 0 : index
    tpu.barrier barrier_id(%barrier3A_28)
    %lt3A_29 = arith.constant 10 : i32
    %lt3A_30 = arith.cmpi slt, %arg1, %lt3A_29 : i32
    %convert_element_type3A_31 = arith.extui %lt3A_30 : i1 to i32
    %cond3A_32 = arith.constant 0 : i32
    %cond3A_33 = arith.cmpi ne, %convert_element_type3A_31, %cond3A_32 : i32
    scf.if %cond3A_33 {
      %mul3A_34 = arith.constant 1000 : i32
      %mul3A_35 = arith.muli %arg1, %mul3A_34 : i32
      "tpu.region"() ({
        %run_scoped3A = tpu.sem_alloc : memref<!tpu.dma_semaphore, #tpu.memory_space<semaphore_mem>>
        %dma_start3A_36 = arith.constant 0 : i32
        %dma_start3A_37 = arith.constant 0 : i32
        %dma_start3A_38 = tpu.memref_slice %arg6[%arg0, %dma_start3A_36, %dma_start3A_37] : memref<2x10000x128xf32, #tpu.memory_space<hbm>> -> memref<1x10000x128xf32, #tpu.memory_space<hbm>>
        %dma_start3A_39 = tpu.memref_squeeze %dma_start3A_38 : memref<1x10000x128xf32, #tpu.memory_space<hbm>> -> memref<10000x128xf32, #tpu.memory_space<hbm>>
        %dma_start3A_40 = arith.constant 0 : i32
        %dma_start3A_41 = tpu.memref_slice %dma_start3A_39[%mul3A_35, %dma_start3A_40] : memref<10000x128xf32, #tpu.memory_space<hbm>> -> memref<1000x128xf32, #tpu.memory_space<hbm>>
        %dma_start3A_42 = arith.constant 0 : i32
        %dma_start3A_43 = tpu.memref_slice %arg14[%mul3A_35, %dma_start3A_42] : memref<10240x128xf32, #tpu.memory_space<vmem_shared>> -> memref<1000x128xf32, #tpu.memory_space<vmem_shared>>
        tpu.enqueue_dma source(%dma_start3A_43 : memref<1000x128xf32, #tpu.memory_space<vmem_shared>>) target(%dma_start3A_41 : memref<1000x128xf32, #tpu.memory_space<hbm>>) target_semaphore(%run_scoped3A : memref<!tpu.dma_semaphore, #tpu.memory_space<semaphore_mem>>)
        %dma_wait3A_44 = arith.constant 0 : i32
        %dma_wait3A_45 = arith.constant 0 : i32
        %dma_wait3A_46 = tpu.memref_slice %arg6[%arg0, %dma_wait3A_44, %dma_wait3A_45] : memref<2x10000x128xf32, #tpu.memory_space<hbm>> -> memref<1x10000x128xf32, #tpu.memory_space<hbm>>
        %dma_wait3A_47 = tpu.memref_squeeze %dma_wait3A_46 : memref<1x10000x128xf32, #tpu.memory_space<hbm>> -> memref<10000x128xf32, #tpu.memory_space<hbm>>
        %dma_wait3A_48 = arith.constant 0 : i32
        %dma_wait3A_49 = tpu.memref_slice %dma_wait3A_47[%mul3A_35, %dma_wait3A_48] : memref<10000x128xf32, #tpu.memory_space<hbm>> -> memref<1000x128xf32, #tpu.memory_space<hbm>>
        %dma_wait3A_50 = arith.constant 0 : i32
        %dma_wait3A_51 = tpu.memref_slice %arg14[%mul3A_35, %dma_wait3A_50] : memref<10240x128xf32, #tpu.memory_space<vmem_shared>> -> memref<1000x128xf32, #tpu.memory_space<vmem_shared>>
        tpu.wait_dma2 semaphore(%run_scoped3A : memref<!tpu.dma_semaphore, #tpu.memory_space<semaphore_mem>>) src(%dma_wait3A_51 : memref<1000x128xf32, #tpu.memory_space<vmem_shared>>) dst(%dma_wait3A_49 : memref<1000x128xf32, #tpu.memory_space<hbm>>)
        tpu.yield
      }) : () -> ()
    } else {
    }
    return
  }
}

#map = affine_map<(d0, d1) -> (0, 0)>
module attributes {stable_mosaic.version = 14 : i64} {
  func.func @_gather_body(%arg0: i32, %arg1: i32, %arg2: memref<10000x128xf32, #tpu.memory_space<hbm>>, %arg3: memref<1280x128xi32, #tpu.memory_space<hbm>>, %arg4: memref<163840x128xf32, #tpu.memory_space<hbm>>, %arg5: memref<40x128xi32, #tpu.memory_space<vmem>>, %arg6: memref<128x128xf32, #tpu.memory_space<vmem>>, %arg7: memref<128x128xf32, #tpu.memory_space<vmem>>, %arg8: memref<!tpu.dma_semaphore, #tpu.memory_space<semaphore_mem>>, %arg9: memref<!tpu.dma_semaphore, #tpu.memory_space<semaphore_mem>>, %arg10: memref<!tpu.dma_semaphore, #tpu.memory_space<semaphore_mem>>, %arg11: memref<!tpu.dma_semaphore, #tpu.memory_space<semaphore_mem>>) attributes {dimension_semantics = [#tpu.dimension_semantics<core_parallel>, #tpu.dimension_semantics<subcore_parallel>], iteration_bounds = array<i64: 2, 16>, scalar_prefetch = 0 : i64, scratch_operands = 7 : i64, tpu.core_type = #tpu.core_type<sc_vector_subcore>, window_params = [{transform_indices = #map}, {transform_indices = #map}, {transform_indices = #map}]} {
    %mul3A = arith.constant 2 : i32
    %mul3A_0 = arith.muli %arg1, %mul3A : i32
    %add3A = arith.addi %mul3A_0, %arg0 : i32
    %mul3A_1 = arith.constant 40 : i32
    %mul3A_2 = arith.muli %add3A, %mul3A_1 : i32
    "tpu.region"() ({
      %run_scoped3A = tpu.sem_alloc : memref<!tpu.dma_semaphore, #tpu.memory_space<semaphore_mem>>
      %dma_start3A_32 = arith.constant 0 : i32
      %dma_start3A_33 = tpu.memref_slice %arg3[%mul3A_2, %dma_start3A_32] : memref<1280x128xi32, #tpu.memory_space<hbm>> -> memref<40x128xi32, #tpu.memory_space<hbm>>
      %dma_start3A_34 = arith.constant 0 : i32
      %dma_start3A_35 = tpu.memref_slice %arg3[%mul3A_2, %dma_start3A_34] : memref<1280x128xi32, #tpu.memory_space<hbm>> -> memref<40x128xi32, #tpu.memory_space<hbm>>
      tpu.enqueue_dma source(%dma_start3A_35 : memref<40x128xi32, #tpu.memory_space<hbm>>) target(%arg5 : memref<40x128xi32, #tpu.memory_space<vmem>>) target_semaphore(%run_scoped3A : memref<!tpu.dma_semaphore, #tpu.memory_space<semaphore_mem>>)
      %dma_wait3A_36 = arith.constant 0 : i32
      %dma_wait3A_37 = tpu.memref_slice %arg3[%mul3A_2, %dma_wait3A_36] : memref<1280x128xi32, #tpu.memory_space<hbm>> -> memref<40x128xi32, #tpu.memory_space<hbm>>
      %dma_wait3A_38 = arith.constant 0 : i32
      %dma_wait3A_39 = tpu.memref_slice %arg3[%mul3A_2, %dma_wait3A_38] : memref<1280x128xi32, #tpu.memory_space<hbm>> -> memref<40x128xi32, #tpu.memory_space<hbm>>
      tpu.wait_dma2 semaphore(%run_scoped3A : memref<!tpu.dma_semaphore, #tpu.memory_space<semaphore_mem>>) src(%dma_wait3A_39 : memref<40x128xi32, #tpu.memory_space<hbm>>) dst(%arg5 : memref<40x128xi32, #tpu.memory_space<vmem>>)
      tpu.yield
    }) : () -> ()
    %dma_start3A = arith.constant 0 : i32
    %dma_start3A_3 = arith.constant 0 : i32
    %dma_start3A_4 = tpu.memref_slice %arg5[%dma_start3A, %dma_start3A_3] : memref<40x128xi32, #tpu.memory_space<vmem>> -> memref<1x128xi32, #tpu.memory_space<vmem>>
    %dma_start3A_5 = tpu.memref_squeeze %dma_start3A_4 : memref<1x128xi32, #tpu.memory_space<vmem>> -> memref<128xi32, #tpu.memory_space<vmem>>
    %dma_start3A_6 = arith.constant 0 : i32
    %dma_start3A_7 = arith.constant 0 : i32
    %dma_start3A_8 = tpu.memref_slice %arg2[%dma_start3A_6, %dma_start3A_7] : memref<10000x128xf32, #tpu.memory_space<hbm>> -> memref<10000x128xf32, #tpu.memory_space<hbm>>
    tpu.enqueue_indirect_dma source(%dma_start3A_8 : memref<10000x128xf32, #tpu.memory_space<hbm>>) target(%arg6 : memref<128x128xf32, #tpu.memory_space<vmem>>) offsets(%dma_start3A_5 : memref<128xi32, #tpu.memory_space<vmem>>) semaphore(%arg8 : memref<!tpu.dma_semaphore, #tpu.memory_space<semaphore_mem>>)
    %scan3A = arith.constant 0 : i32
    %scan3A_9 = arith.constant 0 : i32
    %scan3A_10 = arith.constant 20 : i32
    %scan3A_11 = arith.addi %scan3A_9, %scan3A_10 : i32
    %scan3A_12 = arith.constant 1 : i32
    scf.for %scan3A_32 = %scan3A_9 to %scan3A_11 step %scan3A_12  : i32 {
      %mul3A_33 = arith.constant 2 : i32
      %mul3A_34 = arith.muli %mul3A_33, %scan3A_32 : i32
      %add3A_35 = arith.constant 0 : i32
      %add3A_36 = arith.addi %mul3A_34, %add3A_35 : i32
      %dma_wait3A_37 = arith.constant 0 : i32
      %dma_wait3A_38 = tpu.memref_slice %arg5[%add3A_36, %dma_wait3A_37] : memref<40x128xi32, #tpu.memory_space<vmem>> -> memref<1x128xi32, #tpu.memory_space<vmem>>
      %dma_wait3A_39 = tpu.memref_squeeze %dma_wait3A_38 : memref<1x128xi32, #tpu.memory_space<vmem>> -> memref<128xi32, #tpu.memory_space<vmem>>
      %dma_wait3A_40 = arith.constant 0 : i32
      %dma_wait3A_41 = arith.constant 0 : i32
      %dma_wait3A_42 = tpu.memref_slice %arg2[%dma_wait3A_40, %dma_wait3A_41] : memref<10000x128xf32, #tpu.memory_space<hbm>> -> memref<10000x128xf32, #tpu.memory_space<hbm>>
      tpu.wait_indirect_dma semaphore(%arg8 : memref<!tpu.dma_semaphore, #tpu.memory_space<semaphore_mem>>) src(%dma_wait3A_42 : memref<10000x128xf32, #tpu.memory_space<hbm>>) dst(%arg6 : memref<128x128xf32, #tpu.memory_space<vmem>>)
      %add3A_43 = arith.addi %mul3A_2, %add3A_36 : i32
      %mul3A_44 = arith.constant 128 : i32
      %mul3A_45 = arith.muli %add3A_43, %mul3A_44 : i32
      %dma_start3A_46 = arith.constant 0 : i32
      %dma_start3A_47 = tpu.memref_slice %arg4[%mul3A_45, %dma_start3A_46] : memref<163840x128xf32, #tpu.memory_space<hbm>> -> memref<128x128xf32, #tpu.memory_space<hbm>>
      %dma_start3A_48 = arith.constant 0 : i32
      %dma_start3A_49 = tpu.memref_slice %arg4[%mul3A_45, %dma_start3A_48] : memref<163840x128xf32, #tpu.memory_space<hbm>> -> memref<128x128xf32, #tpu.memory_space<hbm>>
      tpu.enqueue_dma source(%arg6 : memref<128x128xf32, #tpu.memory_space<vmem>>) target(%dma_start3A_49 : memref<128x128xf32, #tpu.memory_space<hbm>>) target_semaphore(%arg10 : memref<!tpu.dma_semaphore, #tpu.memory_space<semaphore_mem>>)
      %add3A_50 = arith.constant 1 : i32
      %add3A_51 = arith.addi %add3A_36, %add3A_50 : i32
      %lt3A = arith.constant 40 : i32
      %lt3A_52 = arith.cmpi slt, %add3A_51, %lt3A : i32
      %convert_element_type3A = arith.extui %lt3A_52 : i1 to i32
      %cond3A = arith.constant 0 : i32
      %cond3A_53 = arith.cmpi ne, %convert_element_type3A, %cond3A : i32
      scf.if %cond3A_53 {
        %ge3A = arith.constant 1 : i32
        %ge3A_78 = arith.cmpi sge, %add3A_36, %ge3A : i32
        %convert_element_type3A_79 = arith.extui %ge3A_78 : i1 to i32
        %cond3A_80 = arith.constant 0 : i32
        %cond3A_81 = arith.cmpi ne, %convert_element_type3A_79, %cond3A_80 : i32
        scf.if %cond3A_81 {
          %add3A_90 = arith.addi %mul3A_2, %add3A_36 : i32
          %sub3A_91 = arith.constant 1 : i32
          %sub3A_92 = arith.subi %add3A_90, %sub3A_91 : i32
          %mul3A_93 = arith.constant 128 : i32
          %mul3A_94 = arith.muli %sub3A_92, %mul3A_93 : i32
          %dma_wait3A_95 = arith.constant 0 : i32
          %dma_wait3A_96 = tpu.memref_slice %arg4[%mul3A_94, %dma_wait3A_95] : memref<163840x128xf32, #tpu.memory_space<hbm>> -> memref<128x128xf32, #tpu.memory_space<hbm>>
          %dma_wait3A_97 = arith.constant 0 : i32
          %dma_wait3A_98 = tpu.memref_slice %arg4[%mul3A_94, %dma_wait3A_97] : memref<163840x128xf32, #tpu.memory_space<hbm>> -> memref<128x128xf32, #tpu.memory_space<hbm>>
          tpu.wait_dma2 semaphore(%arg11 : memref<!tpu.dma_semaphore, #tpu.memory_space<semaphore_mem>>) src(%arg7 : memref<128x128xf32, #tpu.memory_space<vmem>>) dst(%dma_wait3A_98 : memref<128x128xf32, #tpu.memory_space<hbm>>)
        } else {
        }
        %add3A_82 = arith.constant 1 : i32
        %add3A_83 = arith.addi %add3A_36, %add3A_82 : i32
        %dma_start3A_84 = arith.constant 0 : i32
        %dma_start3A_85 = tpu.memref_slice %arg5[%add3A_83, %dma_start3A_84] : memref<40x128xi32, #tpu.memory_space<vmem>> -> memref<1x128xi32, #tpu.memory_space<vmem>>
        %dma_start3A_86 = tpu.memref_squeeze %dma_start3A_85 : memref<1x128xi32, #tpu.memory_space<vmem>> -> memref<128xi32, #tpu.memory_space<vmem>>
        %dma_start3A_87 = arith.constant 0 : i32
        %dma_start3A_88 = arith.constant 0 : i32
        %dma_start3A_89 = tpu.memref_slice %arg2[%dma_start3A_87, %dma_start3A_88] : memref<10000x128xf32, #tpu.memory_space<hbm>> -> memref<10000x128xf32, #tpu.memory_space<hbm>>
        tpu.enqueue_indirect_dma source(%dma_start3A_89 : memref<10000x128xf32, #tpu.memory_space<hbm>>) target(%arg7 : memref<128x128xf32, #tpu.memory_space<vmem>>) offsets(%dma_start3A_86 : memref<128xi32, #tpu.memory_space<vmem>>) semaphore(%arg9 : memref<!tpu.dma_semaphore, #tpu.memory_space<semaphore_mem>>)
      } else {
      }
      %mul3A_54 = arith.constant 2 : i32
      %mul3A_55 = arith.muli %mul3A_54, %scan3A_32 : i32
      %add3A_56 = arith.constant 1 : i32
      %add3A_57 = arith.addi %mul3A_55, %add3A_56 : i32
      %dma_wait3A_58 = arith.constant 0 : i32
      %dma_wait3A_59 = tpu.memref_slice %arg5[%add3A_57, %dma_wait3A_58] : memref<40x128xi32, #tpu.memory_space<vmem>> -> memref<1x128xi32, #tpu.memory_space<vmem>>
      %dma_wait3A_60 = tpu.memref_squeeze %dma_wait3A_59 : memref<1x128xi32, #tpu.memory_space<vmem>> -> memref<128xi32, #tpu.memory_space<vmem>>
      %dma_wait3A_61 = arith.constant 0 : i32
      %dma_wait3A_62 = arith.constant 0 : i32
      %dma_wait3A_63 = tpu.memref_slice %arg2[%dma_wait3A_61, %dma_wait3A_62] : memref<10000x128xf32, #tpu.memory_space<hbm>> -> memref<10000x128xf32, #tpu.memory_space<hbm>>
      tpu.wait_indirect_dma semaphore(%arg9 : memref<!tpu.dma_semaphore, #tpu.memory_space<semaphore_mem>>) src(%dma_wait3A_63 : memref<10000x128xf32, #tpu.memory_space<hbm>>) dst(%arg7 : memref<128x128xf32, #tpu.memory_space<vmem>>)
      %add3A_64 = arith.addi %mul3A_2, %add3A_57 : i32
      %mul3A_65 = arith.constant 128 : i32
      %mul3A_66 = arith.muli %add3A_64, %mul3A_65 : i32
      %dma_start3A_67 = arith.constant 0 : i32
      %dma_start3A_68 = tpu.memref_slice %arg4[%mul3A_66, %dma_start3A_67] : memref<163840x128xf32, #tpu.memory_space<hbm>> -> memref<128x128xf32, #tpu.memory_space<hbm>>
      %dma_start3A_69 = arith.constant 0 : i32
      %dma_start3A_70 = tpu.memref_slice %arg4[%mul3A_66, %dma_start3A_69] : memref<163840x128xf32, #tpu.memory_space<hbm>> -> memref<128x128xf32, #tpu.memory_space<hbm>>
      tpu.enqueue_dma source(%arg7 : memref<128x128xf32, #tpu.memory_space<vmem>>) target(%dma_start3A_70 : memref<128x128xf32, #tpu.memory_space<hbm>>) target_semaphore(%arg11 : memref<!tpu.dma_semaphore, #tpu.memory_space<semaphore_mem>>)
      %add3A_71 = arith.constant 1 : i32
      %add3A_72 = arith.addi %add3A_57, %add3A_71 : i32
      %lt3A_73 = arith.constant 40 : i32
      %lt3A_74 = arith.cmpi slt, %add3A_72, %lt3A_73 : i32
      %convert_element_type3A_75 = arith.extui %lt3A_74 : i1 to i32
      %cond3A_76 = arith.constant 0 : i32
      %cond3A_77 = arith.cmpi ne, %convert_element_type3A_75, %cond3A_76 : i32
      scf.if %cond3A_77 {
        %ge3A = arith.constant 1 : i32
        %ge3A_78 = arith.cmpi sge, %add3A_57, %ge3A : i32
        %convert_element_type3A_79 = arith.extui %ge3A_78 : i1 to i32
        %cond3A_80 = arith.constant 0 : i32
        %cond3A_81 = arith.cmpi ne, %convert_element_type3A_79, %cond3A_80 : i32
        scf.if %cond3A_81 {
          %add3A_90 = arith.addi %mul3A_2, %add3A_57 : i32
          %sub3A_91 = arith.constant 1 : i32
          %sub3A_92 = arith.subi %add3A_90, %sub3A_91 : i32
          %mul3A_93 = arith.constant 128 : i32
          %mul3A_94 = arith.muli %sub3A_92, %mul3A_93 : i32
          %dma_wait3A_95 = arith.constant 0 : i32
          %dma_wait3A_96 = tpu.memref_slice %arg4[%mul3A_94, %dma_wait3A_95] : memref<163840x128xf32, #tpu.memory_space<hbm>> -> memref<128x128xf32, #tpu.memory_space<hbm>>
          %dma_wait3A_97 = arith.constant 0 : i32
          %dma_wait3A_98 = tpu.memref_slice %arg4[%mul3A_94, %dma_wait3A_97] : memref<163840x128xf32, #tpu.memory_space<hbm>> -> memref<128x128xf32, #tpu.memory_space<hbm>>
          tpu.wait_dma2 semaphore(%arg10 : memref<!tpu.dma_semaphore, #tpu.memory_space<semaphore_mem>>) src(%arg6 : memref<128x128xf32, #tpu.memory_space<vmem>>) dst(%dma_wait3A_98 : memref<128x128xf32, #tpu.memory_space<hbm>>)
        } else {
        }
        %add3A_82 = arith.constant 1 : i32
        %add3A_83 = arith.addi %add3A_57, %add3A_82 : i32
        %dma_start3A_84 = arith.constant 0 : i32
        %dma_start3A_85 = tpu.memref_slice %arg5[%add3A_83, %dma_start3A_84] : memref<40x128xi32, #tpu.memory_space<vmem>> -> memref<1x128xi32, #tpu.memory_space<vmem>>
        %dma_start3A_86 = tpu.memref_squeeze %dma_start3A_85 : memref<1x128xi32, #tpu.memory_space<vmem>> -> memref<128xi32, #tpu.memory_space<vmem>>
        %dma_start3A_87 = arith.constant 0 : i32
        %dma_start3A_88 = arith.constant 0 : i32
        %dma_start3A_89 = tpu.memref_slice %arg2[%dma_start3A_87, %dma_start3A_88] : memref<10000x128xf32, #tpu.memory_space<hbm>> -> memref<10000x128xf32, #tpu.memory_space<hbm>>
        tpu.enqueue_indirect_dma source(%dma_start3A_89 : memref<10000x128xf32, #tpu.memory_space<hbm>>) target(%arg6 : memref<128x128xf32, #tpu.memory_space<vmem>>) offsets(%dma_start3A_86 : memref<128xi32, #tpu.memory_space<vmem>>) semaphore(%arg8 : memref<!tpu.dma_semaphore, #tpu.memory_space<semaphore_mem>>)
      } else {
      }
    }
    %scan3A_13 = arith.constant 20 : i32
    %add3A_14 = arith.constant 40 : i32
    %add3A_15 = arith.addi %mul3A_2, %add3A_14 : i32
    %sub3A = arith.constant 2 : i32
    %sub3A_16 = arith.subi %add3A_15, %sub3A : i32
    %mul3A_17 = arith.constant 128 : i32
    %mul3A_18 = arith.muli %sub3A_16, %mul3A_17 : i32
    %dma_wait3A = arith.constant 0 : i32
    %dma_wait3A_19 = tpu.memref_slice %arg4[%mul3A_18, %dma_wait3A] : memref<163840x128xf32, #tpu.memory_space<hbm>> -> memref<128x128xf32, #tpu.memory_space<hbm>>
    %dma_wait3A_20 = arith.constant 0 : i32
    %dma_wait3A_21 = tpu.memref_slice %arg4[%mul3A_18, %dma_wait3A_20] : memref<163840x128xf32, #tpu.memory_space<hbm>> -> memref<128x128xf32, #tpu.memory_space<hbm>>
    tpu.wait_dma2 semaphore(%arg10 : memref<!tpu.dma_semaphore, #tpu.memory_space<semaphore_mem>>) src(%arg6 : memref<128x128xf32, #tpu.memory_space<vmem>>) dst(%dma_wait3A_21 : memref<128x128xf32, #tpu.memory_space<hbm>>)
    %add3A_22 = arith.constant 40 : i32
    %add3A_23 = arith.addi %mul3A_2, %add3A_22 : i32
    %sub3A_24 = arith.constant 1 : i32
    %sub3A_25 = arith.subi %add3A_23, %sub3A_24 : i32
    %mul3A_26 = arith.constant 128 : i32
    %mul3A_27 = arith.muli %sub3A_25, %mul3A_26 : i32
    %dma_wait3A_28 = arith.constant 0 : i32
    %dma_wait3A_29 = tpu.memref_slice %arg4[%mul3A_27, %dma_wait3A_28] : memref<163840x128xf32, #tpu.memory_space<hbm>> -> memref<128x128xf32, #tpu.memory_space<hbm>>
    %dma_wait3A_30 = arith.constant 0 : i32
    %dma_wait3A_31 = tpu.memref_slice %arg4[%mul3A_27, %dma_wait3A_30] : memref<163840x128xf32, #tpu.memory_space<hbm>> -> memref<128x128xf32, #tpu.memory_space<hbm>>
    tpu.wait_dma2 semaphore(%arg11 : memref<!tpu.dma_semaphore, #tpu.memory_space<semaphore_mem>>) src(%arg7 : memref<128x128xf32, #tpu.memory_space<vmem>>) dst(%dma_wait3A_31 : memref<128x128xf32, #tpu.memory_space<hbm>>)
    return
  }
}

#map = affine_map<(d0, d1) -> (0, 0)>
#map1 = affine_map<(d0, d1) -> (0)>
#map2 = affine_map<(d0, d1) -> (0, 0, 0)>
module attributes {stable_mosaic.version = 14 : i64} {
  func.func @_scatter_body(%arg0: i32, %arg1: i32, %arg2: memref<163840x128xf32, #tpu.memory_space<hbm>>, %arg3: memref<1280x128xi32, #tpu.memory_space<hbm>>, %arg4: memref<1000x128xf32, #tpu.memory_space<hbm>>, %arg5: memref<1024xf32, #tpu.memory_space<hbm>>, %arg6: memref<2x10000x128xf32, #tpu.memory_space<hbm>>, %arg7: memref<40x128xi32, #tpu.memory_space<vmem>>, %arg8: memref<128x128xf32, #tpu.memory_space<vmem>>, %arg9: memref<128x128xf32, #tpu.memory_space<vmem>>, %arg10: memref<!tpu.dma_semaphore, #tpu.memory_space<semaphore_mem>>, %arg11: memref<!tpu.dma_semaphore, #tpu.memory_space<semaphore_mem>>, %arg12: memref<!tpu.dma_semaphore, #tpu.memory_space<semaphore_mem>>, %arg13: memref<!tpu.dma_semaphore, #tpu.memory_space<semaphore_mem>>, %arg14: memref<10240x128xf32, #tpu.memory_space<vmem_shared>>) attributes {dimension_semantics = [#tpu.dimension_semantics<core_parallel>, #tpu.dimension_semantics<subcore_parallel>], iteration_bounds = array<i64: 2, 16>, scalar_prefetch = 0 : i64, scratch_operands = 8 : i64, tpu.core_type = #tpu.core_type<sc_vector_subcore>, window_params = [{transform_indices = #map}, {transform_indices = #map}, {transform_indices = #map}, {transform_indices = #map1}, {transform_indices = #map2}]} {
    %mul3A = arith.constant 2 : i32
    %mul3A_0 = arith.muli %arg1, %mul3A : i32
    %add3A = arith.addi %mul3A_0, %arg0 : i32
    %mul3A_1 = arith.constant 40 : i32
    %mul3A_2 = arith.muli %add3A, %mul3A_1 : i32
    %lt3A = arith.constant 10 : i32
    %lt3A_3 = arith.cmpi slt, %arg1, %lt3A : i32
    %convert_element_type3A = arith.extui %lt3A_3 : i1 to i32
    %cond3A = arith.constant 0 : i32
    %cond3A_4 = arith.cmpi ne, %convert_element_type3A, %cond3A : i32
    scf.if %cond3A_4 {
      %mul3A_34 = arith.constant 1000 : i32
      %mul3A_35 = arith.muli %arg1, %mul3A_34 : i32
      "tpu.region"() ({
        %run_scoped3A = tpu.sem_alloc : memref<!tpu.dma_semaphore, #tpu.memory_space<semaphore_mem>>
        %dma_start3A_36 = arith.constant 0 : i32
        %dma_start3A_37 = tpu.memref_slice %arg14[%mul3A_35, %dma_start3A_36] : memref<10240x128xf32, #tpu.memory_space<vmem_shared>> -> memref<1000x128xf32, #tpu.memory_space<vmem_shared>>
        tpu.enqueue_dma source(%arg4 : memref<1000x128xf32, #tpu.memory_space<hbm>>) target(%dma_start3A_37 : memref<1000x128xf32, #tpu.memory_space<vmem_shared>>) target_semaphore(%run_scoped3A : memref<!tpu.dma_semaphore, #tpu.memory_space<semaphore_mem>>)
        %dma_wait3A_38 = arith.constant 0 : i32
        %dma_wait3A_39 = tpu.memref_slice %arg14[%mul3A_35, %dma_wait3A_38] : memref<10240x128xf32, #tpu.memory_space<vmem_shared>> -> memref<1000x128xf32, #tpu.memory_space<vmem_shared>>
        tpu.wait_dma2 semaphore(%run_scoped3A : memref<!tpu.dma_semaphore, #tpu.memory_space<semaphore_mem>>) src(%arg4 : memref<1000x128xf32, #tpu.memory_space<hbm>>) dst(%dma_wait3A_39 : memref<1000x128xf32, #tpu.memory_space<vmem_shared>>)
        tpu.yield
      }) : () -> ()
    } else {
    }
    %barrier3A = arith.constant 0 : index
    tpu.barrier barrier_id(%barrier3A)
    "tpu.region"() ({
      %run_scoped3A = tpu.sem_alloc : memref<!tpu.dma_semaphore, #tpu.memory_space<semaphore_mem>>
      %dma_start3A_34 = arith.constant 0 : i32
      %dma_start3A_35 = tpu.memref_slice %arg3[%mul3A_2, %dma_start3A_34] : memref<1280x128xi32, #tpu.memory_space<hbm>> -> memref<40x128xi32, #tpu.memory_space<hbm>>
      %dma_start3A_36 = arith.constant 0 : i32
      %dma_start3A_37 = tpu.memref_slice %arg3[%mul3A_2, %dma_start3A_36] : memref<1280x128xi32, #tpu.memory_space<hbm>> -> memref<40x128xi32, #tpu.memory_space<hbm>>
      tpu.enqueue_dma source(%dma_start3A_37 : memref<40x128xi32, #tpu.memory_space<hbm>>) target(%arg7 : memref<40x128xi32, #tpu.memory_space<vmem>>) target_semaphore(%run_scoped3A : memref<!tpu.dma_semaphore, #tpu.memory_space<semaphore_mem>>)
      %dma_wait3A_38 = arith.constant 0 : i32
      %dma_wait3A_39 = tpu.memref_slice %arg3[%mul3A_2, %dma_wait3A_38] : memref<1280x128xi32, #tpu.memory_space<hbm>> -> memref<40x128xi32, #tpu.memory_space<hbm>>
      %dma_wait3A_40 = arith.constant 0 : i32
      %dma_wait3A_41 = tpu.memref_slice %arg3[%mul3A_2, %dma_wait3A_40] : memref<1280x128xi32, #tpu.memory_space<hbm>> -> memref<40x128xi32, #tpu.memory_space<hbm>>
      tpu.wait_dma2 semaphore(%run_scoped3A : memref<!tpu.dma_semaphore, #tpu.memory_space<semaphore_mem>>) src(%dma_wait3A_41 : memref<40x128xi32, #tpu.memory_space<hbm>>) dst(%arg7 : memref<40x128xi32, #tpu.memory_space<vmem>>)
      tpu.yield
    }) : () -> ()
    %mul3A_5 = arith.constant 128 : i32
    %mul3A_6 = arith.muli %mul3A_2, %mul3A_5 : i32
    %dma_start3A = arith.constant 0 : i32
    %dma_start3A_7 = tpu.memref_slice %arg2[%mul3A_6, %dma_start3A] : memref<163840x128xf32, #tpu.memory_space<hbm>> -> memref<128x128xf32, #tpu.memory_space<hbm>>
    %dma_start3A_8 = arith.constant 0 : i32
    %dma_start3A_9 = tpu.memref_slice %arg2[%mul3A_6, %dma_start3A_8] : memref<163840x128xf32, #tpu.memory_space<hbm>> -> memref<128x128xf32, #tpu.memory_space<hbm>>
    tpu.enqueue_dma source(%dma_start3A_9 : memref<128x128xf32, #tpu.memory_space<hbm>>) target(%arg8 : memref<128x128xf32, #tpu.memory_space<vmem>>) target_semaphore(%arg10 : memref<!tpu.dma_semaphore, #tpu.memory_space<semaphore_mem>>)
    %scan3A = arith.constant 0 : i32
    %scan3A_10 = arith.constant 0 : i32
    %scan3A_11 = arith.constant 20 : i32
    %scan3A_12 = arith.addi %scan3A_10, %scan3A_11 : i32
    %scan3A_13 = arith.constant 1 : i32
    scf.for %scan3A_34 = %scan3A_10 to %scan3A_12 step %scan3A_13  : i32 {
      %mul3A_35 = arith.constant 2 : i32
      %mul3A_36 = arith.muli %mul3A_35, %scan3A_34 : i32
      %add3A_37 = arith.constant 0 : i32
      %add3A_38 = arith.addi %mul3A_36, %add3A_37 : i32
      %add3A_39 = arith.addi %mul3A_2, %add3A_38 : i32
      %mul3A_40 = arith.constant 128 : i32
      %mul3A_41 = arith.muli %add3A_39, %mul3A_40 : i32
      %dma_wait3A_42 = arith.constant 0 : i32
      %dma_wait3A_43 = tpu.memref_slice %arg2[%mul3A_41, %dma_wait3A_42] : memref<163840x128xf32, #tpu.memory_space<hbm>> -> memref<128x128xf32, #tpu.memory_space<hbm>>
      %dma_wait3A_44 = arith.constant 0 : i32
      %dma_wait3A_45 = tpu.memref_slice %arg2[%mul3A_41, %dma_wait3A_44] : memref<163840x128xf32, #tpu.memory_space<hbm>> -> memref<128x128xf32, #tpu.memory_space<hbm>>
      tpu.wait_dma2 semaphore(%arg10 : memref<!tpu.dma_semaphore, #tpu.memory_space<semaphore_mem>>) src(%dma_wait3A_45 : memref<128x128xf32, #tpu.memory_space<hbm>>) dst(%arg8 : memref<128x128xf32, #tpu.memory_space<vmem>>)
      %dma_start3A_46 = arith.constant 0 : i32
      %dma_start3A_47 = tpu.memref_slice %arg7[%add3A_38, %dma_start3A_46] : memref<40x128xi32, #tpu.memory_space<vmem>> -> memref<1x128xi32, #tpu.memory_space<vmem>>
      %dma_start3A_48 = tpu.memref_squeeze %dma_start3A_47 : memref<1x128xi32, #tpu.memory_space<vmem>> -> memref<128xi32, #tpu.memory_space<vmem>>
      %dma_start3A_49 = arith.constant 0 : i32
      %dma_start3A_50 = arith.constant 0 : i32
      %dma_start3A_51 = tpu.memref_slice %arg14[%dma_start3A_49, %dma_start3A_50] : memref<10240x128xf32, #tpu.memory_space<vmem_shared>> -> memref<10240x128xf32, #tpu.memory_space<vmem_shared>>
      tpu.enqueue_indirect_dma source(%arg8 : memref<128x128xf32, #tpu.memory_space<vmem>>) target(%dma_start3A_51 : memref<10240x128xf32, #tpu.memory_space<vmem_shared>>) offsets(%dma_start3A_48 : memref<128xi32, #tpu.memory_space<vmem>>) semaphore(%arg12 : memref<!tpu.dma_semaphore, #tpu.memory_space<semaphore_mem>>) {add = true}
      %add3A_52 = arith.constant 1 : i32
      %add3A_53 = arith.addi %add3A_38, %add3A_52 : i32
      %lt3A_54 = arith.constant 40 : i32
      %lt3A_55 = arith.cmpi slt, %add3A_53, %lt3A_54 : i32
      %convert_element_type3A_56 = arith.extui %lt3A_55 : i1 to i32
      %cond3A_57 = arith.constant 0 : i32
      %cond3A_58 = arith.cmpi ne, %convert_element_type3A_56, %cond3A_57 : i32
      scf.if %cond3A_58 {
        %ge3A = arith.constant 1 : i32
        %ge3A_83 = arith.cmpi sge, %add3A_38, %ge3A : i32
        %convert_element_type3A_84 = arith.extui %ge3A_83 : i1 to i32
        %cond3A_85 = arith.constant 0 : i32
        %cond3A_86 = arith.cmpi ne, %convert_element_type3A_84, %cond3A_85 : i32
        scf.if %cond3A_86 {
          %sub3A = arith.constant 1 : i32
          %sub3A_96 = arith.subi %add3A_38, %sub3A : i32
          %dma_wait3A_97 = arith.constant 0 : i32
          %dma_wait3A_98 = tpu.memref_slice %arg7[%sub3A_96, %dma_wait3A_97] : memref<40x128xi32, #tpu.memory_space<vmem>> -> memref<1x128xi32, #tpu.memory_space<vmem>>
          %dma_wait3A_99 = tpu.memref_squeeze %dma_wait3A_98 : memref<1x128xi32, #tpu.memory_space<vmem>> -> memref<128xi32, #tpu.memory_space<vmem>>
          %dma_wait3A_100 = arith.constant 0 : i32
          %dma_wait3A_101 = arith.constant 0 : i32
          %dma_wait3A_102 = tpu.memref_slice %arg14[%dma_wait3A_100, %dma_wait3A_101] : memref<10240x128xf32, #tpu.memory_space<vmem_shared>> -> memref<10240x128xf32, #tpu.memory_space<vmem_shared>>
          tpu.wait_indirect_dma semaphore(%arg13 : memref<!tpu.dma_semaphore, #tpu.memory_space<semaphore_mem>>) src(%arg9 : memref<128x128xf32, #tpu.memory_space<vmem>>) dst(%dma_wait3A_102 : memref<10240x128xf32, #tpu.memory_space<vmem_shared>>)
        } else {
        }
        %add3A_87 = arith.addi %mul3A_2, %add3A_38 : i32
        %add3A_88 = arith.constant 1 : i32
        %add3A_89 = arith.addi %add3A_87, %add3A_88 : i32
        %mul3A_90 = arith.constant 128 : i32
        %mul3A_91 = arith.muli %add3A_89, %mul3A_90 : i32
        %dma_start3A_92 = arith.constant 0 : i32
        %dma_start3A_93 = tpu.memref_slice %arg2[%mul3A_91, %dma_start3A_92] : memref<163840x128xf32, #tpu.memory_space<hbm>> -> memref<128x128xf32, #tpu.memory_space<hbm>>
        %dma_start3A_94 = arith.constant 0 : i32
        %dma_start3A_95 = tpu.memref_slice %arg2[%mul3A_91, %dma_start3A_94] : memref<163840x128xf32, #tpu.memory_space<hbm>> -> memref<128x128xf32, #tpu.memory_space<hbm>>
        tpu.enqueue_dma source(%dma_start3A_95 : memref<128x128xf32, #tpu.memory_space<hbm>>) target(%arg9 : memref<128x128xf32, #tpu.memory_space<vmem>>) target_semaphore(%arg11 : memref<!tpu.dma_semaphore, #tpu.memory_space<semaphore_mem>>)
      } else {
      }
      %mul3A_59 = arith.constant 2 : i32
      %mul3A_60 = arith.muli %mul3A_59, %scan3A_34 : i32
      %add3A_61 = arith.constant 1 : i32
      %add3A_62 = arith.addi %mul3A_60, %add3A_61 : i32
      %add3A_63 = arith.addi %mul3A_2, %add3A_62 : i32
      %mul3A_64 = arith.constant 128 : i32
      %mul3A_65 = arith.muli %add3A_63, %mul3A_64 : i32
      %dma_wait3A_66 = arith.constant 0 : i32
      %dma_wait3A_67 = tpu.memref_slice %arg2[%mul3A_65, %dma_wait3A_66] : memref<163840x128xf32, #tpu.memory_space<hbm>> -> memref<128x128xf32, #tpu.memory_space<hbm>>
      %dma_wait3A_68 = arith.constant 0 : i32
      %dma_wait3A_69 = tpu.memref_slice %arg2[%mul3A_65, %dma_wait3A_68] : memref<163840x128xf32, #tpu.memory_space<hbm>> -> memref<128x128xf32, #tpu.memory_space<hbm>>
      tpu.wait_dma2 semaphore(%arg11 : memref<!tpu.dma_semaphore, #tpu.memory_space<semaphore_mem>>) src(%dma_wait3A_69 : memref<128x128xf32, #tpu.memory_space<hbm>>) dst(%arg9 : memref<128x128xf32, #tpu.memory_space<vmem>>)
      %dma_start3A_70 = arith.constant 0 : i32
      %dma_start3A_71 = tpu.memref_slice %arg7[%add3A_62, %dma_start3A_70] : memref<40x128xi32, #tpu.memory_space<vmem>> -> memref<1x128xi32, #tpu.memory_space<vmem>>
      %dma_start3A_72 = tpu.memref_squeeze %dma_start3A_71 : memref<1x128xi32, #tpu.memory_space<vmem>> -> memref<128xi32, #tpu.memory_space<vmem>>
      %dma_start3A_73 = arith.constant 0 : i32
      %dma_start3A_74 = arith.constant 0 : i32
      %dma_start3A_75 = tpu.memref_slice %arg14[%dma_start3A_73, %dma_start3A_74] : memref<10240x128xf32, #tpu.memory_space<vmem_shared>> -> memref<10240x128xf32, #tpu.memory_space<vmem_shared>>
      tpu.enqueue_indirect_dma source(%arg9 : memref<128x128xf32, #tpu.memory_space<vmem>>) target(%dma_start3A_75 : memref<10240x128xf32, #tpu.memory_space<vmem_shared>>) offsets(%dma_start3A_72 : memref<128xi32, #tpu.memory_space<vmem>>) semaphore(%arg13 : memref<!tpu.dma_semaphore, #tpu.memory_space<semaphore_mem>>) {add = true}
      %add3A_76 = arith.constant 1 : i32
      %add3A_77 = arith.addi %add3A_62, %add3A_76 : i32
      %lt3A_78 = arith.constant 40 : i32
      %lt3A_79 = arith.cmpi slt, %add3A_77, %lt3A_78 : i32
      %convert_element_type3A_80 = arith.extui %lt3A_79 : i1 to i32
      %cond3A_81 = arith.constant 0 : i32
      %cond3A_82 = arith.cmpi ne, %convert_element_type3A_80, %cond3A_81 : i32
      scf.if %cond3A_82 {
        %ge3A = arith.constant 1 : i32
        %ge3A_83 = arith.cmpi sge, %add3A_62, %ge3A : i32
        %convert_element_type3A_84 = arith.extui %ge3A_83 : i1 to i32
        %cond3A_85 = arith.constant 0 : i32
        %cond3A_86 = arith.cmpi ne, %convert_element_type3A_84, %cond3A_85 : i32
        scf.if %cond3A_86 {
          %sub3A = arith.constant 1 : i32
          %sub3A_96 = arith.subi %add3A_62, %sub3A : i32
          %dma_wait3A_97 = arith.constant 0 : i32
          %dma_wait3A_98 = tpu.memref_slice %arg7[%sub3A_96, %dma_wait3A_97] : memref<40x128xi32, #tpu.memory_space<vmem>> -> memref<1x128xi32, #tpu.memory_space<vmem>>
          %dma_wait3A_99 = tpu.memref_squeeze %dma_wait3A_98 : memref<1x128xi32, #tpu.memory_space<vmem>> -> memref<128xi32, #tpu.memory_space<vmem>>
          %dma_wait3A_100 = arith.constant 0 : i32
          %dma_wait3A_101 = arith.constant 0 : i32
          %dma_wait3A_102 = tpu.memref_slice %arg14[%dma_wait3A_100, %dma_wait3A_101] : memref<10240x128xf32, #tpu.memory_space<vmem_shared>> -> memref<10240x128xf32, #tpu.memory_space<vmem_shared>>
          tpu.wait_indirect_dma semaphore(%arg12 : memref<!tpu.dma_semaphore, #tpu.memory_space<semaphore_mem>>) src(%arg8 : memref<128x128xf32, #tpu.memory_space<vmem>>) dst(%dma_wait3A_102 : memref<10240x128xf32, #tpu.memory_space<vmem_shared>>)
        } else {
        }
        %add3A_87 = arith.addi %mul3A_2, %add3A_62 : i32
        %add3A_88 = arith.constant 1 : i32
        %add3A_89 = arith.addi %add3A_87, %add3A_88 : i32
        %mul3A_90 = arith.constant 128 : i32
        %mul3A_91 = arith.muli %add3A_89, %mul3A_90 : i32
        %dma_start3A_92 = arith.constant 0 : i32
        %dma_start3A_93 = tpu.memref_slice %arg2[%mul3A_91, %dma_start3A_92] : memref<163840x128xf32, #tpu.memory_space<hbm>> -> memref<128x128xf32, #tpu.memory_space<hbm>>
        %dma_start3A_94 = arith.constant 0 : i32
        %dma_start3A_95 = tpu.memref_slice %arg2[%mul3A_91, %dma_start3A_94] : memref<163840x128xf32, #tpu.memory_space<hbm>> -> memref<128x128xf32, #tpu.memory_space<hbm>>
        tpu.enqueue_dma source(%dma_start3A_95 : memref<128x128xf32, #tpu.memory_space<hbm>>) target(%arg8 : memref<128x128xf32, #tpu.memory_space<vmem>>) target_semaphore(%arg10 : memref<!tpu.dma_semaphore, #tpu.memory_space<semaphore_mem>>)
      } else {
      }
    }
    %scan3A_14 = arith.constant 20 : i32
    %dma_wait3A = arith.constant 38 : i32
    %dma_wait3A_15 = arith.constant 0 : i32
    %dma_wait3A_16 = tpu.memref_slice %arg7[%dma_wait3A, %dma_wait3A_15] : memref<40x128xi32, #tpu.memory_space<vmem>> -> memref<1x128xi32, #tpu.memory_space<vmem>>
    %dma_wait3A_17 = tpu.memref_squeeze %dma_wait3A_16 : memref<1x128xi32, #tpu.memory_space<vmem>> -> memref<128xi32, #tpu.memory_space<vmem>>
    %dma_wait3A_18 = arith.constant 0 : i32
    %dma_wait3A_19 = arith.constant 0 : i32
    %dma_wait3A_20 = tpu.memref_slice %arg14[%dma_wait3A_18, %dma_wait3A_19] : memref<10240x128xf32, #tpu.memory_space<vmem_shared>> -> memref<10240x128xf32, #tpu.memory_space<vmem_shared>>
    tpu.wait_indirect_dma semaphore(%arg12 : memref<!tpu.dma_semaphore, #tpu.memory_space<semaphore_mem>>) src(%arg8 : memref<128x128xf32, #tpu.memory_space<vmem>>) dst(%dma_wait3A_20 : memref<10240x128xf32, #tpu.memory_space<vmem_shared>>)
    %dma_wait3A_21 = arith.constant 39 : i32
    %dma_wait3A_22 = arith.constant 0 : i32
    %dma_wait3A_23 = tpu.memref_slice %arg7[%dma_wait3A_21, %dma_wait3A_22] : memref<40x128xi32, #tpu.memory_space<vmem>> -> memref<1x128xi32, #tpu.memory_space<vmem>>
    %dma_wait3A_24 = tpu.memref_squeeze %dma_wait3A_23 : memref<1x128xi32, #tpu.memory_space<vmem>> -> memref<128xi32, #tpu.memory_space<vmem>>
    %dma_wait3A_25 = arith.constant 0 : i32
    %dma_wait3A_26 = arith.constant 0 : i32
    %dma_wait3A_27 = tpu.memref_slice %arg14[%dma_wait3A_25, %dma_wait3A_26] : memref<10240x128xf32, #tpu.memory_space<vmem_shared>> -> memref<10240x128xf32, #tpu.memory_space<vmem_shared>>
    tpu.wait_indirect_dma semaphore(%arg13 : memref<!tpu.dma_semaphore, #tpu.memory_space<semaphore_mem>>) src(%arg9 : memref<128x128xf32, #tpu.memory_space<vmem>>) dst(%dma_wait3A_27 : memref<10240x128xf32, #tpu.memory_space<vmem_shared>>)
    %barrier3A_28 = arith.constant 0 : index
    tpu.barrier barrier_id(%barrier3A_28)
    %lt3A_29 = arith.constant 10 : i32
    %lt3A_30 = arith.cmpi slt, %arg1, %lt3A_29 : i32
    %convert_element_type3A_31 = arith.extui %lt3A_30 : i1 to i32
    %cond3A_32 = arith.constant 0 : i32
    %cond3A_33 = arith.cmpi ne, %convert_element_type3A_31, %cond3A_32 : i32
    scf.if %cond3A_33 {
      %mul3A_34 = arith.constant 1000 : i32
      %mul3A_35 = arith.muli %arg1, %mul3A_34 : i32
      "tpu.region"() ({
        %run_scoped3A = tpu.sem_alloc : memref<!tpu.dma_semaphore, #tpu.memory_space<semaphore_mem>>
        %dma_start3A_36 = arith.constant 0 : i32
        %dma_start3A_37 = arith.constant 0 : i32
        %dma_start3A_38 = tpu.memref_slice %arg6[%arg0, %dma_start3A_36, %dma_start3A_37] : memref<2x10000x128xf32, #tpu.memory_space<hbm>> -> memref<1x10000x128xf32, #tpu.memory_space<hbm>>
        %dma_start3A_39 = tpu.memref_squeeze %dma_start3A_38 : memref<1x10000x128xf32, #tpu.memory_space<hbm>> -> memref<10000x128xf32, #tpu.memory_space<hbm>>
        %dma_start3A_40 = arith.constant 0 : i32
        %dma_start3A_41 = tpu.memref_slice %dma_start3A_39[%mul3A_35, %dma_start3A_40] : memref<10000x128xf32, #tpu.memory_space<hbm>> -> memref<1000x128xf32, #tpu.memory_space<hbm>>
        %dma_start3A_42 = arith.constant 0 : i32
        %dma_start3A_43 = tpu.memref_slice %arg14[%mul3A_35, %dma_start3A_42] : memref<10240x128xf32, #tpu.memory_space<vmem_shared>> -> memref<1000x128xf32, #tpu.memory_space<vmem_shared>>
        tpu.enqueue_dma source(%dma_start3A_43 : memref<1000x128xf32, #tpu.memory_space<vmem_shared>>) target(%dma_start3A_41 : memref<1000x128xf32, #tpu.memory_space<hbm>>) target_semaphore(%run_scoped3A : memref<!tpu.dma_semaphore, #tpu.memory_space<semaphore_mem>>)
        %dma_wait3A_44 = arith.constant 0 : i32
        %dma_wait3A_45 = arith.constant 0 : i32
        %dma_wait3A_46 = tpu.memref_slice %arg6[%arg0, %dma_wait3A_44, %dma_wait3A_45] : memref<2x10000x128xf32, #tpu.memory_space<hbm>> -> memref<1x10000x128xf32, #tpu.memory_space<hbm>>
        %dma_wait3A_47 = tpu.memref_squeeze %dma_wait3A_46 : memref<1x10000x128xf32, #tpu.memory_space<hbm>> -> memref<10000x128xf32, #tpu.memory_space<hbm>>
        %dma_wait3A_48 = arith.constant 0 : i32
        %dma_wait3A_49 = tpu.memref_slice %dma_wait3A_47[%mul3A_35, %dma_wait3A_48] : memref<10000x128xf32, #tpu.memory_space<hbm>> -> memref<1000x128xf32, #tpu.memory_space<hbm>>
        %dma_wait3A_50 = arith.constant 0 : i32
        %dma_wait3A_51 = tpu.memref_slice %arg14[%mul3A_35, %dma_wait3A_50] : memref<10240x128xf32, #tpu.memory_space<vmem_shared>> -> memref<1000x128xf32, #tpu.memory_space<vmem_shared>>
        tpu.wait_dma2 semaphore(%run_scoped3A : memref<!tpu.dma_semaphore, #tpu.memory_space<semaphore_mem>>) src(%dma_wait3A_51 : memref<1000x128xf32, #tpu.memory_space<vmem_shared>>) dst(%dma_wait3A_49 : memref<1000x128xf32, #tpu.memory_space<hbm>>)
        tpu.yield
      }) : () -> ()
    } else {
    }
    return
  }
}

module attributes {stable_mosaic.version = 14 : i64} {
  func.func @_edge_body(%arg0: i32, %arg1: memref<2048x3xf32, #tpu.memory_space<vmem>>, %arg2: memref<2048x128xf32, #tpu.memory_space<vmem>>, %arg3: memref<3x15xf32, #tpu.memory_space<vmem>>, %arg4: memref<3x15xf32, #tpu.memory_space<vmem>>, %arg5: memref<1920x128xbf16, #tpu.memory_space<vmem>>, %arg6: memref<2048x128xf32, #tpu.memory_space<vmem>>, %arg7: memref<2048x1920xbf16, #tpu.memory_space<vmem>>) attributes {dimension_semantics = [#tpu.dimension_semantics<arbitrary>], iteration_bounds = array<i64: 80>, scalar_prefetch = 0 : i64, scratch_operands = 1 : i64, tpu.core_type = #tpu.core_type<tc>, window_params = [{transform_indices = @transform_0, window_bounds = array<i64: 2048, 3>}, {transform_indices = @transform_1, window_bounds = array<i64: 2048, 128>}, {pipeline_mode = #tpu.pipeline_mode<synchronous>, transform_indices = @transform_2, window_bounds = array<i64: 3, 15>}, {pipeline_mode = #tpu.pipeline_mode<synchronous>, transform_indices = @transform_3, window_bounds = array<i64: 3, 15>}, {pipeline_mode = #tpu.pipeline_mode<synchronous>, transform_indices = @transform_4, window_bounds = array<i64: 1920, 128>}, {transform_indices = @transform_5, window_bounds = array<i64: 2048, 128>}]} {
    %broadcast_in_dim3A = arith.constant 0.000000e+00 : f32
    %broadcast_in_dim3A_0 = vector.broadcast %broadcast_in_dim3A : f32 to vector<2048x15xf32>
    %get3A = arith.constant 0 : index
    %get3A_1 = arith.constant 0 : index
    %get3A_2 = vector.load %arg1[%get3A, %get3A_1] : memref<2048x3xf32, #tpu.memory_space<vmem>>, vector<2048x1xf32>
    %get3A_3 = arith.constant 0 : index
    %get3A_4 = arith.constant 0 : index
    %get3A_5 = vector.load %arg3[%get3A_3, %get3A_4] : memref<3x15xf32, #tpu.memory_space<vmem>>, vector<1x15xf32>
    %sub3A = vector.broadcast %get3A_2 : vector<2048x1xf32> to vector<2048x15xf32>
    %sub3A_6 = vector.broadcast %get3A_5 : vector<1x15xf32> to vector<2048x15xf32>
    %sub3A_7 = arith.subf %sub3A, %sub3A_6 : vector<2048x15xf32>
    %mul3A = arith.mulf %sub3A_7, %sub3A_7 : vector<2048x15xf32>
    %get3A_8 = arith.constant 0 : index
    %get3A_9 = arith.constant 0 : index
    %get3A_10 = vector.load %arg4[%get3A_8, %get3A_9] : memref<3x15xf32, #tpu.memory_space<vmem>>, vector<1x15xf32>
    %mul3A_11 = vector.broadcast %get3A_10 : vector<1x15xf32> to vector<2048x15xf32>
    %mul3A_12 = arith.mulf %mul3A, %mul3A_11 : vector<2048x15xf32>
    %add3A = arith.addf %broadcast_in_dim3A_0, %mul3A_12 : vector<2048x15xf32>
    %get3A_13 = arith.constant 0 : index
    %get3A_14 = arith.constant 1 : index
    %get3A_15 = vector.load %arg1[%get3A_13, %get3A_14] : memref<2048x3xf32, #tpu.memory_space<vmem>>, vector<2048x1xf32>
    %get3A_16 = arith.constant 1 : index
    %get3A_17 = arith.constant 0 : index
    %get3A_18 = vector.load %arg3[%get3A_16, %get3A_17] : memref<3x15xf32, #tpu.memory_space<vmem>>, vector<1x15xf32>
    %sub3A_19 = vector.broadcast %get3A_15 : vector<2048x1xf32> to vector<2048x15xf32>
    %sub3A_20 = vector.broadcast %get3A_18 : vector<1x15xf32> to vector<2048x15xf32>
    %sub3A_21 = arith.subf %sub3A_19, %sub3A_20 : vector<2048x15xf32>
    %mul3A_22 = arith.mulf %sub3A_21, %sub3A_21 : vector<2048x15xf32>
    %get3A_23 = arith.constant 1 : index
    %get3A_24 = arith.constant 0 : index
    %get3A_25 = vector.load %arg4[%get3A_23, %get3A_24] : memref<3x15xf32, #tpu.memory_space<vmem>>, vector<1x15xf32>
    %mul3A_26 = vector.broadcast %get3A_25 : vector<1x15xf32> to vector<2048x15xf32>
    %mul3A_27 = arith.mulf %mul3A_22, %mul3A_26 : vector<2048x15xf32>
    %add3A_28 = arith.addf %add3A, %mul3A_27 : vector<2048x15xf32>
    %get3A_29 = arith.constant 0 : index
    %get3A_30 = arith.constant 2 : index
    %get3A_31 = vector.load %arg1[%get3A_29, %get3A_30] : memref<2048x3xf32, #tpu.memory_space<vmem>>, vector<2048x1xf32>
    %get3A_32 = arith.constant 2 : index
    %get3A_33 = arith.constant 0 : index
    %get3A_34 = vector.load %arg3[%get3A_32, %get3A_33] : memref<3x15xf32, #tpu.memory_space<vmem>>, vector<1x15xf32>
    %sub3A_35 = vector.broadcast %get3A_31 : vector<2048x1xf32> to vector<2048x15xf32>
    %sub3A_36 = vector.broadcast %get3A_34 : vector<1x15xf32> to vector<2048x15xf32>
    %sub3A_37 = arith.subf %sub3A_35, %sub3A_36 : vector<2048x15xf32>
    %mul3A_38 = arith.mulf %sub3A_37, %sub3A_37 : vector<2048x15xf32>
    %get3A_39 = arith.constant 2 : index
    %get3A_40 = arith.constant 0 : index
    %get3A_41 = vector.load %arg4[%get3A_39, %get3A_40] : memref<3x15xf32, #tpu.memory_space<vmem>>, vector<1x15xf32>
    %mul3A_42 = vector.broadcast %get3A_41 : vector<1x15xf32> to vector<2048x15xf32>
    %mul3A_43 = arith.mulf %mul3A_38, %mul3A_42 : vector<2048x15xf32>
    %add3A_44 = arith.addf %add3A_28, %mul3A_43 : vector<2048x15xf32>
    %exp3A = math.exp %add3A_44 : vector<2048x15xf32>
    %convert_element_type3A = arith.truncf %exp3A : vector<2048x15xf32> to vector<2048x15xbf16>
    %get3A_45 = arith.constant 0 : index
    %get3A_46 = arith.constant 0 : index
    %get3A_47 = vector.load %arg2[%get3A_45, %get3A_46] : memref<2048x128xf32, #tpu.memory_space<vmem>>, vector<2048x128xf32>
    %convert_element_type3A_48 = arith.truncf %get3A_47 : vector<2048x128xf32> to vector<2048x128xbf16>
    %slice3A = vector.extract_strided_slice %convert_element_type3A {offsets = [0, 0], sizes = [2048, 1], strides = [1, 1]} : vector<2048x15xbf16> to vector<2048x1xbf16>
    %mul3A_49 = vector.broadcast %slice3A : vector<2048x1xbf16> to vector<2048x128xbf16>
    %mul3A_50 = arith.mulf %convert_element_type3A_48, %mul3A_49 : vector<2048x128xbf16>
    %swap3A = arith.constant 0 : index
    %swap3A_51 = arith.constant 0 : index
    %swap3A_52 = vector.load %arg7[%swap3A, %swap3A_51] : memref<2048x1920xbf16, #tpu.memory_space<vmem>>, vector<2048x128xbf16>
    tpu.vector_store %arg7[%swap3A, %swap3A_51], %mul3A_50 {strides = array<i32>} : memref<2048x1920xbf16, #tpu.memory_space<vmem>>, vector<2048x128xbf16>,
    %slice3A_53 = vector.extract_strided_slice %convert_element_type3A {offsets = [0, 1], sizes = [2048, 1], strides = [1, 1]} : vector<2048x15xbf16> to vector<2048x1xbf16>
    %mul3A_54 = vector.broadcast %slice3A_53 : vector<2048x1xbf16> to vector<2048x128xbf16>
    %mul3A_55 = arith.mulf %convert_element_type3A_48, %mul3A_54 : vector<2048x128xbf16>
    %swap3A_56 = arith.constant 0 : index
    %swap3A_57 = arith.constant 128 : index
    %swap3A_58 = vector.load %arg7[%swap3A_56, %swap3A_57] : memref<2048x1920xbf16, #tpu.memory_space<vmem>>, vector<2048x128xbf16>
    tpu.vector_store %arg7[%swap3A_56, %swap3A_57], %mul3A_55 {strides = array<i32>} : memref<2048x1920xbf16, #tpu.memory_space<vmem>>, vector<2048x128xbf16>,
    %slice3A_59 = vector.extract_strided_slice %convert_element_type3A {offsets = [0, 2], sizes = [2048, 1], strides = [1, 1]} : vector<2048x15xbf16> to vector<2048x1xbf16>
    %mul3A_60 = vector.broadcast %slice3A_59 : vector<2048x1xbf16> to vector<2048x128xbf16>
    %mul3A_61 = arith.mulf %convert_element_type3A_48, %mul3A_60 : vector<2048x128xbf16>
    %swap3A_62 = arith.constant 0 : index
    %swap3A_63 = arith.constant 256 : index
    %swap3A_64 = vector.load %arg7[%swap3A_62, %swap3A_63] : memref<2048x1920xbf16, #tpu.memory_space<vmem>>, vector<2048x128xbf16>
    tpu.vector_store %arg7[%swap3A_62, %swap3A_63], %mul3A_61 {strides = array<i32>} : memref<2048x1920xbf16, #tpu.memory_space<vmem>>, vector<2048x128xbf16>,
    %slice3A_65 = vector.extract_strided_slice %convert_element_type3A {offsets = [0, 3], sizes = [2048, 1], strides = [1, 1]} : vector<2048x15xbf16> to vector<2048x1xbf16>
    %mul3A_66 = vector.broadcast %slice3A_65 : vector<2048x1xbf16> to vector<2048x128xbf16>
    %mul3A_67 = arith.mulf %convert_element_type3A_48, %mul3A_66 : vector<2048x128xbf16>
    %swap3A_68 = arith.constant 0 : index
    %swap3A_69 = arith.constant 384 : index
    %swap3A_70 = vector.load %arg7[%swap3A_68, %swap3A_69] : memref<2048x1920xbf16, #tpu.memory_space<vmem>>, vector<2048x128xbf16>
    tpu.vector_store %arg7[%swap3A_68, %swap3A_69], %mul3A_67 {strides = array<i32>} : memref<2048x1920xbf16, #tpu.memory_space<vmem>>, vector<2048x128xbf16>,
    %slice3A_71 = vector.extract_strided_slice %convert_element_type3A {offsets = [0, 4], sizes = [2048, 1], strides = [1, 1]} : vector<2048x15xbf16> to vector<2048x1xbf16>
    %mul3A_72 = vector.broadcast %slice3A_71 : vector<2048x1xbf16> to vector<2048x128xbf16>
    %mul3A_73 = arith.mulf %convert_element_type3A_48, %mul3A_72 : vector<2048x128xbf16>
    %swap3A_74 = arith.constant 0 : index
    %swap3A_75 = arith.constant 512 : index
    %swap3A_76 = vector.load %arg7[%swap3A_74, %swap3A_75] : memref<2048x1920xbf16, #tpu.memory_space<vmem>>, vector<2048x128xbf16>
    tpu.vector_store %arg7[%swap3A_74, %swap3A_75], %mul3A_73 {strides = array<i32>} : memref<2048x1920xbf16, #tpu.memory_space<vmem>>, vector<2048x128xbf16>,
    %slice3A_77 = vector.extract_strided_slice %convert_element_type3A {offsets = [0, 5], sizes = [2048, 1], strides = [1, 1]} : vector<2048x15xbf16> to vector<2048x1xbf16>
    %mul3A_78 = vector.broadcast %slice3A_77 : vector<2048x1xbf16> to vector<2048x128xbf16>
    %mul3A_79 = arith.mulf %convert_element_type3A_48, %mul3A_78 : vector<2048x128xbf16>
    %swap3A_80 = arith.constant 0 : index
    %swap3A_81 = arith.constant 640 : index
    %swap3A_82 = vector.load %arg7[%swap3A_80, %swap3A_81] : memref<2048x1920xbf16, #tpu.memory_space<vmem>>, vector<2048x128xbf16>
    tpu.vector_store %arg7[%swap3A_80, %swap3A_81], %mul3A_79 {strides = array<i32>} : memref<2048x1920xbf16, #tpu.memory_space<vmem>>, vector<2048x128xbf16>,
    %slice3A_83 = vector.extract_strided_slice %convert_element_type3A {offsets = [0, 6], sizes = [2048, 1], strides = [1, 1]} : vector<2048x15xbf16> to vector<2048x1xbf16>
    %mul3A_84 = vector.broadcast %slice3A_83 : vector<2048x1xbf16> to vector<2048x128xbf16>
    %mul3A_85 = arith.mulf %convert_element_type3A_48, %mul3A_84 : vector<2048x128xbf16>
    %swap3A_86 = arith.constant 0 : index
    %swap3A_87 = arith.constant 768 : index
    %swap3A_88 = vector.load %arg7[%swap3A_86, %swap3A_87] : memref<2048x1920xbf16, #tpu.memory_space<vmem>>, vector<2048x128xbf16>
    tpu.vector_store %arg7[%swap3A_86, %swap3A_87], %mul3A_85 {strides = array<i32>} : memref<2048x1920xbf16, #tpu.memory_space<vmem>>, vector<2048x128xbf16>,
    %slice3A_89 = vector.extract_strided_slice %convert_element_type3A {offsets = [0, 7], sizes = [2048, 1], strides = [1, 1]} : vector<2048x15xbf16> to vector<2048x1xbf16>
    %mul3A_90 = vector.broadcast %slice3A_89 : vector<2048x1xbf16> to vector<2048x128xbf16>
    %mul3A_91 = arith.mulf %convert_element_type3A_48, %mul3A_90 : vector<2048x128xbf16>
    %swap3A_92 = arith.constant 0 : index
    %swap3A_93 = arith.constant 896 : index
    %swap3A_94 = vector.load %arg7[%swap3A_92, %swap3A_93] : memref<2048x1920xbf16, #tpu.memory_space<vmem>>, vector<2048x128xbf16>
    tpu.vector_store %arg7[%swap3A_92, %swap3A_93], %mul3A_91 {strides = array<i32>} : memref<2048x1920xbf16, #tpu.memory_space<vmem>>, vector<2048x128xbf16>,
    %slice3A_95 = vector.extract_strided_slice %convert_element_type3A {offsets = [0, 8], sizes = [2048, 1], strides = [1, 1]} : vector<2048x15xbf16> to vector<2048x1xbf16>
    %mul3A_96 = vector.broadcast %slice3A_95 : vector<2048x1xbf16> to vector<2048x128xbf16>
    %mul3A_97 = arith.mulf %convert_element_type3A_48, %mul3A_96 : vector<2048x128xbf16>
    %swap3A_98 = arith.constant 0 : index
    %swap3A_99 = arith.constant 1024 : index
    %swap3A_100 = vector.load %arg7[%swap3A_98, %swap3A_99] : memref<2048x1920xbf16, #tpu.memory_space<vmem>>, vector<2048x128xbf16>
    tpu.vector_store %arg7[%swap3A_98, %swap3A_99], %mul3A_97 {strides = array<i32>} : memref<2048x1920xbf16, #tpu.memory_space<vmem>>, vector<2048x128xbf16>,
    %slice3A_101 = vector.extract_strided_slice %convert_element_type3A {offsets = [0, 9], sizes = [2048, 1], strides = [1, 1]} : vector<2048x15xbf16> to vector<2048x1xbf16>
    %mul3A_102 = vector.broadcast %slice3A_101 : vector<2048x1xbf16> to vector<2048x128xbf16>
    %mul3A_103 = arith.mulf %convert_element_type3A_48, %mul3A_102 : vector<2048x128xbf16>
    %swap3A_104 = arith.constant 0 : index
    %swap3A_105 = arith.constant 1152 : index
    %swap3A_106 = vector.load %arg7[%swap3A_104, %swap3A_105] : memref<2048x1920xbf16, #tpu.memory_space<vmem>>, vector<2048x128xbf16>
    tpu.vector_store %arg7[%swap3A_104, %swap3A_105], %mul3A_103 {strides = array<i32>} : memref<2048x1920xbf16, #tpu.memory_space<vmem>>, vector<2048x128xbf16>,
    %slice3A_107 = vector.extract_strided_slice %convert_element_type3A {offsets = [0, 10], sizes = [2048, 1], strides = [1, 1]} : vector<2048x15xbf16> to vector<2048x1xbf16>
    %mul3A_108 = vector.broadcast %slice3A_107 : vector<2048x1xbf16> to vector<2048x128xbf16>
    %mul3A_109 = arith.mulf %convert_element_type3A_48, %mul3A_108 : vector<2048x128xbf16>
    %swap3A_110 = arith.constant 0 : index
    %swap3A_111 = arith.constant 1280 : index
    %swap3A_112 = vector.load %arg7[%swap3A_110, %swap3A_111] : memref<2048x1920xbf16, #tpu.memory_space<vmem>>, vector<2048x128xbf16>
    tpu.vector_store %arg7[%swap3A_110, %swap3A_111], %mul3A_109 {strides = array<i32>} : memref<2048x1920xbf16, #tpu.memory_space<vmem>>, vector<2048x128xbf16>,
    %slice3A_113 = vector.extract_strided_slice %convert_element_type3A {offsets = [0, 11], sizes = [2048, 1], strides = [1, 1]} : vector<2048x15xbf16> to vector<2048x1xbf16>
    %mul3A_114 = vector.broadcast %slice3A_113 : vector<2048x1xbf16> to vector<2048x128xbf16>
    %mul3A_115 = arith.mulf %convert_element_type3A_48, %mul3A_114 : vector<2048x128xbf16>
    %swap3A_116 = arith.constant 0 : index
    %swap3A_117 = arith.constant 1408 : index
    %swap3A_118 = vector.load %arg7[%swap3A_116, %swap3A_117] : memref<2048x1920xbf16, #tpu.memory_space<vmem>>, vector<2048x128xbf16>
    tpu.vector_store %arg7[%swap3A_116, %swap3A_117], %mul3A_115 {strides = array<i32>} : memref<2048x1920xbf16, #tpu.memory_space<vmem>>, vector<2048x128xbf16>,
    %slice3A_119 = vector.extract_strided_slice %convert_element_type3A {offsets = [0, 12], sizes = [2048, 1], strides = [1, 1]} : vector<2048x15xbf16> to vector<2048x1xbf16>
    %mul3A_120 = vector.broadcast %slice3A_119 : vector<2048x1xbf16> to vector<2048x128xbf16>
    %mul3A_121 = arith.mulf %convert_element_type3A_48, %mul3A_120 : vector<2048x128xbf16>
    %swap3A_122 = arith.constant 0 : index
    %swap3A_123 = arith.constant 1536 : index
    %swap3A_124 = vector.load %arg7[%swap3A_122, %swap3A_123] : memref<2048x1920xbf16, #tpu.memory_space<vmem>>, vector<2048x128xbf16>
    tpu.vector_store %arg7[%swap3A_122, %swap3A_123], %mul3A_121 {strides = array<i32>} : memref<2048x1920xbf16, #tpu.memory_space<vmem>>, vector<2048x128xbf16>,
    %slice3A_125 = vector.extract_strided_slice %convert_element_type3A {offsets = [0, 13], sizes = [2048, 1], strides = [1, 1]} : vector<2048x15xbf16> to vector<2048x1xbf16>
    %mul3A_126 = vector.broadcast %slice3A_125 : vector<2048x1xbf16> to vector<2048x128xbf16>
    %mul3A_127 = arith.mulf %convert_element_type3A_48, %mul3A_126 : vector<2048x128xbf16>
    %swap3A_128 = arith.constant 0 : index
    %swap3A_129 = arith.constant 1664 : index
    %swap3A_130 = vector.load %arg7[%swap3A_128, %swap3A_129] : memref<2048x1920xbf16, #tpu.memory_space<vmem>>, vector<2048x128xbf16>
    tpu.vector_store %arg7[%swap3A_128, %swap3A_129], %mul3A_127 {strides = array<i32>} : memref<2048x1920xbf16, #tpu.memory_space<vmem>>, vector<2048x128xbf16>,
    %slice3A_131 = vector.extract_strided_slice %convert_element_type3A {offsets = [0, 14], sizes = [2048, 1], strides = [1, 1]} : vector<2048x15xbf16> to vector<2048x1xbf16>
    %mul3A_132 = vector.broadcast %slice3A_131 : vector<2048x1xbf16> to vector<2048x128xbf16>
    %mul3A_133 = arith.mulf %convert_element_type3A_48, %mul3A_132 : vector<2048x128xbf16>
    %swap3A_134 = arith.constant 0 : index
    %swap3A_135 = arith.constant 1792 : index
    %swap3A_136 = vector.load %arg7[%swap3A_134, %swap3A_135] : memref<2048x1920xbf16, #tpu.memory_space<vmem>>, vector<2048x128xbf16>
    tpu.vector_store %arg7[%swap3A_134, %swap3A_135], %mul3A_133 {strides = array<i32>} : memref<2048x1920xbf16, #tpu.memory_space<vmem>>, vector<2048x128xbf16>,
    %get3A_137 = arith.constant 0 : index
    %get3A_138 = arith.constant 0 : index
    %get3A_139 = vector.load %arg7[%get3A_137, %get3A_138] : memref<2048x1920xbf16, #tpu.memory_space<vmem>>, vector<2048x1920xbf16>
    %get3A_140 = arith.constant 0 : index
    %get3A_141 = arith.constant 0 : index
    %get3A_142 = vector.load %arg5[%get3A_140, %get3A_141] : memref<1920x128xbf16, #tpu.memory_space<vmem>>, vector<1920x128xbf16>
    %dot_general3A = arith.constant dense<0.000000e+00> : vector<2048x128xf32>
    %dot_general3A_143 = tpu.matmul %get3A_139, %get3A_142, %dot_general3A {dimension_numbers = #tpu.dot_dimension_numbers<[1], [0], [0], [1], [0, 0, 1, 1], [], []>, transpose_lhs_hint = false} : vector<2048x1920xbf16>, vector<1920x128xbf16>, vector<2048x128xf32> -> vector<2048x128xf32>
    %swap3A_144 = arith.constant 0 : index
    %swap3A_145 = arith.constant 0 : index
    %swap3A_146 = vector.load %arg6[%swap3A_144, %swap3A_145] : memref<2048x128xf32, #tpu.memory_space<vmem>>, vector<2048x128xf32>
    tpu.vector_store %arg6[%swap3A_144, %swap3A_145], %dot_general3A_143 {strides = array<i32>} : memref<2048x128xf32, #tpu.memory_space<vmem>>, vector<2048x128xf32>,
    return
  }
  func.func @transform_0(%arg0: i32) -> (i32, i32) {
    %c0_i32 = arith.constant 0 : i32
    %c0_i32_0 = arith.constant 0 : i32
    return %arg0, %c0_i32 : i32, i32
  }
  func.func @transform_1(%arg0: i32) -> (i32, i32) {
    %c0_i32 = arith.constant 0 : i32
    %c0_i32_0 = arith.constant 0 : i32
    return %arg0, %c0_i32 : i32, i32
  }
  func.func @transform_2(%arg0: i32) -> (i32, i32) {
    %c0_i32 = arith.constant 0 : i32
    %c0_i32_0 = arith.constant 0 : i32
    %c0_i32_1 = arith.constant 0 : i32
    return %c0_i32, %c0_i32_0 : i32, i32
  }
  func.func @transform_3(%arg0: i32) -> (i32, i32) {
    %c0_i32 = arith.constant 0 : i32
    %c0_i32_0 = arith.constant 0 : i32
    %c0_i32_1 = arith.constant 0 : i32
    return %c0_i32, %c0_i32_0 : i32, i32
  }
  func.func @transform_4(%arg0: i32) -> (i32, i32) {
    %c0_i32 = arith.constant 0 : i32
    %c0_i32_0 = arith.constant 0 : i32
    %c0_i32_1 = arith.constant 0 : i32
    return %c0_i32, %c0_i32_0 : i32, i32
  }
  func.func @transform_5(%arg0: i32) -> (i32, i32) {
    %c0_i32 = arith.constant 0 : i32
    %c0_i32_0 = arith.constant 0 : i32
    return %arg0, %c0_i32 : i32, i32
  }
}

module attributes {stable_mosaic.version = 14 : i64} {
  func.func @_node_body(%arg0: memref<2x10000x128xf32, #tpu.memory_space<vmem>>, %arg1: memref<10000x1xf32, #tpu.memory_space<vmem>>, %arg2: memref<10000x128xf32, #tpu.memory_space<vmem>>, %arg3: memref<128x128xf32, #tpu.memory_space<vmem>>, %arg4: memref<1x128xf32, #tpu.memory_space<vmem>>, %arg5: memref<1x128xf32, #tpu.memory_space<vmem>>, %arg6: memref<1x128xf32, #tpu.memory_space<vmem>>, %arg7: memref<10000x128xf32, #tpu.memory_space<vmem>>) attributes {dimension_semantics = [], scalar_prefetch = 0 : i64, scratch_operands = 0 : i64, tpu.core_type = #tpu.core_type<tc>} {
    %get3A = arith.constant 0 : index
    %get3A_0 = arith.constant 0 : index
    %get3A_1 = arith.constant 0 : index
    %get3A_2 = vector.load %arg0[%get3A, %get3A_0, %get3A_1] : memref<2x10000x128xf32, #tpu.memory_space<vmem>>, vector<1x10000x128xf32>
    %get3A_3 = vector.shape_cast %get3A_2 : vector<1x10000x128xf32> to vector<10000x128xf32>
    %get3A_4 = arith.constant 1 : index
    %get3A_5 = arith.constant 0 : index
    %get3A_6 = arith.constant 0 : index
    %get3A_7 = vector.load %arg0[%get3A_4, %get3A_5, %get3A_6] : memref<2x10000x128xf32, #tpu.memory_space<vmem>>, vector<1x10000x128xf32>
    %get3A_8 = vector.shape_cast %get3A_7 : vector<1x10000x128xf32> to vector<10000x128xf32>
    %add3A = arith.addf %get3A_3, %get3A_8 : vector<10000x128xf32>
    %get3A_9 = arith.constant 0 : index
    %get3A_10 = arith.constant 0 : index
    %get3A_11 = vector.load %arg1[%get3A_9, %get3A_10] : memref<10000x1xf32, #tpu.memory_space<vmem>>, vector<10000x1xf32>
    %max3A = arith.constant 1.000000e+00 : f32
    %max3A_12 = vector.broadcast %max3A : f32 to vector<10000x1xf32>
    %max3A_13 = arith.maximumf %get3A_11, %max3A_12 : vector<10000x1xf32>
    %div3A = vector.broadcast %max3A_13 : vector<10000x1xf32> to vector<10000x128xf32>
    %div3A_14 = arith.divf %add3A, %div3A : vector<10000x128xf32>
    %get3A_15 = arith.constant 0 : index
    %get3A_16 = arith.constant 0 : index
    %get3A_17 = vector.load %arg2[%get3A_15, %get3A_16] : memref<10000x128xf32, #tpu.memory_space<vmem>>, vector<10000x128xf32>
    %get3A_18 = arith.constant 0 : index
    %get3A_19 = arith.constant 0 : index
    %get3A_20 = vector.load %arg3[%get3A_18, %get3A_19] : memref<128x128xf32, #tpu.memory_space<vmem>>, vector<128x128xf32>
    %dot_general3A = arith.constant dense<0.000000e+00> : vector<10000x128xf32>
    %dot_general3A_21 = tpu.matmul %get3A_17, %get3A_20, %dot_general3A {dimension_numbers = #tpu.dot_dimension_numbers<[1], [0], [0], [1], [0, 0, 1, 1], [], []>, transpose_lhs_hint = false} : vector<10000x128xf32>, vector<128x128xf32>, vector<10000x128xf32> -> vector<10000x128xf32>
    %add3A_22 = arith.addf %div3A_14, %dot_general3A_21 : vector<10000x128xf32>
    %get3A_23 = arith.constant 0 : index
    %get3A_24 = arith.constant 0 : index
    %get3A_25 = vector.load %arg4[%get3A_23, %get3A_24] : memref<1x128xf32, #tpu.memory_space<vmem>>, vector<1x128xf32>
    %add3A_26 = vector.broadcast %get3A_25 : vector<1x128xf32> to vector<10000x128xf32>
    %add3A_27 = arith.addf %add3A_22, %add3A_26 : vector<10000x128xf32>
    %gt3A = arith.constant 0.000000e+00 : f32
    %gt3A_28 = vector.broadcast %gt3A : f32 to vector<10000x128xf32>
    %gt3A_29 = arith.cmpf ogt, %add3A_27, %gt3A_28 : vector<10000x128xf32>
    %exp3A = math.exp %add3A_27 : vector<10000x128xf32>
    %sub3A = arith.constant 1.000000e+00 : f32
    %sub3A_30 = vector.broadcast %sub3A : f32 to vector<10000x128xf32>
    %sub3A_31 = arith.subf %exp3A, %sub3A_30 : vector<10000x128xf32>
    %select_n3A = arith.select %gt3A_29, %add3A_27, %sub3A_31 : vector<10000x128xi1>, vector<10000x128xf32>
    %reduce_sum3A = arith.constant dense<0.000000e+00> : vector<128xf32>
    %reduce_sum3A_32 = vector.multi_reduction <add>, %select_n3A, %reduce_sum3A [0] : vector<10000x128xf32> to vector<128xf32>
    %broadcast_in_dim3A = vector.shape_cast %reduce_sum3A_32 : vector<128xf32> to vector<1x128xf32>
    %div3A_33 = arith.constant 1.000000e+04 : f32
    %div3A_34 = vector.broadcast %div3A_33 : f32 to vector<1x128xf32>
    %div3A_35 = arith.divf %broadcast_in_dim3A, %div3A_34 : vector<1x128xf32>
    %sub3A_36 = vector.broadcast %div3A_35 : vector<1x128xf32> to vector<10000x128xf32>
    %sub3A_37 = arith.subf %select_n3A, %sub3A_36 : vector<10000x128xf32>
    %mul3A = arith.mulf %sub3A_37, %sub3A_37 : vector<10000x128xf32>
    %reduce_sum3A_38 = arith.constant dense<0.000000e+00> : vector<128xf32>
    %reduce_sum3A_39 = vector.multi_reduction <add>, %mul3A, %reduce_sum3A_38 [0] : vector<10000x128xf32> to vector<128xf32>
    %broadcast_in_dim3A_40 = vector.shape_cast %reduce_sum3A_39 : vector<128xf32> to vector<1x128xf32>
    %div3A_41 = arith.constant 1.000000e+04 : f32
    %div3A_42 = vector.broadcast %div3A_41 : f32 to vector<1x128xf32>
    %div3A_43 = arith.divf %broadcast_in_dim3A_40, %div3A_42 : vector<1x128xf32>
    %add3A_44 = arith.constant 9.99999974E-6 : f32
    %add3A_45 = vector.broadcast %add3A_44 : f32 to vector<1x128xf32>
    %add3A_46 = arith.addf %div3A_43, %add3A_45 : vector<1x128xf32>
    %sqrt3A = math.sqrt %add3A_46 : vector<1x128xf32>
    %div3A_47 = vector.broadcast %sqrt3A : vector<1x128xf32> to vector<10000x128xf32>
    %div3A_48 = arith.divf %sub3A_37, %div3A_47 : vector<10000x128xf32>
    %get3A_49 = arith.constant 0 : index
    %get3A_50 = arith.constant 0 : index
    %get3A_51 = vector.load %arg5[%get3A_49, %get3A_50] : memref<1x128xf32, #tpu.memory_space<vmem>>, vector<1x128xf32>
    %mul3A_52 = vector.broadcast %get3A_51 : vector<1x128xf32> to vector<10000x128xf32>
    %mul3A_53 = arith.mulf %div3A_48, %mul3A_52 : vector<10000x128xf32>
    %get3A_54 = arith.constant 0 : index
    %get3A_55 = arith.constant 0 : index
    %get3A_56 = vector.load %arg6[%get3A_54, %get3A_55] : memref<1x128xf32, #tpu.memory_space<vmem>>, vector<1x128xf32>
    %add3A_57 = vector.broadcast %get3A_56 : vector<1x128xf32> to vector<10000x128xf32>
    %add3A_58 = arith.addf %mul3A_53, %add3A_57 : vector<10000x128xf32>
    %swap3A = arith.constant 0 : index
    %swap3A_59 = arith.constant 0 : index
    %swap3A_60 = vector.load %arg7[%swap3A, %swap3A_59] : memref<10000x128xf32, #tpu.memory_space<vmem>>, vector<10000x128xf32>
    tpu.vector_store %arg7[%swap3A, %swap3A_59], %add3A_58 {strides = array<i32>} : memref<10000x128xf32, #tpu.memory_space<vmem>>, vector<10000x128xf32>,
    return
  }
}

module attributes {stable_mosaic.version = 14 : i64} {
  func.func @_node_body(%arg0: memref<2x10000x128xf32, #tpu.memory_space<vmem>>, %arg1: memref<10000x1xf32, #tpu.memory_space<vmem>>, %arg2: memref<10000x128xf32, #tpu.memory_space<vmem>>, %arg3: memref<128x128xf32, #tpu.memory_space<vmem>>, %arg4: memref<1x128xf32, #tpu.memory_space<vmem>>, %arg5: memref<1x128xf32, #tpu.memory_space<vmem>>, %arg6: memref<1x128xf32, #tpu.memory_space<vmem>>, %arg7: memref<10000x128xf32, #tpu.memory_space<vmem>>) attributes {dimension_semantics = [], scalar_prefetch = 0 : i64, scratch_operands = 0 : i64, tpu.core_type = #tpu.core_type<tc>} {
    %get3A = arith.constant 0 : index
    %get3A_0 = arith.constant 0 : index
    %get3A_1 = arith.constant 0 : index
    %get3A_2 = vector.load %arg0[%get3A, %get3A_0, %get3A_1] : memref<2x10000x128xf32, #tpu.memory_space<vmem>>, vector<1x10000x128xf32>
    %get3A_3 = vector.shape_cast %get3A_2 : vector<1x10000x128xf32> to vector<10000x128xf32>
    %get3A_4 = arith.constant 1 : index
    %get3A_5 = arith.constant 0 : index
    %get3A_6 = arith.constant 0 : index
    %get3A_7 = vector.load %arg0[%get3A_4, %get3A_5, %get3A_6] : memref<2x10000x128xf32, #tpu.memory_space<vmem>>, vector<1x10000x128xf32>
    %get3A_8 = vector.shape_cast %get3A_7 : vector<1x10000x128xf32> to vector<10000x128xf32>
    %add3A = arith.addf %get3A_3, %get3A_8 : vector<10000x128xf32>
    %get3A_9 = arith.constant 0 : index
    %get3A_10 = arith.constant 0 : index
    %get3A_11 = vector.load %arg1[%get3A_9, %get3A_10] : memref<10000x1xf32, #tpu.memory_space<vmem>>, vector<10000x1xf32>
    %max3A = arith.constant 1.000000e+00 : f32
    %max3A_12 = vector.broadcast %max3A : f32 to vector<10000x1xf32>
    %max3A_13 = arith.maximumf %get3A_11, %max3A_12 : vector<10000x1xf32>
    %div3A = vector.broadcast %max3A_13 : vector<10000x1xf32> to vector<10000x128xf32>
    %div3A_14 = arith.divf %add3A, %div3A : vector<10000x128xf32>
    %get3A_15 = arith.constant 0 : index
    %get3A_16 = arith.constant 0 : index
    %get3A_17 = vector.load %arg2[%get3A_15, %get3A_16] : memref<10000x128xf32, #tpu.memory_space<vmem>>, vector<10000x128xf32>
    %get3A_18 = arith.constant 0 : index
    %get3A_19 = arith.constant 0 : index
    %get3A_20 = vector.load %arg3[%get3A_18, %get3A_19] : memref<128x128xf32, #tpu.memory_space<vmem>>, vector<128x128xf32>
    %dot_general3A = arith.constant dense<0.000000e+00> : vector<10000x128xf32>
    %dot_general3A_21 = tpu.matmul %get3A_17, %get3A_20, %dot_general3A {dimension_numbers = #tpu.dot_dimension_numbers<[1], [0], [0], [1], [0, 0, 1, 1], [], []>, transpose_lhs_hint = false} : vector<10000x128xf32>, vector<128x128xf32>, vector<10000x128xf32> -> vector<10000x128xf32>
    %add3A_22 = arith.addf %div3A_14, %dot_general3A_21 : vector<10000x128xf32>
    %get3A_23 = arith.constant 0 : index
    %get3A_24 = arith.constant 0 : index
    %get3A_25 = vector.load %arg4[%get3A_23, %get3A_24] : memref<1x128xf32, #tpu.memory_space<vmem>>, vector<1x128xf32>
    %add3A_26 = vector.broadcast %get3A_25 : vector<1x128xf32> to vector<10000x128xf32>
    %add3A_27 = arith.addf %add3A_22, %add3A_26 : vector<10000x128xf32>
    %swap3A = arith.constant 0 : index
    %swap3A_28 = arith.constant 0 : index
    %swap3A_29 = vector.load %arg7[%swap3A, %swap3A_28] : memref<10000x128xf32, #tpu.memory_space<vmem>>, vector<10000x128xf32>
    tpu.vector_store %arg7[%swap3A, %swap3A_28], %add3A_27 {strides = array<i32>} : memref<10000x128xf32, #tpu.memory_space<vmem>>, vector<10000x128xf32>,
    return
  }
}

</mosaic_0001>

<sc_bundles>
// kernel: kernel.18.cloned.1.call-start
scs
__scs_entry_jumppad:
0x0: {  	(pc) =	sbr.rel $0x88, $3  }
0x1: {  	(tag) =	ssettag $0x0;
	lr =	simm.s32 $0x1  }
0x2: {  	[smem:$0x3F84] =	sst lr;
	_ =	strace $0xD0000000  }
0x3: {  	_ = 	snop  }
0x4: {  	_ = 	snop  }
0x5: {  	_ = 	snop  }
0x6: {  	_ = 	snop  }
0x7: {  	_ = 	snop  }
__scs_overlays_trampoline_lowered:
0x8: {  	[smem:$0x3F93] =	sst s0  }
0x9: {  	[smem:$0x3F94] =	sst s1  }
0xa: {  	[smem:$0x3F95] =	sst s2  }
0xb: {  	[smem:$0x3F96] =	sst s3  }
0xc: {  	[smem:$0x3F97] =	sst s4  }
0xd: {  	[smem:$0x3F98] =	sst s5  }
0xe: {  	[smem:$0x3F99] =	sst s6  }
0xf: {  	[smem:$0x3F9A] =	sst s7  }
0x10: {  	[smem:$0x3F9B] =	sst s8  }
0x11: {  	[smem:$0x3F9C] =	sst s9;
	s0 =	simm.s32 @!p0 $0x0  }
0x12: {  	s1 =	sld [smem:$0x3F82];
	s0 =	simm.s32 @p0 $0x1  }
0x13: {  	[smem:$0x3F9D] =	sst s0;
	s0 =	simm.s32 @!p1 $0x0  }
0x14: {  	s2 =	sld [smem:$0x3F81];
	s0 =	simm.s32 @p1 $0x1  }
0x15: {  	[smem:$0x3F9E] =	sst s0;
	s0 =	simm.s32 @!p2 $0x0  }
0x16: {  	s3 =	sld [smem:$0x3FDB];
	s0 =	simm.s32 @p2 $0x1  }
0x17: {  	s4 =	simm.s32 $0x1BF5;
	[smem:$0x3FA0] =	sst s0  }
0x18: {  	s0 =	sld [smem:$0x3F83];
	_ =	swait.ge [sflag:s4], $0x0  }
0x19: {  	s7 =	sld [smem:$0x3F84]  }
0x1a: {  	s8 =	sadd.s32 $0xFFFFE003, lr  }
0x1b: {  	s9 =	sadd.s32 $0xFFFFFEF7, lr;
	s5 =	simm.s32 $0xFFFFFFFF;
	p2 =	slt.u32 s8, $0xFFFFF086  }
0x1c: {  	p1 =	slt.u32 s9, $0xF7A;
	s5 =	simm.s32 @!p2 $0x0  }
0x1d: {  	s5 =	simm.s32 @p1 $0x1;
	p0 =	seq.s32 s7, s2  }
0x1e: {  	s7 =	smul.u32 @!p0 $0xF7A, s2;
	p2 =	seq.s32 @!p0 s5, $0x0  }
0x1f: {  	s9 =	smul.u32 $0xF7A, s1;
	s8 =	simm.s32 @!p0 $0x1BF5;
	p2 =	por !p2, p0  }
0x20: {  	[sflag:s8] =	ssyncset.s32 @!p0 $0xFFFFF086;
	s6 =	sadd.s32 @!p0 s3, s7;
	s7 =	simm.s32 @!p0 $0x108  }
0x21: {  	s3 =	sadd.s32 s3, s9;
	s6 =	sadd.s32 @!p0 $0x88, s6;
	s7 =	simm.s32 @p2 $0x1082  }
0x22: {  	[simem:s7], [sflag:s8] =	dma.local @!p0 [hbm:s6], $0xF7A  }
0x23: {  	s9 =	sor.u32 $0xD0000000, s2;
	s6 =	simm.s32 $0x108;
	_ =	swait.ge @!p0 [sflag:s8], $0x0  }
0x24: {  	s3 =	sadd.s32 $0x88, s3;
	s6 =	simm.s32 @!p1 $0x1082;
	[sflag:s4] =	ssyncset.s32 $0xFFFFF086  }
0x25: {  	[simem:s6], [sflag:s4] =	dma.local [hbm:s3], $0xF7A  }
0x26: {  	[smem:$0x3F84] =	sst s1;
	(tag) =	ssettag s2;
	_ =	strace s9  }
0x27: {  	s1 =	sld [smem:$0x3F94]  }
0x28: {  	s2 =	sld [smem:$0x3F95]  }
0x29: {  	s4 =	sld [smem:$0x3F97]  }
0x2a: {  	p0 =	seq.s32 s5, $0x0;
	s5 =	sld [smem:$0x3F98]  }
0x2b: {  	s6 =	sld [smem:$0x3F99]  }
0x2c: {  	s7 =	sld [smem:$0x3F9A]  }
0x2d: {  	s3 =	simm.s32 $0x108;
	s8 =	sld [smem:$0x3F9B]  }
0x2e: {  	s3 =	simm.s32 @!p0 $0x1082;
	s9 =	sld [smem:$0x3F9C]  }
0x2f: {  	lr =	sadd.s32 s0, s3;
	s0 =	sld [smem:$0x3F93]  }
0x30: {  	s3 =	sld [smem:$0x3F96]  }
0x31: {  	[smem:$0x3F9F] =	sst s10  }
0x32: {  	s10 =	sld [smem:$0x3F9D];
	_ =	sdelay $0x3  }
0x33: {  	p0 =	seq.s32 s10, $0x1;
	s10 =	sld [smem:$0x3F9F];
	_ =	sdelay $0x3  }
0x34: {  	[smem:$0x3F9F] =	sst s10  }
0x35: {  	s10 =	sld [smem:$0x3F9E];
	_ =	sdelay $0x3  }
0x36: {  	p1 =	seq.s32 s10, $0x1;
	s10 =	sld [smem:$0x3F9F];
	_ =	sdelay $0x3  }
0x37: {  	[smem:$0x3F9F] =	sst s10  }
0x38: {  	s10 =	sld [smem:$0x3FA0]  }
0x39: {  	_ = 	snop;
	(pc) =	sbr.ind lr, $3  }
0x3a: {  	_ = 	snop  }
0x3b: {  	_ = 	snop  }
0x3c: {  	p2 =	seq.s32 s10, $0x1;
	s10 =	sld [smem:$0x3F9F]  }
0x3d: {  	_ =	shalt  }
0x3e: {  	_ =	shalt  }
0x3f: {  	_ =	shalt  }
0x40: {  	_ =	shalt  }
0x41: {  	_ =	shalt  }
0x42: {  	_ =	shalt  }
0x43: {  	_ =	shalt  }
0x44: {  	_ =	shalt  }
0x45: {  	_ =	shalt  }
0x46: {  	_ =	shalt  }
0x47: {  	_ =	shalt  }
0x48: {  	_ =	shalt  }
0x49: {  	_ =	shalt  }
0x4a: {  	_ =	shalt  }
0x4b: {  	_ =	shalt  }
0x4c: {  	_ =	shalt  }
0x4d: {  	_ =	shalt  }
0x4e: {  	_ =	shalt  }
0x4f: {  	_ =	shalt  }
0x50: {  	_ =	shalt  }
0x51: {  	_ =	shalt  }
0x52: {  	_ =	shalt  }
0x53: {  	_ =	shalt  }
0x54: {  	_ =	shalt  }
0x55: {  	_ =	shalt  }
0x56: {  	_ =	shalt  }
0x57: {  	_ =	shalt  }
0x58: {  	_ =	shalt  }
0x59: {  	_ =	shalt  }
0x5a: {  	_ =	shalt  }
0x5b: {  	_ =	shalt  }
0x5c: {  	_ =	shalt  }
0x5d: {  	_ =	shalt  }
0x5e: {  	_ =	shalt  }
0x5f: {  	_ =	shalt  }
0x60: {  	_ =	shalt  }
0x61: {  	_ =	shalt  }
0x62: {  	_ =	shalt  }
0x63: {  	_ =	shalt  }
0x64: {  	_ =	shalt  }
0x65: {  	_ =	shalt  }
0x66: {  	_ =	shalt  }
0x67: {  	_ =	shalt  }
0x68: {  	_ =	shalt  }
0x69: {  	_ =	shalt  }
0x6a: {  	_ =	shalt  }
0x6b: {  	_ =	shalt  }
0x6c: {  	_ =	shalt  }
0x6d: {  	_ =	shalt  }
0x6e: {  	_ =	shalt  }
0x6f: {  	_ =	shalt  }
0x70: {  	_ =	shalt  }
0x71: {  	_ =	shalt  }
0x72: {  	_ =	shalt  }
0x73: {  	_ =	shalt  }
0x74: {  	_ =	shalt  }
0x75: {  	_ =	shalt  }
0x76: {  	_ =	shalt  }
0x77: {  	_ =	shalt  }
0x78: {  	_ =	shalt  }
0x79: {  	_ =	shalt  }
0x7a: {  	_ =	shalt  }
0x7b: {  	_ =	shalt  }
0x7c: {  	_ =	shalt  }
0x7d: {  	_ =	shalt  }
0x7e: {  	_ =	shalt  }
0x7f: {  	_ =	shalt  }
0x80: {  	_ =	shalt  }
0x81: {  	_ =	shalt  }
0x82: {  	_ =	shalt  }
0x83: {  	_ =	shalt  }
0x84: {  	_ =	shalt  }
0x85: {  	_ =	shalt  }
0x86: {  	_ =	shalt  }
0x87: {  	_ =	shalt  }
.Lfunc_end0:
.L_simem_size_0:
called_computation_lowered:
.L_overlay_start_0:
0x88: {  	s2 =	sld [smem:$0x3FD9]  }
0x89: {  	s3 =	sld [smem:$0x3FFE];
	_ =	sdelay $0x1  }
0x8a: {  	s1 =	srdreg.scid  }
0x8b: {  	s0 =	sand.u32 $0x1, s1  }
0x8c: {  	s17 =	sshll.u32 s0, $0xA;
	s2 =	sadd.s32 s3, s2  }
0x8d: {  	s2 =	sadd.s32 s2, s17  }
0x8e: {  	[smem:$0x3FAB] =	sst s2  }
0x8f: {  	_ = 	snop  }
0x90: {  	s2 =	sld [smem:$0x3FD0];
	(tm) =	ssettm $0x1  }
0x91: {  	s18 =	sld [smem:$0x3FFB];
	_ =	sdelay $0x3  }
0x92: {  	_ =	strace s18  }
0x93: {  	s3 =	sld [smem:$0x3FFC];
	_ =	sdelay $0x3  }
0x94: {  	_ =	strace s3  }
0x95: {  	s3 =	sld [smem:$0x3FFD];
	_ =	sdelay $0x3  }
0x96: {  	_ =	strace s3  }
0x97: {  	_ =	strace $0x8FFFFFFF  }
0x98: {  	s19 =	sld [smem:$0x3FDB];
	_ =	sdelay $0x1  }
0x99: {  	s4 =	simm.s32 $_scs_section_size  }
0x9a: {  	s5 =	simm.s32 $_size__tile_overlayer_lowered;
	s6 =	simm.s32 $_tile_overlayer_lowered  }
0x9b: {  	s22 =	simm.s32 $0x1BFF;
	s21 =	sshll.u32 s6, $0x1;
	s3 =	sadd.s32 s4, s19  }
0x9c: {  	s7 =	simm.s32 $0x0;
	s20 =	sshll.u32 s5, $0x1;
	s5 =	sadd.s32 s21, s3  }
0x9d: {  	[timem:s7], [sflag:s22] =	dma.local [hbm:s5], s20  }
0x9e: {  	_ =	swait.ge [sflag:s22], s20  }
0x9f: {  	s4 =	ssub.s32 $0x0, s20;
	[sflag:s22] =	ssyncset.done $0x0  }
0xa0: {  	[sflag:s22] =	ssyncadd.s32 s4;
	_ =	sdelay $0x1  }
0xa1: {  	s23 =	simm.s32 $0x1B8B  }
0xa2: {  	_ =	swait.ge [sflag:s23], $0x1  }
0xa3: {  	[sflag:s23] =	ssyncset.done $0x0  }
0xa4: {  	s25 =	simm.s32 $0x1B8E;
	s24 =	sld [smem:$0x3FFE];
	[sflag:s23] =	ssyncadd.s32 $0xFFFFFFFF  }
0xa5: {  	s26 =	simm.s32 $execute0_lowered;
	[smem:$0x3FD2] =	sst s25  }
0xa6: {  	s5 =	sshll.u32 s26, $0x1;
	_ =	strace $0x80000046;
	[dreg:$0x1] =	wrdreg $0xFFFFFFFF  }
0xa7: {  	s28 =	simm.s32 $_size_execute0_lowered;
	s3 =	sadd.s32 s3, s5;
	[dreg:$0x0] =	wrdreg $0x0  }
0xa8: {  	s5 =	sshll.u32 s28, $0x1;
	[dreg:$0x2] =	wrdreg s3  }
0xa9: {  	[dreg:$0x3] =	wrdreg s5  }
0xaa: {  	[dreg:$0x4] =	wrdreg $0xC0  }
0xab: {  	_ =	task [dreg:s7], $0x5FFFF  }
0xac: {  	[dreg:$0x1] =	wrdreg $0xFFFFFFFF  }
0xad: {  	[dreg:$0x0] =	wrdreg $0x60  }
0xae: {  	[dreg:$0x2] =	wrdreg s24  }
0xaf: {  	[dreg:$0x3] =	wrdreg s2  }
0xb0: {  	[dreg:$0x4] =	wrdreg $0x9  }
0xb1: {  	_ =	task.clear_ibuf [dreg:s7], $0x5FFFF;
	_ =	strace $0x90000046  }
0xb2: {  	s29 =	simm.s32 $0x9;
	_ =	strace $0x80000048  }
0xb3: {  	_ =	swait.ge [sflag:s29], $0x1  }
0xb4: {  	[sflag:s29] =	ssyncadd.s32 $0xFFFFFFFF  }
0xb5: {  	_ =	strace $0x90000048  }
0xb6: {  	_ =	sfence  }
0xb7: {  	s30 =	sld [smem:$0x0];
	_ =	sdelay $0x2  }
0xb8: {  	s31 =	sshll.u32 s1, $0xD;
	s1 =	sshrl.u32 s1, $0x2  }
0xb9: {  	s3 =	sand.u32 $0x4000, s31;
	s1 =	sadd.s32 s1, s30  }
0xba: {  	s0 =	sor.u32 s3, s0;
	s1 =	sshll.u32 s1, $0x11  }
0xbb: {  	s0 =	sor.u32 s1, s0  }
0xbc: {  	s0 =	sadd.s32 $0x8F2B, s0  }
0xbd: {  	[sflag:s0] =	ssyncadd.remote.s32 $0x1  }
0xbe: {  	_ =	sfence.sel $0xFFFF  }
0xbf: {  	[dreg:$0x0] =	wrdreg $0xFFFFFFFF;
	(pc) =	sbr.abs _section_cstart, $3  }
0xc0: {  	[dreg:$0x1] =	wrdreg $0xFFFFFFFF  }
0xc1: {  	_ =	task.clear_ibuf [dreg:s7], $0x2FFFF;
	_ =	strace $0x9FFFFFFF  }
0xc2: {  	(tm) =	ssettm $0x7FFFFFFF  }
0xc3: {  	_ =	shalt  }
tec
execute0_lowered:
.L_overlay_start_1:
0x0: {  	(tag) =	ssettag $0x1  }
0x1: {  	s4 =	rddreg [dreg:$0x0];
	s1 =	srdreg.scid  }
0x2: {  	s0 =	stileid.u32;
	s5 =	rddreg [dreg:$0x1];
	s2 =	simm.s32 $0x0  }
0x3: {  	s13 =	simm.s32 $0x1;
	s14 =	simm.s32 $0x5400;
	s15 =	simm.s32 $0x2  }
0x4: {  	s16 =	simm.s32 $0x3;
	s17 =	simm.s32 $0x100;
	s10 =	smul.u32 $0x50, s0  }
0x5: {  	s18 =	simm.s32 $0x4;
	s6 =	sand.u32 $0x1, s1;
	s26 =	smul.u32 $0x28000, s0  }
0x6: {  	s19 =	simm.s32 $0x0;
	s3 =	sshll.u32 s0, $0x1;
	s12 =	smul.u32 $0x28, s6  }
0x7: {  	s1 =	rddreg [dreg:$0x2];
	s3 =	sor.u32 s6, s3;
	s29 =	smul.u32 $0x14000, s6  }
0x8: {  	[smem:$0x7FF] =	sst s2;
	s11 =	sadd.s32 $0x33200, s4;
	s7 =	smul.u32 $0x280, s3  }
0x9: {  	_ =	strace $0x80000047;
	s9 =	ssub.s32 $0x2, s6;
	s8 =	smul.u32 $0x14000, s3  }
0xa: {  	s3 =	sadd.s32 $0x7000, s4;
	s25 =	sshrl.u32 s9, $0x1;
	s31 =	sadd.s32 s26, s11  }
.Ltmp0:
0xb: {  	s9 =	ssub.s32 s9, s25;
	s28 =	sadd.s32 s12, s10;
	(pc) =	sbr.rel .LBB2_1-.Ltmp0, $4  }
0xc: {  	s10 =	simm.s32 $0x5;
	s12 =	simm.s32 $0x1400;
	s4 =	sadd.s32 s5, s7  }
0xd: {  	s5 =	smax.u32 s9, $0x1;
	s6 =	sadd.s32 s11, s8;
	s30 =	sshll.u32 s28, $0xB  }
0xe: {  	s9 =	sadd.s32 s29, s31;
	s7 =	sadd.s32 $0x800, s6;
	s8 =	sadd.s32 s30, s11  }
0xf: {  	s9 =	sadd.s32 $0x1000, s9;
	s11 =	simm.s32 $0x80;
	s8 =	sadd.s32 $0x1800, s8  }
.LBB2_4:
0x10: {  	s19 =	sadd.s32 $0x1, s19  }
0x11: {  	p0 =	sne.s32 s19, s5  }
.Ltmp1:
0x12: {  	_ = 	snop;
	(pc) =	sbr.rel @!p0 .LBB2_5-.Ltmp1, $4  }
0x13: {  	_ = 	snop  }
0x14: {  	_ =	swait.ge [sflag:s18], $0x4000  }
0x15: {  	[sflag:s18] =	ssyncset.done $0x0  }
0x16: {  	[sflag:s18] =	ssyncadd.s32 $0xFFFFC000  }
.LBB2_1:
0x17: {  	[tilespmem:s2], [sflag:$0x5] =	stream.linear.gather [hbm4b:s4+s2], $0x1400, $0x38;
	[tilespmem:$0x9400] =	vst v63  }
0x18: {  	_ =	swait.ge [sflag:s10], $0x1400  }
0x19: {  	[sflag:s10] =	ssyncset.done $0x0  }
0x1a: {  	[sflag:s10] =	ssyncadd.s32 $0xFFFFEC00  }
0x1b: {  	[tilespmem:s12], [sflag:$0x1] =	stream.indirect.gather [hbm4b:s3+s11], $0x80, s2, s11, $0xb8;
	[tilespmem:$0x9400] =	vst v63  }
0x1c: {  	_ =	swait.ge [sflag:s13], $0x4000  }
0x1d: {  	[sflag:s13] =	ssyncset.done $0x0  }
0x1e: {  	[sflag:s13] =	ssyncadd.s32 $0xFFFFC000  }
0x1f: {  	[hbm4b:s6+s2] =	stream.linear.scatter [tilespmem:s12], [sflag:$0x3], $0x4000, $0x38;
	[tilespmem:$0x9400] =	vst v63  }
0x20: {  	_ = 	snop  }
0x21: {  	[tilespmem:s14], [sflag:$0x2] =	stream.indirect.gather [hbm4b:s3+s11], $0x80, s11, s11, $0xb8;
	[tilespmem:$0x9400] =	vst v63  }
0x22: {  	_ =	swait.ge [sflag:s15], $0x4000  }
0x23: {  	[sflag:s15] =	ssyncset.done $0x0  }
0x24: {  	[sflag:s15] =	ssyncadd.s32 $0xFFFFC000  }
0x25: {  	[hbm4b:s7+s2] =	stream.linear.scatter [tilespmem:s14], [sflag:$0x4], $0x4000, $0x38;
	[tilespmem:$0x9400] =	vst v63  }
0x26: {  	_ =	swait.ge [sflag:s16], $0x4000  }
0x27: {  	[sflag:s16] =	ssyncset.done $0x0  }
0x28: {  	s20 =	simm.s32 $0x200;
	s21 =	simm.s32 $0x0;
	[sflag:s16] =	ssyncadd.s32 $0xFFFFC000  }
0x29: {  	[tilespmem:s12], [sflag:$0x1] =	stream.indirect.gather [hbm4b:s3+s11], $0x80, s17, s11, $0xb8;
	[tilespmem:$0x9400] =	vst v63  }
.LBB2_2:
0x2a: {  	_ =	swait.ge [sflag:s13], $0x4000  }
0x2b: {  	[sflag:s13] =	ssyncset.done $0x0  }
0x2c: {  	s22 =	sadd.s32 s21, s9;
	[sflag:s13] =	ssyncadd.s32 $0xFFFFC000  }
0x2d: {  	[hbm4b:s22+s2] =	stream.linear.scatter [tilespmem:s12], [sflag:$0x3], $0x4000, $0x38;
	[tilespmem:$0x9400] =	vst v63  }
0x2e: {  	_ =	swait.ge [sflag:s18], $0x4000  }
0x2f: {  	[sflag:s18] =	ssyncset.done $0x0  }
0x30: {  	s30 =	sadd.s32 $0xFFFFFF80, s20;
	[sflag:s18] =	ssyncadd.s32 $0xFFFFC000  }
0x31: {  	[tilespmem:s14], [sflag:$0x2] =	stream.indirect.gather [hbm4b:s3+s11], $0x80, s30, s11, $0xb8;
	[tilespmem:$0x9400] =	vst v63  }
0x32: {  	_ =	swait.ge [sflag:s15], $0x4000  }
0x33: {  	p0 =	seq.s32 s21, $0x12000;
	[sflag:s15] =	ssyncset.done $0x0  }
.Ltmp2:
0x34: {  	s31 =	sadd.s32 s21, s8;
	[sflag:s15] =	ssyncadd.s32 $0xFFFFC000;
	(pc) =	sbr.rel @p0 .LBB2_4-.Ltmp2, $4  }
0x35: {  	[hbm4b:s31+s2] =	stream.linear.scatter [tilespmem:s14], [sflag:$0x4], $0x4000, $0x38;
	[tilespmem:$0x9400] =	vst v63  }
0x36: {  	_ =	swait.ge [sflag:s16], $0x4000  }
0x37: {  	[sflag:s16] =	ssyncset.done $0x0  }
0x38: {  	[sflag:s16] =	ssyncadd.s32 $0xFFFFC000  }
.Ltmp3:
0x39: {  	(pc) =	sbr.rel .LBB2_2-.Ltmp3, $3  }
0x3a: {  	_ =	sdelay $0x1  }
0x3b: {  	[tilespmem:s12], [sflag:$0x1] =	stream.indirect.gather [hbm4b:s3+s11], $0x80, s20, s11, $0xb8;
	[tilespmem:$0x9400] =	vst v63  }
0x3c: {  	s20 =	sadd.s32 $0x100, s20;
	s21 =	sadd.s32 $0x1000, s21  }
.LBB2_5:
0x3d: {  	_ =	sfence.sel $0x180000  }
0x3e: {  	[bflag:$0x0] =	sbarrier.arrive $0xFFFF  }
0x3f: {  	p0 =	sne.s32 s0, $0x0;
	_ =	strace $0x90000047  }
0x40: {  	s0 =	sadd.s32 @!p0 $0x100000, s1;
	[bflag:$0x2] =	sbarrier.arrive $0xFFFF  }
0x41: {  	[sflag:s0] =	ssyncadd.tile.s32 @!p0 $0x1;
	_ =	shalt  }
.Lfunc_end2:
_tile_overlayer_lowered:
.L_overlay_start_2:
0x42: {  	(tag) =	ssettag $0x2  }
0x43: {  	s0 =	rddreg [dreg:$0x0];
	s2 =	stileid.u32  }
0x44: {  	s1 =	rddreg [dreg:$0x1];
	p0 =	sne.s32 s2, $0x0  }
0x45: {  	s3 =	rddreg [dreg:$0x2];
	[bflag:$0x3] =	sbarrier.arrive $0xFFFF;
	s2 =	simm.s32 @!p0 $0x1C05  }
0x46: {  	[timem:s3], [sflag:s2] =	dma.local @!p0 [hbm:s0], s1  }
0x47: {  	s0 =	simm.s32 @!p0 $0x5  }
0x48: {  	_ =	swait.ge @!p0 [sflag:s0], s1  }
0x49: {  	s1 =	ssub.s32 @!p0 $0x0, s1;
	[sflag:s0] =	ssyncset.done @!p0 $0x0  }
0x4a: {  	[sflag:s0] =	ssyncadd.s32 @!p0 s1  }
0x4b: {  	[bflag:$0x3] =	sbarrier.arrive $0xFFFF  }
0x4c: {  	_ =	shalt  }

// kernel: kernel.21.cloned.1.call-start
scs
__scs_entry_jumppad:
0x0: {  	(pc) =	sbr.rel $0x88, $3  }
0x1: {  	(tag) =	ssettag $0x0;
	lr =	simm.s32 $0x1  }
0x2: {  	[smem:$0x3F84] =	sst lr;
	_ =	strace $0xD0000000  }
0x3: {  	_ = 	snop  }
0x4: {  	_ = 	snop  }
0x5: {  	_ = 	snop  }
0x6: {  	_ = 	snop  }
0x7: {  	_ = 	snop  }
__scs_overlays_trampoline_lowered:
0x8: {  	[smem:$0x3F93] =	sst s0  }
0x9: {  	[smem:$0x3F94] =	sst s1  }
0xa: {  	[smem:$0x3F95] =	sst s2  }
0xb: {  	[smem:$0x3F96] =	sst s3  }
0xc: {  	[smem:$0x3F97] =	sst s4  }
0xd: {  	[smem:$0x3F98] =	sst s5  }
0xe: {  	[smem:$0x3F99] =	sst s6  }
0xf: {  	[smem:$0x3F9A] =	sst s7  }
0x10: {  	[smem:$0x3F9B] =	sst s8  }
0x11: {  	[smem:$0x3F9C] =	sst s9;
	s0 =	simm.s32 @!p0 $0x0  }
0x12: {  	s1 =	sld [smem:$0x3F82];
	s0 =	simm.s32 @p0 $0x1  }
0x13: {  	[smem:$0x3F9D] =	sst s0;
	s0 =	simm.s32 @!p1 $0x0  }
0x14: {  	s2 =	sld [smem:$0x3F81];
	s0 =	simm.s32 @p1 $0x1  }
0x15: {  	[smem:$0x3F9E] =	sst s0;
	s0 =	simm.s32 @!p2 $0x0  }
0x16: {  	s3 =	sld [smem:$0x3FDB];
	s0 =	simm.s32 @p2 $0x1  }
0x17: {  	s4 =	simm.s32 $0x1BF5;
	[smem:$0x3FA0] =	sst s0  }
0x18: {  	s0 =	sld [smem:$0x3F83];
	_ =	swait.ge [sflag:s4], $0x0  }
0x19: {  	s7 =	sld [smem:$0x3F84]  }
0x1a: {  	s8 =	sadd.s32 $0xFFFFE003, lr  }
0x1b: {  	s9 =	sadd.s32 $0xFFFFFEF7, lr;
	s5 =	simm.s32 $0xFFFFFFFF;
	p2 =	slt.u32 s8, $0xFFFFF086  }
0x1c: {  	p1 =	slt.u32 s9, $0xF7A;
	s5 =	simm.s32 @!p2 $0x0  }
0x1d: {  	s5 =	simm.s32 @p1 $0x1;
	p0 =	seq.s32 s7, s2  }
0x1e: {  	s7 =	smul.u32 @!p0 $0xF7A, s2;
	p2 =	seq.s32 @!p0 s5, $0x0  }
0x1f: {  	s9 =	smul.u32 $0xF7A, s1;
	s8 =	simm.s32 @!p0 $0x1BF5;
	p2 =	por !p2, p0  }
0x20: {  	[sflag:s8] =	ssyncset.s32 @!p0 $0xFFFFF086;
	s6 =	sadd.s32 @!p0 s3, s7;
	s7 =	simm.s32 @!p0 $0x108  }
0x21: {  	s3 =	sadd.s32 s3, s9;
	s6 =	sadd.s32 @!p0 $0x88, s6;
	s7 =	simm.s32 @p2 $0x1082  }
0x22: {  	[simem:s7], [sflag:s8] =	dma.local @!p0 [hbm:s6], $0xF7A  }
0x23: {  	s9 =	sor.u32 $0xD0000000, s2;
	s6 =	simm.s32 $0x108;
	_ =	swait.ge @!p0 [sflag:s8], $0x0  }
0x24: {  	s3 =	sadd.s32 $0x88, s3;
	s6 =	simm.s32 @!p1 $0x1082;
	[sflag:s4] =	ssyncset.s32 $0xFFFFF086  }
0x25: {  	[simem:s6], [sflag:s4] =	dma.local [hbm:s3], $0xF7A  }
0x26: {  	[smem:$0x3F84] =	sst s1;
	(tag) =	ssettag s2;
	_ =	strace s9  }
0x27: {  	s1 =	sld [smem:$0x3F94]  }
0x28: {  	s2 =	sld [smem:$0x3F95]  }
0x29: {  	s4 =	sld [smem:$0x3F97]  }
0x2a: {  	p0 =	seq.s32 s5, $0x0;
	s5 =	sld [smem:$0x3F98]  }
0x2b: {  	s6 =	sld [smem:$0x3F99]  }
0x2c: {  	s7 =	sld [smem:$0x3F9A]  }
0x2d: {  	s3 =	simm.s32 $0x108;
	s8 =	sld [smem:$0x3F9B]  }
0x2e: {  	s3 =	simm.s32 @!p0 $0x1082;
	s9 =	sld [smem:$0x3F9C]  }
0x2f: {  	lr =	sadd.s32 s0, s3;
	s0 =	sld [smem:$0x3F93]  }
0x30: {  	s3 =	sld [smem:$0x3F96]  }
0x31: {  	[smem:$0x3F9F] =	sst s10  }
0x32: {  	s10 =	sld [smem:$0x3F9D];
	_ =	sdelay $0x3  }
0x33: {  	p0 =	seq.s32 s10, $0x1;
	s10 =	sld [smem:$0x3F9F];
	_ =	sdelay $0x3  }
0x34: {  	[smem:$0x3F9F] =	sst s10  }
0x35: {  	s10 =	sld [smem:$0x3F9E];
	_ =	sdelay $0x3  }
0x36: {  	p1 =	seq.s32 s10, $0x1;
	s10 =	sld [smem:$0x3F9F];
	_ =	sdelay $0x3  }
0x37: {  	[smem:$0x3F9F] =	sst s10  }
0x38: {  	s10 =	sld [smem:$0x3FA0]  }
0x39: {  	_ = 	snop;
	(pc) =	sbr.ind lr, $3  }
0x3a: {  	_ = 	snop  }
0x3b: {  	_ = 	snop  }
0x3c: {  	p2 =	seq.s32 s10, $0x1;
	s10 =	sld [smem:$0x3F9F]  }
0x3d: {  	_ =	shalt  }
0x3e: {  	_ =	shalt  }
0x3f: {  	_ =	shalt  }
0x40: {  	_ =	shalt  }
0x41: {  	_ =	shalt  }
0x42: {  	_ =	shalt  }
0x43: {  	_ =	shalt  }
0x44: {  	_ =	shalt  }
0x45: {  	_ =	shalt  }
0x46: {  	_ =	shalt  }
0x47: {  	_ =	shalt  }
0x48: {  	_ =	shalt  }
0x49: {  	_ =	shalt  }
0x4a: {  	_ =	shalt  }
0x4b: {  	_ =	shalt  }
0x4c: {  	_ =	shalt  }
0x4d: {  	_ =	shalt  }
0x4e: {  	_ =	shalt  }
0x4f: {  	_ =	shalt  }
0x50: {  	_ =	shalt  }
0x51: {  	_ =	shalt  }
0x52: {  	_ =	shalt  }
0x53: {  	_ =	shalt  }
0x54: {  	_ =	shalt  }
0x55: {  	_ =	shalt  }
0x56: {  	_ =	shalt  }
0x57: {  	_ =	shalt  }
0x58: {  	_ =	shalt  }
0x59: {  	_ =	shalt  }
0x5a: {  	_ =	shalt  }
0x5b: {  	_ =	shalt  }
0x5c: {  	_ =	shalt  }
0x5d: {  	_ =	shalt  }
0x5e: {  	_ =	shalt  }
0x5f: {  	_ =	shalt  }
0x60: {  	_ =	shalt  }
0x61: {  	_ =	shalt  }
0x62: {  	_ =	shalt  }
0x63: {  	_ =	shalt  }
0x64: {  	_ =	shalt  }
0x65: {  	_ =	shalt  }
0x66: {  	_ =	shalt  }
0x67: {  	_ =	shalt  }
0x68: {  	_ =	shalt  }
0x69: {  	_ =	shalt  }
0x6a: {  	_ =	shalt  }
0x6b: {  	_ =	shalt  }
0x6c: {  	_ =	shalt  }
0x6d: {  	_ =	shalt  }
0x6e: {  	_ =	shalt  }
0x6f: {  	_ =	shalt  }
0x70: {  	_ =	shalt  }
0x71: {  	_ =	shalt  }
0x72: {  	_ =	shalt  }
0x73: {  	_ =	shalt  }
0x74: {  	_ =	shalt  }
0x75: {  	_ =	shalt  }
0x76: {  	_ =	shalt  }
0x77: {  	_ =	shalt  }
0x78: {  	_ =	shalt  }
0x79: {  	_ =	shalt  }
0x7a: {  	_ =	shalt  }
0x7b: {  	_ =	shalt  }
0x7c: {  	_ =	shalt  }
0x7d: {  	_ =	shalt  }
0x7e: {  	_ =	shalt  }
0x7f: {  	_ =	shalt  }
0x80: {  	_ =	shalt  }
0x81: {  	_ =	shalt  }
0x82: {  	_ =	shalt  }
0x83: {  	_ =	shalt  }
0x84: {  	_ =	shalt  }
0x85: {  	_ =	shalt  }
0x86: {  	_ =	shalt  }
0x87: {  	_ =	shalt  }
.Lfunc_end0:
.L_simem_size_0:
called_computation.1_lowered:
.L_overlay_start_0:
0x88: {  	s2 =	sld [smem:$0x3FD9]  }
0x89: {  	s3 =	sld [smem:$0x3FFE];
	_ =	sdelay $0x1  }
0x8a: {  	s1 =	srdreg.scid  }
0x8b: {  	s0 =	sand.u32 $0x1, s1  }
0x8c: {  	s16 =	sshll.u32 s0, $0xA;
	s2 =	sadd.s32 s3, s2  }
0x8d: {  	s2 =	sadd.s32 s2, s16  }
0x8e: {  	[smem:$0x3FAB] =	sst s2  }
0x8f: {  	_ = 	snop  }
0x90: {  	(tm) =	ssettm $0x1  }
0x91: {  	s17 =	sld [smem:$0x3FFB];
	_ =	sdelay $0x3  }
0x92: {  	_ =	strace s17  }
0x93: {  	s2 =	sld [smem:$0x3FFC];
	_ =	sdelay $0x3  }
0x94: {  	_ =	strace s2  }
0x95: {  	s2 =	sld [smem:$0x3FFD];
	_ =	sdelay $0x3  }
0x96: {  	_ =	strace s2  }
0x97: {  	_ =	strace $0x8FFFFFFF  }
0x98: {  	s18 =	sld [smem:$0x3FDB];
	_ =	sdelay $0x1  }
0x99: {  	s19 =	simm.s32 $_scs_section_size  }
0x9a: {  	s4 =	simm.s32 $_size__tile_overlayer_lowered;
	s5 =	simm.s32 $_tile_overlayer_lowered  }
0x9b: {  	s22 =	simm.s32 $0x1BFF;
	s21 =	sshll.u32 s5, $0x1;
	s2 =	sadd.s32 s19, s18  }
0x9c: {  	s6 =	simm.s32 $0x0;
	s20 =	sshll.u32 s4, $0x1;
	s4 =	sadd.s32 s21, s2  }
0x9d: {  	[timem:s6], [sflag:s22] =	dma.local [hbm:s4], s20  }
0x9e: {  	_ =	swait.ge [sflag:s22], s20  }
0x9f: {  	s3 =	ssub.s32 $0x0, s20;
	[sflag:s22] =	ssyncset.done $0x0  }
0xa0: {  	[sflag:s22] =	ssyncadd.s32 s3;
	_ =	sdelay $0x1  }
0xa1: {  	s23 =	simm.s32 $0x1B8B  }
0xa2: {  	_ =	swait.ge [sflag:s23], $0x1  }
0xa3: {  	[sflag:s23] =	ssyncset.done $0x0  }
0xa4: {  	s25 =	simm.s32 $0x1B8E;
	s24 =	sld [smem:$0x3FFE];
	[sflag:s23] =	ssyncadd.s32 $0xFFFFFFFF  }
0xa5: {  	s26 =	simm.s32 $execute0_lowered;
	[smem:$0x3FD2] =	sst s25  }
0xa6: {  	s4 =	sshll.u32 s26, $0x1;
	_ =	strace $0x80000049;
	[dreg:$0x1] =	wrdreg $0xFFFFFFFF  }
0xa7: {  	s28 =	simm.s32 $_size_execute0_lowered;
	s2 =	sadd.s32 s2, s4;
	[dreg:$0x0] =	wrdreg $0x0  }
0xa8: {  	s4 =	sshll.u32 s28, $0x1;
	[dreg:$0x2] =	wrdreg s2  }
0xa9: {  	[dreg:$0x3] =	wrdreg s4  }
0xaa: {  	[dreg:$0x4] =	wrdreg $0xC0  }
0xab: {  	_ =	task [dreg:s6], $0x5FFFF  }
0xac: {  	[dreg:$0x1] =	wrdreg $0xFFFFFFFF  }
0xad: {  	[dreg:$0x0] =	wrdreg $0x60  }
0xae: {  	[dreg:$0x2] =	wrdreg s24  }
0xaf: {  	[dreg:$0x3] =	wrdreg $0x94800  }
0xb0: {  	[dreg:$0x4] =	wrdreg $0x1D4800  }
0xb1: {  	[dreg:$0x5] =	wrdreg $0x9  }
0xb2: {  	_ =	task.clear_ibuf [dreg:s6], $0x6FFFF;
	_ =	strace $0x90000049  }
0xb3: {  	s29 =	simm.s32 $0x9;
	_ =	strace $0x8000004B  }
0xb4: {  	_ =	swait.ge [sflag:s29], $0x1  }
0xb5: {  	[sflag:s29] =	ssyncadd.s32 $0xFFFFFFFF  }
0xb6: {  	_ =	strace $0x9000004B  }
0xb7: {  	_ =	sfence  }
0xb8: {  	s30 =	sld [smem:$0x0];
	_ =	sdelay $0x2  }
0xb9: {  	s31 =	sshll.u32 s1, $0xD;
	s1 =	sshrl.u32 s1, $0x2  }
0xba: {  	s3 =	sand.u32 $0x4000, s31;
	s1 =	sadd.s32 s1, s30  }
0xbb: {  	s0 =	sor.u32 s3, s0;
	s1 =	sshll.u32 s1, $0x11  }
0xbc: {  	s0 =	sor.u32 s1, s0  }
0xbd: {  	s0 =	sadd.s32 $0x8F2B, s0  }
0xbe: {  	[sflag:s0] =	ssyncadd.remote.s32 $0x1  }
0xbf: {  	_ =	sfence.sel $0xFFFF  }
0xc0: {  	[dreg:$0x0] =	wrdreg $0xFFFFFFFF;
	(pc) =	sbr.abs _section_cstart, $3  }
0xc1: {  	[dreg:$0x1] =	wrdreg $0xFFFFFFFF  }
0xc2: {  	_ =	task.clear_ibuf [dreg:s6], $0x2FFFF;
	_ =	strace $0x9FFFFFFF  }
0xc3: {  	(tm) =	ssettm $0x7FFFFFFF  }
tec
execute0_lowered:
.L_overlay_start_1:
0x0: {  	(tag) =	ssettag $0x1  }
0x1: {  	s0 =	rddreg [dreg:$0x0]  }
0x2: {  	s2 =	rddreg [dreg:$0x1];
	s1 =	srdreg.scid  }
0x3: {  	s22 =	stileid.u32;
	s3 =	rddreg [dreg:$0x2]  }
0x4: {  	s4 =	simm.s32 $0x0;
	s28 =	simm.s32 $0x1;
	s29 =	simm.s32 $0x80  }
0x5: {  	s30 =	simm.s32 $0x9400;
	s31 =	simm.s32 $0x5400;
	s1 =	sand.u32 $0x1, s1  }
0x6: {  	s5 =	sshll.u32 s22, $0x1;
	[smem:$0x7FF] =	sst s4;
	s16 =	sadd.s32 $0x7A4200, s0  }
0x7: {  	s21 =	sadd.s32 $0x33200, s0;
	s24 =	sadd.s32 $0x400, s3;
	s10 =	sadd.s32 $0x1000, s3  }
0x8: {  	s11 =	sadd.s32 $0x1400, s3;
	s12 =	sadd.s32 $0x1800, s3;
	s18 =	smul.u32 $0x7D000, s22  }
0x9: {  	s13 =	sadd.s32 $0x1C00, s3;
	s14 =	sadd.s32 $0x2000, s3;
	s15 =	sadd.s32 $0x2400, s3  }
0xa: {  	p0 =	sgt.u32 s22, $0x9;
	s5 =	sor.u32 s1, s5;
	s7 =	smul.u32 $0x27100, s1  }
0xb: {  	_ =	strace $0x8000004A;
	[dreg:$0x4] =	wrdreg s21;
	s21 =	smul.u32 $0x3E80, s22  }
0xc: {  	s8 =	ssub.s32 $0x2, s1;
	s23 =	sshll.u32 s1, $0x4;
	s1 =	smul.u32 $0x14000, s1  }
0xd: {  	[dreg:$0x5] =	wrdreg s24;
	p2 =	sne.s32 @p0 s22, $0xA;
	s6 =	smul.u32 $0x280, s5  }
0xe: {  	s9 =	sshrl.u32 s8, $0x1;
	s5 =	smul.u32 $0x14000, s5;
	s18 =	sshrl.u32 s18, $0x2  }
0xf: {  	p1 =	por p2, !p0;
	p2 =	por !p2, !p0;
	s19 =	sadd.s32 s7, s0  }
0x10: {  	s20 =	ssub.s32 s8, s9;
	s8 =	sadd.s32 $0x800, s3;
	s9 =	sadd.s32 $0xC00, s3  }
0x11: {  	s25 =	sadd.s32 s18, s2;
	s7 =	smul.u32 $0x28000, s22;
	s17 =	sadd.s32 s6, s0  }
0x12: {  	s6 =	sadd.s32 $0x37200, s0;
	s0 =	sadd.s32 s23, s0;
	[dreg:$0x6] =	wrdreg s25  }
0x13: {  	s18 =	sadd.s32 s16, s5;
	s5 =	sadd.s32 $0x37E00, s19;
	s23 =	smax.u32 s20, $0x1  }
0x14: {  	s20 =	simm.s32 $0x0;
	s26 =	sadd.s32 $0x2E200, s17;
	[dreg:$0x9] =	wrdreg s23  }
0x15: {  	s19 =	sadd.s32 $0x37400, s0;
	s24 =	sadd.s32 s7, s16;
	[dreg:$0x8] =	wrdreg s18  }
0x16: {  	s25 =	sadd.s32 $0x800, s18;
	s16 =	simm.s32 $0x20;
	[dreg:$0x7] =	wrdreg s26  }
.Ltmp0:
0x17: {  	s17 =	simm.s32 $0x10;
	[dreg:$0xa] =	wrdreg s25;
	(pc) =	sbr.rel .LBB2_1-.Ltmp0, $4  }
0x18: {  	s0 =	sadd.s32 s1, s24;
	s26 =	sadd.s32 $0x1000, s18;
	s25 =	simm.s32 $0x5  }
0x19: {  	s1 =	simm.s32 $0x2;
	[dreg:$0xb] =	wrdreg s26;
	s0 =	sadd.s32 $0x2000, s0  }
0x1a: {  	s26 =	simm.s32 $0x1400;
	[dreg:$0xc] =	wrdreg s0;
	s0 =	sadd.s32 @!p0 s21, s5  }
0x1b: {  	v0 =	vimm.f32 $1.000000000e+00;
	s5 =	simm.s32 $0x4;
	[dreg:$0xd] =	wrdreg s0;
	s0 =	simm.s32 $0x3  }
.LBB2_6:
0x1c: {  	s20 =	sadd.s32 $0x1, s20;
	s7 =	rddreg [dreg:$0x9]  }
0x1d: {  	p3 =	sne.s32 s20, s7  }
.Ltmp1:
0x1e: {  	_ = 	snop;
	(pc) =	sbr.rel @!p3 .LBB2_7-.Ltmp1, $1  }
0x1f: {  	_ =	sdelay $0x3  }
.LBB2_1:
0x20: {  	s21 =	sshrl.u32 @!p1 s3, $0x3;
	s22 =	simm.s32 @!p1 $0x1E85  }
0x21: {  	[spmem:s21], [sflag:s22] =	dma.local @!p1 [hbm:s6], $0x80  }
0x22: {  	s21 =	simm.s32 @!p1 $0x5  }
0x23: {  	_ =	swait.ge @!p1 [sflag:s21], $0x80  }
0x24: {  	[sflag:s21] =	ssyncset.done @!p1 $0x0;
	s7 =	rddreg [dreg:$0x5]  }
0x25: {  	[sflag:s21] =	ssyncadd.s32 @!p1 $0xFFFFFF80;
	s23 =	sshrl.u32 @!p1 s7, $0x3  }
0x26: {  	[spmem:s23], [sflag:s22] =	dma.local @!p1 [hbm:s6], $0x80  }
0x27: {  	_ =	swait.ge @!p1 [sflag:s21], $0x80  }
0x28: {  	[sflag:s21] =	ssyncset.done @!p1 $0x0  }
0x29: {  	s23 =	sshrl.u32 @!p1 s8, $0x3;
	[sflag:s21] =	ssyncadd.s32 @!p1 $0xFFFFFF80  }
0x2a: {  	[spmem:s23], [sflag:s22] =	dma.local @!p1 [hbm:s6], $0x80  }
0x2b: {  	_ =	swait.ge @!p1 [sflag:s21], $0x80  }
0x2c: {  	[sflag:s21] =	ssyncset.done @!p1 $0x0  }
0x2d: {  	s23 =	sshrl.u32 @!p1 s9, $0x3;
	[sflag:s21] =	ssyncadd.s32 @!p1 $0xFFFFFF80  }
0x2e: {  	[spmem:s23], [sflag:s22] =	dma.local @!p1 [hbm:s6], $0x80  }
0x2f: {  	_ =	swait.ge @!p1 [sflag:s21], $0x80  }
0x30: {  	[sflag:s21] =	ssyncset.done @!p1 $0x0  }
0x31: {  	s23 =	sshrl.u32 @!p1 s10, $0x3;
	[sflag:s21] =	ssyncadd.s32 @!p1 $0xFFFFFF80  }
0x32: {  	[spmem:s23], [sflag:s22] =	dma.local @!p1 [hbm:s6], $0x80  }
0x33: {  	_ =	swait.ge @!p1 [sflag:s21], $0x80  }
0x34: {  	[sflag:s21] =	ssyncset.done @!p1 $0x0  }
0x35: {  	s23 =	sshrl.u32 @!p1 s11, $0x3;
	[sflag:s21] =	ssyncadd.s32 @!p1 $0xFFFFFF80  }
0x36: {  	[spmem:s23], [sflag:s22] =	dma.local @!p1 [hbm:s6], $0x80  }
0x37: {  	_ =	swait.ge @!p1 [sflag:s21], $0x80  }
0x38: {  	[sflag:s21] =	ssyncset.done @!p1 $0x0  }
0x39: {  	s23 =	sshrl.u32 @!p1 s12, $0x3;
	[sflag:s21] =	ssyncadd.s32 @!p1 $0xFFFFFF80  }
0x3a: {  	[spmem:s23], [sflag:s22] =	dma.local @!p1 [hbm:s6], $0x80  }
0x3b: {  	_ =	swait.ge @!p1 [sflag:s21], $0x80  }
0x3c: {  	[sflag:s21] =	ssyncset.done @!p1 $0x0  }
0x3d: {  	s23 =	sshrl.u32 @!p1 s13, $0x3;
	[sflag:s21] =	ssyncadd.s32 @!p1 $0xFFFFFF80  }
0x3e: {  	[spmem:s23], [sflag:s22] =	dma.local @!p1 [hbm:s6], $0x80  }
0x3f: {  	_ =	swait.ge @!p1 [sflag:s21], $0x80  }
0x40: {  	[sflag:s21] =	ssyncset.done @!p1 $0x0  }
0x41: {  	s23 =	sshrl.u32 @!p1 s14, $0x3;
	[sflag:s21] =	ssyncadd.s32 @!p1 $0xFFFFFF80  }
0x42: {  	[spmem:s23], [sflag:s22] =	dma.local @!p1 [hbm:s6], $0x80  }
0x43: {  	_ =	swait.ge @!p1 [sflag:s21], $0x80  }
0x44: {  	[sflag:s21] =	ssyncset.done @!p1 $0x0  }
0x45: {  	s23 =	sshrl.u32 @!p1 s15, $0x3;
	[sflag:s21] =	ssyncadd.s32 @!p1 $0xFFFFFF80  }
0x46: {  	[spmem:s23], [sflag:s22] =	dma.local @!p1 [hbm:s6], $0x80  }
0x47: {  	s7 =	stileid.u32;
	_ =	swait.ge @!p1 [sflag:s21], $0x80  }
0x48: {  	s22 =	sshll.u32 @!p0 s7, $0x6;
	[sflag:s21] =	ssyncset.done @!p1 $0x0  }
0x49: {  	s23 =	simm.s32 @!p0 $0x5;
	s7 =	rddreg [dreg:$0x6];
	[sflag:s21] =	ssyncadd.s32 @!p1 $0xFFFFFF80  }
0x4a: {  	s21 =	sor.u32 @!p0 $0x1C05, s22;
	s22 =	sshrl.u32 @!p0 s7, $0x3;
	s7 =	rddreg [dreg:$0x4]  }
0x4b: {  	[spmem:s22], [sflag:s21] =	dma.local @!p0 [hbm:s7], $0x3E80  }
0x4c: {  	_ =	swait.ge @!p0 [sflag:s23], $0x3E80  }
0x4d: {  	[sflag:s23] =	ssyncset.done @!p0 $0x0  }
0x4e: {  	[sflag:s23] =	ssyncadd.s32 @!p0 $0xFFFFC180  }
0x4f: {  	[tilespmem:$0x9400] =	vst v0  }
0x50: {  	[tilespmem:$0x9410] =	vst v0  }
0x51: {  	[tilespmem:$0x9420] =	vst v0  }
0x52: {  	[tilespmem:$0x9430] =	vst v0  }
0x53: {  	[tilespmem:$0x9440] =	vst v0  }
0x54: {  	[tilespmem:$0x9450] =	vst v0  }
0x55: {  	[tilespmem:$0x9460] =	vst v0  }
0x56: {  	[tilespmem:$0x9470] =	vst v0  }
0x57: {  	[bflag:$0x0] =	sbarrier.arrive $0xFFFF  }
0x58: {  	s24 =	rddreg [dreg:$0x7]  }
0x59: {  	[tilespmem:s4], [sflag:$0x5] =	stream.linear.gather [hbm4b:s24+s4], $0x1400, $0x38;
	[tilespmem:$0x1D700] =	vst v63  }
0x5a: {  	_ =	swait.ge [sflag:s25], $0x1400  }
0x5b: {  	[sflag:s25] =	ssyncset.done $0x0  }
0x5c: {  	s18 =	rddreg [dreg:$0x8];
	[sflag:s25] =	ssyncadd.s32 $0xFFFFEC00  }
0x5d: {  	[tilespmem:s26], [sflag:$0x1] =	stream.linear.gather [hbm4b:s18+s4], $0x4000, $0x38;
	[tilespmem:$0x1D700] =	vst v63  }
0x5e: {  	_ =	swait.ge [sflag:s28], $0x4000  }
0x5f: {  	[sflag:s28] =	ssyncset.done $0x0  }
0x60: {  	[sflag:s28] =	ssyncadd.s32 $0xFFFFC000  }
0x61: {  	[spmem:s2] =	stream.indirect.scatter.add.f32 [tilespmem:s26], [sflag:$0x3], $0x80, s4, s29, $0xb8;
	[tilespmem:$0x1D700] =	vst v63  }
0x62: {  	_ = 	snop  }
0x63: {  	[spmem:s3] =	stream.indirect.scatter.add.f32 [tilespmem:s30], [sflag:$0x5], $0x1, s4, s29, $0xb8;
	[tilespmem:$0x1D700] =	vst v63  }
0x64: {  	_ =	swait.ge [sflag:s25], $0x80  }
0x65: {  	[sflag:s25] =	ssyncset.done $0x0  }
0x66: {  	s23 =	rddreg [dreg:$0xa];
	[sflag:s25] =	ssyncadd.s32 $0xFFFFFF80  }
0x67: {  	[tilespmem:s31], [sflag:$0x2] =	stream.linear.gather [hbm4b:s23+s4], $0x4000, $0x38;
	[tilespmem:$0x1D700] =	vst v63  }
0x68: {  	_ =	swait.ge [sflag:s1], $0x4000  }
0x69: {  	[sflag:s1] =	ssyncset.done $0x0  }
0x6a: {  	[sflag:s1] =	ssyncadd.s32 $0xFFFFC000  }
0x6b: {  	[spmem:s2] =	stream.indirect.scatter.add.f32 [tilespmem:s31], [sflag:$0x4], $0x80, s29, s29, $0xb8;
	[tilespmem:$0x1D700] =	vst v63  }
0x6c: {  	_ = 	snop  }
0x6d: {  	[spmem:s3] =	stream.indirect.scatter.add.f32 [tilespmem:s30], [sflag:$0x5], $0x1, s29, s29, $0xb8;
	[tilespmem:$0x1D700] =	vst v63  }
0x6e: {  	_ =	swait.ge [sflag:s25], $0x80  }
0x6f: {  	[sflag:s25] =	ssyncset.done $0x0  }
0x70: {  	[sflag:s25] =	ssyncadd.s32 $0xFFFFFF80  }
0x71: {  	p4 =	por @p0 $0x0, $0x0;
	p3 =	por @!p1 $0x1, $0x1;
	_ =	swait.ge [sflag:s0], $0x4000  }
0x72: {  	p3 =	por @!p2 p4, p4;
	[sflag:s0] =	ssyncset.done $0x0  }
0x73: {  	p4 =	por @!p0 $0x0, $0x0;
	s24 =	rddreg [dreg:$0xb];
	[sflag:s0] =	ssyncadd.s32 $0xFFFFC000  }
0x74: {  	[tilespmem:s26], [sflag:$0x1] =	stream.linear.gather [hbm4b:s24+s4], $0x4000, $0x38;
	[tilespmem:$0x1D700] =	vst v63  }
0x75: {  	p3 =	por @!p0 p4, p4;
	s23 =	rddreg [dreg:$0xc];
	s24 =	simm.s32 $0x0  }
.LBB2_2:
0x76: {  	_ =	swait.ge [sflag:s28], $0x4000  }
0x77: {  	s18 =	sshra.s32 s24, $0x2;
	[sflag:s28] =	ssyncset.done $0x0  }
0x78: {  	s7 =	sadd.s32 $0x100, s18;
	[sflag:s28] =	ssyncadd.s32 $0xFFFFC000  }
0x79: {  	[spmem:s2] =	stream.indirect.scatter.add.f32 [tilespmem:s26], [sflag:$0x3], $0x80, s7, s29, $0xb8;
	[tilespmem:$0x1D700] =	vst v63  }
0x7a: {  	_ = 	snop  }
0x7b: {  	[spmem:s3] =	stream.indirect.scatter.add.f32 [tilespmem:s30], [sflag:$0x5], $0x1, s7, s29, $0xb8;
	[tilespmem:$0x1D700] =	vst v63  }
0x7c: {  	_ =	swait.ge [sflag:s25], $0x80  }
0x7d: {  	[sflag:s25] =	ssyncset.done $0x0  }
0x7e: {  	[sflag:s25] =	ssyncadd.s32 $0xFFFFFF80  }
0x7f: {  	_ =	swait.ge [sflag:s5], $0x4000  }
0x80: {  	[sflag:s5] =	ssyncset.done $0x0  }
0x81: {  	s7 =	sadd.s32 $0xFFFFF800, s23;
	[sflag:s5] =	ssyncadd.s32 $0xFFFFC000  }
0x82: {  	[tilespmem:s31], [sflag:$0x2] =	stream.linear.gather [hbm4b:s7+s4], $0x4000, $0x38;
	[tilespmem:$0x1D700] =	vst v63  }
0x83: {  	_ =	swait.ge [sflag:s1], $0x4000  }
0x84: {  	[sflag:s1] =	ssyncset.done $0x0  }
0x85: {  	p4 =	seq.s32 s24, $0x4800;
	s18 =	sadd.s32 $0x180, s18;
	[sflag:s1] =	ssyncadd.s32 $0xFFFFC000  }
0x86: {  	[spmem:s2] =	stream.indirect.scatter.add.f32 [tilespmem:s31], [sflag:$0x4], $0x80, s18, s29, $0xb8;
	[tilespmem:$0x1D700] =	vst v63  }
.Ltmp2:
0x87: {  	_ = 	snop;
	(pc) =	sbr.rel @p4 .LBB2_4-.Ltmp2, $4  }
0x88: {  	[spmem:s3] =	stream.indirect.scatter.add.f32 [tilespmem:s30], [sflag:$0x5], $0x1, s18, s29, $0xb8;
	[tilespmem:$0x1D700] =	vst v63  }
0x89: {  	_ =	swait.ge [sflag:s25], $0x80  }
0x8a: {  	[sflag:s25] =	ssyncset.done $0x0  }
0x8b: {  	[sflag:s25] =	ssyncadd.s32 $0xFFFFFF80  }
.Ltmp3:
0x8c: {  	_ =	swait.ge [sflag:s0], $0x4000;
	(pc) =	sbr.rel .LBB2_2-.Ltmp3, $4  }
0x8d: {  	[sflag:s0] =	ssyncset.done $0x0  }
0x8e: {  	[sflag:s0] =	ssyncadd.s32 $0xFFFFC000  }
0x8f: {  	[tilespmem:s26], [sflag:$0x1] =	stream.linear.gather [hbm4b:s23+s4], $0x4000, $0x38;
	[tilespmem:$0x1D700] =	vst v63  }
0x90: {  	s24 =	sadd.s32 $0x400, s24;
	s23 =	sadd.s32 $0x1000, s23  }
.LBB2_4:
0x91: {  	_ =	swait.ge [sflag:s0], $0x4000  }
0x92: {  	[sflag:s0] =	ssyncset.done $0x0  }
0x93: {  	[sflag:s0] =	ssyncadd.s32 $0xFFFFC000  }
0x94: {  	_ =	swait.ge [sflag:s5], $0x4000  }
0x95: {  	[sflag:s5] =	ssyncset.done $0x0  }
0x96: {  	[sflag:s5] =	ssyncadd.s32 $0xFFFFC000  }
0x97: {  	[bflag:$0x0] =	sbarrier.arrive $0xFFFF  }
0x98: {  	s7 =	rddreg [dreg:$0xd]  }
0x99: {  	[hbm:s7], [sflag:s21] =	dma.local @!p0 [spmem:s22], $0x3E80  }
.Ltmp4:
0x9a: {  	_ = 	snop;
	(pc) =	sbr.rel @!p3 .LBB2_6-.Ltmp4, $4  }
0x9b: {  	s7 =	simm.s32 @!p0 $0x5  }
0x9c: {  	_ =	swait.ge @!p0 [sflag:s7], $0x3E80  }
0x9d: {  	[sflag:s7] =	ssyncset.done @!p0 $0x0  }
0x9e: {  	[sflag:s7] =	ssyncadd.s32 @!p0 $0xFFFFC180  }
0x9f: {  	s7 =	stileid.u32  }
0xa0: {  	s7 =	sshll.u32 s7, $0x6  }
0xa1: {  	s18 =	sshrl.u32 s3, $0x3;
	s7 =	sor.u32 $0x1C05, s7  }
0xa2: {  	[hbm:s19@s16], [sflag:s7] =	dma.strided [spmem:s18@s17], $0x80, s28, $0x10   }
0xa3: {  	_ =	swait.ge [sflag:s25], $0x80  }
0xa4: {  	[sflag:s25] =	ssyncset.done $0x0;
	s21 =	rddreg [dreg:$0x5]  }
0xa5: {  	s24 =	sadd.s32 $0x100, s19;
	[sflag:s25] =	ssyncadd.s32 $0xFFFFFF80;
	s21 =	sshrl.u32 s21, $0x3  }
0xa6: {  	[hbm:s24@s16], [sflag:s7] =	dma.strided [spmem:s21@s17], $0x80, s28, $0x10   }
0xa7: {  	_ =	swait.ge [sflag:s25], $0x80  }
0xa8: {  	[sflag:s25] =	ssyncset.done $0x0  }
0xa9: {  	s22 =	sshrl.u32 s8, $0x3;
	s21 =	sadd.s32 $0x200, s19;
	[sflag:s25] =	ssyncadd.s32 $0xFFFFFF80  }
0xaa: {  	[hbm:s21@s16], [sflag:s7] =	dma.strided [spmem:s22@s17], $0x80, s28, $0x10   }
0xab: {  	_ =	swait.ge [sflag:s25], $0x80  }
0xac: {  	[sflag:s25] =	ssyncset.done $0x0  }
0xad: {  	s23 =	sadd.s32 $0x300, s19;
	s24 =	sshrl.u32 s9, $0x3;
	[sflag:s25] =	ssyncadd.s32 $0xFFFFFF80  }
0xae: {  	[hbm:s23@s16], [sflag:s7] =	dma.strided [spmem:s24@s17], $0x80, s28, $0x10   }
0xaf: {  	_ =	swait.ge [sflag:s25], $0x80  }
0xb0: {  	[sflag:s25] =	ssyncset.done $0x0  }
0xb1: {  	s21 =	sadd.s32 $0x400, s19;
	s22 =	sshrl.u32 s10, $0x3;
	[sflag:s25] =	ssyncadd.s32 $0xFFFFFF80  }
0xb2: {  	[hbm:s21@s16], [sflag:s7] =	dma.strided [spmem:s22@s17], $0x80, s28, $0x10   }
0xb3: {  	_ =	swait.ge [sflag:s25], $0x80  }
0xb4: {  	[sflag:s25] =	ssyncset.done $0x0  }
0xb5: {  	s23 =	sadd.s32 $0x500, s19;
	s24 =	sshrl.u32 s11, $0x3;
	[sflag:s25] =	ssyncadd.s32 $0xFFFFFF80  }
0xb6: {  	[hbm:s23@s16], [sflag:s7] =	dma.strided [spmem:s24@s17], $0x80, s28, $0x10   }
0xb7: {  	_ =	swait.ge [sflag:s25], $0x80  }
0xb8: {  	[sflag:s25] =	ssyncset.done $0x0  }
0xb9: {  	s21 =	sadd.s32 $0x600, s19;
	s22 =	sshrl.u32 s12, $0x3;
	[sflag:s25] =	ssyncadd.s32 $0xFFFFFF80  }
0xba: {  	[hbm:s21@s16], [sflag:s7] =	dma.strided [spmem:s22@s17], $0x80, s28, $0x10   }
0xbb: {  	_ =	swait.ge [sflag:s25], $0x80  }
0xbc: {  	[sflag:s25] =	ssyncset.done $0x0  }
0xbd: {  	s23 =	sadd.s32 $0x700, s19;
	s24 =	sshrl.u32 s13, $0x3;
	[sflag:s25] =	ssyncadd.s32 $0xFFFFFF80  }
0xbe: {  	[hbm:s23@s16], [sflag:s7] =	dma.strided [spmem:s24@s17], $0x80, s28, $0x10   }
0xbf: {  	_ =	swait.ge [sflag:s25], $0x80  }
0xc0: {  	[sflag:s25] =	ssyncset.done $0x0  }
0xc1: {  	s21 =	sadd.s32 $0x800, s19;
	s22 =	sshrl.u32 s14, $0x3;
	[sflag:s25] =	ssyncadd.s32 $0xFFFFFF80  }
0xc2: {  	[hbm:s21@s16], [sflag:s7] =	dma.strided [spmem:s22@s17], $0x80, s28, $0x10   }
0xc3: {  	_ =	swait.ge [sflag:s25], $0x80  }
0xc4: {  	s23 =	sadd.s32 $0x900, s19;
	[sflag:s25] =	ssyncset.done $0x0  }
.Ltmp5:
0xc5: {  	s24 =	sshrl.u32 s15, $0x3;
	[sflag:s25] =	ssyncadd.s32 $0xFFFFFF80;
	(pc) =	sbr.rel .LBB2_6-.Ltmp5, $4  }
0xc6: {  	[hbm:s23@s16], [sflag:s7] =	dma.strided [spmem:s24@s17], $0x80, s28, $0x10   }
0xc7: {  	_ =	swait.ge [sflag:s25], $0x80  }
0xc8: {  	[sflag:s25] =	ssyncset.done $0x0  }
0xc9: {  	[sflag:s25] =	ssyncadd.s32 $0xFFFFFF80  }
.LBB2_7:
0xca: {  	_ =	sfence.sel $0x180000  }
0xcb: {  	[bflag:$0x0] =	sbarrier.arrive $0xFFFF  }
0xcc: {  	_ =	strace $0x9000004A  }
0xcd: {  	s0 =	stileid.u32;
	[bflag:$0x2] =	sbarrier.arrive $0xFFFF  }
0xce: {  	p0 =	sne.s32 s0, $0x0;
	s0 =	rddreg [dreg:$0x3]  }
0xcf: {  	s0 =	sadd.s32 @!p0 $0x100000, s0  }
0xd0: {  	[sflag:s0] =	ssyncadd.tile.s32 @!p0 $0x1;
	_ =	shalt  }
.Lfunc_end2:
_tile_overlayer_lowered:
.L_overlay_start_2:
0xd1: {  	(tag) =	ssettag $0x2  }
0xd2: {  	s0 =	rddreg [dreg:$0x0];
	s2 =	stileid.u32  }
0xd3: {  	s1 =	rddreg [dreg:$0x1];
	p0 =	sne.s32 s2, $0x0  }
0xd4: {  	s3 =	rddreg [dreg:$0x2];
	[bflag:$0x3] =	sbarrier.arrive $0xFFFF;
	s2 =	simm.s32 @!p0 $0x1C05  }
0xd5: {  	[timem:s3], [sflag:s2] =	dma.local @!p0 [hbm:s0], s1  }
0xd6: {  	s0 =	simm.s32 @!p0 $0x5  }
0xd7: {  	_ =	swait.ge @!p0 [sflag:s0], s1  }
0xd8: {  	s1 =	ssub.s32 @!p0 $0x0, s1;
	[sflag:s0] =	ssyncset.done @!p0 $0x0  }
0xd9: {  	[sflag:s0] =	ssyncadd.s32 @!p0 s1  }
0xda: {  	[bflag:$0x3] =	sbarrier.arrive $0xFFFF  }
0xdb: {  	_ =	shalt  }

// kernel: kernel.24.cloned.1.call-start
scs
__scs_entry_jumppad:
0x0: {  	(pc) =	sbr.rel $0x88, $3  }
0x1: {  	(tag) =	ssettag $0x0;
	lr =	simm.s32 $0x1  }
0x2: {  	[smem:$0x3F84] =	sst lr;
	_ =	strace $0xD0000000  }
0x3: {  	_ = 	snop  }
0x4: {  	_ = 	snop  }
0x5: {  	_ = 	snop  }
0x6: {  	_ = 	snop  }
0x7: {  	_ = 	snop  }
__scs_overlays_trampoline_lowered:
0x8: {  	[smem:$0x3F93] =	sst s0  }
0x9: {  	[smem:$0x3F94] =	sst s1  }
0xa: {  	[smem:$0x3F95] =	sst s2  }
0xb: {  	[smem:$0x3F96] =	sst s3  }
0xc: {  	[smem:$0x3F97] =	sst s4  }
0xd: {  	[smem:$0x3F98] =	sst s5  }
0xe: {  	[smem:$0x3F99] =	sst s6  }
0xf: {  	[smem:$0x3F9A] =	sst s7  }
0x10: {  	[smem:$0x3F9B] =	sst s8  }
0x11: {  	[smem:$0x3F9C] =	sst s9;
	s0 =	simm.s32 @!p0 $0x0  }
0x12: {  	s1 =	sld [smem:$0x3F82];
	s0 =	simm.s32 @p0 $0x1  }
0x13: {  	[smem:$0x3F9D] =	sst s0;
	s0 =	simm.s32 @!p1 $0x0  }
0x14: {  	s2 =	sld [smem:$0x3F81];
	s0 =	simm.s32 @p1 $0x1  }
0x15: {  	[smem:$0x3F9E] =	sst s0;
	s0 =	simm.s32 @!p2 $0x0  }
0x16: {  	s3 =	sld [smem:$0x3FDB];
	s0 =	simm.s32 @p2 $0x1  }
0x17: {  	s4 =	simm.s32 $0x1BF5;
	[smem:$0x3FA0] =	sst s0  }
0x18: {  	s0 =	sld [smem:$0x3F83];
	_ =	swait.ge [sflag:s4], $0x0  }
0x19: {  	s7 =	sld [smem:$0x3F84]  }
0x1a: {  	s8 =	sadd.s32 $0xFFFFE003, lr  }
0x1b: {  	s9 =	sadd.s32 $0xFFFFFEF7, lr;
	s5 =	simm.s32 $0xFFFFFFFF;
	p2 =	slt.u32 s8, $0xFFFFF086  }
0x1c: {  	p1 =	slt.u32 s9, $0xF7A;
	s5 =	simm.s32 @!p2 $0x0  }
0x1d: {  	s5 =	simm.s32 @p1 $0x1;
	p0 =	seq.s32 s7, s2  }
0x1e: {  	s7 =	smul.u32 @!p0 $0xF7A, s2;
	p2 =	seq.s32 @!p0 s5, $0x0  }
0x1f: {  	s9 =	smul.u32 $0xF7A, s1;
	s8 =	simm.s32 @!p0 $0x1BF5;
	p2 =	por !p2, p0  }
0x20: {  	[sflag:s8] =	ssyncset.s32 @!p0 $0xFFFFF086;
	s6 =	sadd.s32 @!p0 s3, s7;
	s7 =	simm.s32 @!p0 $0x108  }
0x21: {  	s3 =	sadd.s32 s3, s9;
	s6 =	sadd.s32 @!p0 $0x88, s6;
	s7 =	simm.s32 @p2 $0x1082  }
0x22: {  	[simem:s7], [sflag:s8] =	dma.local @!p0 [hbm:s6], $0xF7A  }
0x23: {  	s9 =	sor.u32 $0xD0000000, s2;
	s6 =	simm.s32 $0x108;
	_ =	swait.ge @!p0 [sflag:s8], $0x0  }
0x24: {  	s3 =	sadd.s32 $0x88, s3;
	s6 =	simm.s32 @!p1 $0x1082;
	[sflag:s4] =	ssyncset.s32 $0xFFFFF086  }
0x25: {  	[simem:s6], [sflag:s4] =	dma.local [hbm:s3], $0xF7A  }
0x26: {  	[smem:$0x3F84] =	sst s1;
	(tag) =	ssettag s2;
	_ =	strace s9  }
0x27: {  	s1 =	sld [smem:$0x3F94]  }
0x28: {  	s2 =	sld [smem:$0x3F95]  }
0x29: {  	s4 =	sld [smem:$0x3F97]  }
0x2a: {  	p0 =	seq.s32 s5, $0x0;
	s5 =	sld [smem:$0x3F98]  }
0x2b: {  	s6 =	sld [smem:$0x3F99]  }
0x2c: {  	s7 =	sld [smem:$0x3F9A]  }
0x2d: {  	s3 =	simm.s32 $0x108;
	s8 =	sld [smem:$0x3F9B]  }
0x2e: {  	s3 =	simm.s32 @!p0 $0x1082;
	s9 =	sld [smem:$0x3F9C]  }
0x2f: {  	lr =	sadd.s32 s0, s3;
	s0 =	sld [smem:$0x3F93]  }
0x30: {  	s3 =	sld [smem:$0x3F96]  }
0x31: {  	[smem:$0x3F9F] =	sst s10  }
0x32: {  	s10 =	sld [smem:$0x3F9D];
	_ =	sdelay $0x3  }
0x33: {  	p0 =	seq.s32 s10, $0x1;
	s10 =	sld [smem:$0x3F9F];
	_ =	sdelay $0x3  }
0x34: {  	[smem:$0x3F9F] =	sst s10  }
0x35: {  	s10 =	sld [smem:$0x3F9E];
	_ =	sdelay $0x3  }
0x36: {  	p1 =	seq.s32 s10, $0x1;
	s10 =	sld [smem:$0x3F9F];
	_ =	sdelay $0x3  }
0x37: {  	[smem:$0x3F9F] =	sst s10  }
0x38: {  	s10 =	sld [smem:$0x3FA0]  }
0x39: {  	_ = 	snop;
	(pc) =	sbr.ind lr, $3  }
0x3a: {  	_ = 	snop  }
0x3b: {  	_ = 	snop  }
0x3c: {  	p2 =	seq.s32 s10, $0x1;
	s10 =	sld [smem:$0x3F9F]  }
0x3d: {  	_ =	shalt  }
0x3e: {  	_ =	shalt  }
0x3f: {  	_ =	shalt  }
0x40: {  	_ =	shalt  }
0x41: {  	_ =	shalt  }
0x42: {  	_ =	shalt  }
0x43: {  	_ =	shalt  }
0x44: {  	_ =	shalt  }
0x45: {  	_ =	shalt  }
0x46: {  	_ =	shalt  }
0x47: {  	_ =	shalt  }
0x48: {  	_ =	shalt  }
0x49: {  	_ =	shalt  }
0x4a: {  	_ =	shalt  }
0x4b: {  	_ =	shalt  }
0x4c: {  	_ =	shalt  }
0x4d: {  	_ =	shalt  }
0x4e: {  	_ =	shalt  }
0x4f: {  	_ =	shalt  }
0x50: {  	_ =	shalt  }
0x51: {  	_ =	shalt  }
0x52: {  	_ =	shalt  }
0x53: {  	_ =	shalt  }
0x54: {  	_ =	shalt  }
0x55: {  	_ =	shalt  }
0x56: {  	_ =	shalt  }
0x57: {  	_ =	shalt  }
0x58: {  	_ =	shalt  }
0x59: {  	_ =	shalt  }
0x5a: {  	_ =	shalt  }
0x5b: {  	_ =	shalt  }
0x5c: {  	_ =	shalt  }
0x5d: {  	_ =	shalt  }
0x5e: {  	_ =	shalt  }
0x5f: {  	_ =	shalt  }
0x60: {  	_ =	shalt  }
0x61: {  	_ =	shalt  }
0x62: {  	_ =	shalt  }
0x63: {  	_ =	shalt  }
0x64: {  	_ =	shalt  }
0x65: {  	_ =	shalt  }
0x66: {  	_ =	shalt  }
0x67: {  	_ =	shalt  }
0x68: {  	_ =	shalt  }
0x69: {  	_ =	shalt  }
0x6a: {  	_ =	shalt  }
0x6b: {  	_ =	shalt  }
0x6c: {  	_ =	shalt  }
0x6d: {  	_ =	shalt  }
0x6e: {  	_ =	shalt  }
0x6f: {  	_ =	shalt  }
0x70: {  	_ =	shalt  }
0x71: {  	_ =	shalt  }
0x72: {  	_ =	shalt  }
0x73: {  	_ =	shalt  }
0x74: {  	_ =	shalt  }
0x75: {  	_ =	shalt  }
0x76: {  	_ =	shalt  }
0x77: {  	_ =	shalt  }
0x78: {  	_ =	shalt  }
0x79: {  	_ =	shalt  }
0x7a: {  	_ =	shalt  }
0x7b: {  	_ =	shalt  }
0x7c: {  	_ =	shalt  }
0x7d: {  	_ =	shalt  }
0x7e: {  	_ =	shalt  }
0x7f: {  	_ =	shalt  }
0x80: {  	_ =	shalt  }
0x81: {  	_ =	shalt  }
0x82: {  	_ =	shalt  }
0x83: {  	_ =	shalt  }
0x84: {  	_ =	shalt  }
0x85: {  	_ =	shalt  }
0x86: {  	_ =	shalt  }
0x87: {  	_ =	shalt  }
.Lfunc_end0:
.L_simem_size_0:
called_computation.2_lowered:
.L_overlay_start_0:
0x88: {  	s2 =	sld [smem:$0x3FD9]  }
0x89: {  	s3 =	sld [smem:$0x3FFE];
	_ =	sdelay $0x1  }
0x8a: {  	s1 =	srdreg.scid  }
0x8b: {  	s0 =	sand.u32 $0x1, s1  }
0x8c: {  	s17 =	sshll.u32 s0, $0xA;
	s2 =	sadd.s32 s3, s2  }
0x8d: {  	s2 =	sadd.s32 s2, s17  }
0x8e: {  	[smem:$0x3FAB] =	sst s2  }
0x8f: {  	_ = 	snop  }
0x90: {  	s2 =	sld [smem:$0x3FD0];
	(tm) =	ssettm $0x1  }
0x91: {  	s18 =	sld [smem:$0x3FFB];
	_ =	sdelay $0x3  }
0x92: {  	_ =	strace s18  }
0x93: {  	s3 =	sld [smem:$0x3FFC];
	_ =	sdelay $0x3  }
0x94: {  	_ =	strace s3  }
0x95: {  	s3 =	sld [smem:$0x3FFD];
	_ =	sdelay $0x3  }
0x96: {  	_ =	strace s3  }
0x97: {  	_ =	strace $0x8FFFFFFF  }
0x98: {  	s19 =	sld [smem:$0x3FDB];
	_ =	sdelay $0x1  }
0x99: {  	s4 =	simm.s32 $_scs_section_size  }
0x9a: {  	s5 =	simm.s32 $_size__tile_overlayer_lowered;
	s6 =	simm.s32 $_tile_overlayer_lowered  }
0x9b: {  	s22 =	simm.s32 $0x1BFF;
	s21 =	sshll.u32 s6, $0x1;
	s3 =	sadd.s32 s4, s19  }
0x9c: {  	s7 =	simm.s32 $0x0;
	s20 =	sshll.u32 s5, $0x1;
	s5 =	sadd.s32 s21, s3  }
0x9d: {  	[timem:s7], [sflag:s22] =	dma.local [hbm:s5], s20  }
0x9e: {  	_ =	swait.ge [sflag:s22], s20  }
0x9f: {  	s4 =	ssub.s32 $0x0, s20;
	[sflag:s22] =	ssyncset.done $0x0  }
0xa0: {  	[sflag:s22] =	ssyncadd.s32 s4;
	_ =	sdelay $0x1  }
0xa1: {  	s23 =	simm.s32 $0x1B8B  }
0xa2: {  	_ =	swait.ge [sflag:s23], $0x1  }
0xa3: {  	[sflag:s23] =	ssyncset.done $0x0  }
0xa4: {  	s25 =	simm.s32 $0x1B8E;
	s24 =	sld [smem:$0x3FFE];
	[sflag:s23] =	ssyncadd.s32 $0xFFFFFFFF  }
0xa5: {  	s26 =	simm.s32 $execute0_lowered;
	[smem:$0x3FD2] =	sst s25  }
0xa6: {  	s5 =	sshll.u32 s26, $0x1;
	_ =	strace $0x8000004C;
	[dreg:$0x1] =	wrdreg $0xFFFFFFFF  }
0xa7: {  	s28 =	simm.s32 $_size_execute0_lowered;
	s3 =	sadd.s32 s3, s5;
	[dreg:$0x0] =	wrdreg $0x0  }
0xa8: {  	s5 =	sshll.u32 s28, $0x1;
	[dreg:$0x2] =	wrdreg s3  }
0xa9: {  	[dreg:$0x3] =	wrdreg s5  }
0xaa: {  	[dreg:$0x4] =	wrdreg $0xC0  }
0xab: {  	_ =	task [dreg:s7], $0x5FFFF  }
0xac: {  	[dreg:$0x1] =	wrdreg $0xFFFFFFFF  }
0xad: {  	[dreg:$0x0] =	wrdreg $0x60  }
0xae: {  	[dreg:$0x2] =	wrdreg s24  }
0xaf: {  	[dreg:$0x3] =	wrdreg s2  }
0xb0: {  	[dreg:$0x4] =	wrdreg $0x9  }
0xb1: {  	_ =	task.clear_ibuf [dreg:s7], $0x5FFFF;
	_ =	strace $0x9000004C  }
0xb2: {  	s29 =	simm.s32 $0x9;
	_ =	strace $0x8000004E  }
0xb3: {  	_ =	swait.ge [sflag:s29], $0x1  }
0xb4: {  	[sflag:s29] =	ssyncadd.s32 $0xFFFFFFFF  }
0xb5: {  	_ =	strace $0x9000004E  }
0xb6: {  	_ =	sfence  }
0xb7: {  	s30 =	sld [smem:$0x0];
	_ =	sdelay $0x2  }
0xb8: {  	s31 =	sshll.u32 s1, $0xD;
	s1 =	sshrl.u32 s1, $0x2  }
0xb9: {  	s3 =	sand.u32 $0x4000, s31;
	s1 =	sadd.s32 s1, s30  }
0xba: {  	s0 =	sor.u32 s3, s0;
	s1 =	sshll.u32 s1, $0x11  }
0xbb: {  	s0 =	sor.u32 s1, s0  }
0xbc: {  	s0 =	sadd.s32 $0x8F2B, s0  }
0xbd: {  	[sflag:s0] =	ssyncadd.remote.s32 $0x1  }
0xbe: {  	_ =	sfence.sel $0xFFFF  }
0xbf: {  	[dreg:$0x0] =	wrdreg $0xFFFFFFFF;
	(pc) =	sbr.abs _section_cstart, $3  }
0xc0: {  	[dreg:$0x1] =	wrdreg $0xFFFFFFFF  }
0xc1: {  	_ =	task.clear_ibuf [dreg:s7], $0x2FFFF;
	_ =	strace $0x9FFFFFFF  }
0xc2: {  	(tm) =	ssettm $0x7FFFFFFF  }
0xc3: {  	_ =	shalt  }
tec
execute0_lowered:
.L_overlay_start_1:
0x0: {  	(tag) =	ssettag $0x1  }
0x1: {  	s4 =	rddreg [dreg:$0x0];
	s1 =	srdreg.scid  }
0x2: {  	s0 =	stileid.u32;
	s5 =	rddreg [dreg:$0x1];
	s2 =	simm.s32 $0x0  }
0x3: {  	s13 =	simm.s32 $0x1;
	s14 =	simm.s32 $0x5400;
	s15 =	simm.s32 $0x2  }
0x4: {  	s16 =	simm.s32 $0x3;
	s17 =	simm.s32 $0x100;
	s10 =	smul.u32 $0x50, s0  }
0x5: {  	s18 =	simm.s32 $0x4;
	s6 =	sand.u32 $0x1, s1;
	s26 =	smul.u32 $0x28000, s0  }
0x6: {  	s19 =	simm.s32 $0x0;
	s3 =	sshll.u32 s0, $0x1;
	s12 =	smul.u32 $0x28, s6  }
0x7: {  	s1 =	rddreg [dreg:$0x2];
	s3 =	sor.u32 s6, s3;
	s29 =	smul.u32 $0x14000, s6  }
0x8: {  	[smem:$0x7FF] =	sst s2;
	s11 =	sadd.s32 $0xAD200, s4;
	s7 =	smul.u32 $0x280, s3  }
0x9: {  	_ =	strace $0x8000004D;
	s9 =	ssub.s32 $0x2, s6;
	s8 =	smul.u32 $0x14000, s3  }
0xa: {  	s3 =	sadd.s32 $0x7000, s4;
	s25 =	sshrl.u32 s9, $0x1;
	s31 =	sadd.s32 s26, s11  }
.Ltmp0:
0xb: {  	s9 =	ssub.s32 s9, s25;
	s28 =	sadd.s32 s12, s10;
	(pc) =	sbr.rel .LBB2_1-.Ltmp0, $4  }
0xc: {  	s10 =	simm.s32 $0x5;
	s12 =	simm.s32 $0x1400;
	s4 =	sadd.s32 s5, s7  }
0xd: {  	s5 =	smax.u32 s9, $0x1;
	s6 =	sadd.s32 s11, s8;
	s30 =	sshll.u32 s28, $0xB  }
0xe: {  	s9 =	sadd.s32 s29, s31;
	s7 =	sadd.s32 $0x800, s6;
	s8 =	sadd.s32 s30, s11  }
0xf: {  	s9 =	sadd.s32 $0x1000, s9;
	s11 =	simm.s32 $0x80;
	s8 =	sadd.s32 $0x1800, s8  }
.LBB2_4:
0x10: {  	s19 =	sadd.s32 $0x1, s19  }
0x11: {  	p0 =	sne.s32 s19, s5  }
.Ltmp1:
0x12: {  	_ = 	snop;
	(pc) =	sbr.rel @!p0 .LBB2_5-.Ltmp1, $4  }
0x13: {  	_ = 	snop  }
0x14: {  	_ =	swait.ge [sflag:s18], $0x4000  }
0x15: {  	[sflag:s18] =	ssyncset.done $0x0  }
0x16: {  	[sflag:s18] =	ssyncadd.s32 $0xFFFFC000  }
.LBB2_1:
0x17: {  	[tilespmem:s2], [sflag:$0x5] =	stream.linear.gather [hbm4b:s4+s2], $0x1400, $0x38;
	[tilespmem:$0x9400] =	vst v63  }
0x18: {  	_ =	swait.ge [sflag:s10], $0x1400  }
0x19: {  	[sflag:s10] =	ssyncset.done $0x0  }
0x1a: {  	[sflag:s10] =	ssyncadd.s32 $0xFFFFEC00  }
0x1b: {  	[tilespmem:s12], [sflag:$0x1] =	stream.indirect.gather [hbm4b:s3+s11], $0x80, s2, s11, $0xb8;
	[tilespmem:$0x9400] =	vst v63  }
0x1c: {  	_ =	swait.ge [sflag:s13], $0x4000  }
0x1d: {  	[sflag:s13] =	ssyncset.done $0x0  }
0x1e: {  	[sflag:s13] =	ssyncadd.s32 $0xFFFFC000  }
0x1f: {  	[hbm4b:s6+s2] =	stream.linear.scatter [tilespmem:s12], [sflag:$0x3], $0x4000, $0x38;
	[tilespmem:$0x9400] =	vst v63  }
0x20: {  	_ = 	snop  }
0x21: {  	[tilespmem:s14], [sflag:$0x2] =	stream.indirect.gather [hbm4b:s3+s11], $0x80, s11, s11, $0xb8;
	[tilespmem:$0x9400] =	vst v63  }
0x22: {  	_ =	swait.ge [sflag:s15], $0x4000  }
0x23: {  	[sflag:s15] =	ssyncset.done $0x0  }
0x24: {  	[sflag:s15] =	ssyncadd.s32 $0xFFFFC000  }
0x25: {  	[hbm4b:s7+s2] =	stream.linear.scatter [tilespmem:s14], [sflag:$0x4], $0x4000, $0x38;
	[tilespmem:$0x9400] =	vst v63  }
0x26: {  	_ =	swait.ge [sflag:s16], $0x4000  }
0x27: {  	[sflag:s16] =	ssyncset.done $0x0  }
0x28: {  	s20 =	simm.s32 $0x200;
	s21 =	simm.s32 $0x0;
	[sflag:s16] =	ssyncadd.s32 $0xFFFFC000  }
0x29: {  	[tilespmem:s12], [sflag:$0x1] =	stream.indirect.gather [hbm4b:s3+s11], $0x80, s17, s11, $0xb8;
	[tilespmem:$0x9400] =	vst v63  }
.LBB2_2:
0x2a: {  	_ =	swait.ge [sflag:s13], $0x4000  }
0x2b: {  	[sflag:s13] =	ssyncset.done $0x0  }
0x2c: {  	s22 =	sadd.s32 s21, s9;
	[sflag:s13] =	ssyncadd.s32 $0xFFFFC000  }
0x2d: {  	[hbm4b:s22+s2] =	stream.linear.scatter [tilespmem:s12], [sflag:$0x3], $0x4000, $0x38;
	[tilespmem:$0x9400] =	vst v63  }
0x2e: {  	_ =	swait.ge [sflag:s18], $0x4000  }
0x2f: {  	[sflag:s18] =	ssyncset.done $0x0  }
0x30: {  	s30 =	sadd.s32 $0xFFFFFF80, s20;
	[sflag:s18] =	ssyncadd.s32 $0xFFFFC000  }
0x31: {  	[tilespmem:s14], [sflag:$0x2] =	stream.indirect.gather [hbm4b:s3+s11], $0x80, s30, s11, $0xb8;
	[tilespmem:$0x9400] =	vst v63  }
0x32: {  	_ =	swait.ge [sflag:s15], $0x4000  }
0x33: {  	p0 =	seq.s32 s21, $0x12000;
	[sflag:s15] =	ssyncset.done $0x0  }
.Ltmp2:
0x34: {  	s31 =	sadd.s32 s21, s8;
	[sflag:s15] =	ssyncadd.s32 $0xFFFFC000;
	(pc) =	sbr.rel @p0 .LBB2_4-.Ltmp2, $4  }
0x35: {  	[hbm4b:s31+s2] =	stream.linear.scatter [tilespmem:s14], [sflag:$0x4], $0x4000, $0x38;
	[tilespmem:$0x9400] =	vst v63  }
0x36: {  	_ =	swait.ge [sflag:s16], $0x4000  }
0x37: {  	[sflag:s16] =	ssyncset.done $0x0  }
0x38: {  	[sflag:s16] =	ssyncadd.s32 $0xFFFFC000  }
.Ltmp3:
0x39: {  	(pc) =	sbr.rel .LBB2_2-.Ltmp3, $3  }
0x3a: {  	_ =	sdelay $0x1  }
0x3b: {  	[tilespmem:s12], [sflag:$0x1] =	stream.indirect.gather [hbm4b:s3+s11], $0x80, s20, s11, $0xb8;
	[tilespmem:$0x9400] =	vst v63  }
0x3c: {  	s20 =	sadd.s32 $0x100, s20;
	s21 =	sadd.s32 $0x1000, s21  }
.LBB2_5:
0x3d: {  	_ =	sfence.sel $0x180000  }
0x3e: {  	[bflag:$0x0] =	sbarrier.arrive $0xFFFF  }
0x3f: {  	p0 =	sne.s32 s0, $0x0;
	_ =	strace $0x9000004D  }
0x40: {  	s0 =	sadd.s32 @!p0 $0x100000, s1;
	[bflag:$0x2] =	sbarrier.arrive $0xFFFF  }
0x41: {  	[sflag:s0] =	ssyncadd.tile.s32 @!p0 $0x1;
	_ =	shalt  }
.Lfunc_end2:
_tile_overlayer_lowered:
.L_overlay_start_2:
0x42: {  	(tag) =	ssettag $0x2  }
0x43: {  	s0 =	rddreg [dreg:$0x0];
	s2 =	stileid.u32  }
0x44: {  	s1 =	rddreg [dreg:$0x1];
	p0 =	sne.s32 s2, $0x0  }
0x45: {  	s3 =	rddreg [dreg:$0x2];
	[bflag:$0x3] =	sbarrier.arrive $0xFFFF;
	s2 =	simm.s32 @!p0 $0x1C05  }
0x46: {  	[timem:s3], [sflag:s2] =	dma.local @!p0 [hbm:s0], s1  }
0x47: {  	s0 =	simm.s32 @!p0 $0x5  }
0x48: {  	_ =	swait.ge @!p0 [sflag:s0], s1  }
0x49: {  	s1 =	ssub.s32 @!p0 $0x0, s1;
	[sflag:s0] =	ssyncset.done @!p0 $0x0  }
0x4a: {  	[sflag:s0] =	ssyncadd.s32 @!p0 s1  }
0x4b: {  	[bflag:$0x3] =	sbarrier.arrive $0xFFFF  }
0x4c: {  	_ =	shalt  }

// kernel: kernel.27.cloned.1.call-start
scs
__scs_entry_jumppad:
0x0: {  	(pc) =	sbr.rel $0x88, $3  }
0x1: {  	(tag) =	ssettag $0x0;
	lr =	simm.s32 $0x1  }
0x2: {  	[smem:$0x3F84] =	sst lr;
	_ =	strace $0xD0000000  }
0x3: {  	_ = 	snop  }
0x4: {  	_ = 	snop  }
0x5: {  	_ = 	snop  }
0x6: {  	_ = 	snop  }
0x7: {  	_ = 	snop  }
__scs_overlays_trampoline_lowered:
0x8: {  	[smem:$0x3F93] =	sst s0  }
0x9: {  	[smem:$0x3F94] =	sst s1  }
0xa: {  	[smem:$0x3F95] =	sst s2  }
0xb: {  	[smem:$0x3F96] =	sst s3  }
0xc: {  	[smem:$0x3F97] =	sst s4  }
0xd: {  	[smem:$0x3F98] =	sst s5  }
0xe: {  	[smem:$0x3F99] =	sst s6  }
0xf: {  	[smem:$0x3F9A] =	sst s7  }
0x10: {  	[smem:$0x3F9B] =	sst s8  }
0x11: {  	[smem:$0x3F9C] =	sst s9;
	s0 =	simm.s32 @!p0 $0x0  }
0x12: {  	s1 =	sld [smem:$0x3F82];
	s0 =	simm.s32 @p0 $0x1  }
0x13: {  	[smem:$0x3F9D] =	sst s0;
	s0 =	simm.s32 @!p1 $0x0  }
0x14: {  	s2 =	sld [smem:$0x3F81];
	s0 =	simm.s32 @p1 $0x1  }
0x15: {  	[smem:$0x3F9E] =	sst s0;
	s0 =	simm.s32 @!p2 $0x0  }
0x16: {  	s3 =	sld [smem:$0x3FDB];
	s0 =	simm.s32 @p2 $0x1  }
0x17: {  	s4 =	simm.s32 $0x1BF5;
	[smem:$0x3FA0] =	sst s0  }
0x18: {  	s0 =	sld [smem:$0x3F83];
	_ =	swait.ge [sflag:s4], $0x0  }
0x19: {  	s7 =	sld [smem:$0x3F84]  }
0x1a: {  	s8 =	sadd.s32 $0xFFFFE003, lr  }
0x1b: {  	s9 =	sadd.s32 $0xFFFFFEF7, lr;
	s5 =	simm.s32 $0xFFFFFFFF;
	p2 =	slt.u32 s8, $0xFFFFF086  }
0x1c: {  	p1 =	slt.u32 s9, $0xF7A;
	s5 =	simm.s32 @!p2 $0x0  }
0x1d: {  	s5 =	simm.s32 @p1 $0x1;
	p0 =	seq.s32 s7, s2  }
0x1e: {  	s7 =	smul.u32 @!p0 $0xF7A, s2;
	p2 =	seq.s32 @!p0 s5, $0x0  }
0x1f: {  	s9 =	smul.u32 $0xF7A, s1;
	s8 =	simm.s32 @!p0 $0x1BF5;
	p2 =	por !p2, p0  }
0x20: {  	[sflag:s8] =	ssyncset.s32 @!p0 $0xFFFFF086;
	s6 =	sadd.s32 @!p0 s3, s7;
	s7 =	simm.s32 @!p0 $0x108  }
0x21: {  	s3 =	sadd.s32 s3, s9;
	s6 =	sadd.s32 @!p0 $0x88, s6;
	s7 =	simm.s32 @p2 $0x1082  }
0x22: {  	[simem:s7], [sflag:s8] =	dma.local @!p0 [hbm:s6], $0xF7A  }
0x23: {  	s9 =	sor.u32 $0xD0000000, s2;
	s6 =	simm.s32 $0x108;
	_ =	swait.ge @!p0 [sflag:s8], $0x0  }
0x24: {  	s3 =	sadd.s32 $0x88, s3;
	s6 =	simm.s32 @!p1 $0x1082;
	[sflag:s4] =	ssyncset.s32 $0xFFFFF086  }
0x25: {  	[simem:s6], [sflag:s4] =	dma.local [hbm:s3], $0xF7A  }
0x26: {  	[smem:$0x3F84] =	sst s1;
	(tag) =	ssettag s2;
	_ =	strace s9  }
0x27: {  	s1 =	sld [smem:$0x3F94]  }
0x28: {  	s2 =	sld [smem:$0x3F95]  }
0x29: {  	s4 =	sld [smem:$0x3F97]  }
0x2a: {  	p0 =	seq.s32 s5, $0x0;
	s5 =	sld [smem:$0x3F98]  }
0x2b: {  	s6 =	sld [smem:$0x3F99]  }
0x2c: {  	s7 =	sld [smem:$0x3F9A]  }
0x2d: {  	s3 =	simm.s32 $0x108;
	s8 =	sld [smem:$0x3F9B]  }
0x2e: {  	s3 =	simm.s32 @!p0 $0x1082;
	s9 =	sld [smem:$0x3F9C]  }
0x2f: {  	lr =	sadd.s32 s0, s3;
	s0 =	sld [smem:$0x3F93]  }
0x30: {  	s3 =	sld [smem:$0x3F96]  }
0x31: {  	[smem:$0x3F9F] =	sst s10  }
0x32: {  	s10 =	sld [smem:$0x3F9D];
	_ =	sdelay $0x3  }
0x33: {  	p0 =	seq.s32 s10, $0x1;
	s10 =	sld [smem:$0x3F9F];
	_ =	sdelay $0x3  }
0x34: {  	[smem:$0x3F9F] =	sst s10  }
0x35: {  	s10 =	sld [smem:$0x3F9E];
	_ =	sdelay $0x3  }
0x36: {  	p1 =	seq.s32 s10, $0x1;
	s10 =	sld [smem:$0x3F9F];
	_ =	sdelay $0x3  }
0x37: {  	[smem:$0x3F9F] =	sst s10  }
0x38: {  	s10 =	sld [smem:$0x3FA0]  }
0x39: {  	_ = 	snop;
	(pc) =	sbr.ind lr, $3  }
0x3a: {  	_ = 	snop  }
0x3b: {  	_ = 	snop  }
0x3c: {  	p2 =	seq.s32 s10, $0x1;
	s10 =	sld [smem:$0x3F9F]  }
0x3d: {  	_ =	shalt  }
0x3e: {  	_ =	shalt  }
0x3f: {  	_ =	shalt  }
0x40: {  	_ =	shalt  }
0x41: {  	_ =	shalt  }
0x42: {  	_ =	shalt  }
0x43: {  	_ =	shalt  }
0x44: {  	_ =	shalt  }
0x45: {  	_ =	shalt  }
0x46: {  	_ =	shalt  }
0x47: {  	_ =	shalt  }
0x48: {  	_ =	shalt  }
0x49: {  	_ =	shalt  }
0x4a: {  	_ =	shalt  }
0x4b: {  	_ =	shalt  }
0x4c: {  	_ =	shalt  }
0x4d: {  	_ =	shalt  }
0x4e: {  	_ =	shalt  }
0x4f: {  	_ =	shalt  }
0x50: {  	_ =	shalt  }
0x51: {  	_ =	shalt  }
0x52: {  	_ =	shalt  }
0x53: {  	_ =	shalt  }
0x54: {  	_ =	shalt  }
0x55: {  	_ =	shalt  }
0x56: {  	_ =	shalt  }
0x57: {  	_ =	shalt  }
0x58: {  	_ =	shalt  }
0x59: {  	_ =	shalt  }
0x5a: {  	_ =	shalt  }
0x5b: {  	_ =	shalt  }
0x5c: {  	_ =	shalt  }
0x5d: {  	_ =	shalt  }
0x5e: {  	_ =	shalt  }
0x5f: {  	_ =	shalt  }
0x60: {  	_ =	shalt  }
0x61: {  	_ =	shalt  }
0x62: {  	_ =	shalt  }
0x63: {  	_ =	shalt  }
0x64: {  	_ =	shalt  }
0x65: {  	_ =	shalt  }
0x66: {  	_ =	shalt  }
0x67: {  	_ =	shalt  }
0x68: {  	_ =	shalt  }
0x69: {  	_ =	shalt  }
0x6a: {  	_ =	shalt  }
0x6b: {  	_ =	shalt  }
0x6c: {  	_ =	shalt  }
0x6d: {  	_ =	shalt  }
0x6e: {  	_ =	shalt  }
0x6f: {  	_ =	shalt  }
0x70: {  	_ =	shalt  }
0x71: {  	_ =	shalt  }
0x72: {  	_ =	shalt  }
0x73: {  	_ =	shalt  }
0x74: {  	_ =	shalt  }
0x75: {  	_ =	shalt  }
0x76: {  	_ =	shalt  }
0x77: {  	_ =	shalt  }
0x78: {  	_ =	shalt  }
0x79: {  	_ =	shalt  }
0x7a: {  	_ =	shalt  }
0x7b: {  	_ =	shalt  }
0x7c: {  	_ =	shalt  }
0x7d: {  	_ =	shalt  }
0x7e: {  	_ =	shalt  }
0x7f: {  	_ =	shalt  }
0x80: {  	_ =	shalt  }
0x81: {  	_ =	shalt  }
0x82: {  	_ =	shalt  }
0x83: {  	_ =	shalt  }
0x84: {  	_ =	shalt  }
0x85: {  	_ =	shalt  }
0x86: {  	_ =	shalt  }
0x87: {  	_ =	shalt  }
.Lfunc_end0:
.L_simem_size_0:
called_computation.3_lowered:
.L_overlay_start_0:
0x88: {  	s2 =	sld [smem:$0x3FD9]  }
0x89: {  	s3 =	sld [smem:$0x3FFE];
	_ =	sdelay $0x1  }
0x8a: {  	s1 =	srdreg.scid  }
0x8b: {  	s0 =	sand.u32 $0x1, s1  }
0x8c: {  	s16 =	sshll.u32 s0, $0xA;
	s2 =	sadd.s32 s3, s2  }
0x8d: {  	s2 =	sadd.s32 s2, s16  }
0x8e: {  	[smem:$0x3FAB] =	sst s2  }
0x8f: {  	_ = 	snop  }
0x90: {  	(tm) =	ssettm $0x1  }
0x91: {  	s17 =	sld [smem:$0x3FFB];
	_ =	sdelay $0x3  }
0x92: {  	_ =	strace s17  }
0x93: {  	s2 =	sld [smem:$0x3FFC];
	_ =	sdelay $0x3  }
0x94: {  	_ =	strace s2  }
0x95: {  	s2 =	sld [smem:$0x3FFD];
	_ =	sdelay $0x3  }
0x96: {  	_ =	strace s2  }
0x97: {  	_ =	strace $0x8FFFFFFF  }
0x98: {  	s18 =	sld [smem:$0x3FDB];
	_ =	sdelay $0x1  }
0x99: {  	s19 =	simm.s32 $_scs_section_size  }
0x9a: {  	s4 =	simm.s32 $_size__tile_overlayer_lowered;
	s5 =	simm.s32 $_tile_overlayer_lowered  }
0x9b: {  	s22 =	simm.s32 $0x1BFF;
	s21 =	sshll.u32 s5, $0x1;
	s2 =	sadd.s32 s19, s18  }
0x9c: {  	s6 =	simm.s32 $0x0;
	s20 =	sshll.u32 s4, $0x1;
	s4 =	sadd.s32 s21, s2  }
0x9d: {  	[timem:s6], [sflag:s22] =	dma.local [hbm:s4], s20  }
0x9e: {  	_ =	swait.ge [sflag:s22], s20  }
0x9f: {  	s3 =	ssub.s32 $0x0, s20;
	[sflag:s22] =	ssyncset.done $0x0  }
0xa0: {  	[sflag:s22] =	ssyncadd.s32 s3;
	_ =	sdelay $0x1  }
0xa1: {  	s23 =	simm.s32 $0x1B8B  }
0xa2: {  	_ =	swait.ge [sflag:s23], $0x1  }
0xa3: {  	[sflag:s23] =	ssyncset.done $0x0  }
0xa4: {  	s25 =	simm.s32 $0x1B8E;
	s24 =	sld [smem:$0x3FFE];
	[sflag:s23] =	ssyncadd.s32 $0xFFFFFFFF  }
0xa5: {  	s26 =	simm.s32 $execute0_lowered;
	[smem:$0x3FD2] =	sst s25  }
0xa6: {  	s4 =	sshll.u32 s26, $0x1;
	_ =	strace $0x8000004F;
	[dreg:$0x1] =	wrdreg $0xFFFFFFFF  }
0xa7: {  	s28 =	simm.s32 $_size_execute0_lowered;
	s2 =	sadd.s32 s2, s4;
	[dreg:$0x0] =	wrdreg $0x0  }
0xa8: {  	s4 =	sshll.u32 s28, $0x1;
	[dreg:$0x2] =	wrdreg s2  }
0xa9: {  	[dreg:$0x3] =	wrdreg s4  }
0xaa: {  	[dreg:$0x4] =	wrdreg $0xC0  }
0xab: {  	_ =	task [dreg:s6], $0x5FFFF  }
0xac: {  	[dreg:$0x1] =	wrdreg $0xFFFFFFFF  }
0xad: {  	[dreg:$0x0] =	wrdreg $0x60  }
0xae: {  	[dreg:$0x2] =	wrdreg s24  }
0xaf: {  	[dreg:$0x3] =	wrdreg $0x94000  }
0xb0: {  	[dreg:$0x4] =	wrdreg $0x9  }
0xb1: {  	_ =	task.clear_ibuf [dreg:s6], $0x5FFFF;
	_ =	strace $0x9000004F  }
0xb2: {  	s29 =	simm.s32 $0x9;
	_ =	strace $0x80000051  }
0xb3: {  	_ =	swait.ge [sflag:s29], $0x1  }
0xb4: {  	[sflag:s29] =	ssyncadd.s32 $0xFFFFFFFF  }
0xb5: {  	_ =	strace $0x90000051  }
0xb6: {  	_ =	sfence  }
0xb7: {  	s30 =	sld [smem:$0x0];
	_ =	sdelay $0x2  }
0xb8: {  	s31 =	sshll.u32 s1, $0xD;
	s1 =	sshrl.u32 s1, $0x2  }
0xb9: {  	s3 =	sand.u32 $0x4000, s31;
	s1 =	sadd.s32 s1, s30  }
0xba: {  	s0 =	sor.u32 s3, s0;
	s1 =	sshll.u32 s1, $0x11  }
0xbb: {  	s0 =	sor.u32 s1, s0  }
0xbc: {  	s0 =	sadd.s32 $0x8F2B, s0  }
0xbd: {  	[sflag:s0] =	ssyncadd.remote.s32 $0x1  }
0xbe: {  	_ =	sfence.sel $0xFFFF  }
0xbf: {  	[dreg:$0x0] =	wrdreg $0xFFFFFFFF;
	(pc) =	sbr.abs _section_cstart, $3  }
0xc0: {  	[dreg:$0x1] =	wrdreg $0xFFFFFFFF  }
0xc1: {  	_ =	task.clear_ibuf [dreg:s6], $0x2FFFF;
	_ =	strace $0x9FFFFFFF  }
0xc2: {  	(tm) =	ssettm $0x7FFFFFFF  }
0xc3: {  	_ =	shalt  }
tec
execute0_lowered:
.L_overlay_start_1:
0x0: {  	(tag) =	ssettag $0x1  }
0x1: {  	s5 =	rddreg [dreg:$0x0]  }
0x2: {  	s2 =	rddreg [dreg:$0x1]  }
0x3: {  	s0 =	rddreg [dreg:$0x2]  }
0x4: {  	s4 =	srdreg.scid;
	s1 =	stileid.u32;
	s3 =	simm.s32 $0x0  }
0x5: {  	s13 =	simm.s32 $0x5;
	s14 =	simm.s32 $0x1400;
	s15 =	simm.s32 $0x1  }
0x6: {  	s16 =	simm.s32 $0x80;
	s17 =	simm.s32 $0x5400;
	s18 =	simm.s32 $0x2  }
0x7: {  	s19 =	simm.s32 $0x3;
	s20 =	simm.s32 $0x4;
	s12 =	smul.u32 $0x7D000, s1  }
0x8: {  	s7 =	sand.u32 $0x1, s4;
	s26 =	sshll.u32 s1, $0x1;
	s30 =	smul.u32 $0x28000, s1  }
0x9: {  	[smem:$0x7FF] =	sst s3;
	s8 =	sadd.s32 $0x7A4200, s5;
	s22 =	smul.u32 $0x3E80, s1  }
0xa: {  	p0 =	sgt.u32 s1, $0x9;
	s6 =	sor.u32 s7, s26;
	s9 =	smul.u32 $0x27100, s7  }
0xb: {  	_ =	strace $0x80000050;
	s11 =	ssub.s32 $0x2, s7;
	s31 =	smul.u32 $0x14000, s7  }
0xc: {  	s4 =	smul.u32 $0x280, s6;
	s28 =	sshrl.u32 s11, $0x1;
	s29 =	sshrl.u32 s12, $0x2  }
0xd: {  	s6 =	smul.u32 $0x14000, s6;
	s9 =	sadd.s32 s9, s5;
	s11 =	ssub.s32 s11, s28  }
0xe: {  	s12 =	sadd.s32 s29, s2;
	s10 =	sadd.s32 s4, s5;
	s4 =	sadd.s32 $0x33200, s5  }
.Ltmp0:
0xf: {  	s6 =	sadd.s32 s8, s6;
	s21 =	sadd.s32 $0x37400, s9;
	(pc) =	sbr.rel .LBB2_1-.Ltmp0, $4  }
0x10: {  	s7 =	smax.u32 s11, $0x1;
	s11 =	sshll.u32 @!p0 s1, $0x6;
	s12 =	sshrl.u32 @!p0 s12, $0x3  }
0x11: {  	s5 =	sadd.s32 $0x2E200, s10;
	s10 =	sadd.s32 s30, s8;
	s8 =	sadd.s32 $0x800, s6  }
0x12: {  	s9 =	sadd.s32 $0x1000, s6;
	s11 =	sor.u32 @!p0 $0x1C05, s11;
	s10 =	sadd.s32 s31, s10  }
0x13: {  	s21 =	sadd.s32 @!p0 s22, s21;
	s22 =	simm.s32 $0x0;
	s10 =	sadd.s32 $0x2000, s10  }
.LBB2_4:
0x14: {  	_ =	swait.ge [sflag:s19], $0x4000  }
0x15: {  	[sflag:s19] =	ssyncset.done $0x0  }
0x16: {  	[sflag:s19] =	ssyncadd.s32 $0xFFFFC000  }
0x17: {  	_ =	swait.ge [sflag:s20], $0x4000  }
0x18: {  	s22 =	sadd.s32 $0x1, s22;
	[sflag:s20] =	ssyncset.done $0x0  }
0x19: {  	p1 =	sne.s32 s22, s7;
	[sflag:s20] =	ssyncadd.s32 $0xFFFFC000  }
.Ltmp1:
0x1a: {  	s23 =	simm.s32 @!p0 $0x5;
	[bflag:$0x0] =	sbarrier.arrive $0xFFFF;
	(pc) =	sbr.rel @!p1 .LBB2_5-.Ltmp1, $4  }
0x1b: {  	[hbm:s21], [sflag:s11] =	dma.local @!p0 [spmem:s12], $0x3E80  }
0x1c: {  	_ =	swait.ge @!p0 [sflag:s23], $0x3E80  }
0x1d: {  	[sflag:s23] =	ssyncset.done @!p0 $0x0  }
0x1e: {  	[sflag:s23] =	ssyncadd.s32 @!p0 $0xFFFFC180  }
.LBB2_1:
0x1f: {  	[spmem:s12], [sflag:s11] =	dma.local @!p0 [hbm:s4], $0x3E80  }
0x20: {  	s23 =	simm.s32 @!p0 $0x5  }
0x21: {  	_ =	swait.ge @!p0 [sflag:s23], $0x3E80  }
0x22: {  	[sflag:s23] =	ssyncset.done @!p0 $0x0  }
0x23: {  	[sflag:s23] =	ssyncadd.s32 @!p0 $0xFFFFC180  }
0x24: {  	[bflag:$0x0] =	sbarrier.arrive $0xFFFF  }
0x25: {  	[tilespmem:s3], [sflag:$0x5] =	stream.linear.gather [hbm4b:s5+s3], $0x1400, $0x38;
	[tilespmem:$0x1D400] =	vst v63  }
0x26: {  	_ =	swait.ge [sflag:s13], $0x1400  }
0x27: {  	[sflag:s13] =	ssyncset.done $0x0  }
0x28: {  	[sflag:s13] =	ssyncadd.s32 $0xFFFFEC00  }
0x29: {  	[tilespmem:s14], [sflag:$0x1] =	stream.linear.gather [hbm4b:s6+s3], $0x4000, $0x38;
	[tilespmem:$0x1D400] =	vst v63  }
0x2a: {  	_ =	swait.ge [sflag:s15], $0x4000  }
0x2b: {  	[sflag:s15] =	ssyncset.done $0x0  }
0x2c: {  	[sflag:s15] =	ssyncadd.s32 $0xFFFFC000  }
0x2d: {  	[spmem:s2] =	stream.indirect.scatter.add.f32 [tilespmem:s14], [sflag:$0x3], $0x80, s3, s16, $0xb8;
	[tilespmem:$0x1D400] =	vst v63  }
0x2e: {  	_ = 	snop  }
0x2f: {  	[tilespmem:s17], [sflag:$0x2] =	stream.linear.gather [hbm4b:s8+s3], $0x4000, $0x38;
	[tilespmem:$0x1D400] =	vst v63  }
0x30: {  	_ =	swait.ge [sflag:s18], $0x4000  }
0x31: {  	[sflag:s18] =	ssyncset.done $0x0  }
0x32: {  	[sflag:s18] =	ssyncadd.s32 $0xFFFFC000  }
0x33: {  	[spmem:s2] =	stream.indirect.scatter.add.f32 [tilespmem:s17], [sflag:$0x4], $0x80, s16, s16, $0xb8;
	[tilespmem:$0x1D400] =	vst v63  }
0x34: {  	_ =	swait.ge [sflag:s19], $0x4000  }
0x35: {  	[sflag:s19] =	ssyncset.done $0x0  }
0x36: {  	s24 =	simm.s32 $0x0;
	s23 =	smov.u32 s10;
	[sflag:s19] =	ssyncadd.s32 $0xFFFFC000  }
0x37: {  	[tilespmem:s14], [sflag:$0x1] =	stream.linear.gather [hbm4b:s9+s3], $0x4000, $0x38;
	[tilespmem:$0x1D400] =	vst v63  }
.LBB2_2:
0x38: {  	_ =	swait.ge [sflag:s15], $0x4000  }
0x39: {  	s25 =	sshra.s32 s24, $0x2;
	[sflag:s15] =	ssyncset.done $0x0  }
0x3a: {  	s26 =	sadd.s32 $0x100, s25;
	[sflag:s15] =	ssyncadd.s32 $0xFFFFC000  }
0x3b: {  	[spmem:s2] =	stream.indirect.scatter.add.f32 [tilespmem:s14], [sflag:$0x3], $0x80, s26, s16, $0xb8;
	[tilespmem:$0x1D400] =	vst v63  }
0x3c: {  	_ =	swait.ge [sflag:s20], $0x4000  }
0x3d: {  	[sflag:s20] =	ssyncset.done $0x0  }
0x3e: {  	s31 =	sadd.s32 $0xFFFFF800, s23;
	p1 =	seq.s32 s24, $0x4800;
	[sflag:s20] =	ssyncadd.s32 $0xFFFFC000  }
0x3f: {  	[tilespmem:s17], [sflag:$0x2] =	stream.linear.gather [hbm4b:s31+s3], $0x4000, $0x38;
	[tilespmem:$0x1D400] =	vst v63  }
.Ltmp2:
0x40: {  	_ = 	snop;
	(pc) =	sbr.rel @p1 .LBB2_4-.Ltmp2, $4  }
0x41: {  	_ =	swait.ge [sflag:s18], $0x4000  }
0x42: {  	[sflag:s18] =	ssyncset.done $0x0  }
0x43: {  	s25 =	sadd.s32 $0x180, s25;
	[sflag:s18] =	ssyncadd.s32 $0xFFFFC000  }
0x44: {  	[spmem:s2] =	stream.indirect.scatter.add.f32 [tilespmem:s17], [sflag:$0x4], $0x80, s25, s16, $0xb8;
	[tilespmem:$0x1D400] =	vst v63  }
.Ltmp3:
0x45: {  	_ =	swait.ge [sflag:s19], $0x4000;
	(pc) =	sbr.rel .LBB2_2-.Ltmp3, $4  }
0x46: {  	[sflag:s19] =	ssyncset.done $0x0  }
0x47: {  	[sflag:s19] =	ssyncadd.s32 $0xFFFFC000  }
0x48: {  	[tilespmem:s14], [sflag:$0x1] =	stream.linear.gather [hbm4b:s23+s3], $0x4000, $0x38;
	[tilespmem:$0x1D400] =	vst v63  }
0x49: {  	s24 =	sadd.s32 $0x400, s24;
	s23 =	sadd.s32 $0x1000, s23  }
.LBB2_5:
0x4a: {  	_ =	sfence.sel $0x180000  }
0x4b: {  	[bflag:$0x0] =	sbarrier.arrive $0xFFFF  }
0x4c: {  	p0 =	sne.s32 s1, $0x0;
	_ =	strace $0x90000050  }
0x4d: {  	s0 =	sadd.s32 @!p0 $0x100000, s0;
	[bflag:$0x2] =	sbarrier.arrive $0xFFFF  }
0x4e: {  	[sflag:s0] =	ssyncadd.tile.s32 @!p0 $0x1;
	_ =	shalt  }
.Lfunc_end2:
_tile_overlayer_lowered:
.L_overlay_start_2:
0x4f: {  	(tag) =	ssettag $0x2  }
0x50: {  	s0 =	rddreg [dreg:$0x0];
	s2 =	stileid.u32  }
0x51: {  	s1 =	rddreg [dreg:$0x1];
	p0 =	sne.s32 s2, $0x0  }
0x52: {  	s3 =	rddreg [dreg:$0x2];
	[bflag:$0x3] =	sbarrier.arrive $0xFFFF;
	s2 =	simm.s32 @!p0 $0x1C05  }
0x53: {  	[timem:s3], [sflag:s2] =	dma.local @!p0 [hbm:s0], s1  }
0x54: {  	s0 =	simm.s32 @!p0 $0x5  }
0x55: {  	_ =	swait.ge @!p0 [sflag:s0], s1  }
0x56: {  	s1 =	ssub.s32 @!p0 $0x0, s1;
	[sflag:s0] =	ssyncset.done @!p0 $0x0  }
0x57: {  	[sflag:s0] =	ssyncadd.s32 @!p0 s1  }
0x58: {  	[bflag:$0x3] =	sbarrier.arrive $0xFFFF  }
0x59: {  	_ =	shalt  }

// kernel: kernel.30.cloned.1.call-start
scs
__scs_entry_jumppad:
0x0: {  	(pc) =	sbr.rel $0x88, $3  }
0x1: {  	(tag) =	ssettag $0x0;
	lr =	simm.s32 $0x1  }
0x2: {  	[smem:$0x3F84] =	sst lr;
	_ =	strace $0xD0000000  }
0x3: {  	_ = 	snop  }
0x4: {  	_ = 	snop  }
0x5: {  	_ = 	snop  }
0x6: {  	_ = 	snop  }
0x7: {  	_ = 	snop  }
__scs_overlays_trampoline_lowered:
0x8: {  	[smem:$0x3F93] =	sst s0  }
0x9: {  	[smem:$0x3F94] =	sst s1  }
0xa: {  	[smem:$0x3F95] =	sst s2  }
0xb: {  	[smem:$0x3F96] =	sst s3  }
0xc: {  	[smem:$0x3F97] =	sst s4  }
0xd: {  	[smem:$0x3F98] =	sst s5  }
0xe: {  	[smem:$0x3F99] =	sst s6  }
0xf: {  	[smem:$0x3F9A] =	sst s7  }
0x10: {  	[smem:$0x3F9B] =	sst s8  }
0x11: {  	[smem:$0x3F9C] =	sst s9;
	s0 =	simm.s32 @!p0 $0x0  }
0x12: {  	s1 =	sld [smem:$0x3F82];
	s0 =	simm.s32 @p0 $0x1  }
0x13: {  	[smem:$0x3F9D] =	sst s0;
	s0 =	simm.s32 @!p1 $0x0  }
0x14: {  	s2 =	sld [smem:$0x3F81];
	s0 =	simm.s32 @p1 $0x1  }
0x15: {  	[smem:$0x3F9E] =	sst s0;
	s0 =	simm.s32 @!p2 $0x0  }
0x16: {  	s3 =	sld [smem:$0x3FDB];
	s0 =	simm.s32 @p2 $0x1  }
0x17: {  	s4 =	simm.s32 $0x1BF5;
	[smem:$0x3FA0] =	sst s0  }
0x18: {  	s0 =	sld [smem:$0x3F83];
	_ =	swait.ge [sflag:s4], $0x0  }
0x19: {  	s7 =	sld [smem:$0x3F84]  }
0x1a: {  	s8 =	sadd.s32 $0xFFFFE003, lr  }
0x1b: {  	s9 =	sadd.s32 $0xFFFFFEF7, lr;
	s5 =	simm.s32 $0xFFFFFFFF;
	p2 =	slt.u32 s8, $0xFFFFF086  }
0x1c: {  	p1 =	slt.u32 s9, $0xF7A;
	s5 =	simm.s32 @!p2 $0x0  }
0x1d: {  	s5 =	simm.s32 @p1 $0x1;
	p0 =	seq.s32 s7, s2  }
0x1e: {  	s7 =	smul.u32 @!p0 $0xF7A, s2;
	p2 =	seq.s32 @!p0 s5, $0x0  }
0x1f: {  	s9 =	smul.u32 $0xF7A, s1;
	s8 =	simm.s32 @!p0 $0x1BF5;
	p2 =	por !p2, p0  }
0x20: {  	[sflag:s8] =	ssyncset.s32 @!p0 $0xFFFFF086;
	s6 =	sadd.s32 @!p0 s3, s7;
	s7 =	simm.s32 @!p0 $0x108  }
0x21: {  	s3 =	sadd.s32 s3, s9;
	s6 =	sadd.s32 @!p0 $0x88, s6;
	s7 =	simm.s32 @p2 $0x1082  }
0x22: {  	[simem:s7], [sflag:s8] =	dma.local @!p0 [hbm:s6], $0xF7A  }
0x23: {  	s9 =	sor.u32 $0xD0000000, s2;
	s6 =	simm.s32 $0x108;
	_ =	swait.ge @!p0 [sflag:s8], $0x0  }
0x24: {  	s3 =	sadd.s32 $0x88, s3;
	s6 =	simm.s32 @!p1 $0x1082;
	[sflag:s4] =	ssyncset.s32 $0xFFFFF086  }
0x25: {  	[simem:s6], [sflag:s4] =	dma.local [hbm:s3], $0xF7A  }
0x26: {  	[smem:$0x3F84] =	sst s1;
	(tag) =	ssettag s2;
	_ =	strace s9  }
0x27: {  	s1 =	sld [smem:$0x3F94]  }
0x28: {  	s2 =	sld [smem:$0x3F95]  }
0x29: {  	s4 =	sld [smem:$0x3F97]  }
0x2a: {  	p0 =	seq.s32 s5, $0x0;
	s5 =	sld [smem:$0x3F98]  }
0x2b: {  	s6 =	sld [smem:$0x3F99]  }
0x2c: {  	s7 =	sld [smem:$0x3F9A]  }
0x2d: {  	s3 =	simm.s32 $0x108;
	s8 =	sld [smem:$0x3F9B]  }
0x2e: {  	s3 =	simm.s32 @!p0 $0x1082;
	s9 =	sld [smem:$0x3F9C]  }
0x2f: {  	lr =	sadd.s32 s0, s3;
	s0 =	sld [smem:$0x3F93]  }
0x30: {  	s3 =	sld [smem:$0x3F96]  }
0x31: {  	[smem:$0x3F9F] =	sst s10  }
0x32: {  	s10 =	sld [smem:$0x3F9D];
	_ =	sdelay $0x3  }
0x33: {  	p0 =	seq.s32 s10, $0x1;
	s10 =	sld [smem:$0x3F9F];
	_ =	sdelay $0x3  }
0x34: {  	[smem:$0x3F9F] =	sst s10  }
0x35: {  	s10 =	sld [smem:$0x3F9E];
	_ =	sdelay $0x3  }
0x36: {  	p1 =	seq.s32 s10, $0x1;
	s10 =	sld [smem:$0x3F9F];
	_ =	sdelay $0x3  }
0x37: {  	[smem:$0x3F9F] =	sst s10  }
0x38: {  	s10 =	sld [smem:$0x3FA0]  }
0x39: {  	_ = 	snop;
	(pc) =	sbr.ind lr, $3  }
0x3a: {  	_ = 	snop  }
0x3b: {  	_ = 	snop  }
0x3c: {  	p2 =	seq.s32 s10, $0x1;
	s10 =	sld [smem:$0x3F9F]  }
0x3d: {  	_ =	shalt  }
0x3e: {  	_ =	shalt  }
0x3f: {  	_ =	shalt  }
0x40: {  	_ =	shalt  }
0x41: {  	_ =	shalt  }
0x42: {  	_ =	shalt  }
0x43: {  	_ =	shalt  }
0x44: {  	_ =	shalt  }
0x45: {  	_ =	shalt  }
0x46: {  	_ =	shalt  }
0x47: {  	_ =	shalt  }
0x48: {  	_ =	shalt  }
0x49: {  	_ =	shalt  }
0x4a: {  	_ =	shalt  }
0x4b: {  	_ =	shalt  }
0x4c: {  	_ =	shalt  }
0x4d: {  	_ =	shalt  }
0x4e: {  	_ =	shalt  }
0x4f: {  	_ =	shalt  }
0x50: {  	_ =	shalt  }
0x51: {  	_ =	shalt  }
0x52: {  	_ =	shalt  }
0x53: {  	_ =	shalt  }
0x54: {  	_ =	shalt  }
0x55: {  	_ =	shalt  }
0x56: {  	_ =	shalt  }
0x57: {  	_ =	shalt  }
0x58: {  	_ =	shalt  }
0x59: {  	_ =	shalt  }
0x5a: {  	_ =	shalt  }
0x5b: {  	_ =	shalt  }
0x5c: {  	_ =	shalt  }
0x5d: {  	_ =	shalt  }
0x5e: {  	_ =	shalt  }
0x5f: {  	_ =	shalt  }
0x60: {  	_ =	shalt  }
0x61: {  	_ =	shalt  }
0x62: {  	_ =	shalt  }
0x63: {  	_ =	shalt  }
0x64: {  	_ =	shalt  }
0x65: {  	_ =	shalt  }
0x66: {  	_ =	shalt  }
0x67: {  	_ =	shalt  }
0x68: {  	_ =	shalt  }
0x69: {  	_ =	shalt  }
0x6a: {  	_ =	shalt  }
0x6b: {  	_ =	shalt  }
0x6c: {  	_ =	shalt  }
0x6d: {  	_ =	shalt  }
0x6e: {  	_ =	shalt  }
0x6f: {  	_ =	shalt  }
0x70: {  	_ =	shalt  }
0x71: {  	_ =	shalt  }
0x72: {  	_ =	shalt  }
0x73: {  	_ =	shalt  }
0x74: {  	_ =	shalt  }
0x75: {  	_ =	shalt  }
0x76: {  	_ =	shalt  }
0x77: {  	_ =	shalt  }
0x78: {  	_ =	shalt  }
0x79: {  	_ =	shalt  }
0x7a: {  	_ =	shalt  }
0x7b: {  	_ =	shalt  }
0x7c: {  	_ =	shalt  }
0x7d: {  	_ =	shalt  }
0x7e: {  	_ =	shalt  }
0x7f: {  	_ =	shalt  }
0x80: {  	_ =	shalt  }
0x81: {  	_ =	shalt  }
0x82: {  	_ =	shalt  }
0x83: {  	_ =	shalt  }
0x84: {  	_ =	shalt  }
0x85: {  	_ =	shalt  }
0x86: {  	_ =	shalt  }
0x87: {  	_ =	shalt  }
.Lfunc_end0:
.L_simem_size_0:
called_computation.4_lowered:
.L_overlay_start_0:
0x88: {  	s2 =	sld [smem:$0x3FD9]  }
0x89: {  	s3 =	sld [smem:$0x3FFE];
	_ =	sdelay $0x1  }
0x8a: {  	s1 =	srdreg.scid  }
0x8b: {  	s0 =	sand.u32 $0x1, s1  }
0x8c: {  	s17 =	sshll.u32 s0, $0xA;
	s2 =	sadd.s32 s3, s2  }
0x8d: {  	s2 =	sadd.s32 s2, s17  }
0x8e: {  	[smem:$0x3FAB] =	sst s2  }
0x8f: {  	_ = 	snop  }
0x90: {  	s2 =	sld [smem:$0x3FD0];
	(tm) =	ssettm $0x1  }
0x91: {  	s18 =	sld [smem:$0x3FFB];
	_ =	sdelay $0x3  }
0x92: {  	_ =	strace s18  }
0x93: {  	s3 =	sld [smem:$0x3FFC];
	_ =	sdelay $0x3  }
0x94: {  	_ =	strace s3  }
0x95: {  	s3 =	sld [smem:$0x3FFD];
	_ =	sdelay $0x3  }
0x96: {  	_ =	strace s3  }
0x97: {  	_ =	strace $0x8FFFFFFF  }
0x98: {  	s19 =	sld [smem:$0x3FDB];
	_ =	sdelay $0x1  }
0x99: {  	s4 =	simm.s32 $_scs_section_size  }
0x9a: {  	s5 =	simm.s32 $_size__tile_overlayer_lowered;
	s6 =	simm.s32 $_tile_overlayer_lowered  }
0x9b: {  	s22 =	simm.s32 $0x1BFF;
	s21 =	sshll.u32 s6, $0x1;
	s3 =	sadd.s32 s4, s19  }
0x9c: {  	s7 =	simm.s32 $0x0;
	s20 =	sshll.u32 s5, $0x1;
	s5 =	sadd.s32 s21, s3  }
0x9d: {  	[timem:s7], [sflag:s22] =	dma.local [hbm:s5], s20  }
0x9e: {  	_ =	swait.ge [sflag:s22], s20  }
0x9f: {  	s4 =	ssub.s32 $0x0, s20;
	[sflag:s22] =	ssyncset.done $0x0  }
0xa0: {  	[sflag:s22] =	ssyncadd.s32 s4;
	_ =	sdelay $0x1  }
0xa1: {  	s23 =	simm.s32 $0x1B8B  }
0xa2: {  	_ =	swait.ge [sflag:s23], $0x1  }
0xa3: {  	[sflag:s23] =	ssyncset.done $0x0  }
0xa4: {  	s25 =	simm.s32 $0x1B8E;
	s24 =	sld [smem:$0x3FFE];
	[sflag:s23] =	ssyncadd.s32 $0xFFFFFFFF  }
0xa5: {  	s26 =	simm.s32 $execute0_lowered;
	[smem:$0x3FD2] =	sst s25  }
0xa6: {  	s5 =	sshll.u32 s26, $0x1;
	_ =	strace $0x80000052;
	[dreg:$0x1] =	wrdreg $0xFFFFFFFF  }
0xa7: {  	s28 =	simm.s32 $_size_execute0_lowered;
	s3 =	sadd.s32 s3, s5;
	[dreg:$0x0] =	wrdreg $0x0  }
0xa8: {  	s5 =	sshll.u32 s28, $0x1;
	[dreg:$0x2] =	wrdreg s3  }
0xa9: {  	[dreg:$0x3] =	wrdreg s5  }
0xaa: {  	[dreg:$0x4] =	wrdreg $0xC0  }
0xab: {  	_ =	task [dreg:s7], $0x5FFFF  }
0xac: {  	[dreg:$0x1] =	wrdreg $0xFFFFFFFF  }
0xad: {  	[dreg:$0x0] =	wrdreg $0x60  }
0xae: {  	[dreg:$0x2] =	wrdreg s24  }
0xaf: {  	[dreg:$0x3] =	wrdreg s2  }
0xb0: {  	[dreg:$0x4] =	wrdreg $0x9  }
0xb1: {  	_ =	task.clear_ibuf [dreg:s7], $0x5FFFF;
	_ =	strace $0x90000052  }
0xb2: {  	s29 =	simm.s32 $0x9;
	_ =	strace $0x80000054  }
0xb3: {  	_ =	swait.ge [sflag:s29], $0x1  }
0xb4: {  	[sflag:s29] =	ssyncadd.s32 $0xFFFFFFFF  }
0xb5: {  	_ =	strace $0x90000054  }
0xb6: {  	_ =	sfence  }
0xb7: {  	s30 =	sld [smem:$0x0];
	_ =	sdelay $0x2  }
0xb8: {  	s31 =	sshll.u32 s1, $0xD;
	s1 =	sshrl.u32 s1, $0x2  }
0xb9: {  	s3 =	sand.u32 $0x4000, s31;
	s1 =	sadd.s32 s1, s30  }
0xba: {  	s0 =	sor.u32 s3, s0;
	s1 =	sshll.u32 s1, $0x11  }
0xbb: {  	s0 =	sor.u32 s1, s0  }
0xbc: {  	s0 =	sadd.s32 $0x8F2B, s0  }
0xbd: {  	[sflag:s0] =	ssyncadd.remote.s32 $0x1  }
0xbe: {  	_ =	sfence.sel $0xFFFF  }
0xbf: {  	[dreg:$0x0] =	wrdreg $0xFFFFFFFF;
	(pc) =	sbr.abs _section_cstart, $3  }
0xc0: {  	[dreg:$0x1] =	wrdreg $0xFFFFFFFF  }
0xc1: {  	_ =	task.clear_ibuf [dreg:s7], $0x2FFFF;
	_ =	strace $0x9FFFFFFF  }
0xc2: {  	(tm) =	ssettm $0x7FFFFFFF  }
0xc3: {  	_ =	shalt  }
tec
execute0_lowered:
.L_overlay_start_1:
0x0: {  	(tag) =	ssettag $0x1  }
0x1: {  	s4 =	rddreg [dreg:$0x0];
	s1 =	srdreg.scid  }
0x2: {  	s0 =	stileid.u32;
	s5 =	rddreg [dreg:$0x1];
	s2 =	simm.s32 $0x0  }
0x3: {  	s13 =	simm.s32 $0x1;
	s14 =	simm.s32 $0x5400;
	s15 =	simm.s32 $0x2  }
0x4: {  	s16 =	simm.s32 $0x3;
	s17 =	simm.s32 $0x100;
	s10 =	smul.u32 $0x50, s0  }
0x5: {  	s18 =	simm.s32 $0x4;
	s6 =	sand.u32 $0x1, s1;
	s26 =	smul.u32 $0x28000, s0  }
0x6: {  	s19 =	simm.s32 $0x0;
	s3 =	sshll.u32 s0, $0x1;
	s12 =	smul.u32 $0x28, s6  }
0x7: {  	s1 =	rddreg [dreg:$0x2];
	s3 =	sor.u32 s6, s3;
	s29 =	smul.u32 $0x14000, s6  }
0x8: {  	[smem:$0x7FF] =	sst s2;
	s11 =	sadd.s32 $0xAD200, s4;
	s7 =	smul.u32 $0x280, s3  }
0x9: {  	_ =	strace $0x80000053;
	s9 =	ssub.s32 $0x2, s6;
	s8 =	smul.u32 $0x14000, s3  }
0xa: {  	s3 =	sadd.s32 $0x7000, s4;
	s25 =	sshrl.u32 s9, $0x1;
	s31 =	sadd.s32 s26, s11  }
.Ltmp0:
0xb: {  	s9 =	ssub.s32 s9, s25;
	s28 =	sadd.s32 s12, s10;
	(pc) =	sbr.rel .LBB2_1-.Ltmp0, $4  }
0xc: {  	s10 =	simm.s32 $0x5;
	s12 =	simm.s32 $0x1400;
	s4 =	sadd.s32 s5, s7  }
0xd: {  	s5 =	smax.u32 s9, $0x1;
	s6 =	sadd.s32 s11, s8;
	s30 =	sshll.u32 s28, $0xB  }
0xe: {  	s9 =	sadd.s32 s29, s31;
	s7 =	sadd.s32 $0x800, s6;
	s8 =	sadd.s32 s30, s11  }
0xf: {  	s9 =	sadd.s32 $0x1000, s9;
	s11 =	simm.s32 $0x80;
	s8 =	sadd.s32 $0x1800, s8  }
.LBB2_4:
0x10: {  	s19 =	sadd.s32 $0x1, s19  }
0x11: {  	p0 =	sne.s32 s19, s5  }
.Ltmp1:
0x12: {  	_ = 	snop;
	(pc) =	sbr.rel @!p0 .LBB2_5-.Ltmp1, $4  }
0x13: {  	_ = 	snop  }
0x14: {  	_ =	swait.ge [sflag:s18], $0x4000  }
0x15: {  	[sflag:s18] =	ssyncset.done $0x0  }
0x16: {  	[sflag:s18] =	ssyncadd.s32 $0xFFFFC000  }
.LBB2_1:
0x17: {  	[tilespmem:s2], [sflag:$0x5] =	stream.linear.gather [hbm4b:s4+s2], $0x1400, $0x38;
	[tilespmem:$0x9400] =	vst v63  }
0x18: {  	_ =	swait.ge [sflag:s10], $0x1400  }
0x19: {  	[sflag:s10] =	ssyncset.done $0x0  }
0x1a: {  	[sflag:s10] =	ssyncadd.s32 $0xFFFFEC00  }
0x1b: {  	[tilespmem:s12], [sflag:$0x1] =	stream.indirect.gather [hbm4b:s3+s11], $0x80, s2, s11, $0xb8;
	[tilespmem:$0x9400] =	vst v63  }
0x1c: {  	_ =	swait.ge [sflag:s13], $0x4000  }
0x1d: {  	[sflag:s13] =	ssyncset.done $0x0  }
0x1e: {  	[sflag:s13] =	ssyncadd.s32 $0xFFFFC000  }
0x1f: {  	[hbm4b:s6+s2] =	stream.linear.scatter [tilespmem:s12], [sflag:$0x3], $0x4000, $0x38;
	[tilespmem:$0x9400] =	vst v63  }
0x20: {  	_ = 	snop  }
0x21: {  	[tilespmem:s14], [sflag:$0x2] =	stream.indirect.gather [hbm4b:s3+s11], $0x80, s11, s11, $0xb8;
	[tilespmem:$0x9400] =	vst v63  }
0x22: {  	_ =	swait.ge [sflag:s15], $0x4000  }
0x23: {  	[sflag:s15] =	ssyncset.done $0x0  }
0x24: {  	[sflag:s15] =	ssyncadd.s32 $0xFFFFC000  }
0x25: {  	[hbm4b:s7+s2] =	stream.linear.scatter [tilespmem:s14], [sflag:$0x4], $0x4000, $0x38;
	[tilespmem:$0x9400] =	vst v63  }
0x26: {  	_ =	swait.ge [sflag:s16], $0x4000  }
0x27: {  	[sflag:s16] =	ssyncset.done $0x0  }
0x28: {  	s20 =	simm.s32 $0x200;
	s21 =	simm.s32 $0x0;
	[sflag:s16] =	ssyncadd.s32 $0xFFFFC000  }
0x29: {  	[tilespmem:s12], [sflag:$0x1] =	stream.indirect.gather [hbm4b:s3+s11], $0x80, s17, s11, $0xb8;
	[tilespmem:$0x9400] =	vst v63  }
.LBB2_2:
0x2a: {  	_ =	swait.ge [sflag:s13], $0x4000  }
0x2b: {  	[sflag:s13] =	ssyncset.done $0x0  }
0x2c: {  	s22 =	sadd.s32 s21, s9;
	[sflag:s13] =	ssyncadd.s32 $0xFFFFC000  }
0x2d: {  	[hbm4b:s22+s2] =	stream.linear.scatter [tilespmem:s12], [sflag:$0x3], $0x4000, $0x38;
	[tilespmem:$0x9400] =	vst v63  }
0x2e: {  	_ =	swait.ge [sflag:s18], $0x4000  }
0x2f: {  	[sflag:s18] =	ssyncset.done $0x0  }
0x30: {  	s30 =	sadd.s32 $0xFFFFFF80, s20;
	[sflag:s18] =	ssyncadd.s32 $0xFFFFC000  }
0x31: {  	[tilespmem:s14], [sflag:$0x2] =	stream.indirect.gather [hbm4b:s3+s11], $0x80, s30, s11, $0xb8;
	[tilespmem:$0x9400] =	vst v63  }
0x32: {  	_ =	swait.ge [sflag:s15], $0x4000  }
0x33: {  	p0 =	seq.s32 s21, $0x12000;
	[sflag:s15] =	ssyncset.done $0x0  }
.Ltmp2:
0x34: {  	s31 =	sadd.s32 s21, s8;
	[sflag:s15] =	ssyncadd.s32 $0xFFFFC000;
	(pc) =	sbr.rel @p0 .LBB2_4-.Ltmp2, $4  }
0x35: {  	[hbm4b:s31+s2] =	stream.linear.scatter [tilespmem:s14], [sflag:$0x4], $0x4000, $0x38;
	[tilespmem:$0x9400] =	vst v63  }
0x36: {  	_ =	swait.ge [sflag:s16], $0x4000  }
0x37: {  	[sflag:s16] =	ssyncset.done $0x0  }
0x38: {  	[sflag:s16] =	ssyncadd.s32 $0xFFFFC000  }
.Ltmp3:
0x39: {  	(pc) =	sbr.rel .LBB2_2-.Ltmp3, $3  }
0x3a: {  	_ =	sdelay $0x1  }
0x3b: {  	[tilespmem:s12], [sflag:$0x1] =	stream.indirect.gather [hbm4b:s3+s11], $0x80, s20, s11, $0xb8;
	[tilespmem:$0x9400] =	vst v63  }
0x3c: {  	s20 =	sadd.s32 $0x100, s20;
	s21 =	sadd.s32 $0x1000, s21  }
.LBB2_5:
0x3d: {  	_ =	sfence.sel $0x180000  }
0x3e: {  	[bflag:$0x0] =	sbarrier.arrive $0xFFFF  }
0x3f: {  	p0 =	sne.s32 s0, $0x0;
	_ =	strace $0x90000053  }
0x40: {  	s0 =	sadd.s32 @!p0 $0x100000, s1;
	[bflag:$0x2] =	sbarrier.arrive $0xFFFF  }
0x41: {  	[sflag:s0] =	ssyncadd.tile.s32 @!p0 $0x1;
	_ =	shalt  }
.Lfunc_end2:
_tile_overlayer_lowered:
.L_overlay_start_2:
0x42: {  	(tag) =	ssettag $0x2  }
0x43: {  	s0 =	rddreg [dreg:$0x0];
	s2 =	stileid.u32  }
0x44: {  	s1 =	rddreg [dreg:$0x1];
	p0 =	sne.s32 s2, $0x0  }
0x45: {  	s3 =	rddreg [dreg:$0x2];
	[bflag:$0x3] =	sbarrier.arrive $0xFFFF;
	s2 =	simm.s32 @!p0 $0x1C05  }
0x46: {  	[timem:s3], [sflag:s2] =	dma.local @!p0 [hbm:s0], s1  }
0x47: {  	s0 =	simm.s32 @!p0 $0x5  }
0x48: {  	_ =	swait.ge @!p0 [sflag:s0], s1  }
0x49: {  	s1 =	ssub.s32 @!p0 $0x0, s1;
	[sflag:s0] =	ssyncset.done @!p0 $0x0  }
0x4a: {  	[sflag:s0] =	ssyncadd.s32 @!p0 s1  }
0x4b: {  	[bflag:$0x3] =	sbarrier.arrive $0xFFFF  }
0x4c: {  	_ =	shalt  }

// kernel: kernel.33.cloned.1.call-start
scs
__scs_entry_jumppad:
0x0: {  	(pc) =	sbr.rel $0x88, $3  }
0x1: {  	(tag) =	ssettag $0x0;
	lr =	simm.s32 $0x1  }
0x2: {  	[smem:$0x3F84] =	sst lr;
	_ =	strace $0xD0000000  }
0x3: {  	_ = 	snop  }
0x4: {  	_ = 	snop  }
0x5: {  	_ = 	snop  }
0x6: {  	_ = 	snop  }
0x7: {  	_ = 	snop  }
__scs_overlays_trampoline_lowered:
0x8: {  	[smem:$0x3F93] =	sst s0  }
0x9: {  	[smem:$0x3F94] =	sst s1  }
0xa: {  	[smem:$0x3F95] =	sst s2  }
0xb: {  	[smem:$0x3F96] =	sst s3  }
0xc: {  	[smem:$0x3F97] =	sst s4  }
0xd: {  	[smem:$0x3F98] =	sst s5  }
0xe: {  	[smem:$0x3F99] =	sst s6  }
0xf: {  	[smem:$0x3F9A] =	sst s7  }
0x10: {  	[smem:$0x3F9B] =	sst s8  }
0x11: {  	[smem:$0x3F9C] =	sst s9;
	s0 =	simm.s32 @!p0 $0x0  }
0x12: {  	s1 =	sld [smem:$0x3F82];
	s0 =	simm.s32 @p0 $0x1  }
0x13: {  	[smem:$0x3F9D] =	sst s0;
	s0 =	simm.s32 @!p1 $0x0  }
0x14: {  	s2 =	sld [smem:$0x3F81];
	s0 =	simm.s32 @p1 $0x1  }
0x15: {  	[smem:$0x3F9E] =	sst s0;
	s0 =	simm.s32 @!p2 $0x0  }
0x16: {  	s3 =	sld [smem:$0x3FDB];
	s0 =	simm.s32 @p2 $0x1  }
0x17: {  	s4 =	simm.s32 $0x1BF5;
	[smem:$0x3FA0] =	sst s0  }
0x18: {  	s0 =	sld [smem:$0x3F83];
	_ =	swait.ge [sflag:s4], $0x0  }
0x19: {  	s7 =	sld [smem:$0x3F84]  }
0x1a: {  	s8 =	sadd.s32 $0xFFFFE003, lr  }
0x1b: {  	s9 =	sadd.s32 $0xFFFFFEF7, lr;
	s5 =	simm.s32 $0xFFFFFFFF;
	p2 =	slt.u32 s8, $0xFFFFF086  }
0x1c: {  	p1 =	slt.u32 s9, $0xF7A;
	s5 =	simm.s32 @!p2 $0x0  }
0x1d: {  	s5 =	simm.s32 @p1 $0x1;
	p0 =	seq.s32 s7, s2  }
0x1e: {  	s7 =	smul.u32 @!p0 $0xF7A, s2;
	p2 =	seq.s32 @!p0 s5, $0x0  }
0x1f: {  	s9 =	smul.u32 $0xF7A, s1;
	s8 =	simm.s32 @!p0 $0x1BF5;
	p2 =	por !p2, p0  }
0x20: {  	[sflag:s8] =	ssyncset.s32 @!p0 $0xFFFFF086;
	s6 =	sadd.s32 @!p0 s3, s7;
	s7 =	simm.s32 @!p0 $0x108  }
0x21: {  	s3 =	sadd.s32 s3, s9;
	s6 =	sadd.s32 @!p0 $0x88, s6;
	s7 =	simm.s32 @p2 $0x1082  }
0x22: {  	[simem:s7], [sflag:s8] =	dma.local @!p0 [hbm:s6], $0xF7A  }
0x23: {  	s9 =	sor.u32 $0xD0000000, s2;
	s6 =	simm.s32 $0x108;
	_ =	swait.ge @!p0 [sflag:s8], $0x0  }
0x24: {  	s3 =	sadd.s32 $0x88, s3;
	s6 =	simm.s32 @!p1 $0x1082;
	[sflag:s4] =	ssyncset.s32 $0xFFFFF086  }
0x25: {  	[simem:s6], [sflag:s4] =	dma.local [hbm:s3], $0xF7A  }
0x26: {  	[smem:$0x3F84] =	sst s1;
	(tag) =	ssettag s2;
	_ =	strace s9  }
0x27: {  	s1 =	sld [smem:$0x3F94]  }
0x28: {  	s2 =	sld [smem:$0x3F95]  }
0x29: {  	s4 =	sld [smem:$0x3F97]  }
0x2a: {  	p0 =	seq.s32 s5, $0x0;
	s5 =	sld [smem:$0x3F98]  }
0x2b: {  	s6 =	sld [smem:$0x3F99]  }
0x2c: {  	s7 =	sld [smem:$0x3F9A]  }
0x2d: {  	s3 =	simm.s32 $0x108;
	s8 =	sld [smem:$0x3F9B]  }
0x2e: {  	s3 =	simm.s32 @!p0 $0x1082;
	s9 =	sld [smem:$0x3F9C]  }
0x2f: {  	lr =	sadd.s32 s0, s3;
	s0 =	sld [smem:$0x3F93]  }
0x30: {  	s3 =	sld [smem:$0x3F96]  }
0x31: {  	[smem:$0x3F9F] =	sst s10  }
0x32: {  	s10 =	sld [smem:$0x3F9D];
	_ =	sdelay $0x3  }
0x33: {  	p0 =	seq.s32 s10, $0x1;
	s10 =	sld [smem:$0x3F9F];
	_ =	sdelay $0x3  }
0x34: {  	[smem:$0x3F9F] =	sst s10  }
0x35: {  	s10 =	sld [smem:$0x3F9E];
	_ =	sdelay $0x3  }
0x36: {  	p1 =	seq.s32 s10, $0x1;
	s10 =	sld [smem:$0x3F9F];
	_ =	sdelay $0x3  }
0x37: {  	[smem:$0x3F9F] =	sst s10  }
0x38: {  	s10 =	sld [smem:$0x3FA0]  }
0x39: {  	_ = 	snop;
	(pc) =	sbr.ind lr, $3  }
0x3a: {  	_ = 	snop  }
0x3b: {  	_ = 	snop  }
0x3c: {  	p2 =	seq.s32 s10, $0x1;
	s10 =	sld [smem:$0x3F9F]  }
0x3d: {  	_ =	shalt  }
0x3e: {  	_ =	shalt  }
0x3f: {  	_ =	shalt  }
0x40: {  	_ =	shalt  }
0x41: {  	_ =	shalt  }
0x42: {  	_ =	shalt  }
0x43: {  	_ =	shalt  }
0x44: {  	_ =	shalt  }
0x45: {  	_ =	shalt  }
0x46: {  	_ =	shalt  }
0x47: {  	_ =	shalt  }
0x48: {  	_ =	shalt  }
0x49: {  	_ =	shalt  }
0x4a: {  	_ =	shalt  }
0x4b: {  	_ =	shalt  }
0x4c: {  	_ =	shalt  }
0x4d: {  	_ =	shalt  }
0x4e: {  	_ =	shalt  }
0x4f: {  	_ =	shalt  }
0x50: {  	_ =	shalt  }
0x51: {  	_ =	shalt  }
0x52: {  	_ =	shalt  }
0x53: {  	_ =	shalt  }
0x54: {  	_ =	shalt  }
0x55: {  	_ =	shalt  }
0x56: {  	_ =	shalt  }
0x57: {  	_ =	shalt  }
0x58: {  	_ =	shalt  }
0x59: {  	_ =	shalt  }
0x5a: {  	_ =	shalt  }
0x5b: {  	_ =	shalt  }
0x5c: {  	_ =	shalt  }
0x5d: {  	_ =	shalt  }
0x5e: {  	_ =	shalt  }
0x5f: {  	_ =	shalt  }
0x60: {  	_ =	shalt  }
0x61: {  	_ =	shalt  }
0x62: {  	_ =	shalt  }
0x63: {  	_ =	shalt  }
0x64: {  	_ =	shalt  }
0x65: {  	_ =	shalt  }
0x66: {  	_ =	shalt  }
0x67: {  	_ =	shalt  }
0x68: {  	_ =	shalt  }
0x69: {  	_ =	shalt  }
0x6a: {  	_ =	shalt  }
0x6b: {  	_ =	shalt  }
0x6c: {  	_ =	shalt  }
0x6d: {  	_ =	shalt  }
0x6e: {  	_ =	shalt  }
0x6f: {  	_ =	shalt  }
0x70: {  	_ =	shalt  }
0x71: {  	_ =	shalt  }
0x72: {  	_ =	shalt  }
0x73: {  	_ =	shalt  }
0x74: {  	_ =	shalt  }
0x75: {  	_ =	shalt  }
0x76: {  	_ =	shalt  }
0x77: {  	_ =	shalt  }
0x78: {  	_ =	shalt  }
0x79: {  	_ =	shalt  }
0x7a: {  	_ =	shalt  }
0x7b: {  	_ =	shalt  }
0x7c: {  	_ =	shalt  }
0x7d: {  	_ =	shalt  }
0x7e: {  	_ =	shalt  }
0x7f: {  	_ =	shalt  }
0x80: {  	_ =	shalt  }
0x81: {  	_ =	shalt  }
0x82: {  	_ =	shalt  }
0x83: {  	_ =	shalt  }
0x84: {  	_ =	shalt  }
0x85: {  	_ =	shalt  }
0x86: {  	_ =	shalt  }
0x87: {  	_ =	shalt  }
.Lfunc_end0:
.L_simem_size_0:
called_computation.5_lowered:
.L_overlay_start_0:
0x88: {  	s2 =	sld [smem:$0x3FD9]  }
0x89: {  	s3 =	sld [smem:$0x3FFE];
	_ =	sdelay $0x1  }
0x8a: {  	s1 =	srdreg.scid  }
0x8b: {  	s0 =	sand.u32 $0x1, s1  }
0x8c: {  	s16 =	sshll.u32 s0, $0xA;
	s2 =	sadd.s32 s3, s2  }
0x8d: {  	s2 =	sadd.s32 s2, s16  }
0x8e: {  	[smem:$0x3FAB] =	sst s2  }
0x8f: {  	_ = 	snop  }
0x90: {  	(tm) =	ssettm $0x1  }
0x91: {  	s17 =	sld [smem:$0x3FFB];
	_ =	sdelay $0x3  }
0x92: {  	_ =	strace s17  }
0x93: {  	s2 =	sld [smem:$0x3FFC];
	_ =	sdelay $0x3  }
0x94: {  	_ =	strace s2  }
0x95: {  	s2 =	sld [smem:$0x3FFD];
	_ =	sdelay $0x3  }
0x96: {  	_ =	strace s2  }
0x97: {  	_ =	strace $0x8FFFFFFF  }
0x98: {  	s18 =	sld [smem:$0x3FDB];
	_ =	sdelay $0x1  }
0x99: {  	s19 =	simm.s32 $_scs_section_size  }
0x9a: {  	s4 =	simm.s32 $_size__tile_overlayer_lowered;
	s5 =	simm.s32 $_tile_overlayer_lowered  }
0x9b: {  	s22 =	simm.s32 $0x1BFF;
	s21 =	sshll.u32 s5, $0x1;
	s2 =	sadd.s32 s19, s18  }
0x9c: {  	s6 =	simm.s32 $0x0;
	s20 =	sshll.u32 s4, $0x1;
	s4 =	sadd.s32 s21, s2  }
0x9d: {  	[timem:s6], [sflag:s22] =	dma.local [hbm:s4], s20  }
0x9e: {  	_ =	swait.ge [sflag:s22], s20  }
0x9f: {  	s3 =	ssub.s32 $0x0, s20;
	[sflag:s22] =	ssyncset.done $0x0  }
0xa0: {  	[sflag:s22] =	ssyncadd.s32 s3;
	_ =	sdelay $0x1  }
0xa1: {  	s23 =	simm.s32 $0x1B8B  }
0xa2: {  	_ =	swait.ge [sflag:s23], $0x1  }
0xa3: {  	[sflag:s23] =	ssyncset.done $0x0  }
0xa4: {  	s25 =	simm.s32 $0x1B8E;
	s24 =	sld [smem:$0x3FFE];
	[sflag:s23] =	ssyncadd.s32 $0xFFFFFFFF  }
0xa5: {  	s26 =	simm.s32 $execute0_lowered;
	[smem:$0x3FD2] =	sst s25  }
0xa6: {  	s4 =	sshll.u32 s26, $0x1;
	_ =	strace $0x80000055;
	[dreg:$0x1] =	wrdreg $0xFFFFFFFF  }
0xa7: {  	s28 =	simm.s32 $_size_execute0_lowered;
	s2 =	sadd.s32 s2, s4;
	[dreg:$0x0] =	wrdreg $0x0  }
0xa8: {  	s4 =	sshll.u32 s28, $0x1;
	[dreg:$0x2] =	wrdreg s2  }
0xa9: {  	[dreg:$0x3] =	wrdreg s4  }
0xaa: {  	[dreg:$0x4] =	wrdreg $0xC0  }
0xab: {  	_ =	task [dreg:s6], $0x5FFFF  }
0xac: {  	[dreg:$0x1] =	wrdreg $0xFFFFFFFF  }
0xad: {  	[dreg:$0x0] =	wrdreg $0x60  }
0xae: {  	[dreg:$0x2] =	wrdreg s24  }
0xaf: {  	[dreg:$0x3] =	wrdreg $0x94000  }
0xb0: {  	[dreg:$0x4] =	wrdreg $0x9  }
0xb1: {  	_ =	task.clear_ibuf [dreg:s6], $0x5FFFF;
	_ =	strace $0x90000055  }
0xb2: {  	s29 =	simm.s32 $0x9;
	_ =	strace $0x80000057  }
0xb3: {  	_ =	swait.ge [sflag:s29], $0x1  }
0xb4: {  	[sflag:s29] =	ssyncadd.s32 $0xFFFFFFFF  }
0xb5: {  	_ =	strace $0x90000057  }
0xb6: {  	_ =	sfence  }
0xb7: {  	s30 =	sld [smem:$0x0];
	_ =	sdelay $0x2  }
0xb8: {  	s31 =	sshll.u32 s1, $0xD;
	s1 =	sshrl.u32 s1, $0x2  }
0xb9: {  	s3 =	sand.u32 $0x4000, s31;
	s1 =	sadd.s32 s1, s30  }
0xba: {  	s0 =	sor.u32 s3, s0;
	s1 =	sshll.u32 s1, $0x11  }
0xbb: {  	s0 =	sor.u32 s1, s0  }
0xbc: {  	s0 =	sadd.s32 $0x8F2B, s0  }
0xbd: {  	[sflag:s0] =	ssyncadd.remote.s32 $0x1  }
0xbe: {  	_ =	sfence.sel $0xFFFF  }
0xbf: {  	[dreg:$0x0] =	wrdreg $0xFFFFFFFF;
	(pc) =	sbr.abs _section_cstart, $3  }
0xc0: {  	[dreg:$0x1] =	wrdreg $0xFFFFFFFF  }
0xc1: {  	_ =	task.clear_ibuf [dreg:s6], $0x2FFFF;
	_ =	strace $0x9FFFFFFF  }
0xc2: {  	(tm) =	ssettm $0x7FFFFFFF  }
0xc3: {  	_ =	shalt  }
tec
execute0_lowered:
.L_overlay_start_1:
0x0: {  	(tag) =	ssettag $0x1  }
0x1: {  	s5 =	rddreg [dreg:$0x0]  }
0x2: {  	s2 =	rddreg [dreg:$0x1]  }
0x3: {  	s0 =	rddreg [dreg:$0x2]  }
0x4: {  	s4 =	srdreg.scid;
	s1 =	stileid.u32;
	s3 =	simm.s32 $0x0  }
0x5: {  	s13 =	simm.s32 $0x5;
	s14 =	simm.s32 $0x1400;
	s15 =	simm.s32 $0x1  }
0x6: {  	s16 =	simm.s32 $0x80;
	s17 =	simm.s32 $0x5400;
	s18 =	simm.s32 $0x2  }
0x7: {  	s19 =	simm.s32 $0x3;
	s20 =	simm.s32 $0x4;
	s12 =	smul.u32 $0x7D000, s1  }
0x8: {  	s7 =	sand.u32 $0x1, s4;
	s26 =	sshll.u32 s1, $0x1;
	s30 =	smul.u32 $0x28000, s1  }
0x9: {  	[smem:$0x7FF] =	sst s3;
	s8 =	sadd.s32 $0x7A4200, s5;
	s22 =	smul.u32 $0x3E80, s1  }
0xa: {  	p0 =	sgt.u32 s1, $0x9;
	s6 =	sor.u32 s7, s26;
	s9 =	smul.u32 $0x27100, s7  }
0xb: {  	_ =	strace $0x80000056;
	s11 =	ssub.s32 $0x2, s7;
	s31 =	smul.u32 $0x14000, s7  }
0xc: {  	s4 =	smul.u32 $0x280, s6;
	s28 =	sshrl.u32 s11, $0x1;
	s29 =	sshrl.u32 s12, $0x2  }
0xd: {  	s6 =	smul.u32 $0x14000, s6;
	s9 =	sadd.s32 s9, s5;
	s11 =	ssub.s32 s11, s28  }
0xe: {  	s12 =	sadd.s32 s29, s2;
	s10 =	sadd.s32 s4, s5;
	s4 =	sadd.s32 $0x33200, s5  }
.Ltmp0:
0xf: {  	s6 =	sadd.s32 s8, s6;
	s21 =	sadd.s32 $0x37400, s9;
	(pc) =	sbr.rel .LBB2_1-.Ltmp0, $4  }
0x10: {  	s7 =	smax.u32 s11, $0x1;
	s11 =	sshll.u32 @!p0 s1, $0x6;
	s12 =	sshrl.u32 @!p0 s12, $0x3  }
0x11: {  	s5 =	sadd.s32 $0x2E200, s10;
	s10 =	sadd.s32 s30, s8;
	s8 =	sadd.s32 $0x800, s6  }
0x12: {  	s9 =	sadd.s32 $0x1000, s6;
	s11 =	sor.u32 @!p0 $0x1C05, s11;
	s10 =	sadd.s32 s31, s10  }
0x13: {  	s21 =	sadd.s32 @!p0 s22, s21;
	s22 =	simm.s32 $0x0;
	s10 =	sadd.s32 $0x2000, s10  }
.LBB2_4:
0x14: {  	_ =	swait.ge [sflag:s19], $0x4000  }
0x15: {  	[sflag:s19] =	ssyncset.done $0x0  }
0x16: {  	[sflag:s19] =	ssyncadd.s32 $0xFFFFC000  }
0x17: {  	_ =	swait.ge [sflag:s20], $0x4000  }
0x18: {  	s22 =	sadd.s32 $0x1, s22;
	[sflag:s20] =	ssyncset.done $0x0  }
0x19: {  	p1 =	sne.s32 s22, s7;
	[sflag:s20] =	ssyncadd.s32 $0xFFFFC000  }
.Ltmp1:
0x1a: {  	s23 =	simm.s32 @!p0 $0x5;
	[bflag:$0x0] =	sbarrier.arrive $0xFFFF;
	(pc) =	sbr.rel @!p1 .LBB2_5-.Ltmp1, $4  }
0x1b: {  	[hbm:s21], [sflag:s11] =	dma.local @!p0 [spmem:s12], $0x3E80  }
0x1c: {  	_ =	swait.ge @!p0 [sflag:s23], $0x3E80  }
0x1d: {  	[sflag:s23] =	ssyncset.done @!p0 $0x0  }
0x1e: {  	[sflag:s23] =	ssyncadd.s32 @!p0 $0xFFFFC180  }
.LBB2_1:
0x1f: {  	[spmem:s12], [sflag:s11] =	dma.local @!p0 [hbm:s4], $0x3E80  }
0x20: {  	s23 =	simm.s32 @!p0 $0x5  }
0x21: {  	_ =	swait.ge @!p0 [sflag:s23], $0x3E80  }
0x22: {  	[sflag:s23] =	ssyncset.done @!p0 $0x0  }
0x23: {  	[sflag:s23] =	ssyncadd.s32 @!p0 $0xFFFFC180  }
0x24: {  	[bflag:$0x0] =	sbarrier.arrive $0xFFFF  }
0x25: {  	[tilespmem:s3], [sflag:$0x5] =	stream.linear.gather [hbm4b:s5+s3], $0x1400, $0x38;
	[tilespmem:$0x1D400] =	vst v63  }
0x26: {  	_ =	swait.ge [sflag:s13], $0x1400  }
0x27: {  	[sflag:s13] =	ssyncset.done $0x0  }
0x28: {  	[sflag:s13] =	ssyncadd.s32 $0xFFFFEC00  }
0x29: {  	[tilespmem:s14], [sflag:$0x1] =	stream.linear.gather [hbm4b:s6+s3], $0x4000, $0x38;
	[tilespmem:$0x1D400] =	vst v63  }
0x2a: {  	_ =	swait.ge [sflag:s15], $0x4000  }
0x2b: {  	[sflag:s15] =	ssyncset.done $0x0  }
0x2c: {  	[sflag:s15] =	ssyncadd.s32 $0xFFFFC000  }
0x2d: {  	[spmem:s2] =	stream.indirect.scatter.add.f32 [tilespmem:s14], [sflag:$0x3], $0x80, s3, s16, $0xb8;
	[tilespmem:$0x1D400] =	vst v63  }
0x2e: {  	_ = 	snop  }
0x2f: {  	[tilespmem:s17], [sflag:$0x2] =	stream.linear.gather [hbm4b:s8+s3], $0x4000, $0x38;
	[tilespmem:$0x1D400] =	vst v63  }
0x30: {  	_ =	swait.ge [sflag:s18], $0x4000  }
0x31: {  	[sflag:s18] =	ssyncset.done $0x0  }
0x32: {  	[sflag:s18] =	ssyncadd.s32 $0xFFFFC000  }
0x33: {  	[spmem:s2] =	stream.indirect.scatter.add.f32 [tilespmem:s17], [sflag:$0x4], $0x80, s16, s16, $0xb8;
	[tilespmem:$0x1D400] =	vst v63  }
0x34: {  	_ =	swait.ge [sflag:s19], $0x4000  }
0x35: {  	[sflag:s19] =	ssyncset.done $0x0  }
0x36: {  	s24 =	simm.s32 $0x0;
	s23 =	smov.u32 s10;
	[sflag:s19] =	ssyncadd.s32 $0xFFFFC000  }
0x37: {  	[tilespmem:s14], [sflag:$0x1] =	stream.linear.gather [hbm4b:s9+s3], $0x4000, $0x38;
	[tilespmem:$0x1D400] =	vst v63  }
.LBB2_2:
0x38: {  	_ =	swait.ge [sflag:s15], $0x4000  }
0x39: {  	s25 =	sshra.s32 s24, $0x2;
	[sflag:s15] =	ssyncset.done $0x0  }
0x3a: {  	s26 =	sadd.s32 $0x100, s25;
	[sflag:s15] =	ssyncadd.s32 $0xFFFFC000  }
0x3b: {  	[spmem:s2] =	stream.indirect.scatter.add.f32 [tilespmem:s14], [sflag:$0x3], $0x80, s26, s16, $0xb8;
	[tilespmem:$0x1D400] =	vst v63  }
0x3c: {  	_ =	swait.ge [sflag:s20], $0x4000  }
0x3d: {  	[sflag:s20] =	ssyncset.done $0x0  }
0x3e: {  	s31 =	sadd.s32 $0xFFFFF800, s23;
	p1 =	seq.s32 s24, $0x4800;
	[sflag:s20] =	ssyncadd.s32 $0xFFFFC000  }
0x3f: {  	[tilespmem:s17], [sflag:$0x2] =	stream.linear.gather [hbm4b:s31+s3], $0x4000, $0x38;
	[tilespmem:$0x1D400] =	vst v63  }
.Ltmp2:
0x40: {  	_ = 	snop;
	(pc) =	sbr.rel @p1 .LBB2_4-.Ltmp2, $4  }
0x41: {  	_ =	swait.ge [sflag:s18], $0x4000  }
0x42: {  	[sflag:s18] =	ssyncset.done $0x0  }
0x43: {  	s25 =	sadd.s32 $0x180, s25;
	[sflag:s18] =	ssyncadd.s32 $0xFFFFC000  }
0x44: {  	[spmem:s2] =	stream.indirect.scatter.add.f32 [tilespmem:s17], [sflag:$0x4], $0x80, s25, s16, $0xb8;
	[tilespmem:$0x1D400] =	vst v63  }
.Ltmp3:
0x45: {  	_ =	swait.ge [sflag:s19], $0x4000;
	(pc) =	sbr.rel .LBB2_2-.Ltmp3, $4  }
0x46: {  	[sflag:s19] =	ssyncset.done $0x0  }
0x47: {  	[sflag:s19] =	ssyncadd.s32 $0xFFFFC000  }
0x48: {  	[tilespmem:s14], [sflag:$0x1] =	stream.linear.gather [hbm4b:s23+s3], $0x4000, $0x38;
	[tilespmem:$0x1D400] =	vst v63  }
0x49: {  	s24 =	sadd.s32 $0x400, s24;
	s23 =	sadd.s32 $0x1000, s23  }
.LBB2_5:
0x4a: {  	_ =	sfence.sel $0x180000  }
0x4b: {  	[bflag:$0x0] =	sbarrier.arrive $0xFFFF  }
0x4c: {  	p0 =	sne.s32 s1, $0x0;
	_ =	strace $0x90000056  }
0x4d: {  	s0 =	sadd.s32 @!p0 $0x100000, s0;
	[bflag:$0x2] =	sbarrier.arrive $0xFFFF  }
0x4e: {  	[sflag:s0] =	ssyncadd.tile.s32 @!p0 $0x1;
	_ =	shalt  }
.Lfunc_end2:
_tile_overlayer_lowered:
.L_overlay_start_2:
0x4f: {  	(tag) =	ssettag $0x2  }
0x50: {  	s0 =	rddreg [dreg:$0x0];
	s2 =	stileid.u32  }
0x51: {  	s1 =	rddreg [dreg:$0x1];
	p0 =	sne.s32 s2, $0x0  }
0x52: {  	s3 =	rddreg [dreg:$0x2];
	[bflag:$0x3] =	sbarrier.arrive $0xFFFF;
	s2 =	simm.s32 @!p0 $0x1C05  }
0x53: {  	[timem:s3], [sflag:s2] =	dma.local @!p0 [hbm:s0], s1  }
0x54: {  	s0 =	simm.s32 @!p0 $0x5  }
0x55: {  	_ =	swait.ge @!p0 [sflag:s0], s1  }
0x56: {  	s1 =	ssub.s32 @!p0 $0x0, s1;
	[sflag:s0] =	ssyncset.done @!p0 $0x0  }
0x57: {  	[sflag:s0] =	ssyncadd.s32 @!p0 s1  }
0x58: {  	[bflag:$0x3] =	sbarrier.arrive $0xFFFF  }
0x59: {  	_ =	shalt  }

// kernel: kernel.36.cloned.1.call-start
scs
__scs_entry_jumppad:
0x0: {  	(pc) =	sbr.rel $0x88, $3  }
0x1: {  	(tag) =	ssettag $0x0;
	lr =	simm.s32 $0x1  }
0x2: {  	[smem:$0x3F84] =	sst lr;
	_ =	strace $0xD0000000  }
0x3: {  	_ = 	snop  }
0x4: {  	_ = 	snop  }
0x5: {  	_ = 	snop  }
0x6: {  	_ = 	snop  }
0x7: {  	_ = 	snop  }
__scs_overlays_trampoline_lowered:
0x8: {  	[smem:$0x3F93] =	sst s0  }
0x9: {  	[smem:$0x3F94] =	sst s1  }
0xa: {  	[smem:$0x3F95] =	sst s2  }
0xb: {  	[smem:$0x3F96] =	sst s3  }
0xc: {  	[smem:$0x3F97] =	sst s4  }
0xd: {  	[smem:$0x3F98] =	sst s5  }
0xe: {  	[smem:$0x3F99] =	sst s6  }
0xf: {  	[smem:$0x3F9A] =	sst s7  }
0x10: {  	[smem:$0x3F9B] =	sst s8  }
0x11: {  	[smem:$0x3F9C] =	sst s9;
	s0 =	simm.s32 @!p0 $0x0  }
0x12: {  	s1 =	sld [smem:$0x3F82];
	s0 =	simm.s32 @p0 $0x1  }
0x13: {  	[smem:$0x3F9D] =	sst s0;
	s0 =	simm.s32 @!p1 $0x0  }
0x14: {  	s2 =	sld [smem:$0x3F81];
	s0 =	simm.s32 @p1 $0x1  }
0x15: {  	[smem:$0x3F9E] =	sst s0;
	s0 =	simm.s32 @!p2 $0x0  }
0x16: {  	s3 =	sld [smem:$0x3FDB];
	s0 =	simm.s32 @p2 $0x1  }
0x17: {  	s4 =	simm.s32 $0x1BF5;
	[smem:$0x3FA0] =	sst s0  }
0x18: {  	s0 =	sld [smem:$0x3F83];
	_ =	swait.ge [sflag:s4], $0x0  }
0x19: {  	s7 =	sld [smem:$0x3F84]  }
0x1a: {  	s8 =	sadd.s32 $0xFFFFE003, lr  }
0x1b: {  	s9 =	sadd.s32 $0xFFFFFEF7, lr;
	s5 =	simm.s32 $0xFFFFFFFF;
	p2 =	slt.u32 s8, $0xFFFFF086  }
0x1c: {  	p1 =	slt.u32 s9, $0xF7A;
	s5 =	simm.s32 @!p2 $0x0  }
0x1d: {  	s5 =	simm.s32 @p1 $0x1;
	p0 =	seq.s32 s7, s2  }
0x1e: {  	s7 =	smul.u32 @!p0 $0xF7A, s2;
	p2 =	seq.s32 @!p0 s5, $0x0  }
0x1f: {  	s9 =	smul.u32 $0xF7A, s1;
	s8 =	simm.s32 @!p0 $0x1BF5;
	p2 =	por !p2, p0  }
0x20: {  	[sflag:s8] =	ssyncset.s32 @!p0 $0xFFFFF086;
	s6 =	sadd.s32 @!p0 s3, s7;
	s7 =	simm.s32 @!p0 $0x108  }
0x21: {  	s3 =	sadd.s32 s3, s9;
	s6 =	sadd.s32 @!p0 $0x88, s6;
	s7 =	simm.s32 @p2 $0x1082  }
0x22: {  	[simem:s7], [sflag:s8] =	dma.local @!p0 [hbm:s6], $0xF7A  }
0x23: {  	s9 =	sor.u32 $0xD0000000, s2;
	s6 =	simm.s32 $0x108;
	_ =	swait.ge @!p0 [sflag:s8], $0x0  }
0x24: {  	s3 =	sadd.s32 $0x88, s3;
	s6 =	simm.s32 @!p1 $0x1082;
	[sflag:s4] =	ssyncset.s32 $0xFFFFF086  }
0x25: {  	[simem:s6], [sflag:s4] =	dma.local [hbm:s3], $0xF7A  }
0x26: {  	[smem:$0x3F84] =	sst s1;
	(tag) =	ssettag s2;
	_ =	strace s9  }
0x27: {  	s1 =	sld [smem:$0x3F94]  }
0x28: {  	s2 =	sld [smem:$0x3F95]  }
0x29: {  	s4 =	sld [smem:$0x3F97]  }
0x2a: {  	p0 =	seq.s32 s5, $0x0;
	s5 =	sld [smem:$0x3F98]  }
0x2b: {  	s6 =	sld [smem:$0x3F99]  }
0x2c: {  	s7 =	sld [smem:$0x3F9A]  }
0x2d: {  	s3 =	simm.s32 $0x108;
	s8 =	sld [smem:$0x3F9B]  }
0x2e: {  	s3 =	simm.s32 @!p0 $0x1082;
	s9 =	sld [smem:$0x3F9C]  }
0x2f: {  	lr =	sadd.s32 s0, s3;
	s0 =	sld [smem:$0x3F93]  }
0x30: {  	s3 =	sld [smem:$0x3F96]  }
0x31: {  	[smem:$0x3F9F] =	sst s10  }
0x32: {  	s10 =	sld [smem:$0x3F9D];
	_ =	sdelay $0x3  }
0x33: {  	p0 =	seq.s32 s10, $0x1;
	s10 =	sld [smem:$0x3F9F];
	_ =	sdelay $0x3  }
0x34: {  	[smem:$0x3F9F] =	sst s10  }
0x35: {  	s10 =	sld [smem:$0x3F9E];
	_ =	sdelay $0x3  }
0x36: {  	p1 =	seq.s32 s10, $0x1;
	s10 =	sld [smem:$0x3F9F];
	_ =	sdelay $0x3  }
0x37: {  	[smem:$0x3F9F] =	sst s10  }
0x38: {  	s10 =	sld [smem:$0x3FA0]  }
0x39: {  	_ = 	snop;
	(pc) =	sbr.ind lr, $3  }
0x3a: {  	_ = 	snop  }
0x3b: {  	_ = 	snop  }
0x3c: {  	p2 =	seq.s32 s10, $0x1;
	s10 =	sld [smem:$0x3F9F]  }
0x3d: {  	_ =	shalt  }
0x3e: {  	_ =	shalt  }
0x3f: {  	_ =	shalt  }
0x40: {  	_ =	shalt  }
0x41: {  	_ =	shalt  }
0x42: {  	_ =	shalt  }
0x43: {  	_ =	shalt  }
0x44: {  	_ =	shalt  }
0x45: {  	_ =	shalt  }
0x46: {  	_ =	shalt  }
0x47: {  	_ =	shalt  }
0x48: {  	_ =	shalt  }
0x49: {  	_ =	shalt  }
0x4a: {  	_ =	shalt  }
0x4b: {  	_ =	shalt  }
0x4c: {  	_ =	shalt  }
0x4d: {  	_ =	shalt  }
0x4e: {  	_ =	shalt  }
0x4f: {  	_ =	shalt  }
0x50: {  	_ =	shalt  }
0x51: {  	_ =	shalt  }
0x52: {  	_ =	shalt  }
0x53: {  	_ =	shalt  }
0x54: {  	_ =	shalt  }
0x55: {  	_ =	shalt  }
0x56: {  	_ =	shalt  }
0x57: {  	_ =	shalt  }
0x58: {  	_ =	shalt  }
0x59: {  	_ =	shalt  }
0x5a: {  	_ =	shalt  }
0x5b: {  	_ =	shalt  }
0x5c: {  	_ =	shalt  }
0x5d: {  	_ =	shalt  }
0x5e: {  	_ =	shalt  }
0x5f: {  	_ =	shalt  }
0x60: {  	_ =	shalt  }
0x61: {  	_ =	shalt  }
0x62: {  	_ =	shalt  }
0x63: {  	_ =	shalt  }
0x64: {  	_ =	shalt  }
0x65: {  	_ =	shalt  }
0x66: {  	_ =	shalt  }
0x67: {  	_ =	shalt  }
0x68: {  	_ =	shalt  }
0x69: {  	_ =	shalt  }
0x6a: {  	_ =	shalt  }
0x6b: {  	_ =	shalt  }
0x6c: {  	_ =	shalt  }
0x6d: {  	_ =	shalt  }
0x6e: {  	_ =	shalt  }
0x6f: {  	_ =	shalt  }
0x70: {  	_ =	shalt  }
0x71: {  	_ =	shalt  }
0x72: {  	_ =	shalt  }
0x73: {  	_ =	shalt  }
0x74: {  	_ =	shalt  }
0x75: {  	_ =	shalt  }
0x76: {  	_ =	shalt  }
0x77: {  	_ =	shalt  }
0x78: {  	_ =	shalt  }
0x79: {  	_ =	shalt  }
0x7a: {  	_ =	shalt  }
0x7b: {  	_ =	shalt  }
0x7c: {  	_ =	shalt  }
0x7d: {  	_ =	shalt  }
0x7e: {  	_ =	shalt  }
0x7f: {  	_ =	shalt  }
0x80: {  	_ =	shalt  }
0x81: {  	_ =	shalt  }
0x82: {  	_ =	shalt  }
0x83: {  	_ =	shalt  }
0x84: {  	_ =	shalt  }
0x85: {  	_ =	shalt  }
0x86: {  	_ =	shalt  }
0x87: {  	_ =	shalt  }
.Lfunc_end0:
.L_simem_size_0:
called_computation.6_lowered:
.L_overlay_start_0:
0x88: {  	s2 =	sld [smem:$0x3FD9]  }
0x89: {  	s3 =	sld [smem:$0x3FFE];
	_ =	sdelay $0x1  }
0x8a: {  	s1 =	srdreg.scid  }
0x8b: {  	s0 =	sand.u32 $0x1, s1  }
0x8c: {  	s17 =	sshll.u32 s0, $0xA;
	s2 =	sadd.s32 s3, s2  }
0x8d: {  	s2 =	sadd.s32 s2, s17  }
0x8e: {  	[smem:$0x3FAB] =	sst s2  }
0x8f: {  	_ = 	snop  }
0x90: {  	s2 =	sld [smem:$0x3FD0];
	(tm) =	ssettm $0x1  }
0x91: {  	s18 =	sld [smem:$0x3FFB];
	_ =	sdelay $0x3  }
0x92: {  	_ =	strace s18  }
0x93: {  	s3 =	sld [smem:$0x3FFC];
	_ =	sdelay $0x3  }
0x94: {  	_ =	strace s3  }
0x95: {  	s3 =	sld [smem:$0x3FFD];
	_ =	sdelay $0x3  }
0x96: {  	_ =	strace s3  }
0x97: {  	_ =	strace $0x8FFFFFFF  }
0x98: {  	s19 =	sld [smem:$0x3FDB];
	_ =	sdelay $0x1  }
0x99: {  	s4 =	simm.s32 $_scs_section_size  }
0x9a: {  	s5 =	simm.s32 $_size__tile_overlayer_lowered;
	s6 =	simm.s32 $_tile_overlayer_lowered  }
0x9b: {  	s22 =	simm.s32 $0x1BFF;
	s21 =	sshll.u32 s6, $0x1;
	s3 =	sadd.s32 s4, s19  }
0x9c: {  	s7 =	simm.s32 $0x0;
	s20 =	sshll.u32 s5, $0x1;
	s5 =	sadd.s32 s21, s3  }
0x9d: {  	[timem:s7], [sflag:s22] =	dma.local [hbm:s5], s20  }
0x9e: {  	_ =	swait.ge [sflag:s22], s20  }
0x9f: {  	s4 =	ssub.s32 $0x0, s20;
	[sflag:s22] =	ssyncset.done $0x0  }
0xa0: {  	[sflag:s22] =	ssyncadd.s32 s4;
	_ =	sdelay $0x1  }
0xa1: {  	s23 =	simm.s32 $0x1B8B  }
0xa2: {  	_ =	swait.ge [sflag:s23], $0x1  }
0xa3: {  	[sflag:s23] =	ssyncset.done $0x0  }
0xa4: {  	s25 =	simm.s32 $0x1B8E;
	s24 =	sld [smem:$0x3FFE];
	[sflag:s23] =	ssyncadd.s32 $0xFFFFFFFF  }
0xa5: {  	s26 =	simm.s32 $execute0_lowered;
	[smem:$0x3FD2] =	sst s25  }
0xa6: {  	s5 =	sshll.u32 s26, $0x1;
	_ =	strace $0x80000058;
	[dreg:$0x1] =	wrdreg $0xFFFFFFFF  }
0xa7: {  	s28 =	simm.s32 $_size_execute0_lowered;
	s3 =	sadd.s32 s3, s5;
	[dreg:$0x0] =	wrdreg $0x0  }
0xa8: {  	s5 =	sshll.u32 s28, $0x1;
	[dreg:$0x2] =	wrdreg s3  }
0xa9: {  	[dreg:$0x3] =	wrdreg s5  }
0xaa: {  	[dreg:$0x4] =	wrdreg $0xC0  }
0xab: {  	_ =	task [dreg:s7], $0x5FFFF  }
0xac: {  	[dreg:$0x1] =	wrdreg $0xFFFFFFFF  }
0xad: {  	[dreg:$0x0] =	wrdreg $0x60  }
0xae: {  	[dreg:$0x2] =	wrdreg s24  }
0xaf: {  	[dreg:$0x3] =	wrdreg s2  }
0xb0: {  	[dreg:$0x4] =	wrdreg $0x9  }
0xb1: {  	_ =	task.clear_ibuf [dreg:s7], $0x5FFFF;
	_ =	strace $0x90000058  }
0xb2: {  	s29 =	simm.s32 $0x9;
	_ =	strace $0x8000005A  }
0xb3: {  	_ =	swait.ge [sflag:s29], $0x1  }
0xb4: {  	[sflag:s29] =	ssyncadd.s32 $0xFFFFFFFF  }
0xb5: {  	_ =	strace $0x9000005A  }
0xb6: {  	_ =	sfence  }
0xb7: {  	s30 =	sld [smem:$0x0];
	_ =	sdelay $0x2  }
0xb8: {  	s31 =	sshll.u32 s1, $0xD;
	s1 =	sshrl.u32 s1, $0x2  }
0xb9: {  	s3 =	sand.u32 $0x4000, s31;
	s1 =	sadd.s32 s1, s30  }
0xba: {  	s0 =	sor.u32 s3, s0;
	s1 =	sshll.u32 s1, $0x11  }
0xbb: {  	s0 =	sor.u32 s1, s0  }
0xbc: {  	s0 =	sadd.s32 $0x8F2B, s0  }
0xbd: {  	[sflag:s0] =	ssyncadd.remote.s32 $0x1  }
0xbe: {  	_ =	sfence.sel $0xFFFF  }
0xbf: {  	[dreg:$0x0] =	wrdreg $0xFFFFFFFF;
	(pc) =	sbr.abs _section_cstart, $3  }
0xc0: {  	[dreg:$0x1] =	wrdreg $0xFFFFFFFF  }
0xc1: {  	_ =	task.clear_ibuf [dreg:s7], $0x2FFFF;
	_ =	strace $0x9FFFFFFF  }
0xc2: {  	(tm) =	ssettm $0x7FFFFFFF  }
0xc3: {  	_ =	shalt  }
tec
execute0_lowered:
.L_overlay_start_1:
0x0: {  	(tag) =	ssettag $0x1  }
0x1: {  	s4 =	rddreg [dreg:$0x0];
	s1 =	srdreg.scid  }
0x2: {  	s0 =	stileid.u32;
	s5 =	rddreg [dreg:$0x1];
	s2 =	simm.s32 $0x0  }
0x3: {  	s13 =	simm.s32 $0x1;
	s14 =	simm.s32 $0x5400;
	s15 =	simm.s32 $0x2  }
0x4: {  	s16 =	simm.s32 $0x3;
	s17 =	simm.s32 $0x100;
	s10 =	smul.u32 $0x50, s0  }
0x5: {  	s18 =	simm.s32 $0x4;
	s6 =	sand.u32 $0x1, s1;
	s26 =	smul.u32 $0x28000, s0  }
0x6: {  	s19 =	simm.s32 $0x0;
	s3 =	sshll.u32 s0, $0x1;
	s12 =	smul.u32 $0x28, s6  }
0x7: {  	s1 =	rddreg [dreg:$0x2];
	s3 =	sor.u32 s6, s3;
	s29 =	smul.u32 $0x14000, s6  }
0x8: {  	[smem:$0x7FF] =	sst s2;
	s11 =	sadd.s32 $0xAD200, s4;
	s7 =	smul.u32 $0x280, s3  }
0x9: {  	_ =	strace $0x80000059;
	s9 =	ssub.s32 $0x2, s6;
	s8 =	smul.u32 $0x14000, s3  }
0xa: {  	s3 =	sadd.s32 $0x7000, s4;
	s25 =	sshrl.u32 s9, $0x1;
	s31 =	sadd.s32 s26, s11  }
.Ltmp0:
0xb: {  	s9 =	ssub.s32 s9, s25;
	s28 =	sadd.s32 s12, s10;
	(pc) =	sbr.rel .LBB2_1-.Ltmp0, $4  }
0xc: {  	s10 =	simm.s32 $0x5;
	s12 =	simm.s32 $0x1400;
	s4 =	sadd.s32 s5, s7  }
0xd: {  	s5 =	smax.u32 s9, $0x1;
	s6 =	sadd.s32 s11, s8;
	s30 =	sshll.u32 s28, $0xB  }
0xe: {  	s9 =	sadd.s32 s29, s31;
	s7 =	sadd.s32 $0x800, s6;
	s8 =	sadd.s32 s30, s11  }
0xf: {  	s9 =	sadd.s32 $0x1000, s9;
	s11 =	simm.s32 $0x80;
	s8 =	sadd.s32 $0x1800, s8  }
.LBB2_4:
0x10: {  	s19 =	sadd.s32 $0x1, s19  }
0x11: {  	p0 =	sne.s32 s19, s5  }
.Ltmp1:
0x12: {  	_ = 	snop;
	(pc) =	sbr.rel @!p0 .LBB2_5-.Ltmp1, $4  }
0x13: {  	_ = 	snop  }
0x14: {  	_ =	swait.ge [sflag:s18], $0x4000  }
0x15: {  	[sflag:s18] =	ssyncset.done $0x0  }
0x16: {  	[sflag:s18] =	ssyncadd.s32 $0xFFFFC000  }
.LBB2_1:
0x17: {  	[tilespmem:s2], [sflag:$0x5] =	stream.linear.gather [hbm4b:s4+s2], $0x1400, $0x38;
	[tilespmem:$0x9400] =	vst v63  }
0x18: {  	_ =	swait.ge [sflag:s10], $0x1400  }
0x19: {  	[sflag:s10] =	ssyncset.done $0x0  }
0x1a: {  	[sflag:s10] =	ssyncadd.s32 $0xFFFFEC00  }
0x1b: {  	[tilespmem:s12], [sflag:$0x1] =	stream.indirect.gather [hbm4b:s3+s11], $0x80, s2, s11, $0xb8;
	[tilespmem:$0x9400] =	vst v63  }
0x1c: {  	_ =	swait.ge [sflag:s13], $0x4000  }
0x1d: {  	[sflag:s13] =	ssyncset.done $0x0  }
0x1e: {  	[sflag:s13] =	ssyncadd.s32 $0xFFFFC000  }
0x1f: {  	[hbm4b:s6+s2] =	stream.linear.scatter [tilespmem:s12], [sflag:$0x3], $0x4000, $0x38;
	[tilespmem:$0x9400] =	vst v63  }
0x20: {  	_ = 	snop  }
0x21: {  	[tilespmem:s14], [sflag:$0x2] =	stream.indirect.gather [hbm4b:s3+s11], $0x80, s11, s11, $0xb8;
	[tilespmem:$0x9400] =	vst v63  }
0x22: {  	_ =	swait.ge [sflag:s15], $0x4000  }
0x23: {  	[sflag:s15] =	ssyncset.done $0x0  }
0x24: {  	[sflag:s15] =	ssyncadd.s32 $0xFFFFC000  }
0x25: {  	[hbm4b:s7+s2] =	stream.linear.scatter [tilespmem:s14], [sflag:$0x4], $0x4000, $0x38;
	[tilespmem:$0x9400] =	vst v63  }
0x26: {  	_ =	swait.ge [sflag:s16], $0x4000  }
0x27: {  	[sflag:s16] =	ssyncset.done $0x0  }
0x28: {  	s20 =	simm.s32 $0x200;
	s21 =	simm.s32 $0x0;
	[sflag:s16] =	ssyncadd.s32 $0xFFFFC000  }
0x29: {  	[tilespmem:s12], [sflag:$0x1] =	stream.indirect.gather [hbm4b:s3+s11], $0x80, s17, s11, $0xb8;
	[tilespmem:$0x9400] =	vst v63  }
.LBB2_2:
0x2a: {  	_ =	swait.ge [sflag:s13], $0x4000  }
0x2b: {  	[sflag:s13] =	ssyncset.done $0x0  }
0x2c: {  	s22 =	sadd.s32 s21, s9;
	[sflag:s13] =	ssyncadd.s32 $0xFFFFC000  }
0x2d: {  	[hbm4b:s22+s2] =	stream.linear.scatter [tilespmem:s12], [sflag:$0x3], $0x4000, $0x38;
	[tilespmem:$0x9400] =	vst v63  }
0x2e: {  	_ =	swait.ge [sflag:s18], $0x4000  }
0x2f: {  	[sflag:s18] =	ssyncset.done $0x0  }
0x30: {  	s30 =	sadd.s32 $0xFFFFFF80, s20;
	[sflag:s18] =	ssyncadd.s32 $0xFFFFC000  }
0x31: {  	[tilespmem:s14], [sflag:$0x2] =	stream.indirect.gather [hbm4b:s3+s11], $0x80, s30, s11, $0xb8;
	[tilespmem:$0x9400] =	vst v63  }
0x32: {  	_ =	swait.ge [sflag:s15], $0x4000  }
0x33: {  	p0 =	seq.s32 s21, $0x12000;
	[sflag:s15] =	ssyncset.done $0x0  }
.Ltmp2:
0x34: {  	s31 =	sadd.s32 s21, s8;
	[sflag:s15] =	ssyncadd.s32 $0xFFFFC000;
	(pc) =	sbr.rel @p0 .LBB2_4-.Ltmp2, $4  }
0x35: {  	[hbm4b:s31+s2] =	stream.linear.scatter [tilespmem:s14], [sflag:$0x4], $0x4000, $0x38;
	[tilespmem:$0x9400] =	vst v63  }
0x36: {  	_ =	swait.ge [sflag:s16], $0x4000  }
0x37: {  	[sflag:s16] =	ssyncset.done $0x0  }
0x38: {  	[sflag:s16] =	ssyncadd.s32 $0xFFFFC000  }
.Ltmp3:
0x39: {  	(pc) =	sbr.rel .LBB2_2-.Ltmp3, $3  }
0x3a: {  	_ =	sdelay $0x1  }
0x3b: {  	[tilespmem:s12], [sflag:$0x1] =	stream.indirect.gather [hbm4b:s3+s11], $0x80, s20, s11, $0xb8;
	[tilespmem:$0x9400] =	vst v63  }
0x3c: {  	s20 =	sadd.s32 $0x100, s20;
	s21 =	sadd.s32 $0x1000, s21  }
.LBB2_5:
0x3d: {  	_ =	sfence.sel $0x180000  }
0x3e: {  	[bflag:$0x0] =	sbarrier.arrive $0xFFFF  }
0x3f: {  	p0 =	sne.s32 s0, $0x0;
	_ =	strace $0x90000059  }
0x40: {  	s0 =	sadd.s32 @!p0 $0x100000, s1;
	[bflag:$0x2] =	sbarrier.arrive $0xFFFF  }
0x41: {  	[sflag:s0] =	ssyncadd.tile.s32 @!p0 $0x1;
	_ =	shalt  }
.Lfunc_end2:
_tile_overlayer_lowered:
.L_overlay_start_2:
0x42: {  	(tag) =	ssettag $0x2  }
0x43: {  	s0 =	rddreg [dreg:$0x0];
	s2 =	stileid.u32  }
0x44: {  	s1 =	rddreg [dreg:$0x1];
	p0 =	sne.s32 s2, $0x0  }
0x45: {  	s3 =	rddreg [dreg:$0x2];
	[bflag:$0x3] =	sbarrier.arrive $0xFFFF;
	s2 =	simm.s32 @!p0 $0x1C05  }
0x46: {  	[timem:s3], [sflag:s2] =	dma.local @!p0 [hbm:s0], s1  }
0x47: {  	s0 =	simm.s32 @!p0 $0x5  }
0x48: {  	_ =	swait.ge @!p0 [sflag:s0], s1  }
0x49: {  	s1 =	ssub.s32 @!p0 $0x0, s1;
	[sflag:s0] =	ssyncset.done @!p0 $0x0  }
0x4a: {  	[sflag:s0] =	ssyncadd.s32 @!p0 s1  }
0x4b: {  	[bflag:$0x3] =	sbarrier.arrive $0xFFFF  }
0x4c: {  	_ =	shalt  }

// kernel: kernel.39.cloned.1.call-start
scs
__scs_entry_jumppad:
0x0: {  	(pc) =	sbr.rel $0x88, $3  }
0x1: {  	(tag) =	ssettag $0x0;
	lr =	simm.s32 $0x1  }
0x2: {  	[smem:$0x3F84] =	sst lr;
	_ =	strace $0xD0000000  }
0x3: {  	_ = 	snop  }
0x4: {  	_ = 	snop  }
0x5: {  	_ = 	snop  }
0x6: {  	_ = 	snop  }
0x7: {  	_ = 	snop  }
__scs_overlays_trampoline_lowered:
0x8: {  	[smem:$0x3F93] =	sst s0  }
0x9: {  	[smem:$0x3F94] =	sst s1  }
0xa: {  	[smem:$0x3F95] =	sst s2  }
0xb: {  	[smem:$0x3F96] =	sst s3  }
0xc: {  	[smem:$0x3F97] =	sst s4  }
0xd: {  	[smem:$0x3F98] =	sst s5  }
0xe: {  	[smem:$0x3F99] =	sst s6  }
0xf: {  	[smem:$0x3F9A] =	sst s7  }
0x10: {  	[smem:$0x3F9B] =	sst s8  }
0x11: {  	[smem:$0x3F9C] =	sst s9;
	s0 =	simm.s32 @!p0 $0x0  }
0x12: {  	s1 =	sld [smem:$0x3F82];
	s0 =	simm.s32 @p0 $0x1  }
0x13: {  	[smem:$0x3F9D] =	sst s0;
	s0 =	simm.s32 @!p1 $0x0  }
0x14: {  	s2 =	sld [smem:$0x3F81];
	s0 =	simm.s32 @p1 $0x1  }
0x15: {  	[smem:$0x3F9E] =	sst s0;
	s0 =	simm.s32 @!p2 $0x0  }
0x16: {  	s3 =	sld [smem:$0x3FDB];
	s0 =	simm.s32 @p2 $0x1  }
0x17: {  	s4 =	simm.s32 $0x1BF5;
	[smem:$0x3FA0] =	sst s0  }
0x18: {  	s0 =	sld [smem:$0x3F83];
	_ =	swait.ge [sflag:s4], $0x0  }
0x19: {  	s7 =	sld [smem:$0x3F84]  }
0x1a: {  	s8 =	sadd.s32 $0xFFFFE003, lr  }
0x1b: {  	s9 =	sadd.s32 $0xFFFFFEF7, lr;
	s5 =	simm.s32 $0xFFFFFFFF;
	p2 =	slt.u32 s8, $0xFFFFF086  }
0x1c: {  	p1 =	slt.u32 s9, $0xF7A;
	s5 =	simm.s32 @!p2 $0x0  }
0x1d: {  	s5 =	simm.s32 @p1 $0x1;
	p0 =	seq.s32 s7, s2  }
0x1e: {  	s7 =	smul.u32 @!p0 $0xF7A, s2;
	p2 =	seq.s32 @!p0 s5, $0x0  }
0x1f: {  	s9 =	smul.u32 $0xF7A, s1;
	s8 =	simm.s32 @!p0 $0x1BF5;
	p2 =	por !p2, p0  }
0x20: {  	[sflag:s8] =	ssyncset.s32 @!p0 $0xFFFFF086;
	s6 =	sadd.s32 @!p0 s3, s7;
	s7 =	simm.s32 @!p0 $0x108  }
0x21: {  	s3 =	sadd.s32 s3, s9;
	s6 =	sadd.s32 @!p0 $0x88, s6;
	s7 =	simm.s32 @p2 $0x1082  }
0x22: {  	[simem:s7], [sflag:s8] =	dma.local @!p0 [hbm:s6], $0xF7A  }
0x23: {  	s9 =	sor.u32 $0xD0000000, s2;
	s6 =	simm.s32 $0x108;
	_ =	swait.ge @!p0 [sflag:s8], $0x0  }
0x24: {  	s3 =	sadd.s32 $0x88, s3;
	s6 =	simm.s32 @!p1 $0x1082;
	[sflag:s4] =	ssyncset.s32 $0xFFFFF086  }
0x25: {  	[simem:s6], [sflag:s4] =	dma.local [hbm:s3], $0xF7A  }
0x26: {  	[smem:$0x3F84] =	sst s1;
	(tag) =	ssettag s2;
	_ =	strace s9  }
0x27: {  	s1 =	sld [smem:$0x3F94]  }
0x28: {  	s2 =	sld [smem:$0x3F95]  }
0x29: {  	s4 =	sld [smem:$0x3F97]  }
0x2a: {  	p0 =	seq.s32 s5, $0x0;
	s5 =	sld [smem:$0x3F98]  }
0x2b: {  	s6 =	sld [smem:$0x3F99]  }
0x2c: {  	s7 =	sld [smem:$0x3F9A]  }
0x2d: {  	s3 =	simm.s32 $0x108;
	s8 =	sld [smem:$0x3F9B]  }
0x2e: {  	s3 =	simm.s32 @!p0 $0x1082;
	s9 =	sld [smem:$0x3F9C]  }
0x2f: {  	lr =	sadd.s32 s0, s3;
	s0 =	sld [smem:$0x3F93]  }
0x30: {  	s3 =	sld [smem:$0x3F96]  }
0x31: {  	[smem:$0x3F9F] =	sst s10  }
0x32: {  	s10 =	sld [smem:$0x3F9D];
	_ =	sdelay $0x3  }
0x33: {  	p0 =	seq.s32 s10, $0x1;
	s10 =	sld [smem:$0x3F9F];
	_ =	sdelay $0x3  }
0x34: {  	[smem:$0x3F9F] =	sst s10  }
0x35: {  	s10 =	sld [smem:$0x3F9E];
	_ =	sdelay $0x3  }
0x36: {  	p1 =	seq.s32 s10, $0x1;
	s10 =	sld [smem:$0x3F9F];
	_ =	sdelay $0x3  }
0x37: {  	[smem:$0x3F9F] =	sst s10  }
0x38: {  	s10 =	sld [smem:$0x3FA0]  }
0x39: {  	_ = 	snop;
	(pc) =	sbr.ind lr, $3  }
0x3a: {  	_ = 	snop  }
0x3b: {  	_ = 	snop  }
0x3c: {  	p2 =	seq.s32 s10, $0x1;
	s10 =	sld [smem:$0x3F9F]  }
0x3d: {  	_ =	shalt  }
0x3e: {  	_ =	shalt  }
0x3f: {  	_ =	shalt  }
0x40: {  	_ =	shalt  }
0x41: {  	_ =	shalt  }
0x42: {  	_ =	shalt  }
0x43: {  	_ =	shalt  }
0x44: {  	_ =	shalt  }
0x45: {  	_ =	shalt  }
0x46: {  	_ =	shalt  }
0x47: {  	_ =	shalt  }
0x48: {  	_ =	shalt  }
0x49: {  	_ =	shalt  }
0x4a: {  	_ =	shalt  }
0x4b: {  	_ =	shalt  }
0x4c: {  	_ =	shalt  }
0x4d: {  	_ =	shalt  }
0x4e: {  	_ =	shalt  }
0x4f: {  	_ =	shalt  }
0x50: {  	_ =	shalt  }
0x51: {  	_ =	shalt  }
0x52: {  	_ =	shalt  }
0x53: {  	_ =	shalt  }
0x54: {  	_ =	shalt  }
0x55: {  	_ =	shalt  }
0x56: {  	_ =	shalt  }
0x57: {  	_ =	shalt  }
0x58: {  	_ =	shalt  }
0x59: {  	_ =	shalt  }
0x5a: {  	_ =	shalt  }
0x5b: {  	_ =	shalt  }
0x5c: {  	_ =	shalt  }
0x5d: {  	_ =	shalt  }
0x5e: {  	_ =	shalt  }
0x5f: {  	_ =	shalt  }
0x60: {  	_ =	shalt  }
0x61: {  	_ =	shalt  }
0x62: {  	_ =	shalt  }
0x63: {  	_ =	shalt  }
0x64: {  	_ =	shalt  }
0x65: {  	_ =	shalt  }
0x66: {  	_ =	shalt  }
0x67: {  	_ =	shalt  }
0x68: {  	_ =	shalt  }
0x69: {  	_ =	shalt  }
0x6a: {  	_ =	shalt  }
0x6b: {  	_ =	shalt  }
0x6c: {  	_ =	shalt  }
0x6d: {  	_ =	shalt  }
0x6e: {  	_ =	shalt  }
0x6f: {  	_ =	shalt  }
0x70: {  	_ =	shalt  }
0x71: {  	_ =	shalt  }
0x72: {  	_ =	shalt  }
0x73: {  	_ =	shalt  }
0x74: {  	_ =	shalt  }
0x75: {  	_ =	shalt  }
0x76: {  	_ =	shalt  }
0x77: {  	_ =	shalt  }
0x78: {  	_ =	shalt  }
0x79: {  	_ =	shalt  }
0x7a: {  	_ =	shalt  }
0x7b: {  	_ =	shalt  }
0x7c: {  	_ =	shalt  }
0x7d: {  	_ =	shalt  }
0x7e: {  	_ =	shalt  }
0x7f: {  	_ =	shalt  }
0x80: {  	_ =	shalt  }
0x81: {  	_ =	shalt  }
0x82: {  	_ =	shalt  }
0x83: {  	_ =	shalt  }
0x84: {  	_ =	shalt  }
0x85: {  	_ =	shalt  }
0x86: {  	_ =	shalt  }
0x87: {  	_ =	shalt  }
.Lfunc_end0:
.L_simem_size_0:
called_computation.7_lowered:
.L_overlay_start_0:
0x88: {  	s2 =	sld [smem:$0x3FD9]  }
0x89: {  	s3 =	sld [smem:$0x3FFE];
	_ =	sdelay $0x1  }
0x8a: {  	s1 =	srdreg.scid  }
0x8b: {  	s0 =	sand.u32 $0x1, s1  }
0x8c: {  	s16 =	sshll.u32 s0, $0xA;
	s2 =	sadd.s32 s3, s2  }
0x8d: {  	s2 =	sadd.s32 s2, s16  }
0x8e: {  	[smem:$0x3FAB] =	sst s2  }
0x8f: {  	_ = 	snop  }
0x90: {  	(tm) =	ssettm $0x1  }
0x91: {  	s17 =	sld [smem:$0x3FFB];
	_ =	sdelay $0x3  }
0x92: {  	_ =	strace s17  }
0x93: {  	s2 =	sld [smem:$0x3FFC];
	_ =	sdelay $0x3  }
0x94: {  	_ =	strace s2  }
0x95: {  	s2 =	sld [smem:$0x3FFD];
	_ =	sdelay $0x3  }
0x96: {  	_ =	strace s2  }
0x97: {  	_ =	strace $0x8FFFFFFF  }
0x98: {  	s18 =	sld [smem:$0x3FDB];
	_ =	sdelay $0x1  }
0x99: {  	s19 =	simm.s32 $_scs_section_size  }
0x9a: {  	s4 =	simm.s32 $_size__tile_overlayer_lowered;
	s5 =	simm.s32 $_tile_overlayer_lowered  }
0x9b: {  	s22 =	simm.s32 $0x1BFF;
	s21 =	sshll.u32 s5, $0x1;
	s2 =	sadd.s32 s19, s18  }
0x9c: {  	s6 =	simm.s32 $0x0;
	s20 =	sshll.u32 s4, $0x1;
	s4 =	sadd.s32 s21, s2  }
0x9d: {  	[timem:s6], [sflag:s22] =	dma.local [hbm:s4], s20  }
0x9e: {  	_ =	swait.ge [sflag:s22], s20  }
0x9f: {  	s3 =	ssub.s32 $0x0, s20;
	[sflag:s22] =	ssyncset.done $0x0  }
0xa0: {  	[sflag:s22] =	ssyncadd.s32 s3;
	_ =	sdelay $0x1  }
0xa1: {  	s23 =	simm.s32 $0x1B8B  }
0xa2: {  	_ =	swait.ge [sflag:s23], $0x1  }
0xa3: {  	[sflag:s23] =	ssyncset.done $0x0  }
0xa4: {  	s25 =	simm.s32 $0x1B8E;
	s24 =	sld [smem:$0x3FFE];
	[sflag:s23] =	ssyncadd.s32 $0xFFFFFFFF  }
0xa5: {  	s26 =	simm.s32 $execute0_lowered;
	[smem:$0x3FD2] =	sst s25  }
0xa6: {  	s4 =	sshll.u32 s26, $0x1;
	_ =	strace $0x8000005B;
	[dreg:$0x1] =	wrdreg $0xFFFFFFFF  }
0xa7: {  	s28 =	simm.s32 $_size_execute0_lowered;
	s2 =	sadd.s32 s2, s4;
	[dreg:$0x0] =	wrdreg $0x0  }
0xa8: {  	s4 =	sshll.u32 s28, $0x1;
	[dreg:$0x2] =	wrdreg s2  }
0xa9: {  	[dreg:$0x3] =	wrdreg s4  }
0xaa: {  	[dreg:$0x4] =	wrdreg $0xC0  }
0xab: {  	_ =	task [dreg:s6], $0x5FFFF  }
0xac: {  	[dreg:$0x1] =	wrdreg $0xFFFFFFFF  }
0xad: {  	[dreg:$0x0] =	wrdreg $0x60  }
0xae: {  	[dreg:$0x2] =	wrdreg s24  }
0xaf: {  	[dreg:$0x3] =	wrdreg $0x94000  }
0xb0: {  	[dreg:$0x4] =	wrdreg $0x9  }
0xb1: {  	_ =	task.clear_ibuf [dreg:s6], $0x5FFFF;
	_ =	strace $0x9000005B  }
0xb2: {  	s29 =	simm.s32 $0x9;
	_ =	strace $0x8000005D  }
0xb3: {  	_ =	swait.ge [sflag:s29], $0x1  }
0xb4: {  	[sflag:s29] =	ssyncadd.s32 $0xFFFFFFFF  }
0xb5: {  	_ =	strace $0x9000005D  }
0xb6: {  	_ =	sfence  }
0xb7: {  	s30 =	sld [smem:$0x0];
	_ =	sdelay $0x2  }
0xb8: {  	s31 =	sshll.u32 s1, $0xD;
	s1 =	sshrl.u32 s1, $0x2  }
0xb9: {  	s3 =	sand.u32 $0x4000, s31;
	s1 =	sadd.s32 s1, s30  }
0xba: {  	s0 =	sor.u32 s3, s0;
	s1 =	sshll.u32 s1, $0x11  }
0xbb: {  	s0 =	sor.u32 s1, s0  }
0xbc: {  	s0 =	sadd.s32 $0x8F2B, s0  }
0xbd: {  	[sflag:s0] =	ssyncadd.remote.s32 $0x1  }
0xbe: {  	_ =	sfence.sel $0xFFFF  }
0xbf: {  	[dreg:$0x0] =	wrdreg $0xFFFFFFFF;
	(pc) =	sbr.abs _section_cstart, $3  }
0xc0: {  	[dreg:$0x1] =	wrdreg $0xFFFFFFFF  }
0xc1: {  	_ =	task.clear_ibuf [dreg:s6], $0x2FFFF;
	_ =	strace $0x9FFFFFFF  }
0xc2: {  	(tm) =	ssettm $0x7FFFFFFF  }
0xc3: {  	_ =	shalt  }
tec
execute0_lowered:
.L_overlay_start_1:
0x0: {  	(tag) =	ssettag $0x1  }
0x1: {  	s5 =	rddreg [dreg:$0x0]  }
0x2: {  	s2 =	rddreg [dreg:$0x1]  }
0x3: {  	s0 =	rddreg [dreg:$0x2]  }
0x4: {  	s4 =	srdreg.scid;
	s1 =	stileid.u32;
	s3 =	simm.s32 $0x0  }
0x5: {  	s13 =	simm.s32 $0x5;
	s14 =	simm.s32 $0x1400;
	s15 =	simm.s32 $0x1  }
0x6: {  	s16 =	simm.s32 $0x80;
	s17 =	simm.s32 $0x5400;
	s18 =	simm.s32 $0x2  }
0x7: {  	s19 =	simm.s32 $0x3;
	s20 =	simm.s32 $0x4;
	s12 =	smul.u32 $0x7D000, s1  }
0x8: {  	s7 =	sand.u32 $0x1, s4;
	s26 =	sshll.u32 s1, $0x1;
	s30 =	smul.u32 $0x28000, s1  }
0x9: {  	[smem:$0x7FF] =	sst s3;
	s8 =	sadd.s32 $0x7A4200, s5;
	s22 =	smul.u32 $0x3E80, s1  }
0xa: {  	p0 =	sgt.u32 s1, $0x9;
	s6 =	sor.u32 s7, s26;
	s9 =	smul.u32 $0x27100, s7  }
0xb: {  	_ =	strace $0x8000005C;
	s11 =	ssub.s32 $0x2, s7;
	s31 =	smul.u32 $0x14000, s7  }
0xc: {  	s4 =	smul.u32 $0x280, s6;
	s28 =	sshrl.u32 s11, $0x1;
	s29 =	sshrl.u32 s12, $0x2  }
0xd: {  	s6 =	smul.u32 $0x14000, s6;
	s9 =	sadd.s32 s9, s5;
	s11 =	ssub.s32 s11, s28  }
0xe: {  	s12 =	sadd.s32 s29, s2;
	s10 =	sadd.s32 s4, s5;
	s4 =	sadd.s32 $0x33200, s5  }
.Ltmp0:
0xf: {  	s6 =	sadd.s32 s8, s6;
	s21 =	sadd.s32 $0x37400, s9;
	(pc) =	sbr.rel .LBB2_1-.Ltmp0, $4  }
0x10: {  	s7 =	smax.u32 s11, $0x1;
	s11 =	sshll.u32 @!p0 s1, $0x6;
	s12 =	sshrl.u32 @!p0 s12, $0x3  }
0x11: {  	s5 =	sadd.s32 $0x2E200, s10;
	s10 =	sadd.s32 s30, s8;
	s8 =	sadd.s32 $0x800, s6  }
0x12: {  	s9 =	sadd.s32 $0x1000, s6;
	s11 =	sor.u32 @!p0 $0x1C05, s11;
	s10 =	sadd.s32 s31, s10  }
0x13: {  	s21 =	sadd.s32 @!p0 s22, s21;
	s22 =	simm.s32 $0x0;
	s10 =	sadd.s32 $0x2000, s10  }
.LBB2_4:
0x14: {  	_ =	swait.ge [sflag:s19], $0x4000  }
0x15: {  	[sflag:s19] =	ssyncset.done $0x0  }
0x16: {  	[sflag:s19] =	ssyncadd.s32 $0xFFFFC000  }
0x17: {  	_ =	swait.ge [sflag:s20], $0x4000  }
0x18: {  	s22 =	sadd.s32 $0x1, s22;
	[sflag:s20] =	ssyncset.done $0x0  }
0x19: {  	p1 =	sne.s32 s22, s7;
	[sflag:s20] =	ssyncadd.s32 $0xFFFFC000  }
.Ltmp1:
0x1a: {  	s23 =	simm.s32 @!p0 $0x5;
	[bflag:$0x0] =	sbarrier.arrive $0xFFFF;
	(pc) =	sbr.rel @!p1 .LBB2_5-.Ltmp1, $4  }
0x1b: {  	[hbm:s21], [sflag:s11] =	dma.local @!p0 [spmem:s12], $0x3E80  }
0x1c: {  	_ =	swait.ge @!p0 [sflag:s23], $0x3E80  }
0x1d: {  	[sflag:s23] =	ssyncset.done @!p0 $0x0  }
0x1e: {  	[sflag:s23] =	ssyncadd.s32 @!p0 $0xFFFFC180  }
.LBB2_1:
0x1f: {  	[spmem:s12], [sflag:s11] =	dma.local @!p0 [hbm:s4], $0x3E80  }
0x20: {  	s23 =	simm.s32 @!p0 $0x5  }
0x21: {  	_ =	swait.ge @!p0 [sflag:s23], $0x3E80  }
0x22: {  	[sflag:s23] =	ssyncset.done @!p0 $0x0  }
0x23: {  	[sflag:s23] =	ssyncadd.s32 @!p0 $0xFFFFC180  }
0x24: {  	[bflag:$0x0] =	sbarrier.arrive $0xFFFF  }
0x25: {  	[tilespmem:s3], [sflag:$0x5] =	stream.linear.gather [hbm4b:s5+s3], $0x1400, $0x38;
	[tilespmem:$0x1D400] =	vst v63  }
0x26: {  	_ =	swait.ge [sflag:s13], $0x1400  }
0x27: {  	[sflag:s13] =	ssyncset.done $0x0  }
0x28: {  	[sflag:s13] =	ssyncadd.s32 $0xFFFFEC00  }
0x29: {  	[tilespmem:s14], [sflag:$0x1] =	stream.linear.gather [hbm4b:s6+s3], $0x4000, $0x38;
	[tilespmem:$0x1D400] =	vst v63  }
0x2a: {  	_ =	swait.ge [sflag:s15], $0x4000  }
0x2b: {  	[sflag:s15] =	ssyncset.done $0x0  }
0x2c: {  	[sflag:s15] =	ssyncadd.s32 $0xFFFFC000  }
0x2d: {  	[spmem:s2] =	stream.indirect.scatter.add.f32 [tilespmem:s14], [sflag:$0x3], $0x80, s3, s16, $0xb8;
	[tilespmem:$0x1D400] =	vst v63  }
0x2e: {  	_ = 	snop  }
0x2f: {  	[tilespmem:s17], [sflag:$0x2] =	stream.linear.gather [hbm4b:s8+s3], $0x4000, $0x38;
	[tilespmem:$0x1D400] =	vst v63  }
0x30: {  	_ =	swait.ge [sflag:s18], $0x4000  }
0x31: {  	[sflag:s18] =	ssyncset.done $0x0  }
0x32: {  	[sflag:s18] =	ssyncadd.s32 $0xFFFFC000  }
0x33: {  	[spmem:s2] =	stream.indirect.scatter.add.f32 [tilespmem:s17], [sflag:$0x4], $0x80, s16, s16, $0xb8;
	[tilespmem:$0x1D400] =	vst v63  }
0x34: {  	_ =	swait.ge [sflag:s19], $0x4000  }
0x35: {  	[sflag:s19] =	ssyncset.done $0x0  }
0x36: {  	s24 =	simm.s32 $0x0;
	s23 =	smov.u32 s10;
	[sflag:s19] =	ssyncadd.s32 $0xFFFFC000  }
0x37: {  	[tilespmem:s14], [sflag:$0x1] =	stream.linear.gather [hbm4b:s9+s3], $0x4000, $0x38;
	[tilespmem:$0x1D400] =	vst v63  }
.LBB2_2:
0x38: {  	_ =	swait.ge [sflag:s15], $0x4000  }
0x39: {  	s25 =	sshra.s32 s24, $0x2;
	[sflag:s15] =	ssyncset.done $0x0  }
0x3a: {  	s26 =	sadd.s32 $0x100, s25;
	[sflag:s15] =	ssyncadd.s32 $0xFFFFC000  }
0x3b: {  	[spmem:s2] =	stream.indirect.scatter.add.f32 [tilespmem:s14], [sflag:$0x3], $0x80, s26, s16, $0xb8;
	[tilespmem:$0x1D400] =	vst v63  }
0x3c: {  	_ =	swait.ge [sflag:s20], $0x4000  }
0x3d: {  	[sflag:s20] =	ssyncset.done $0x0  }
0x3e: {  	s31 =	sadd.s32 $0xFFFFF800, s23;
	p1 =	seq.s32 s24, $0x4800;
	[sflag:s20] =	ssyncadd.s32 $0xFFFFC000  }
0x3f: {  	[tilespmem:s17], [sflag:$0x2] =	stream.linear.gather [hbm4b:s31+s3], $0x4000, $0x38;
	[tilespmem:$0x1D400] =	vst v63  }
.Ltmp2:
0x40: {  	_ = 	snop;
	(pc) =	sbr.rel @p1 .LBB2_4-.Ltmp2, $4  }
0x41: {  	_ =	swait.ge [sflag:s18], $0x4000  }
0x42: {  	[sflag:s18] =	ssyncset.done $0x0  }
0x43: {  	s25 =	sadd.s32 $0x180, s25;
	[sflag:s18] =	ssyncadd.s32 $0xFFFFC000  }
0x44: {  	[spmem:s2] =	stream.indirect.scatter.add.f32 [tilespmem:s17], [sflag:$0x4], $0x80, s25, s16, $0xb8;
	[tilespmem:$0x1D400] =	vst v63  }
.Ltmp3:
0x45: {  	_ =	swait.ge [sflag:s19], $0x4000;
	(pc) =	sbr.rel .LBB2_2-.Ltmp3, $4  }
0x46: {  	[sflag:s19] =	ssyncset.done $0x0  }
0x47: {  	[sflag:s19] =	ssyncadd.s32 $0xFFFFC000  }
0x48: {  	[tilespmem:s14], [sflag:$0x1] =	stream.linear.gather [hbm4b:s23+s3], $0x4000, $0x38;
	[tilespmem:$0x1D400] =	vst v63  }
0x49: {  	s24 =	sadd.s32 $0x400, s24;
	s23 =	sadd.s32 $0x1000, s23  }
.LBB2_5:
0x4a: {  	_ =	sfence.sel $0x180000  }
0x4b: {  	[bflag:$0x0] =	sbarrier.arrive $0xFFFF  }
0x4c: {  	p0 =	sne.s32 s1, $0x0;
	_ =	strace $0x9000005C  }
0x4d: {  	s0 =	sadd.s32 @!p0 $0x100000, s0;
	[bflag:$0x2] =	sbarrier.arrive $0xFFFF  }
0x4e: {  	[sflag:s0] =	ssyncadd.tile.s32 @!p0 $0x1;
	_ =	shalt  }
.Lfunc_end2:
_tile_overlayer_lowered:
.L_overlay_start_2:
0x4f: {  	(tag) =	ssettag $0x2  }
0x50: {  	s0 =	rddreg [dreg:$0x0];
	s2 =	stileid.u32  }
0x51: {  	s1 =	rddreg [dreg:$0x1];
	p0 =	sne.s32 s2, $0x0  }
0x52: {  	s3 =	rddreg [dreg:$0x2];
	[bflag:$0x3] =	sbarrier.arrive $0xFFFF;
	s2 =	simm.s32 @!p0 $0x1C05  }
0x53: {  	[timem:s3], [sflag:s2] =	dma.local @!p0 [hbm:s0], s1  }
0x54: {  	s0 =	simm.s32 @!p0 $0x5  }
0x55: {  	_ =	swait.ge @!p0 [sflag:s0], s1  }
0x56: {  	s1 =	ssub.s32 @!p0 $0x0, s1;
	[sflag:s0] =	ssyncset.done @!p0 $0x0  }
0x57: {  	[sflag:s0] =	ssyncadd.s32 @!p0 s1  }
0x58: {  	[bflag:$0x3] =	sbarrier.arrive $0xFFFF  }
0x59: {  	_ =	shalt  }

</sc_bundles>
